<compile_context>
chip_gen: v7x
topology: tpu7x:2x2x1
jax: 0.10.2.dev20260603
libtpu: 0.0.44.dev20260713+nightly
codegen_flags: <defaults>
</compile_context>

<pallas_src>
import functools

import jax
import jax.numpy as jnp
from jax import lax
from jax.experimental import pallas as pl
from jax.experimental.pallas import tpu as pltpu
from jax.experimental.pallas import tpu_sc as plsc

_HID = 256
_N = 10000
_E = 160000
_HALF = 128
_CW = 128
_DR = 80
_NSUB = 16
_EPT = _E // _NSUB
_C = 80
_SEG = 5
_ECS = _EPT // _SEG
_NCSEG = _ECS // _C
_NA = 10240
_RPT = _NA // _NSUB
_BLK = 2000
_NBLK = _N // _BLK


@functools.cache
def _sc_agg_fn():
    mesh = plsc.VectorSubcoreMesh(core_axis_name="c", subcore_axis_name="s")
    return pl.kernel(
        _sc_body,
        out_type=[jax.ShapeDtypeStruct((2 * _NA, _CW), jnp.float32),
                  jax.ShapeDtypeStruct((2 * _NA, _CW), jnp.float32),
                  jax.ShapeDtypeStruct((2 * _DR, 128), jnp.float32),
                  jax.ShapeDtypeStruct((2 * _DR, 128), jnp.float32)],
        mesh=mesh,
        scratch_types=[
            pltpu.VMEM((_ECS,), jnp.int32),
            pltpu.VMEM((_ECS,), jnp.int32),
            pltpu.VMEM((_C,), jnp.int32),
            pltpu.VMEM((_C,), jnp.int32),
            pltpu.VMEM((_C,), jnp.int32),
            pltpu.VMEM((_C,), jnp.int32),
            pltpu.VMEM((_C,), jnp.int32),
            pltpu.VMEM((_C,), jnp.int32),
            pltpu.VMEM((_DR,), jnp.int32),
            pltpu.VMEM((_C, _CW), jnp.float32),
            pltpu.VMEM((_C, _CW), jnp.float32),
            pltpu.VMEM((_C, _CW), jnp.float32),
            pltpu.VMEM((_DR, 128), jnp.float32),
            pltpu.VMEM_SHARED((_NA, _CW), jnp.float32),
            pltpu.VMEM_SHARED((_DR, 128), jnp.float32),
            pltpu.SemaphoreType.DMA,
            pltpu.SemaphoreType.DMA,
            pltpu.SemaphoreType.DMA,
            pltpu.SemaphoreType.DMA,
            pltpu.SemaphoreType.DMA,
            pltpu.SemaphoreType.DMA,
        ],
        compiler_params=pltpu.CompilerParams(needs_layout_passes=False),
    )


def _sc_body(tu, ti, src_ui, dst_ui, src_iu, dst_iu, zeros,
             out_i, out_u, out_degi, out_degu,
             sall, dall, idx_s0, idx_d0, idx_s1, idx_d1, idx_s2, idx_d2,
             idx_io, rows0, rows1, rows2, degv, acc, deg_acc,
             gsem0, gsem1, gsem2, ssem0, ssem1, ssem2):
    cid = lax.axis_index("c")
    sid = lax.axis_index("s")
    colo = pl.multiple_of(cid * _HALF, _HALF)
    offa = cid * _NA

    for j in range(_DR // 16):
        idx_io[pl.ds(j * 16, 16)] = lax.iota(jnp.int32, 16) + (j * 16)
    ones16 = jnp.full((16,), 1.0, jnp.float32)

    def run_dir(table, src, dst, out, out_deg):
        pltpu.sync_copy(zeros, acc.at[pl.ds(sid * _RPT, _RPT)])
        pltpu.sync_copy(zeros.at[pl.ds(0, _DR)], degv)

        @pl.when(sid == 0)
        def _():
            pltpu.sync_copy(zeros.at[pl.ds(0, _DR)], deg_acc)

        plsc.subcore_barrier()

        pairs = ((idx_s0, idx_d0, rows0, gsem0, ssem0),
                 (idx_s1, idx_d1, rows1, gsem1, ssem1),
                 (idx_s2, idx_d2, rows2, gsem2, ssem2))

        def fire(kf, isb, idb, rb, gsem, ssem):
            @pl.when(kf >= 3)
            def _():
                pltpu.make_async_copy(rb, acc.at[idb], ssem).wait()

            base = kf * _C
            for j in range(_C // 16):
                sl = pl.ds(j * 16, 16)
                isb[sl] = sall[pl.ds(base + j * 16, 16)]
                idb[sl] = dall[pl.ds(base + j * 16, 16)]
            pltpu.async_copy(table.at[isb, pl.ds(colo, _HALF)], rb, gsem)

        def consume(isb, idb, rb, gsem, ssem):
            pltpu.make_async_copy(table.at[isb, pl.ds(colo, _HALF)],
                                  rb, gsem).wait()
            pltpu.async_copy(rb, acc.at[idb], ssem, add=True)
            for j in range(_C // 16):
                d16 = idb[pl.ds(j * 16, 16)]
                plsc.addupdate_scatter(
                    degv, [lax.shift_right_logical(d16, 7),
                           lax.bitwise_and(d16, 127)], ones16)

        def segment(s, carry0):
            pltpu.sync_copy(src.at[pl.ds(sid * _EPT + s * _ECS, _ECS)], sall)
            pltpu.sync_copy(dst.at[pl.ds(sid * _EPT + s * _ECS, _ECS)], dall)
            fire(0, *pairs[0])
            fire(1, *pairs[1])

            def chunk(k, carry):
                kf = k + 2
                for p in range(3):
                    @pl.when(jnp.logical_and(kf < _NCSEG,
                                             lax.rem(kf, 3) == p))
                    def _(p=p):
                        fire(kf, *pairs[p])

                for p in range(3):
                    @pl.when(lax.rem(k, 3) == p)
                    def _(p=p):
                        consume(*pairs[p])

                return carry

            lax.fori_loop(0, _NCSEG, chunk, 0)
            for p in range(3):
                isb, idb, rb, gsem, ssem = pairs[p]
                pltpu.make_async_copy(rb, acc.at[idb], ssem).wait()
            return carry0

        lax.fori_loop(0, _SEG, segment, 0)
        pltpu.sync_copy(degv, deg_acc.at[idx_io], add=True)
        plsc.subcore_barrier()
        pltpu.sync_copy(acc.at[pl.ds(sid * _RPT, _RPT)],
                        out.at[pl.ds(offa + sid * _RPT, _RPT)])

        @pl.when(sid == 0)
        def _():
            pltpu.sync_copy(deg_acc, out_deg.at[pl.ds(cid * _DR, _DR)])

        plsc.subcore_barrier()

    run_dir(tu, src_ui, dst_ui, out_i, out_degi)
    run_dir(ti, src_iu, dst_iu, out_u, out_degu)


def _tc_a_body(xu, xi, au0, au1, ai0, ai1, degu, degi, wiu, wu, wui, wi,
               yu, yi, stats):
    i = pl.program_id(0)
    aggu = jnp.concatenate([au0[0], au1[0]], axis=1)
    aggi = jnp.concatenate([ai0[0], ai1[0]], axis=1)
    du = jnp.maximum(degu[...], 1.0)
    di = jnp.maximum(degi[...], 1.0)
    mu = jnp.dot(aggu, wiu[...], preferred_element_type=jnp.float32) / du
    yu_v = jnp.maximum(
        mu + jnp.dot(xu[...], wu[...], preferred_element_type=jnp.float32), 0.0)
    mi = jnp.dot(aggi, wui[...], preferred_element_type=jnp.float32) / di
    yi_v = jnp.maximum(
        mi + jnp.dot(xi[...], wi[...], preferred_element_type=jnp.float32), 0.0)
    yu[...] = yu_v
    yi[...] = yi_v
    s = jnp.concatenate([
        jnp.sum(yu_v, axis=0, keepdims=True),
        jnp.sum(yu_v * yu_v, axis=0, keepdims=True),
        jnp.sum(yi_v, axis=0, keepdims=True),
        jnp.sum(yi_v * yi_v, axis=0, keepdims=True),
    ], axis=0)

    @pl.when(i == 0)
    def _():
        stats[...] = s

    @pl.when(i != 0)
    def _():
        stats[...] = stats[...] + s


def _dense_pass(xu, xi, aggu3, aggi3, degu, degi, wiu, wu, wui, wi):
    blk = lambda: pl.BlockSpec((_BLK, _HID), lambda i: (i, 0))
    h0 = lambda: pl.BlockSpec((1, _BLK, _HALF), lambda i: (0, i, 0))
    h1 = lambda: pl.BlockSpec((1, _BLK, _HALF), lambda i: (1, i, 0))
    wspec = lambda: pl.BlockSpec((_HID, _HID), lambda i: (0, 0))
    return pl.pallas_call(
        _tc_a_body,
        grid=(_NBLK,),
        in_specs=[blk(), blk(), h0(), h1(), h0(), h1(),
                  pl.BlockSpec((_BLK, 1), lambda i: (i, 0)),
                  pl.BlockSpec((_BLK, 1), lambda i: (i, 0)),
                  wspec(), wspec(), wspec(), wspec()],
        out_specs=[blk(), blk(),
                   pl.BlockSpec((4, _HID), lambda i: (0, 0))],
        out_shape=[jax.ShapeDtypeStruct((_N, _HID), jnp.float32),
                   jax.ShapeDtypeStruct((_N, _HID), jnp.float32),
                   jax.ShapeDtypeStruct((4, _HID), jnp.float32)],
    )(xu, xi, aggu3, aggu3, aggi3, aggi3, degu, degi, wiu, wu, wui, wi)


def _tc_b_body(yu, yi, stats, g, b, lp, ou, oi):
    n = float(_N)
    lpv = lp[...]
    gv = g[...]
    bv = b[...]

    def norm(y, r):
        mean = stats[r:r + 1, :] / n
        var = stats[r + 1:r + 2, :] / n - mean * mean
        grstd = gv * lax.rsqrt(var + 1e-5)
        a = lpv * grstd + (1.0 - lpv)
        c = lpv * (bv - mean * grstd)
        return y[...] * a + c

    ou[...] = norm(yu, 0)
    oi[...] = norm(yi, 2)


def _bn_pass(yu, yi, stats, g, b, lp):
    blk = lambda: pl.BlockSpec((_BLK, _HID), lambda i: (i, 0))
    row = lambda r: pl.BlockSpec((r, _HID), lambda i: (0, 0))
    return pl.pallas_call(
        _tc_b_body,
        grid=(_NBLK,),
        in_specs=[blk(), blk(), row(4), row(1), row(1), row(1)],
        out_specs=[blk(), blk()],
        out_shape=[jax.ShapeDtypeStruct((_N, _HID), jnp.float32),
                   jax.ShapeDtypeStruct((_N, _HID), jnp.float32)],
    )(yu, yi, stats, g, b, lp)


def kernel(x_user, x_item, edge_index_ui, edge_index_iu, LP,
           W_ui_0, W_iu_0, Wu_0, Wi_0, g_0, b_0,
           W_ui_1, W_iu_1, Wu_1, Wi_1, g_1, b_1):
    f32 = jnp.float32
    xu = x_user.astype(f32)
    xi = x_item.astype(f32)
    ei_ui = edge_index_ui.astype(jnp.int32)
    ei_iu = edge_index_iu.astype(jnp.int32)

    zeros = jnp.zeros((_RPT, _CW), f32)

    out_i, out_u, out_degi, out_degu = _sc_agg_fn()(
        xu, xi, ei_ui[0], ei_ui[1], ei_iu[0], ei_iu[1], zeros)

    aggi3 = out_i.reshape(2, _NA, _CW)
    aggu3 = out_u.reshape(2, _NA, _CW)
    degi = out_degi[:_DR].reshape(_NA)[:_N, None]
    degu = out_degu[:_DR].reshape(_NA)[:_N, None]

    yu, yi, stats = _dense_pass(xu, xi, aggu3, aggi3, degu, degi,
                                W_iu_1.astype(f32), Wu_1.astype(f32),
                                W_ui_1.astype(f32), Wi_1.astype(f32))

    lp = jnp.where(LP != 0, 1.0, 0.0).astype(f32) * jnp.ones((1, _HID), f32)
    ou, oi = _bn_pass(yu, yi, stats,
                      g_1.reshape(1, _HID).astype(f32),
                      b_1.reshape(1, _HID).astype(f32), lp)
    return ou[None, :, :], oi[None, :, :]

# --- scband reference (transcript-rebuilt; emitter-appended) ---
"""Pipeline reference for scband-hetero-conv-layers-47794396070094 (READ-ONLY COPY).

The authoritative reference and input builder live on the scoring server;
editing this copy changes nothing except your own understanding.
"""

import jax, jax.numpy as jnp
import numpy as np

HID = 256
N = 10000
E = 160000
NUM_LAYERS = 2


def _bn(x, gamma, beta, eps=1e-5):
    m = jnp.mean(x, axis=0)
    v = jnp.var(x, axis=0)
    return (x - m) / jnp.sqrt(v + eps) * gamma + beta


def _hetero_conv(x_user, x_item, ei_ui, ei_iu, W_ui, W_iu, Wu, Wi):
    n_u = x_user.shape[0]
    n_i = x_item.shape[0]
    # user -> item messages
    msg_ui = jnp.take(x_user, ei_ui[0], axis=0) @ W_ui
    agg_i = jax.ops.segment_sum(msg_ui, ei_ui[1], num_segments=n_i)
    deg_i = jax.ops.segment_sum(jnp.ones((ei_ui.shape[1],), jnp.float32), ei_ui[1], num_segments=n_i)
    out_item = jax.nn.relu(agg_i / jnp.clip(deg_i, 1.0)[:, None] + x_item @ Wi)
    # item -> user messages
    msg_iu = jnp.take(x_item, ei_iu[0], axis=0) @ W_iu
    agg_u = jax.ops.segment_sum(msg_iu, ei_iu[1], num_segments=n_u)
    deg_u = jax.ops.segment_sum(jnp.ones((ei_iu.shape[1],), jnp.float32), ei_iu[1], num_segments=n_u)
    out_user = jax.nn.relu(agg_u / jnp.clip(deg_u, 1.0)[:, None] + x_user @ Wu)
    return out_user, out_item


def setup_inputs(seed: int = 0) -> dict:
    key = jax.random.key(seed)
    ks = jax.random.split(key, 20)
    d = {}
    d["x_user"] = jax.random.normal(ks[0], (N, HID), dtype=jnp.float32)
    d["x_item"] = jax.random.normal(ks[1], (N, HID), dtype=jnp.float32)
    d["edge_index_ui"] = jax.random.randint(ks[2], (2, E), 0, N)
    d["edge_index_iu"] = jax.random.randint(ks[3], (2, E), 0, N)
    d["LP"] = 1
    kidx = 4
    for l in range(NUM_LAYERS):
        d[f"W_ui_{l}"] = jax.random.normal(ks[kidx + 0], (HID, HID), dtype=jnp.float32) * 0.02
        d[f"W_iu_{l}"] = jax.random.normal(ks[kidx + 1], (HID, HID), dtype=jnp.float32) * 0.02
        d[f"Wu_{l}"] = jax.random.normal(ks[kidx + 2], (HID, HID), dtype=jnp.float32) * 0.02
        d[f"Wi_{l}"] = jax.random.normal(ks[kidx + 3], (HID, HID), dtype=jnp.float32) * 0.02
        d[f"g_{l}"] = jnp.ones((HID,), dtype=jnp.float32)
        d[f"b_{l}"] = jnp.zeros((HID,), dtype=jnp.float32)
        kidx += 4
    return d


def reference(x_user, x_item, edge_index_ui, edge_index_iu, LP,
              W_ui_0, W_iu_0, Wu_0, Wi_0, g_0, b_0,
              W_ui_1, W_iu_1, Wu_1, Wi_1, g_1, b_1):
    layers = [
        (W_ui_0, W_iu_0, Wu_0, Wi_0, g_0, b_0),
        (W_ui_1, W_iu_1, Wu_1, Wi_1, g_1, b_1),
    ]
    gu = x_user
    gi = x_item
    lp_pred = LP != 0
    # Faithful to original: each layer convolves the ORIGINAL data.x_dict
    # (graph_output is recomputed from `data` each iteration).
    for (W_ui, W_iu, Wu, Wi, g, b) in layers:
        gu, gi = _hetero_conv(x_user, x_item, edge_index_ui, edge_index_iu, W_ui, W_iu, Wu, Wi)
        gu = jnp.where(lp_pred, _bn(gu, g, b), gu)  # BatchNorm1d (training-mode batch stats)
        gi = jnp.where(lp_pred, _bn(gi, g, b), gi)
        # dropout: identity in deterministic reference (eval mode)
    return (gu[None, :, :], gi[None, :, :])

if __name__ == "__main__":
    import jax
    _d = setup_inputs()
    print(jax.jit(kernel)(*tuple(_d.values())))

</pallas_src>

<mosaic_0001>
#map = affine_map<(d0, d1) -> (0, 0)>
#map1 = affine_map<(d0, d1) -> (0)>
module attributes {stable_mosaic.version = 14 : i64} {
  func.func @_sc_body(%arg0: i32, %arg1: i32, %arg2: memref<10000x256xf32, #tpu.memory_space<hbm>>, %arg3: memref<10000x256xf32, #tpu.memory_space<hbm>>, %arg4: memref<160000xi32, #tpu.memory_space<hbm>>, %arg5: memref<160000xi32, #tpu.memory_space<hbm>>, %arg6: memref<160000xi32, #tpu.memory_space<hbm>>, %arg7: memref<160000xi32, #tpu.memory_space<hbm>>, %arg8: memref<640x128xf32, #tpu.memory_space<hbm>>, %arg9: memref<20480x128xf32, #tpu.memory_space<hbm>>, %arg10: memref<20480x128xf32, #tpu.memory_space<hbm>>, %arg11: memref<160x128xf32, #tpu.memory_space<hbm>>, %arg12: memref<160x128xf32, #tpu.memory_space<hbm>>, %arg13: memref<2000xi32, #tpu.memory_space<vmem>>, %arg14: memref<2000xi32, #tpu.memory_space<vmem>>, %arg15: memref<80xi32, #tpu.memory_space<vmem>>, %arg16: memref<80xi32, #tpu.memory_space<vmem>>, %arg17: memref<80xi32, #tpu.memory_space<vmem>>, %arg18: memref<80xi32, #tpu.memory_space<vmem>>, %arg19: memref<80xi32, #tpu.memory_space<vmem>>, %arg20: memref<80xi32, #tpu.memory_space<vmem>>, %arg21: memref<80xi32, #tpu.memory_space<vmem>>, %arg22: memref<80x128xf32, #tpu.memory_space<vmem>>, %arg23: memref<80x128xf32, #tpu.memory_space<vmem>>, %arg24: memref<80x128xf32, #tpu.memory_space<vmem>>, %arg25: memref<80x128xf32, #tpu.memory_space<vmem>>, %arg26: memref<10240x128xf32, #tpu.memory_space<vmem_shared>>, %arg27: memref<80x128xf32, #tpu.memory_space<vmem_shared>>, %arg28: memref<!tpu.dma_semaphore, #tpu.memory_space<semaphore_mem>>, %arg29: memref<!tpu.dma_semaphore, #tpu.memory_space<semaphore_mem>>, %arg30: memref<!tpu.dma_semaphore, #tpu.memory_space<semaphore_mem>>, %arg31: memref<!tpu.dma_semaphore, #tpu.memory_space<semaphore_mem>>, %arg32: memref<!tpu.dma_semaphore, #tpu.memory_space<semaphore_mem>>, %arg33: memref<!tpu.dma_semaphore, #tpu.memory_space<semaphore_mem>>) attributes {dimension_semantics = [#tpu.dimension_semantics<core_parallel>, #tpu.dimension_semantics<subcore_parallel>], iteration_bounds = array<i64: 2, 16>, scalar_prefetch = 0 : i64, scratch_operands = 21 : i64, tpu.core_type = #tpu.core_type<sc_vector_subcore>, window_params = [{transform_indices = #map}, {transform_indices = #map}, {transform_indices = #map1}, {transform_indices = #map1}, {transform_indices = #map1}, {transform_indices = #map1}, {transform_indices = #map}, {transform_indices = #map}, {transform_indices = #map}, {transform_indices = #map}, {transform_indices = #map}]} {
    %mul3A = arith.constant 128 : i32
    %mul3A_0 = arith.muli %arg0, %mul3A : i32
    %multiple_of3A = tpu.assume_multiple %mul3A_0, 128 : i32
    %mul3A_1 = arith.constant 10240 : i32
    %mul3A_2 = arith.muli %arg0, %mul3A_1 : i32
    %iota3A = tpu.iota {dimensions = array<i32: 0>} : vector<16xi32>
    %add3A = arith.constant 0 : i32
    %add3A_3 = vector.broadcast %add3A : i32 to vector<16xi32>
    %add3A_4 = arith.addi %iota3A, %add3A_3 : vector<16xi32>
    %swap3A = arith.constant 0 : index
    %swap3A_5 = tpu.vector_load %arg21[%swap3A] {strides = array<i32>} : memref<80xi32, #tpu.memory_space<vmem>>, vector<16xi32>,
    tpu.vector_store %arg21[%swap3A], %add3A_4 {strides = array<i32>} : memref<80xi32, #tpu.memory_space<vmem>>, vector<16xi32>,
    %iota3A_6 = tpu.iota {dimensions = array<i32: 0>} : vector<16xi32>
    %add3A_7 = arith.constant 16 : i32
    %add3A_8 = vector.broadcast %add3A_7 : i32 to vector<16xi32>
    %add3A_9 = arith.addi %iota3A_6, %add3A_8 : vector<16xi32>
    %swap3A_10 = arith.constant 16 : index
    %swap3A_11 = tpu.vector_load %arg21[%swap3A_10] {strides = array<i32>} : memref<80xi32, #tpu.memory_space<vmem>>, vector<16xi32>,
    tpu.vector_store %arg21[%swap3A_10], %add3A_9 {strides = array<i32>} : memref<80xi32, #tpu.memory_space<vmem>>, vector<16xi32>,
    %iota3A_12 = tpu.iota {dimensions = array<i32: 0>} : vector<16xi32>
    %add3A_13 = arith.constant 32 : i32
    %add3A_14 = vector.broadcast %add3A_13 : i32 to vector<16xi32>
    %add3A_15 = arith.addi %iota3A_12, %add3A_14 : vector<16xi32>
    %swap3A_16 = arith.constant 32 : index
    %swap3A_17 = tpu.vector_load %arg21[%swap3A_16] {strides = array<i32>} : memref<80xi32, #tpu.memory_space<vmem>>, vector<16xi32>,
    tpu.vector_store %arg21[%swap3A_16], %add3A_15 {strides = array<i32>} : memref<80xi32, #tpu.memory_space<vmem>>, vector<16xi32>,
    %iota3A_18 = tpu.iota {dimensions = array<i32: 0>} : vector<16xi32>
    %add3A_19 = arith.constant 48 : i32
    %add3A_20 = vector.broadcast %add3A_19 : i32 to vector<16xi32>
    %add3A_21 = arith.addi %iota3A_18, %add3A_20 : vector<16xi32>
    %swap3A_22 = arith.constant 48 : index
    %swap3A_23 = tpu.vector_load %arg21[%swap3A_22] {strides = array<i32>} : memref<80xi32, #tpu.memory_space<vmem>>, vector<16xi32>,
    tpu.vector_store %arg21[%swap3A_22], %add3A_21 {strides = array<i32>} : memref<80xi32, #tpu.memory_space<vmem>>, vector<16xi32>,
    %iota3A_24 = tpu.iota {dimensions = array<i32: 0>} : vector<16xi32>
    %add3A_25 = arith.constant 64 : i32
    %add3A_26 = vector.broadcast %add3A_25 : i32 to vector<16xi32>
    %add3A_27 = arith.addi %iota3A_24, %add3A_26 : vector<16xi32>
    %swap3A_28 = arith.constant 64 : index
    %swap3A_29 = tpu.vector_load %arg21[%swap3A_28] {strides = array<i32>} : memref<80xi32, #tpu.memory_space<vmem>>, vector<16xi32>,
    tpu.vector_store %arg21[%swap3A_28], %add3A_27 {strides = array<i32>} : memref<80xi32, #tpu.memory_space<vmem>>, vector<16xi32>,
    %broadcast_in_dim3A = arith.constant 1.000000e+00 : f32
    %broadcast_in_dim3A_30 = vector.broadcast %broadcast_in_dim3A : f32 to vector<16xf32>
    %mul3A_31 = arith.constant 640 : i32
    %mul3A_32 = arith.muli %arg1, %mul3A_31 : i32
    "tpu.region"() ({
      %run_scoped3A = tpu.sem_alloc : memref<!tpu.dma_semaphore, #tpu.memory_space<semaphore_mem>>
      %dma_start3A = arith.constant 0 : i32
      %dma_start3A_78 = tpu.memref_slice %arg26[%mul3A_32, %dma_start3A] : memref<10240x128xf32, #tpu.memory_space<vmem_shared>> -> memref<640x128xf32, #tpu.memory_space<vmem_shared>>
      tpu.enqueue_dma source(%arg8 : memref<640x128xf32, #tpu.memory_space<hbm>>) target(%dma_start3A_78 : memref<640x128xf32, #tpu.memory_space<vmem_shared>>) target_semaphore(%run_scoped3A : memref<!tpu.dma_semaphore, #tpu.memory_space<semaphore_mem>>)
      %dma_wait3A = arith.constant 0 : i32
      %dma_wait3A_79 = tpu.memref_slice %arg26[%mul3A_32, %dma_wait3A] : memref<10240x128xf32, #tpu.memory_space<vmem_shared>> -> memref<640x128xf32, #tpu.memory_space<vmem_shared>>
      tpu.wait_dma2 semaphore(%run_scoped3A : memref<!tpu.dma_semaphore, #tpu.memory_space<semaphore_mem>>) src(%arg8 : memref<640x128xf32, #tpu.memory_space<hbm>>) dst(%dma_wait3A_79 : memref<640x128xf32, #tpu.memory_space<vmem_shared>>)
      tpu.yield
    }) : () -> ()
    "tpu.region"() ({
      %run_scoped3A = tpu.sem_alloc : memref<!tpu.dma_semaphore, #tpu.memory_space<semaphore_mem>>
      %dma_start3A = arith.constant 0 : i32
      %dma_start3A_78 = arith.constant 0 : i32
      %dma_start3A_79 = tpu.memref_slice %arg8[%dma_start3A, %dma_start3A_78] : memref<640x128xf32, #tpu.memory_space<hbm>> -> memref<80x128xf32, #tpu.memory_space<hbm>>
      %dma_start3A_80 = arith.constant 0 : i32
      %dma_start3A_81 = arith.constant 0 : i32
      %dma_start3A_82 = tpu.memref_slice %arg8[%dma_start3A_80, %dma_start3A_81] : memref<640x128xf32, #tpu.memory_space<hbm>> -> memref<80x128xf32, #tpu.memory_space<hbm>>
      tpu.enqueue_dma source(%dma_start3A_82 : memref<80x128xf32, #tpu.memory_space<hbm>>) target(%arg25 : memref<80x128xf32, #tpu.memory_space<vmem>>) target_semaphore(%run_scoped3A : memref<!tpu.dma_semaphore, #tpu.memory_space<semaphore_mem>>)
      %dma_wait3A = arith.constant 0 : i32
      %dma_wait3A_83 = arith.constant 0 : i32
      %dma_wait3A_84 = tpu.memref_slice %arg8[%dma_wait3A, %dma_wait3A_83] : memref<640x128xf32, #tpu.memory_space<hbm>> -> memref<80x128xf32, #tpu.memory_space<hbm>>
      %dma_wait3A_85 = arith.constant 0 : i32
      %dma_wait3A_86 = arith.constant 0 : i32
      %dma_wait3A_87 = tpu.memref_slice %arg8[%dma_wait3A_85, %dma_wait3A_86] : memref<640x128xf32, #tpu.memory_space<hbm>> -> memref<80x128xf32, #tpu.memory_space<hbm>>
      tpu.wait_dma2 semaphore(%run_scoped3A : memref<!tpu.dma_semaphore, #tpu.memory_space<semaphore_mem>>) src(%dma_wait3A_87 : memref<80x128xf32, #tpu.memory_space<hbm>>) dst(%arg25 : memref<80x128xf32, #tpu.memory_space<vmem>>)
      tpu.yield
    }) : () -> ()
    %eq3A = arith.constant 0 : i32
    %eq3A_33 = arith.cmpi eq, %arg1, %eq3A : i32
    %convert_element_type3A = arith.extui %eq3A_33 : i1 to i32
    %cond3A = arith.constant 0 : i32
    %cond3A_34 = arith.cmpi ne, %convert_element_type3A, %cond3A : i32
    scf.if %cond3A_34 {
      "tpu.region"() ({
        %run_scoped3A = tpu.sem_alloc : memref<!tpu.dma_semaphore, #tpu.memory_space<semaphore_mem>>
        %dma_start3A = arith.constant 0 : i32
        %dma_start3A_78 = arith.constant 0 : i32
        %dma_start3A_79 = tpu.memref_slice %arg8[%dma_start3A, %dma_start3A_78] : memref<640x128xf32, #tpu.memory_space<hbm>> -> memref<80x128xf32, #tpu.memory_space<hbm>>
        tpu.enqueue_dma source(%dma_start3A_79 : memref<80x128xf32, #tpu.memory_space<hbm>>) target(%arg27 : memref<80x128xf32, #tpu.memory_space<vmem_shared>>) target_semaphore(%run_scoped3A : memref<!tpu.dma_semaphore, #tpu.memory_space<semaphore_mem>>)
        %dma_wait3A = arith.constant 0 : i32
        %dma_wait3A_80 = arith.constant 0 : i32
        %dma_wait3A_81 = tpu.memref_slice %arg8[%dma_wait3A, %dma_wait3A_80] : memref<640x128xf32, #tpu.memory_space<hbm>> -> memref<80x128xf32, #tpu.memory_space<hbm>>
        tpu.wait_dma2 semaphore(%run_scoped3A : memref<!tpu.dma_semaphore, #tpu.memory_space<semaphore_mem>>) src(%dma_wait3A_81 : memref<80x128xf32, #tpu.memory_space<hbm>>) dst(%arg27 : memref<80x128xf32, #tpu.memory_space<vmem_shared>>)
        tpu.yield
      }) : () -> ()
    } else {
    }
    %barrier3A = arith.constant 0 : index
    tpu.barrier barrier_id(%barrier3A)
    %scan3A = arith.constant 0 : i32
    %scan3A_35 = arith.constant 0 : i32
    %scan3A_36 = arith.constant 5 : i32
    %scan3A_37 = arith.addi %scan3A_35, %scan3A_36 : i32
    %scan3A_38 = arith.constant 1 : i32
    scf.for %scan3A_78 = %scan3A_35 to %scan3A_37 step %scan3A_38  : i32 {
      %mul3A_79 = arith.constant 10000 : i32
      %mul3A_80 = arith.muli %arg1, %mul3A_79 : i32
      %mul3A_81 = arith.constant 2000 : i32
      %mul3A_82 = arith.muli %scan3A_78, %mul3A_81 : i32
      %add3A_83 = arith.addi %mul3A_80, %mul3A_82 : i32
      "tpu.region"() ({
        %run_scoped3A = tpu.sem_alloc : memref<!tpu.dma_semaphore, #tpu.memory_space<semaphore_mem>>
        %dma_start3A_185 = tpu.memref_slice %arg4[%add3A_83] : memref<160000xi32, #tpu.memory_space<hbm>> -> memref<2000xi32, #tpu.memory_space<hbm>>
        %dma_start3A_186 = tpu.memref_slice %arg4[%add3A_83] : memref<160000xi32, #tpu.memory_space<hbm>> -> memref<2000xi32, #tpu.memory_space<hbm>>
        tpu.enqueue_dma source(%dma_start3A_186 : memref<2000xi32, #tpu.memory_space<hbm>>) target(%arg13 : memref<2000xi32, #tpu.memory_space<vmem>>) target_semaphore(%run_scoped3A : memref<!tpu.dma_semaphore, #tpu.memory_space<semaphore_mem>>)
        %dma_wait3A_187 = tpu.memref_slice %arg4[%add3A_83] : memref<160000xi32, #tpu.memory_space<hbm>> -> memref<2000xi32, #tpu.memory_space<hbm>>
        %dma_wait3A_188 = tpu.memref_slice %arg4[%add3A_83] : memref<160000xi32, #tpu.memory_space<hbm>> -> memref<2000xi32, #tpu.memory_space<hbm>>
        tpu.wait_dma2 semaphore(%run_scoped3A : memref<!tpu.dma_semaphore, #tpu.memory_space<semaphore_mem>>) src(%dma_wait3A_188 : memref<2000xi32, #tpu.memory_space<hbm>>) dst(%arg13 : memref<2000xi32, #tpu.memory_space<vmem>>)
        tpu.yield
      }) : () -> ()
      %mul3A_84 = arith.constant 10000 : i32
      %mul3A_85 = arith.muli %arg1, %mul3A_84 : i32
      %mul3A_86 = arith.constant 2000 : i32
      %mul3A_87 = arith.muli %scan3A_78, %mul3A_86 : i32
      %add3A_88 = arith.addi %mul3A_85, %mul3A_87 : i32
      "tpu.region"() ({
        %run_scoped3A = tpu.sem_alloc : memref<!tpu.dma_semaphore, #tpu.memory_space<semaphore_mem>>
        %dma_start3A_185 = tpu.memref_slice %arg5[%add3A_88] : memref<160000xi32, #tpu.memory_space<hbm>> -> memref<2000xi32, #tpu.memory_space<hbm>>
        %dma_start3A_186 = tpu.memref_slice %arg5[%add3A_88] : memref<160000xi32, #tpu.memory_space<hbm>> -> memref<2000xi32, #tpu.memory_space<hbm>>
        tpu.enqueue_dma source(%dma_start3A_186 : memref<2000xi32, #tpu.memory_space<hbm>>) target(%arg14 : memref<2000xi32, #tpu.memory_space<vmem>>) target_semaphore(%run_scoped3A : memref<!tpu.dma_semaphore, #tpu.memory_space<semaphore_mem>>)
        %dma_wait3A_187 = tpu.memref_slice %arg5[%add3A_88] : memref<160000xi32, #tpu.memory_space<hbm>> -> memref<2000xi32, #tpu.memory_space<hbm>>
        %dma_wait3A_188 = tpu.memref_slice %arg5[%add3A_88] : memref<160000xi32, #tpu.memory_space<hbm>> -> memref<2000xi32, #tpu.memory_space<hbm>>
        tpu.wait_dma2 semaphore(%run_scoped3A : memref<!tpu.dma_semaphore, #tpu.memory_space<semaphore_mem>>) src(%dma_wait3A_188 : memref<2000xi32, #tpu.memory_space<hbm>>) dst(%arg14 : memref<2000xi32, #tpu.memory_space<vmem>>)
        tpu.yield
      }) : () -> ()
      %get3A = arith.constant 0 : index
      %get3A_89 = tpu.vector_load %arg13[%get3A] {strides = array<i32>} : memref<2000xi32, #tpu.memory_space<vmem>>, vector<16xi32>,
      %swap3A_90 = arith.constant 0 : index
      %swap3A_91 = tpu.vector_load %arg15[%swap3A_90] {strides = array<i32>} : memref<80xi32, #tpu.memory_space<vmem>>, vector<16xi32>,
      tpu.vector_store %arg15[%swap3A_90], %get3A_89 {strides = array<i32>} : memref<80xi32, #tpu.memory_space<vmem>>, vector<16xi32>,
      %get3A_92 = arith.constant 0 : index
      %get3A_93 = tpu.vector_load %arg14[%get3A_92] {strides = array<i32>} : memref<2000xi32, #tpu.memory_space<vmem>>, vector<16xi32>,
      %swap3A_94 = arith.constant 0 : index
      %swap3A_95 = tpu.vector_load %arg16[%swap3A_94] {strides = array<i32>} : memref<80xi32, #tpu.memory_space<vmem>>, vector<16xi32>,
      tpu.vector_store %arg16[%swap3A_94], %get3A_93 {strides = array<i32>} : memref<80xi32, #tpu.memory_space<vmem>>, vector<16xi32>,
      %get3A_96 = arith.constant 16 : index
      %get3A_97 = tpu.vector_load %arg13[%get3A_96] {strides = array<i32>} : memref<2000xi32, #tpu.memory_space<vmem>>, vector<16xi32>,
      %swap3A_98 = arith.constant 16 : index
      %swap3A_99 = tpu.vector_load %arg15[%swap3A_98] {strides = array<i32>} : memref<80xi32, #tpu.memory_space<vmem>>, vector<16xi32>,
      tpu.vector_store %arg15[%swap3A_98], %get3A_97 {strides = array<i32>} : memref<80xi32, #tpu.memory_space<vmem>>, vector<16xi32>,
      %get3A_100 = arith.constant 16 : index
      %get3A_101 = tpu.vector_load %arg14[%get3A_100] {strides = array<i32>} : memref<2000xi32, #tpu.memory_space<vmem>>, vector<16xi32>,
      %swap3A_102 = arith.constant 16 : index
      %swap3A_103 = tpu.vector_load %arg16[%swap3A_102] {strides = array<i32>} : memref<80xi32, #tpu.memory_space<vmem>>, vector<16xi32>,
      tpu.vector_store %arg16[%swap3A_102], %get3A_101 {strides = array<i32>} : memref<80xi32, #tpu.memory_space<vmem>>, vector<16xi32>,
      %get3A_104 = arith.constant 32 : index
      %get3A_105 = tpu.vector_load %arg13[%get3A_104] {strides = array<i32>} : memref<2000xi32, #tpu.memory_space<vmem>>, vector<16xi32>,
      %swap3A_106 = arith.constant 32 : index
      %swap3A_107 = tpu.vector_load %arg15[%swap3A_106] {strides = array<i32>} : memref<80xi32, #tpu.memory_space<vmem>>, vector<16xi32>,
      tpu.vector_store %arg15[%swap3A_106], %get3A_105 {strides = array<i32>} : memref<80xi32, #tpu.memory_space<vmem>>, vector<16xi32>,
      %get3A_108 = arith.constant 32 : index
      %get3A_109 = tpu.vector_load %arg14[%get3A_108] {strides = array<i32>} : memref<2000xi32, #tpu.memory_space<vmem>>, vector<16xi32>,
      %swap3A_110 = arith.constant 32 : index
      %swap3A_111 = tpu.vector_load %arg16[%swap3A_110] {strides = array<i32>} : memref<80xi32, #tpu.memory_space<vmem>>, vector<16xi32>,
      tpu.vector_store %arg16[%swap3A_110], %get3A_109 {strides = array<i32>} : memref<80xi32, #tpu.memory_space<vmem>>, vector<16xi32>,
      %get3A_112 = arith.constant 48 : index
      %get3A_113 = tpu.vector_load %arg13[%get3A_112] {strides = array<i32>} : memref<2000xi32, #tpu.memory_space<vmem>>, vector<16xi32>,
      %swap3A_114 = arith.constant 48 : index
      %swap3A_115 = tpu.vector_load %arg15[%swap3A_114] {strides = array<i32>} : memref<80xi32, #tpu.memory_space<vmem>>, vector<16xi32>,
      tpu.vector_store %arg15[%swap3A_114], %get3A_113 {strides = array<i32>} : memref<80xi32, #tpu.memory_space<vmem>>, vector<16xi32>,
      %get3A_116 = arith.constant 48 : index
      %get3A_117 = tpu.vector_load %arg14[%get3A_116] {strides = array<i32>} : memref<2000xi32, #tpu.memory_space<vmem>>, vector<16xi32>,
      %swap3A_118 = arith.constant 48 : index
      %swap3A_119 = tpu.vector_load %arg16[%swap3A_118] {strides = array<i32>} : memref<80xi32, #tpu.memory_space<vmem>>, vector<16xi32>,
      tpu.vector_store %arg16[%swap3A_118], %get3A_117 {strides = array<i32>} : memref<80xi32, #tpu.memory_space<vmem>>, vector<16xi32>,
      %get3A_120 = arith.constant 64 : index
      %get3A_121 = tpu.vector_load %arg13[%get3A_120] {strides = array<i32>} : memref<2000xi32, #tpu.memory_space<vmem>>, vector<16xi32>,
      %swap3A_122 = arith.constant 64 : index
      %swap3A_123 = tpu.vector_load %arg15[%swap3A_122] {strides = array<i32>} : memref<80xi32, #tpu.memory_space<vmem>>, vector<16xi32>,
      tpu.vector_store %arg15[%swap3A_122], %get3A_121 {strides = array<i32>} : memref<80xi32, #tpu.memory_space<vmem>>, vector<16xi32>,
      %get3A_124 = arith.constant 64 : index
      %get3A_125 = tpu.vector_load %arg14[%get3A_124] {strides = array<i32>} : memref<2000xi32, #tpu.memory_space<vmem>>, vector<16xi32>,
      %swap3A_126 = arith.constant 64 : index
      %swap3A_127 = tpu.vector_load %arg16[%swap3A_126] {strides = array<i32>} : memref<80xi32, #tpu.memory_space<vmem>>, vector<16xi32>,
      tpu.vector_store %arg16[%swap3A_126], %get3A_125 {strides = array<i32>} : memref<80xi32, #tpu.memory_space<vmem>>, vector<16xi32>,
      %dma_start3A = arith.constant 0 : i32
      %dma_start3A_128 = tpu.memref_slice %arg2[%dma_start3A, %multiple_of3A] : memref<10000x256xf32, #tpu.memory_space<hbm>> -> memref<10000x128xf32, #tpu.memory_space<hbm>>
      tpu.enqueue_indirect_dma source(%dma_start3A_128 : memref<10000x128xf32, #tpu.memory_space<hbm>>) target(%arg22 : memref<80x128xf32, #tpu.memory_space<vmem>>) offsets(%arg15 : memref<80xi32, #tpu.memory_space<vmem>>) semaphore(%arg28 : memref<!tpu.dma_semaphore, #tpu.memory_space<semaphore_mem>>)
      %get3A_129 = arith.constant 80 : index
      %get3A_130 = tpu.vector_load %arg13[%get3A_129] {strides = array<i32>} : memref<2000xi32, #tpu.memory_space<vmem>>, vector<16xi32>,
      %swap3A_131 = arith.constant 0 : index
      %swap3A_132 = tpu.vector_load %arg17[%swap3A_131] {strides = array<i32>} : memref<80xi32, #tpu.memory_space<vmem>>, vector<16xi32>,
      tpu.vector_store %arg17[%swap3A_131], %get3A_130 {strides = array<i32>} : memref<80xi32, #tpu.memory_space<vmem>>, vector<16xi32>,
      %get3A_133 = arith.constant 80 : index
      %get3A_134 = tpu.vector_load %arg14[%get3A_133] {strides = array<i32>} : memref<2000xi32, #tpu.memory_space<vmem>>, vector<16xi32>,
      %swap3A_135 = arith.constant 0 : index
      %swap3A_136 = tpu.vector_load %arg18[%swap3A_135] {strides = array<i32>} : memref<80xi32, #tpu.memory_space<vmem>>, vector<16xi32>,
      tpu.vector_store %arg18[%swap3A_135], %get3A_134 {strides = array<i32>} : memref<80xi32, #tpu.memory_space<vmem>>, vector<16xi32>,
      %get3A_137 = arith.constant 96 : index
      %get3A_138 = tpu.vector_load %arg13[%get3A_137] {strides = array<i32>} : memref<2000xi32, #tpu.memory_space<vmem>>, vector<16xi32>,
      %swap3A_139 = arith.constant 16 : index
      %swap3A_140 = tpu.vector_load %arg17[%swap3A_139] {strides = array<i32>} : memref<80xi32, #tpu.memory_space<vmem>>, vector<16xi32>,
      tpu.vector_store %arg17[%swap3A_139], %get3A_138 {strides = array<i32>} : memref<80xi32, #tpu.memory_space<vmem>>, vector<16xi32>,
      %get3A_141 = arith.constant 96 : index
      %get3A_142 = tpu.vector_load %arg14[%get3A_141] {strides = array<i32>} : memref<2000xi32, #tpu.memory_space<vmem>>, vector<16xi32>,
      %swap3A_143 = arith.constant 16 : index
      %swap3A_144 = tpu.vector_load %arg18[%swap3A_143] {strides = array<i32>} : memref<80xi32, #tpu.memory_space<vmem>>, vector<16xi32>,
      tpu.vector_store %arg18[%swap3A_143], %get3A_142 {strides = array<i32>} : memref<80xi32, #tpu.memory_space<vmem>>, vector<16xi32>,
      %get3A_145 = arith.constant 112 : index
      %get3A_146 = tpu.vector_load %arg13[%get3A_145] {strides = array<i32>} : memref<2000xi32, #tpu.memory_space<vmem>>, vector<16xi32>,
      %swap3A_147 = arith.constant 32 : index
      %swap3A_148 = tpu.vector_load %arg17[%swap3A_147] {strides = array<i32>} : memref<80xi32, #tpu.memory_space<vmem>>, vector<16xi32>,
      tpu.vector_store %arg17[%swap3A_147], %get3A_146 {strides = array<i32>} : memref<80xi32, #tpu.memory_space<vmem>>, vector<16xi32>,
      %get3A_149 = arith.constant 112 : index
      %get3A_150 = tpu.vector_load %arg14[%get3A_149] {strides = array<i32>} : memref<2000xi32, #tpu.memory_space<vmem>>, vector<16xi32>,
      %swap3A_151 = arith.constant 32 : index
      %swap3A_152 = tpu.vector_load %arg18[%swap3A_151] {strides = array<i32>} : memref<80xi32, #tpu.memory_space<vmem>>, vector<16xi32>,
      tpu.vector_store %arg18[%swap3A_151], %get3A_150 {strides = array<i32>} : memref<80xi32, #tpu.memory_space<vmem>>, vector<16xi32>,
      %get3A_153 = arith.constant 128 : index
      %get3A_154 = tpu.vector_load %arg13[%get3A_153] {strides = array<i32>} : memref<2000xi32, #tpu.memory_space<vmem>>, vector<16xi32>,
      %swap3A_155 = arith.constant 48 : index
      %swap3A_156 = tpu.vector_load %arg17[%swap3A_155] {strides = array<i32>} : memref<80xi32, #tpu.memory_space<vmem>>, vector<16xi32>,
      tpu.vector_store %arg17[%swap3A_155], %get3A_154 {strides = array<i32>} : memref<80xi32, #tpu.memory_space<vmem>>, vector<16xi32>,
      %get3A_157 = arith.constant 128 : index
      %get3A_158 = tpu.vector_load %arg14[%get3A_157] {strides = array<i32>} : memref<2000xi32, #tpu.memory_space<vmem>>, vector<16xi32>,
      %swap3A_159 = arith.constant 48 : index
      %swap3A_160 = tpu.vector_load %arg18[%swap3A_159] {strides = array<i32>} : memref<80xi32, #tpu.memory_space<vmem>>, vector<16xi32>,
      tpu.vector_store %arg18[%swap3A_159], %get3A_158 {strides = array<i32>} : memref<80xi32, #tpu.memory_space<vmem>>, vector<16xi32>,
      %get3A_161 = arith.constant 144 : index
      %get3A_162 = tpu.vector_load %arg13[%get3A_161] {strides = array<i32>} : memref<2000xi32, #tpu.memory_space<vmem>>, vector<16xi32>,
      %swap3A_163 = arith.constant 64 : index
      %swap3A_164 = tpu.vector_load %arg17[%swap3A_163] {strides = array<i32>} : memref<80xi32, #tpu.memory_space<vmem>>, vector<16xi32>,
      tpu.vector_store %arg17[%swap3A_163], %get3A_162 {strides = array<i32>} : memref<80xi32, #tpu.memory_space<vmem>>, vector<16xi32>,
      %get3A_165 = arith.constant 144 : index
      %get3A_166 = tpu.vector_load %arg14[%get3A_165] {strides = array<i32>} : memref<2000xi32, #tpu.memory_space<vmem>>, vector<16xi32>,
      %swap3A_167 = arith.constant 64 : index
      %swap3A_168 = tpu.vector_load %arg18[%swap3A_167] {strides = array<i32>} : memref<80xi32, #tpu.memory_space<vmem>>, vector<16xi32>,
      tpu.vector_store %arg18[%swap3A_167], %get3A_166 {strides = array<i32>} : memref<80xi32, #tpu.memory_space<vmem>>, vector<16xi32>,
      %dma_start3A_169 = arith.constant 0 : i32
      %dma_start3A_170 = tpu.memref_slice %arg2[%dma_start3A_169, %multiple_of3A] : memref<10000x256xf32, #tpu.memory_space<hbm>> -> memref<10000x128xf32, #tpu.memory_space<hbm>>
      tpu.enqueue_indirect_dma source(%dma_start3A_170 : memref<10000x128xf32, #tpu.memory_space<hbm>>) target(%arg23 : memref<80x128xf32, #tpu.memory_space<vmem>>) offsets(%arg17 : memref<80xi32, #tpu.memory_space<vmem>>) semaphore(%arg29 : memref<!tpu.dma_semaphore, #tpu.memory_space<semaphore_mem>>)
      %scan3A_171 = arith.constant 0 : i32
      %scan3A_172 = arith.constant 0 : i32
      %scan3A_173 = arith.constant 25 : i32
      %scan3A_174 = arith.addi %scan3A_172, %scan3A_173 : i32
      %scan3A_175 = arith.constant 1 : i32
      scf.for %scan3A_185 = %scan3A_172 to %scan3A_174 step %scan3A_175  : i32 {
        %add3A_186 = arith.constant 2 : i32
        %add3A_187 = arith.addi %scan3A_185, %add3A_186 : i32
        %lt3A = arith.constant 25 : i32
        %lt3A_188 = arith.cmpi slt, %add3A_187, %lt3A : i32
        %rem3A = arith.constant 3 : i32
        %rem3A_189 = arith.remsi %add3A_187, %rem3A : i32
        %eq3A_190 = arith.constant 0 : i32
        %eq3A_191 = arith.cmpi eq, %rem3A_189, %eq3A_190 : i32
        %and3A = arith.andi %lt3A_188, %eq3A_191 : i1
        %convert_element_type3A_192 = arith.extui %and3A : i1 to i32
        %cond3A_193 = arith.constant 0 : i32
        %cond3A_194 = arith.cmpi ne, %convert_element_type3A_192, %cond3A_193 : i32
        scf.if %cond3A_194 {
          %ge3A = arith.constant 3 : i32
          %ge3A_236 = arith.cmpi sge, %add3A_187, %ge3A : i32
          %convert_element_type3A_237 = arith.extui %ge3A_236 : i1 to i32
          %cond3A_238 = arith.constant 0 : i32
          %cond3A_239 = arith.cmpi ne, %convert_element_type3A_237, %cond3A_238 : i32
          scf.if %cond3A_239 {
            %dma_wait3A_304 = arith.constant 0 : i32
            %dma_wait3A_305 = arith.constant 0 : i32
            %dma_wait3A_306 = tpu.memref_slice %arg26[%dma_wait3A_304, %dma_wait3A_305] : memref<10240x128xf32, #tpu.memory_space<vmem_shared>> -> memref<10240x128xf32, #tpu.memory_space<vmem_shared>>
            tpu.wait_indirect_dma semaphore(%arg31 : memref<!tpu.dma_semaphore, #tpu.memory_space<semaphore_mem>>) src(%arg22 : memref<80x128xf32, #tpu.memory_space<vmem>>) dst(%dma_wait3A_306 : memref<10240x128xf32, #tpu.memory_space<vmem_shared>>)
          } else {
          }
          %mul3A_240 = arith.constant 80 : i32
          %mul3A_241 = arith.muli %add3A_187, %mul3A_240 : i32
          %add3A_242 = arith.constant 0 : i32
          %add3A_243 = arith.addi %mul3A_241, %add3A_242 : i32
          %get3A_244 = arith.index_cast %add3A_243 : i32 to index
          %get3A_245 = tpu.vector_load %arg13[%get3A_244] {strides = array<i32>} : memref<2000xi32, #tpu.memory_space<vmem>>, vector<16xi32>,
          %swap3A_246 = arith.constant 0 : index
          %swap3A_247 = tpu.vector_load %arg15[%swap3A_246] {strides = array<i32>} : memref<80xi32, #tpu.memory_space<vmem>>, vector<16xi32>,
          tpu.vector_store %arg15[%swap3A_246], %get3A_245 {strides = array<i32>} : memref<80xi32, #tpu.memory_space<vmem>>, vector<16xi32>,
          %add3A_248 = arith.constant 0 : i32
          %add3A_249 = arith.addi %mul3A_241, %add3A_248 : i32
          %get3A_250 = arith.index_cast %add3A_249 : i32 to index
          %get3A_251 = tpu.vector_load %arg14[%get3A_250] {strides = array<i32>} : memref<2000xi32, #tpu.memory_space<vmem>>, vector<16xi32>,
          %swap3A_252 = arith.constant 0 : index
          %swap3A_253 = tpu.vector_load %arg16[%swap3A_252] {strides = array<i32>} : memref<80xi32, #tpu.memory_space<vmem>>, vector<16xi32>,
          tpu.vector_store %arg16[%swap3A_252], %get3A_251 {strides = array<i32>} : memref<80xi32, #tpu.memory_space<vmem>>, vector<16xi32>,
          %add3A_254 = arith.constant 16 : i32
          %add3A_255 = arith.addi %mul3A_241, %add3A_254 : i32
          %get3A_256 = arith.index_cast %add3A_255 : i32 to index
          %get3A_257 = tpu.vector_load %arg13[%get3A_256] {strides = array<i32>} : memref<2000xi32, #tpu.memory_space<vmem>>, vector<16xi32>,
          %swap3A_258 = arith.constant 16 : index
          %swap3A_259 = tpu.vector_load %arg15[%swap3A_258] {strides = array<i32>} : memref<80xi32, #tpu.memory_space<vmem>>, vector<16xi32>,
          tpu.vector_store %arg15[%swap3A_258], %get3A_257 {strides = array<i32>} : memref<80xi32, #tpu.memory_space<vmem>>, vector<16xi32>,
          %add3A_260 = arith.constant 16 : i32
          %add3A_261 = arith.addi %mul3A_241, %add3A_260 : i32
          %get3A_262 = arith.index_cast %add3A_261 : i32 to index
          %get3A_263 = tpu.vector_load %arg14[%get3A_262] {strides = array<i32>} : memref<2000xi32, #tpu.memory_space<vmem>>, vector<16xi32>,
          %swap3A_264 = arith.constant 16 : index
          %swap3A_265 = tpu.vector_load %arg16[%swap3A_264] {strides = array<i32>} : memref<80xi32, #tpu.memory_space<vmem>>, vector<16xi32>,
          tpu.vector_store %arg16[%swap3A_264], %get3A_263 {strides = array<i32>} : memref<80xi32, #tpu.memory_space<vmem>>, vector<16xi32>,
          %add3A_266 = arith.constant 32 : i32
          %add3A_267 = arith.addi %mul3A_241, %add3A_266 : i32
          %get3A_268 = arith.index_cast %add3A_267 : i32 to index
          %get3A_269 = tpu.vector_load %arg13[%get3A_268] {strides = array<i32>} : memref<2000xi32, #tpu.memory_space<vmem>>, vector<16xi32>,
          %swap3A_270 = arith.constant 32 : index
          %swap3A_271 = tpu.vector_load %arg15[%swap3A_270] {strides = array<i32>} : memref<80xi32, #tpu.memory_space<vmem>>, vector<16xi32>,
          tpu.vector_store %arg15[%swap3A_270], %get3A_269 {strides = array<i32>} : memref<80xi32, #tpu.memory_space<vmem>>, vector<16xi32>,
          %add3A_272 = arith.constant 32 : i32
          %add3A_273 = arith.addi %mul3A_241, %add3A_272 : i32
          %get3A_274 = arith.index_cast %add3A_273 : i32 to index
          %get3A_275 = tpu.vector_load %arg14[%get3A_274] {strides = array<i32>} : memref<2000xi32, #tpu.memory_space<vmem>>, vector<16xi32>,
          %swap3A_276 = arith.constant 32 : index
          %swap3A_277 = tpu.vector_load %arg16[%swap3A_276] {strides = array<i32>} : memref<80xi32, #tpu.memory_space<vmem>>, vector<16xi32>,
          tpu.vector_store %arg16[%swap3A_276], %get3A_275 {strides = array<i32>} : memref<80xi32, #tpu.memory_space<vmem>>, vector<16xi32>,
          %add3A_278 = arith.constant 48 : i32
          %add3A_279 = arith.addi %mul3A_241, %add3A_278 : i32
          %get3A_280 = arith.index_cast %add3A_279 : i32 to index
          %get3A_281 = tpu.vector_load %arg13[%get3A_280] {strides = array<i32>} : memref<2000xi32, #tpu.memory_space<vmem>>, vector<16xi32>,
          %swap3A_282 = arith.constant 48 : index
          %swap3A_283 = tpu.vector_load %arg15[%swap3A_282] {strides = array<i32>} : memref<80xi32, #tpu.memory_space<vmem>>, vector<16xi32>,
          tpu.vector_store %arg15[%swap3A_282], %get3A_281 {strides = array<i32>} : memref<80xi32, #tpu.memory_space<vmem>>, vector<16xi32>,
          %add3A_284 = arith.constant 48 : i32
          %add3A_285 = arith.addi %mul3A_241, %add3A_284 : i32
          %get3A_286 = arith.index_cast %add3A_285 : i32 to index
          %get3A_287 = tpu.vector_load %arg14[%get3A_286] {strides = array<i32>} : memref<2000xi32, #tpu.memory_space<vmem>>, vector<16xi32>,
          %swap3A_288 = arith.constant 48 : index
          %swap3A_289 = tpu.vector_load %arg16[%swap3A_288] {strides = array<i32>} : memref<80xi32, #tpu.memory_space<vmem>>, vector<16xi32>,
          tpu.vector_store %arg16[%swap3A_288], %get3A_287 {strides = array<i32>} : memref<80xi32, #tpu.memory_space<vmem>>, vector<16xi32>,
          %add3A_290 = arith.constant 64 : i32
          %add3A_291 = arith.addi %mul3A_241, %add3A_290 : i32
          %get3A_292 = arith.index_cast %add3A_291 : i32 to index
          %get3A_293 = tpu.vector_load %arg13[%get3A_292] {strides = array<i32>} : memref<2000xi32, #tpu.memory_space<vmem>>, vector<16xi32>,
          %swap3A_294 = arith.constant 64 : index
          %swap3A_295 = tpu.vector_load %arg15[%swap3A_294] {strides = array<i32>} : memref<80xi32, #tpu.memory_space<vmem>>, vector<16xi32>,
          tpu.vector_store %arg15[%swap3A_294], %get3A_293 {strides = array<i32>} : memref<80xi32, #tpu.memory_space<vmem>>, vector<16xi32>,
          %add3A_296 = arith.constant 64 : i32
          %add3A_297 = arith.addi %mul3A_241, %add3A_296 : i32
          %get3A_298 = arith.index_cast %add3A_297 : i32 to index
          %get3A_299 = tpu.vector_load %arg14[%get3A_298] {strides = array<i32>} : memref<2000xi32, #tpu.memory_space<vmem>>, vector<16xi32>,
          %swap3A_300 = arith.constant 64 : index
          %swap3A_301 = tpu.vector_load %arg16[%swap3A_300] {strides = array<i32>} : memref<80xi32, #tpu.memory_space<vmem>>, vector<16xi32>,
          tpu.vector_store %arg16[%swap3A_300], %get3A_299 {strides = array<i32>} : memref<80xi32, #tpu.memory_space<vmem>>, vector<16xi32>,
          %dma_start3A_302 = arith.constant 0 : i32
          %dma_start3A_303 = tpu.memref_slice %arg2[%dma_start3A_302, %multiple_of3A] : memref<10000x256xf32, #tpu.memory_space<hbm>> -> memref<10000x128xf32, #tpu.memory_space<hbm>>
          tpu.enqueue_indirect_dma source(%dma_start3A_303 : memref<10000x128xf32, #tpu.memory_space<hbm>>) target(%arg22 : memref<80x128xf32, #tpu.memory_space<vmem>>) offsets(%arg15 : memref<80xi32, #tpu.memory_space<vmem>>) semaphore(%arg28 : memref<!tpu.dma_semaphore, #tpu.memory_space<semaphore_mem>>)
        } else {
        }
        %lt3A_195 = arith.constant 25 : i32
        %lt3A_196 = arith.cmpi slt, %add3A_187, %lt3A_195 : i32
        %rem3A_197 = arith.constant 3 : i32
        %rem3A_198 = arith.remsi %add3A_187, %rem3A_197 : i32
        %eq3A_199 = arith.constant 1 : i32
        %eq3A_200 = arith.cmpi eq, %rem3A_198, %eq3A_199 : i32
        %and3A_201 = arith.andi %lt3A_196, %eq3A_200 : i1
        %convert_element_type3A_202 = arith.extui %and3A_201 : i1 to i32
        %cond3A_203 = arith.constant 0 : i32
        %cond3A_204 = arith.cmpi ne, %convert_element_type3A_202, %cond3A_203 : i32
        scf.if %cond3A_204 {
          %ge3A = arith.constant 3 : i32
          %ge3A_236 = arith.cmpi sge, %add3A_187, %ge3A : i32
          %convert_element_type3A_237 = arith.extui %ge3A_236 : i1 to i32
          %cond3A_238 = arith.constant 0 : i32
          %cond3A_239 = arith.cmpi ne, %convert_element_type3A_237, %cond3A_238 : i32
          scf.if %cond3A_239 {
            %dma_wait3A_304 = arith.constant 0 : i32
            %dma_wait3A_305 = arith.constant 0 : i32
            %dma_wait3A_306 = tpu.memref_slice %arg26[%dma_wait3A_304, %dma_wait3A_305] : memref<10240x128xf32, #tpu.memory_space<vmem_shared>> -> memref<10240x128xf32, #tpu.memory_space<vmem_shared>>
            tpu.wait_indirect_dma semaphore(%arg32 : memref<!tpu.dma_semaphore, #tpu.memory_space<semaphore_mem>>) src(%arg23 : memref<80x128xf32, #tpu.memory_space<vmem>>) dst(%dma_wait3A_306 : memref<10240x128xf32, #tpu.memory_space<vmem_shared>>)
          } else {
          }
          %mul3A_240 = arith.constant 80 : i32
          %mul3A_241 = arith.muli %add3A_187, %mul3A_240 : i32
          %add3A_242 = arith.constant 0 : i32
          %add3A_243 = arith.addi %mul3A_241, %add3A_242 : i32
          %get3A_244 = arith.index_cast %add3A_243 : i32 to index
          %get3A_245 = tpu.vector_load %arg13[%get3A_244] {strides = array<i32>} : memref<2000xi32, #tpu.memory_space<vmem>>, vector<16xi32>,
          %swap3A_246 = arith.constant 0 : index
          %swap3A_247 = tpu.vector_load %arg17[%swap3A_246] {strides = array<i32>} : memref<80xi32, #tpu.memory_space<vmem>>, vector<16xi32>,
          tpu.vector_store %arg17[%swap3A_246], %get3A_245 {strides = array<i32>} : memref<80xi32, #tpu.memory_space<vmem>>, vector<16xi32>,
          %add3A_248 = arith.constant 0 : i32
          %add3A_249 = arith.addi %mul3A_241, %add3A_248 : i32
          %get3A_250 = arith.index_cast %add3A_249 : i32 to index
          %get3A_251 = tpu.vector_load %arg14[%get3A_250] {strides = array<i32>} : memref<2000xi32, #tpu.memory_space<vmem>>, vector<16xi32>,
          %swap3A_252 = arith.constant 0 : index
          %swap3A_253 = tpu.vector_load %arg18[%swap3A_252] {strides = array<i32>} : memref<80xi32, #tpu.memory_space<vmem>>, vector<16xi32>,
          tpu.vector_store %arg18[%swap3A_252], %get3A_251 {strides = array<i32>} : memref<80xi32, #tpu.memory_space<vmem>>, vector<16xi32>,
          %add3A_254 = arith.constant 16 : i32
          %add3A_255 = arith.addi %mul3A_241, %add3A_254 : i32
          %get3A_256 = arith.index_cast %add3A_255 : i32 to index
          %get3A_257 = tpu.vector_load %arg13[%get3A_256] {strides = array<i32>} : memref<2000xi32, #tpu.memory_space<vmem>>, vector<16xi32>,
          %swap3A_258 = arith.constant 16 : index
          %swap3A_259 = tpu.vector_load %arg17[%swap3A_258] {strides = array<i32>} : memref<80xi32, #tpu.memory_space<vmem>>, vector<16xi32>,
          tpu.vector_store %arg17[%swap3A_258], %get3A_257 {strides = array<i32>} : memref<80xi32, #tpu.memory_space<vmem>>, vector<16xi32>,
          %add3A_260 = arith.constant 16 : i32
          %add3A_261 = arith.addi %mul3A_241, %add3A_260 : i32
          %get3A_262 = arith.index_cast %add3A_261 : i32 to index
          %get3A_263 = tpu.vector_load %arg14[%get3A_262] {strides = array<i32>} : memref<2000xi32, #tpu.memory_space<vmem>>, vector<16xi32>,
          %swap3A_264 = arith.constant 16 : index
          %swap3A_265 = tpu.vector_load %arg18[%swap3A_264] {strides = array<i32>} : memref<80xi32, #tpu.memory_space<vmem>>, vector<16xi32>,
          tpu.vector_store %arg18[%swap3A_264], %get3A_263 {strides = array<i32>} : memref<80xi32, #tpu.memory_space<vmem>>, vector<16xi32>,
          %add3A_266 = arith.constant 32 : i32
          %add3A_267 = arith.addi %mul3A_241, %add3A_266 : i32
          %get3A_268 = arith.index_cast %add3A_267 : i32 to index
          %get3A_269 = tpu.vector_load %arg13[%get3A_268] {strides = array<i32>} : memref<2000xi32, #tpu.memory_space<vmem>>, vector<16xi32>,
          %swap3A_270 = arith.constant 32 : index
          %swap3A_271 = tpu.vector_load %arg17[%swap3A_270] {strides = array<i32>} : memref<80xi32, #tpu.memory_space<vmem>>, vector<16xi32>,
          tpu.vector_store %arg17[%swap3A_270], %get3A_269 {strides = array<i32>} : memref<80xi32, #tpu.memory_space<vmem>>, vector<16xi32>,
          %add3A_272 = arith.constant 32 : i32
          %add3A_273 = arith.addi %mul3A_241, %add3A_272 : i32
          %get3A_274 = arith.index_cast %add3A_273 : i32 to index
          %get3A_275 = tpu.vector_load %arg14[%get3A_274] {strides = array<i32>} : memref<2000xi32, #tpu.memory_space<vmem>>, vector<16xi32>,
          %swap3A_276 = arith.constant 32 : index
          %swap3A_277 = tpu.vector_load %arg18[%swap3A_276] {strides = array<i32>} : memref<80xi32, #tpu.memory_space<vmem>>, vector<16xi32>,
          tpu.vector_store %arg18[%swap3A_276], %get3A_275 {strides = array<i32>} : memref<80xi32, #tpu.memory_space<vmem>>, vector<16xi32>,
          %add3A_278 = arith.constant 48 : i32
          %add3A_279 = arith.addi %mul3A_241, %add3A_278 : i32
          %get3A_280 = arith.index_cast %add3A_279 : i32 to index
          %get3A_281 = tpu.vector_load %arg13[%get3A_280] {strides = array<i32>} : memref<2000xi32, #tpu.memory_space<vmem>>, vector<16xi32>,
          %swap3A_282 = arith.constant 48 : index
          %swap3A_283 = tpu.vector_load %arg17[%swap3A_282] {strides = array<i32>} : memref<80xi32, #tpu.memory_space<vmem>>, vector<16xi32>,
          tpu.vector_store %arg17[%swap3A_282], %get3A_281 {strides = array<i32>} : memref<80xi32, #tpu.memory_space<vmem>>, vector<16xi32>,
          %add3A_284 = arith.constant 48 : i32
          %add3A_285 = arith.addi %mul3A_241, %add3A_284 : i32
          %get3A_286 = arith.index_cast %add3A_285 : i32 to index
          %get3A_287 = tpu.vector_load %arg14[%get3A_286] {strides = array<i32>} : memref<2000xi32, #tpu.memory_space<vmem>>, vector<16xi32>,
          %swap3A_288 = arith.constant 48 : index
          %swap3A_289 = tpu.vector_load %arg18[%swap3A_288] {strides = array<i32>} : memref<80xi32, #tpu.memory_space<vmem>>, vector<16xi32>,
          tpu.vector_store %arg18[%swap3A_288], %get3A_287 {strides = array<i32>} : memref<80xi32, #tpu.memory_space<vmem>>, vector<16xi32>,
          %add3A_290 = arith.constant 64 : i32
          %add3A_291 = arith.addi %mul3A_241, %add3A_290 : i32
          %get3A_292 = arith.index_cast %add3A_291 : i32 to index
          %get3A_293 = tpu.vector_load %arg13[%get3A_292] {strides = array<i32>} : memref<2000xi32, #tpu.memory_space<vmem>>, vector<16xi32>,
          %swap3A_294 = arith.constant 64 : index
          %swap3A_295 = tpu.vector_load %arg17[%swap3A_294] {strides = array<i32>} : memref<80xi32, #tpu.memory_space<vmem>>, vector<16xi32>,
          tpu.vector_store %arg17[%swap3A_294], %get3A_293 {strides = array<i32>} : memref<80xi32, #tpu.memory_space<vmem>>, vector<16xi32>,
          %add3A_296 = arith.constant 64 : i32
          %add3A_297 = arith.addi %mul3A_241, %add3A_296 : i32
          %get3A_298 = arith.index_cast %add3A_297 : i32 to index
          %get3A_299 = tpu.vector_load %arg14[%get3A_298] {strides = array<i32>} : memref<2000xi32, #tpu.memory_space<vmem>>, vector<16xi32>,
          %swap3A_300 = arith.constant 64 : index
          %swap3A_301 = tpu.vector_load %arg18[%swap3A_300] {strides = array<i32>} : memref<80xi32, #tpu.memory_space<vmem>>, vector<16xi32>,
          tpu.vector_store %arg18[%swap3A_300], %get3A_299 {strides = array<i32>} : memref<80xi32, #tpu.memory_space<vmem>>, vector<16xi32>,
          %dma_start3A_302 = arith.constant 0 : i32
          %dma_start3A_303 = tpu.memref_slice %arg2[%dma_start3A_302, %multiple_of3A] : memref<10000x256xf32, #tpu.memory_space<hbm>> -> memref<10000x128xf32, #tpu.memory_space<hbm>>
          tpu.enqueue_indirect_dma source(%dma_start3A_303 : memref<10000x128xf32, #tpu.memory_space<hbm>>) target(%arg23 : memref<80x128xf32, #tpu.memory_space<vmem>>) offsets(%arg17 : memref<80xi32, #tpu.memory_space<vmem>>) semaphore(%arg29 : memref<!tpu.dma_semaphore, #tpu.memory_space<semaphore_mem>>)
        } else {
        }
        %lt3A_205 = arith.constant 25 : i32
        %lt3A_206 = arith.cmpi slt, %add3A_187, %lt3A_205 : i32
        %rem3A_207 = arith.constant 3 : i32
        %rem3A_208 = arith.remsi %add3A_187, %rem3A_207 : i32
        %eq3A_209 = arith.constant 2 : i32
        %eq3A_210 = arith.cmpi eq, %rem3A_208, %eq3A_209 : i32
        %and3A_211 = arith.andi %lt3A_206, %eq3A_210 : i1
        %convert_element_type3A_212 = arith.extui %and3A_211 : i1 to i32
        %cond3A_213 = arith.constant 0 : i32
        %cond3A_214 = arith.cmpi ne, %convert_element_type3A_212, %cond3A_213 : i32
        scf.if %cond3A_214 {
          %ge3A = arith.constant 3 : i32
          %ge3A_236 = arith.cmpi sge, %add3A_187, %ge3A : i32
          %convert_element_type3A_237 = arith.extui %ge3A_236 : i1 to i32
          %cond3A_238 = arith.constant 0 : i32
          %cond3A_239 = arith.cmpi ne, %convert_element_type3A_237, %cond3A_238 : i32
          scf.if %cond3A_239 {
            %dma_wait3A_304 = arith.constant 0 : i32
            %dma_wait3A_305 = arith.constant 0 : i32
            %dma_wait3A_306 = tpu.memref_slice %arg26[%dma_wait3A_304, %dma_wait3A_305] : memref<10240x128xf32, #tpu.memory_space<vmem_shared>> -> memref<10240x128xf32, #tpu.memory_space<vmem_shared>>
            tpu.wait_indirect_dma semaphore(%arg33 : memref<!tpu.dma_semaphore, #tpu.memory_space<semaphore_mem>>) src(%arg24 : memref<80x128xf32, #tpu.memory_space<vmem>>) dst(%dma_wait3A_306 : memref<10240x128xf32, #tpu.memory_space<vmem_shared>>)
          } else {
          }
          %mul3A_240 = arith.constant 80 : i32
          %mul3A_241 = arith.muli %add3A_187, %mul3A_240 : i32
          %add3A_242 = arith.constant 0 : i32
          %add3A_243 = arith.addi %mul3A_241, %add3A_242 : i32
          %get3A_244 = arith.index_cast %add3A_243 : i32 to index
          %get3A_245 = tpu.vector_load %arg13[%get3A_244] {strides = array<i32>} : memref<2000xi32, #tpu.memory_space<vmem>>, vector<16xi32>,
          %swap3A_246 = arith.constant 0 : index
          %swap3A_247 = tpu.vector_load %arg19[%swap3A_246] {strides = array<i32>} : memref<80xi32, #tpu.memory_space<vmem>>, vector<16xi32>,
          tpu.vector_store %arg19[%swap3A_246], %get3A_245 {strides = array<i32>} : memref<80xi32, #tpu.memory_space<vmem>>, vector<16xi32>,
          %add3A_248 = arith.constant 0 : i32
          %add3A_249 = arith.addi %mul3A_241, %add3A_248 : i32
          %get3A_250 = arith.index_cast %add3A_249 : i32 to index
          %get3A_251 = tpu.vector_load %arg14[%get3A_250] {strides = array<i32>} : memref<2000xi32, #tpu.memory_space<vmem>>, vector<16xi32>,
          %swap3A_252 = arith.constant 0 : index
          %swap3A_253 = tpu.vector_load %arg20[%swap3A_252] {strides = array<i32>} : memref<80xi32, #tpu.memory_space<vmem>>, vector<16xi32>,
          tpu.vector_store %arg20[%swap3A_252], %get3A_251 {strides = array<i32>} : memref<80xi32, #tpu.memory_space<vmem>>, vector<16xi32>,
          %add3A_254 = arith.constant 16 : i32
          %add3A_255 = arith.addi %mul3A_241, %add3A_254 : i32
          %get3A_256 = arith.index_cast %add3A_255 : i32 to index
          %get3A_257 = tpu.vector_load %arg13[%get3A_256] {strides = array<i32>} : memref<2000xi32, #tpu.memory_space<vmem>>, vector<16xi32>,
          %swap3A_258 = arith.constant 16 : index
          %swap3A_259 = tpu.vector_load %arg19[%swap3A_258] {strides = array<i32>} : memref<80xi32, #tpu.memory_space<vmem>>, vector<16xi32>,
          tpu.vector_store %arg19[%swap3A_258], %get3A_257 {strides = array<i32>} : memref<80xi32, #tpu.memory_space<vmem>>, vector<16xi32>,
          %add3A_260 = arith.constant 16 : i32
          %add3A_261 = arith.addi %mul3A_241, %add3A_260 : i32
          %get3A_262 = arith.index_cast %add3A_261 : i32 to index
          %get3A_263 = tpu.vector_load %arg14[%get3A_262] {strides = array<i32>} : memref<2000xi32, #tpu.memory_space<vmem>>, vector<16xi32>,
          %swap3A_264 = arith.constant 16 : index
          %swap3A_265 = tpu.vector_load %arg20[%swap3A_264] {strides = array<i32>} : memref<80xi32, #tpu.memory_space<vmem>>, vector<16xi32>,
          tpu.vector_store %arg20[%swap3A_264], %get3A_263 {strides = array<i32>} : memref<80xi32, #tpu.memory_space<vmem>>, vector<16xi32>,
          %add3A_266 = arith.constant 32 : i32
          %add3A_267 = arith.addi %mul3A_241, %add3A_266 : i32
          %get3A_268 = arith.index_cast %add3A_267 : i32 to index
          %get3A_269 = tpu.vector_load %arg13[%get3A_268] {strides = array<i32>} : memref<2000xi32, #tpu.memory_space<vmem>>, vector<16xi32>,
          %swap3A_270 = arith.constant 32 : index
          %swap3A_271 = tpu.vector_load %arg19[%swap3A_270] {strides = array<i32>} : memref<80xi32, #tpu.memory_space<vmem>>, vector<16xi32>,
          tpu.vector_store %arg19[%swap3A_270], %get3A_269 {strides = array<i32>} : memref<80xi32, #tpu.memory_space<vmem>>, vector<16xi32>,
          %add3A_272 = arith.constant 32 : i32
          %add3A_273 = arith.addi %mul3A_241, %add3A_272 : i32
          %get3A_274 = arith.index_cast %add3A_273 : i32 to index
          %get3A_275 = tpu.vector_load %arg14[%get3A_274] {strides = array<i32>} : memref<2000xi32, #tpu.memory_space<vmem>>, vector<16xi32>,
          %swap3A_276 = arith.constant 32 : index
          %swap3A_277 = tpu.vector_load %arg20[%swap3A_276] {strides = array<i32>} : memref<80xi32, #tpu.memory_space<vmem>>, vector<16xi32>,
          tpu.vector_store %arg20[%swap3A_276], %get3A_275 {strides = array<i32>} : memref<80xi32, #tpu.memory_space<vmem>>, vector<16xi32>,
          %add3A_278 = arith.constant 48 : i32
          %add3A_279 = arith.addi %mul3A_241, %add3A_278 : i32
          %get3A_280 = arith.index_cast %add3A_279 : i32 to index
          %get3A_281 = tpu.vector_load %arg13[%get3A_280] {strides = array<i32>} : memref<2000xi32, #tpu.memory_space<vmem>>, vector<16xi32>,
          %swap3A_282 = arith.constant 48 : index
          %swap3A_283 = tpu.vector_load %arg19[%swap3A_282] {strides = array<i32>} : memref<80xi32, #tpu.memory_space<vmem>>, vector<16xi32>,
          tpu.vector_store %arg19[%swap3A_282], %get3A_281 {strides = array<i32>} : memref<80xi32, #tpu.memory_space<vmem>>, vector<16xi32>,
          %add3A_284 = arith.constant 48 : i32
          %add3A_285 = arith.addi %mul3A_241, %add3A_284 : i32
          %get3A_286 = arith.index_cast %add3A_285 : i32 to index
          %get3A_287 = tpu.vector_load %arg14[%get3A_286] {strides = array<i32>} : memref<2000xi32, #tpu.memory_space<vmem>>, vector<16xi32>,
          %swap3A_288 = arith.constant 48 : index
          %swap3A_289 = tpu.vector_load %arg20[%swap3A_288] {strides = array<i32>} : memref<80xi32, #tpu.memory_space<vmem>>, vector<16xi32>,
          tpu.vector_store %arg20[%swap3A_288], %get3A_287 {strides = array<i32>} : memref<80xi32, #tpu.memory_space<vmem>>, vector<16xi32>,
          %add3A_290 = arith.constant 64 : i32
          %add3A_291 = arith.addi %mul3A_241, %add3A_290 : i32
          %get3A_292 = arith.index_cast %add3A_291 : i32 to index
          %get3A_293 = tpu.vector_load %arg13[%get3A_292] {strides = array<i32>} : memref<2000xi32, #tpu.memory_space<vmem>>, vector<16xi32>,
          %swap3A_294 = arith.constant 64 : index
          %swap3A_295 = tpu.vector_load %arg19[%swap3A_294] {strides = array<i32>} : memref<80xi32, #tpu.memory_space<vmem>>, vector<16xi32>,
          tpu.vector_store %arg19[%swap3A_294], %get3A_293 {strides = array<i32>} : memref<80xi32, #tpu.memory_space<vmem>>, vector<16xi32>,
          %add3A_296 = arith.constant 64 : i32
          %add3A_297 = arith.addi %mul3A_241, %add3A_296 : i32
          %get3A_298 = arith.index_cast %add3A_297 : i32 to index
          %get3A_299 = tpu.vector_load %arg14[%get3A_298] {strides = array<i32>} : memref<2000xi32, #tpu.memory_space<vmem>>, vector<16xi32>,
          %swap3A_300 = arith.constant 64 : index
          %swap3A_301 = tpu.vector_load %arg20[%swap3A_300] {strides = array<i32>} : memref<80xi32, #tpu.memory_space<vmem>>, vector<16xi32>,
          tpu.vector_store %arg20[%swap3A_300], %get3A_299 {strides = array<i32>} : memref<80xi32, #tpu.memory_space<vmem>>, vector<16xi32>,
          %dma_start3A_302 = arith.constant 0 : i32
          %dma_start3A_303 = tpu.memref_slice %arg2[%dma_start3A_302, %multiple_of3A] : memref<10000x256xf32, #tpu.memory_space<hbm>> -> memref<10000x128xf32, #tpu.memory_space<hbm>>
          tpu.enqueue_indirect_dma source(%dma_start3A_303 : memref<10000x128xf32, #tpu.memory_space<hbm>>) target(%arg24 : memref<80x128xf32, #tpu.memory_space<vmem>>) offsets(%arg19 : memref<80xi32, #tpu.memory_space<vmem>>) semaphore(%arg30 : memref<!tpu.dma_semaphore, #tpu.memory_space<semaphore_mem>>)
        } else {
        }
        %rem3A_215 = arith.constant 3 : i32
        %rem3A_216 = arith.remsi %scan3A_185, %rem3A_215 : i32
        %eq3A_217 = arith.constant 0 : i32
        %eq3A_218 = arith.cmpi eq, %rem3A_216, %eq3A_217 : i32
        %convert_element_type3A_219 = arith.extui %eq3A_218 : i1 to i32
        %cond3A_220 = arith.constant 0 : i32
        %cond3A_221 = arith.cmpi ne, %convert_element_type3A_219, %cond3A_220 : i32
        scf.if %cond3A_221 {
          %dma_wait3A_236 = arith.constant 0 : i32
          %dma_wait3A_237 = tpu.memref_slice %arg2[%dma_wait3A_236, %multiple_of3A] : memref<10000x256xf32, #tpu.memory_space<hbm>> -> memref<10000x128xf32, #tpu.memory_space<hbm>>
          tpu.wait_indirect_dma semaphore(%arg28 : memref<!tpu.dma_semaphore, #tpu.memory_space<semaphore_mem>>) src(%dma_wait3A_237 : memref<10000x128xf32, #tpu.memory_space<hbm>>) dst(%arg22 : memref<80x128xf32, #tpu.memory_space<vmem>>)
          %dma_start3A_238 = arith.constant 0 : i32
          %dma_start3A_239 = arith.constant 0 : i32
          %dma_start3A_240 = tpu.memref_slice %arg26[%dma_start3A_238, %dma_start3A_239] : memref<10240x128xf32, #tpu.memory_space<vmem_shared>> -> memref<10240x128xf32, #tpu.memory_space<vmem_shared>>
          tpu.enqueue_indirect_dma source(%arg22 : memref<80x128xf32, #tpu.memory_space<vmem>>) target(%dma_start3A_240 : memref<10240x128xf32, #tpu.memory_space<vmem_shared>>) offsets(%arg16 : memref<80xi32, #tpu.memory_space<vmem>>) semaphore(%arg31 : memref<!tpu.dma_semaphore, #tpu.memory_space<semaphore_mem>>) {add = true}
          %get3A_241 = arith.constant 0 : index
          %get3A_242 = tpu.vector_load %arg16[%get3A_241] {strides = array<i32>} : memref<80xi32, #tpu.memory_space<vmem>>, vector<16xi32>,
          %shift_right_logical3A = arith.constant 7 : i32
          %shift_right_logical3A_243 = vector.broadcast %shift_right_logical3A : i32 to vector<16xi32>
          %shift_right_logical3A_244 = arith.shrui %get3A_242, %shift_right_logical3A_243 : vector<16xi32>
          %and3A_245 = arith.constant 127 : i32
          %and3A_246 = vector.broadcast %and3A_245 : i32 to vector<16xi32>
          %and3A_247 = arith.andi %get3A_242, %and3A_246 : vector<16xi32>
          tpu.vector_store_idx %arg25[%shift_right_logical3A_244, %and3A_247], %broadcast_in_dim3A_30 {add = true} : memref<80x128xf32, #tpu.memory_space<vmem>>[vector<16xi32>, vector<16xi32>], vector<16xf32>,
          %get3A_248 = arith.constant 16 : index
          %get3A_249 = tpu.vector_load %arg16[%get3A_248] {strides = array<i32>} : memref<80xi32, #tpu.memory_space<vmem>>, vector<16xi32>,
          %shift_right_logical3A_250 = arith.constant 7 : i32
          %shift_right_logical3A_251 = vector.broadcast %shift_right_logical3A_250 : i32 to vector<16xi32>
          %shift_right_logical3A_252 = arith.shrui %get3A_249, %shift_right_logical3A_251 : vector<16xi32>
          %and3A_253 = arith.constant 127 : i32
          %and3A_254 = vector.broadcast %and3A_253 : i32 to vector<16xi32>
          %and3A_255 = arith.andi %get3A_249, %and3A_254 : vector<16xi32>
          tpu.vector_store_idx %arg25[%shift_right_logical3A_252, %and3A_255], %broadcast_in_dim3A_30 {add = true} : memref<80x128xf32, #tpu.memory_space<vmem>>[vector<16xi32>, vector<16xi32>], vector<16xf32>,
          %get3A_256 = arith.constant 32 : index
          %get3A_257 = tpu.vector_load %arg16[%get3A_256] {strides = array<i32>} : memref<80xi32, #tpu.memory_space<vmem>>, vector<16xi32>,
          %shift_right_logical3A_258 = arith.constant 7 : i32
          %shift_right_logical3A_259 = vector.broadcast %shift_right_logical3A_258 : i32 to vector<16xi32>
          %shift_right_logical3A_260 = arith.shrui %get3A_257, %shift_right_logical3A_259 : vector<16xi32>
          %and3A_261 = arith.constant 127 : i32
          %and3A_262 = vector.broadcast %and3A_261 : i32 to vector<16xi32>
          %and3A_263 = arith.andi %get3A_257, %and3A_262 : vector<16xi32>
          tpu.vector_store_idx %arg25[%shift_right_logical3A_260, %and3A_263], %broadcast_in_dim3A_30 {add = true} : memref<80x128xf32, #tpu.memory_space<vmem>>[vector<16xi32>, vector<16xi32>], vector<16xf32>,
          %get3A_264 = arith.constant 48 : index
          %get3A_265 = tpu.vector_load %arg16[%get3A_264] {strides = array<i32>} : memref<80xi32, #tpu.memory_space<vmem>>, vector<16xi32>,
          %shift_right_logical3A_266 = arith.constant 7 : i32
          %shift_right_logical3A_267 = vector.broadcast %shift_right_logical3A_266 : i32 to vector<16xi32>
          %shift_right_logical3A_268 = arith.shrui %get3A_265, %shift_right_logical3A_267 : vector<16xi32>
          %and3A_269 = arith.constant 127 : i32
          %and3A_270 = vector.broadcast %and3A_269 : i32 to vector<16xi32>
          %and3A_271 = arith.andi %get3A_265, %and3A_270 : vector<16xi32>
          tpu.vector_store_idx %arg25[%shift_right_logical3A_268, %and3A_271], %broadcast_in_dim3A_30 {add = true} : memref<80x128xf32, #tpu.memory_space<vmem>>[vector<16xi32>, vector<16xi32>], vector<16xf32>,
          %get3A_272 = arith.constant 64 : index
          %get3A_273 = tpu.vector_load %arg16[%get3A_272] {strides = array<i32>} : memref<80xi32, #tpu.memory_space<vmem>>, vector<16xi32>,
          %shift_right_logical3A_274 = arith.constant 7 : i32
          %shift_right_logical3A_275 = vector.broadcast %shift_right_logical3A_274 : i32 to vector<16xi32>
          %shift_right_logical3A_276 = arith.shrui %get3A_273, %shift_right_logical3A_275 : vector<16xi32>
          %and3A_277 = arith.constant 127 : i32
          %and3A_278 = vector.broadcast %and3A_277 : i32 to vector<16xi32>
          %and3A_279 = arith.andi %get3A_273, %and3A_278 : vector<16xi32>
          tpu.vector_store_idx %arg25[%shift_right_logical3A_276, %and3A_279], %broadcast_in_dim3A_30 {add = true} : memref<80x128xf32, #tpu.memory_space<vmem>>[vector<16xi32>, vector<16xi32>], vector<16xf32>,
        } else {
        }
        %rem3A_222 = arith.constant 3 : i32
        %rem3A_223 = arith.remsi %scan3A_185, %rem3A_222 : i32
        %eq3A_224 = arith.constant 1 : i32
        %eq3A_225 = arith.cmpi eq, %rem3A_223, %eq3A_224 : i32
        %convert_element_type3A_226 = arith.extui %eq3A_225 : i1 to i32
        %cond3A_227 = arith.constant 0 : i32
        %cond3A_228 = arith.cmpi ne, %convert_element_type3A_226, %cond3A_227 : i32
        scf.if %cond3A_228 {
          %dma_wait3A_236 = arith.constant 0 : i32
          %dma_wait3A_237 = tpu.memref_slice %arg2[%dma_wait3A_236, %multiple_of3A] : memref<10000x256xf32, #tpu.memory_space<hbm>> -> memref<10000x128xf32, #tpu.memory_space<hbm>>
          tpu.wait_indirect_dma semaphore(%arg29 : memref<!tpu.dma_semaphore, #tpu.memory_space<semaphore_mem>>) src(%dma_wait3A_237 : memref<10000x128xf32, #tpu.memory_space<hbm>>) dst(%arg23 : memref<80x128xf32, #tpu.memory_space<vmem>>)
          %dma_start3A_238 = arith.constant 0 : i32
          %dma_start3A_239 = arith.constant 0 : i32
          %dma_start3A_240 = tpu.memref_slice %arg26[%dma_start3A_238, %dma_start3A_239] : memref<10240x128xf32, #tpu.memory_space<vmem_shared>> -> memref<10240x128xf32, #tpu.memory_space<vmem_shared>>
          tpu.enqueue_indirect_dma source(%arg23 : memref<80x128xf32, #tpu.memory_space<vmem>>) target(%dma_start3A_240 : memref<10240x128xf32, #tpu.memory_space<vmem_shared>>) offsets(%arg18 : memref<80xi32, #tpu.memory_space<vmem>>) semaphore(%arg32 : memref<!tpu.dma_semaphore, #tpu.memory_space<semaphore_mem>>) {add = true}
          %get3A_241 = arith.constant 0 : index
          %get3A_242 = tpu.vector_load %arg18[%get3A_241] {strides = array<i32>} : memref<80xi32, #tpu.memory_space<vmem>>, vector<16xi32>,
          %shift_right_logical3A = arith.constant 7 : i32
          %shift_right_logical3A_243 = vector.broadcast %shift_right_logical3A : i32 to vector<16xi32>
          %shift_right_logical3A_244 = arith.shrui %get3A_242, %shift_right_logical3A_243 : vector<16xi32>
          %and3A_245 = arith.constant 127 : i32
          %and3A_246 = vector.broadcast %and3A_245 : i32 to vector<16xi32>
          %and3A_247 = arith.andi %get3A_242, %and3A_246 : vector<16xi32>
          tpu.vector_store_idx %arg25[%shift_right_logical3A_244, %and3A_247], %broadcast_in_dim3A_30 {add = true} : memref<80x128xf32, #tpu.memory_space<vmem>>[vector<16xi32>, vector<16xi32>], vector<16xf32>,
          %get3A_248 = arith.constant 16 : index
          %get3A_249 = tpu.vector_load %arg18[%get3A_248] {strides = array<i32>} : memref<80xi32, #tpu.memory_space<vmem>>, vector<16xi32>,
          %shift_right_logical3A_250 = arith.constant 7 : i32
          %shift_right_logical3A_251 = vector.broadcast %shift_right_logical3A_250 : i32 to vector<16xi32>
          %shift_right_logical3A_252 = arith.shrui %get3A_249, %shift_right_logical3A_251 : vector<16xi32>
          %and3A_253 = arith.constant 127 : i32
          %and3A_254 = vector.broadcast %and3A_253 : i32 to vector<16xi32>
          %and3A_255 = arith.andi %get3A_249, %and3A_254 : vector<16xi32>
          tpu.vector_store_idx %arg25[%shift_right_logical3A_252, %and3A_255], %broadcast_in_dim3A_30 {add = true} : memref<80x128xf32, #tpu.memory_space<vmem>>[vector<16xi32>, vector<16xi32>], vector<16xf32>,
          %get3A_256 = arith.constant 32 : index
          %get3A_257 = tpu.vector_load %arg18[%get3A_256] {strides = array<i32>} : memref<80xi32, #tpu.memory_space<vmem>>, vector<16xi32>,
          %shift_right_logical3A_258 = arith.constant 7 : i32
          %shift_right_logical3A_259 = vector.broadcast %shift_right_logical3A_258 : i32 to vector<16xi32>
          %shift_right_logical3A_260 = arith.shrui %get3A_257, %shift_right_logical3A_259 : vector<16xi32>
          %and3A_261 = arith.constant 127 : i32
          %and3A_262 = vector.broadcast %and3A_261 : i32 to vector<16xi32>
          %and3A_263 = arith.andi %get3A_257, %and3A_262 : vector<16xi32>
          tpu.vector_store_idx %arg25[%shift_right_logical3A_260, %and3A_263], %broadcast_in_dim3A_30 {add = true} : memref<80x128xf32, #tpu.memory_space<vmem>>[vector<16xi32>, vector<16xi32>], vector<16xf32>,
          %get3A_264 = arith.constant 48 : index
          %get3A_265 = tpu.vector_load %arg18[%get3A_264] {strides = array<i32>} : memref<80xi32, #tpu.memory_space<vmem>>, vector<16xi32>,
          %shift_right_logical3A_266 = arith.constant 7 : i32
          %shift_right_logical3A_267 = vector.broadcast %shift_right_logical3A_266 : i32 to vector<16xi32>
          %shift_right_logical3A_268 = arith.shrui %get3A_265, %shift_right_logical3A_267 : vector<16xi32>
          %and3A_269 = arith.constant 127 : i32
          %and3A_270 = vector.broadcast %and3A_269 : i32 to vector<16xi32>
          %and3A_271 = arith.andi %get3A_265, %and3A_270 : vector<16xi32>
          tpu.vector_store_idx %arg25[%shift_right_logical3A_268, %and3A_271], %broadcast_in_dim3A_30 {add = true} : memref<80x128xf32, #tpu.memory_space<vmem>>[vector<16xi32>, vector<16xi32>], vector<16xf32>,
          %get3A_272 = arith.constant 64 : index
          %get3A_273 = tpu.vector_load %arg18[%get3A_272] {strides = array<i32>} : memref<80xi32, #tpu.memory_space<vmem>>, vector<16xi32>,
          %shift_right_logical3A_274 = arith.constant 7 : i32
          %shift_right_logical3A_275 = vector.broadcast %shift_right_logical3A_274 : i32 to vector<16xi32>
          %shift_right_logical3A_276 = arith.shrui %get3A_273, %shift_right_logical3A_275 : vector<16xi32>
          %and3A_277 = arith.constant 127 : i32
          %and3A_278 = vector.broadcast %and3A_277 : i32 to vector<16xi32>
          %and3A_279 = arith.andi %get3A_273, %and3A_278 : vector<16xi32>
          tpu.vector_store_idx %arg25[%shift_right_logical3A_276, %and3A_279], %broadcast_in_dim3A_30 {add = true} : memref<80x128xf32, #tpu.memory_space<vmem>>[vector<16xi32>, vector<16xi32>], vector<16xf32>,
        } else {
        }
        %rem3A_229 = arith.constant 3 : i32
        %rem3A_230 = arith.remsi %scan3A_185, %rem3A_229 : i32
        %eq3A_231 = arith.constant 2 : i32
        %eq3A_232 = arith.cmpi eq, %rem3A_230, %eq3A_231 : i32
        %convert_element_type3A_233 = arith.extui %eq3A_232 : i1 to i32
        %cond3A_234 = arith.constant 0 : i32
        %cond3A_235 = arith.cmpi ne, %convert_element_type3A_233, %cond3A_234 : i32
        scf.if %cond3A_235 {
          %dma_wait3A_236 = arith.constant 0 : i32
          %dma_wait3A_237 = tpu.memref_slice %arg2[%dma_wait3A_236, %multiple_of3A] : memref<10000x256xf32, #tpu.memory_space<hbm>> -> memref<10000x128xf32, #tpu.memory_space<hbm>>
          tpu.wait_indirect_dma semaphore(%arg30 : memref<!tpu.dma_semaphore, #tpu.memory_space<semaphore_mem>>) src(%dma_wait3A_237 : memref<10000x128xf32, #tpu.memory_space<hbm>>) dst(%arg24 : memref<80x128xf32, #tpu.memory_space<vmem>>)
          %dma_start3A_238 = arith.constant 0 : i32
          %dma_start3A_239 = arith.constant 0 : i32
          %dma_start3A_240 = tpu.memref_slice %arg26[%dma_start3A_238, %dma_start3A_239] : memref<10240x128xf32, #tpu.memory_space<vmem_shared>> -> memref<10240x128xf32, #tpu.memory_space<vmem_shared>>
          tpu.enqueue_indirect_dma source(%arg24 : memref<80x128xf32, #tpu.memory_space<vmem>>) target(%dma_start3A_240 : memref<10240x128xf32, #tpu.memory_space<vmem_shared>>) offsets(%arg20 : memref<80xi32, #tpu.memory_space<vmem>>) semaphore(%arg33 : memref<!tpu.dma_semaphore, #tpu.memory_space<semaphore_mem>>) {add = true}
          %get3A_241 = arith.constant 0 : index
          %get3A_242 = tpu.vector_load %arg20[%get3A_241] {strides = array<i32>} : memref<80xi32, #tpu.memory_space<vmem>>, vector<16xi32>,
          %shift_right_logical3A = arith.constant 7 : i32
          %shift_right_logical3A_243 = vector.broadcast %shift_right_logical3A : i32 to vector<16xi32>
          %shift_right_logical3A_244 = arith.shrui %get3A_242, %shift_right_logical3A_243 : vector<16xi32>
          %and3A_245 = arith.constant 127 : i32
          %and3A_246 = vector.broadcast %and3A_245 : i32 to vector<16xi32>
          %and3A_247 = arith.andi %get3A_242, %and3A_246 : vector<16xi32>
          tpu.vector_store_idx %arg25[%shift_right_logical3A_244, %and3A_247], %broadcast_in_dim3A_30 {add = true} : memref<80x128xf32, #tpu.memory_space<vmem>>[vector<16xi32>, vector<16xi32>], vector<16xf32>,
          %get3A_248 = arith.constant 16 : index
          %get3A_249 = tpu.vector_load %arg20[%get3A_248] {strides = array<i32>} : memref<80xi32, #tpu.memory_space<vmem>>, vector<16xi32>,
          %shift_right_logical3A_250 = arith.constant 7 : i32
          %shift_right_logical3A_251 = vector.broadcast %shift_right_logical3A_250 : i32 to vector<16xi32>
          %shift_right_logical3A_252 = arith.shrui %get3A_249, %shift_right_logical3A_251 : vector<16xi32>
          %and3A_253 = arith.constant 127 : i32
          %and3A_254 = vector.broadcast %and3A_253 : i32 to vector<16xi32>
          %and3A_255 = arith.andi %get3A_249, %and3A_254 : vector<16xi32>
          tpu.vector_store_idx %arg25[%shift_right_logical3A_252, %and3A_255], %broadcast_in_dim3A_30 {add = true} : memref<80x128xf32, #tpu.memory_space<vmem>>[vector<16xi32>, vector<16xi32>], vector<16xf32>,
          %get3A_256 = arith.constant 32 : index
          %get3A_257 = tpu.vector_load %arg20[%get3A_256] {strides = array<i32>} : memref<80xi32, #tpu.memory_space<vmem>>, vector<16xi32>,
          %shift_right_logical3A_258 = arith.constant 7 : i32
          %shift_right_logical3A_259 = vector.broadcast %shift_right_logical3A_258 : i32 to vector<16xi32>
          %shift_right_logical3A_260 = arith.shrui %get3A_257, %shift_right_logical3A_259 : vector<16xi32>
          %and3A_261 = arith.constant 127 : i32
          %and3A_262 = vector.broadcast %and3A_261 : i32 to vector<16xi32>
          %and3A_263 = arith.andi %get3A_257, %and3A_262 : vector<16xi32>
          tpu.vector_store_idx %arg25[%shift_right_logical3A_260, %and3A_263], %broadcast_in_dim3A_30 {add = true} : memref<80x128xf32, #tpu.memory_space<vmem>>[vector<16xi32>, vector<16xi32>], vector<16xf32>,
          %get3A_264 = arith.constant 48 : index
          %get3A_265 = tpu.vector_load %arg20[%get3A_264] {strides = array<i32>} : memref<80xi32, #tpu.memory_space<vmem>>, vector<16xi32>,
          %shift_right_logical3A_266 = arith.constant 7 : i32
          %shift_right_logical3A_267 = vector.broadcast %shift_right_logical3A_266 : i32 to vector<16xi32>
          %shift_right_logical3A_268 = arith.shrui %get3A_265, %shift_right_logical3A_267 : vector<16xi32>
          %and3A_269 = arith.constant 127 : i32
          %and3A_270 = vector.broadcast %and3A_269 : i32 to vector<16xi32>
          %and3A_271 = arith.andi %get3A_265, %and3A_270 : vector<16xi32>
          tpu.vector_store_idx %arg25[%shift_right_logical3A_268, %and3A_271], %broadcast_in_dim3A_30 {add = true} : memref<80x128xf32, #tpu.memory_space<vmem>>[vector<16xi32>, vector<16xi32>], vector<16xf32>,
          %get3A_272 = arith.constant 64 : index
          %get3A_273 = tpu.vector_load %arg20[%get3A_272] {strides = array<i32>} : memref<80xi32, #tpu.memory_space<vmem>>, vector<16xi32>,
          %shift_right_logical3A_274 = arith.constant 7 : i32
          %shift_right_logical3A_275 = vector.broadcast %shift_right_logical3A_274 : i32 to vector<16xi32>
          %shift_right_logical3A_276 = arith.shrui %get3A_273, %shift_right_logical3A_275 : vector<16xi32>
          %and3A_277 = arith.constant 127 : i32
          %and3A_278 = vector.broadcast %and3A_277 : i32 to vector<16xi32>
          %and3A_279 = arith.andi %get3A_273, %and3A_278 : vector<16xi32>
          tpu.vector_store_idx %arg25[%shift_right_logical3A_276, %and3A_279], %broadcast_in_dim3A_30 {add = true} : memref<80x128xf32, #tpu.memory_space<vmem>>[vector<16xi32>, vector<16xi32>], vector<16xf32>,
        } else {
        }
      }
      %scan3A_176 = arith.constant 25 : i32
      %dma_wait3A = arith.constant 0 : i32
      %dma_wait3A_177 = arith.constant 0 : i32
      %dma_wait3A_178 = tpu.memref_slice %arg26[%dma_wait3A, %dma_wait3A_177] : memref<10240x128xf32, #tpu.memory_space<vmem_shared>> -> memref<10240x128xf32, #tpu.memory_space<vmem_shared>>
      tpu.wait_indirect_dma semaphore(%arg31 : memref<!tpu.dma_semaphore, #tpu.memory_space<semaphore_mem>>) src(%arg22 : memref<80x128xf32, #tpu.memory_space<vmem>>) dst(%dma_wait3A_178 : memref<10240x128xf32, #tpu.memory_space<vmem_shared>>)
      %dma_wait3A_179 = arith.constant 0 : i32
      %dma_wait3A_180 = arith.constant 0 : i32
      %dma_wait3A_181 = tpu.memref_slice %arg26[%dma_wait3A_179, %dma_wait3A_180] : memref<10240x128xf32, #tpu.memory_space<vmem_shared>> -> memref<10240x128xf32, #tpu.memory_space<vmem_shared>>
      tpu.wait_indirect_dma semaphore(%arg32 : memref<!tpu.dma_semaphore, #tpu.memory_space<semaphore_mem>>) src(%arg23 : memref<80x128xf32, #tpu.memory_space<vmem>>) dst(%dma_wait3A_181 : memref<10240x128xf32, #tpu.memory_space<vmem_shared>>)
      %dma_wait3A_182 = arith.constant 0 : i32
      %dma_wait3A_183 = arith.constant 0 : i32
      %dma_wait3A_184 = tpu.memref_slice %arg26[%dma_wait3A_182, %dma_wait3A_183] : memref<10240x128xf32, #tpu.memory_space<vmem_shared>> -> memref<10240x128xf32, #tpu.memory_space<vmem_shared>>
      tpu.wait_indirect_dma semaphore(%arg33 : memref<!tpu.dma_semaphore, #tpu.memory_space<semaphore_mem>>) src(%arg24 : memref<80x128xf32, #tpu.memory_space<vmem>>) dst(%dma_wait3A_184 : memref<10240x128xf32, #tpu.memory_space<vmem_shared>>)
    }
    %scan3A_39 = arith.constant 5 : i32
    "tpu.region"() ({
      %run_scoped3A = tpu.sem_alloc : memref<!tpu.dma_semaphore, #tpu.memory_space<semaphore_mem>>
      %dma_start3A = arith.constant 0 : i32
      %dma_start3A_78 = arith.constant 0 : i32
      %dma_start3A_79 = tpu.memref_slice %arg27[%dma_start3A, %dma_start3A_78] : memref<80x128xf32, #tpu.memory_space<vmem_shared>> -> memref<80x128xf32, #tpu.memory_space<vmem_shared>>
      tpu.enqueue_indirect_dma source(%arg25 : memref<80x128xf32, #tpu.memory_space<vmem>>) target(%dma_start3A_79 : memref<80x128xf32, #tpu.memory_space<vmem_shared>>) offsets(%arg21 : memref<80xi32, #tpu.memory_space<vmem>>) semaphore(%run_scoped3A : memref<!tpu.dma_semaphore, #tpu.memory_space<semaphore_mem>>) {add = true}
      %dma_wait3A = arith.constant 0 : i32
      %dma_wait3A_80 = arith.constant 0 : i32
      %dma_wait3A_81 = tpu.memref_slice %arg27[%dma_wait3A, %dma_wait3A_80] : memref<80x128xf32, #tpu.memory_space<vmem_shared>> -> memref<80x128xf32, #tpu.memory_space<vmem_shared>>
      tpu.wait_indirect_dma semaphore(%run_scoped3A : memref<!tpu.dma_semaphore, #tpu.memory_space<semaphore_mem>>) src(%arg25 : memref<80x128xf32, #tpu.memory_space<vmem>>) dst(%dma_wait3A_81 : memref<80x128xf32, #tpu.memory_space<vmem_shared>>)
      tpu.yield
    }) : () -> ()
    %barrier3A_40 = arith.constant 0 : index
    tpu.barrier barrier_id(%barrier3A_40)
    %mul3A_41 = arith.constant 640 : i32
    %mul3A_42 = arith.muli %arg1, %mul3A_41 : i32
    %mul3A_43 = arith.constant 640 : i32
    %mul3A_44 = arith.muli %arg1, %mul3A_43 : i32
    %add3A_45 = arith.addi %mul3A_2, %mul3A_44 : i32
    "tpu.region"() ({
      %run_scoped3A = tpu.sem_alloc : memref<!tpu.dma_semaphore, #tpu.memory_space<semaphore_mem>>
      %dma_start3A = arith.constant 0 : i32
      %dma_start3A_78 = tpu.memref_slice %arg9[%add3A_45, %dma_start3A] : memref<20480x128xf32, #tpu.memory_space<hbm>> -> memref<640x128xf32, #tpu.memory_space<hbm>>
      %dma_start3A_79 = arith.constant 0 : i32
      %dma_start3A_80 = tpu.memref_slice %arg26[%mul3A_42, %dma_start3A_79] : memref<10240x128xf32, #tpu.memory_space<vmem_shared>> -> memref<640x128xf32, #tpu.memory_space<vmem_shared>>
      tpu.enqueue_dma source(%dma_start3A_80 : memref<640x128xf32, #tpu.memory_space<vmem_shared>>) target(%dma_start3A_78 : memref<640x128xf32, #tpu.memory_space<hbm>>) target_semaphore(%run_scoped3A : memref<!tpu.dma_semaphore, #tpu.memory_space<semaphore_mem>>)
      %dma_wait3A = arith.constant 0 : i32
      %dma_wait3A_81 = tpu.memref_slice %arg9[%add3A_45, %dma_wait3A] : memref<20480x128xf32, #tpu.memory_space<hbm>> -> memref<640x128xf32, #tpu.memory_space<hbm>>
      %dma_wait3A_82 = arith.constant 0 : i32
      %dma_wait3A_83 = tpu.memref_slice %arg26[%mul3A_42, %dma_wait3A_82] : memref<10240x128xf32, #tpu.memory_space<vmem_shared>> -> memref<640x128xf32, #tpu.memory_space<vmem_shared>>
      tpu.wait_dma2 semaphore(%run_scoped3A : memref<!tpu.dma_semaphore, #tpu.memory_space<semaphore_mem>>) src(%dma_wait3A_83 : memref<640x128xf32, #tpu.memory_space<vmem_shared>>) dst(%dma_wait3A_81 : memref<640x128xf32, #tpu.memory_space<hbm>>)
      tpu.yield
    }) : () -> ()
    %eq3A_46 = arith.constant 0 : i32
    %eq3A_47 = arith.cmpi eq, %arg1, %eq3A_46 : i32
    %convert_element_type3A_48 = arith.extui %eq3A_47 : i1 to i32
    %cond3A_49 = arith.constant 0 : i32
    %cond3A_50 = arith.cmpi ne, %convert_element_type3A_48, %cond3A_49 : i32
    scf.if %cond3A_50 {
      %mul3A_78 = arith.constant 80 : i32
      %mul3A_79 = arith.muli %arg0, %mul3A_78 : i32
      "tpu.region"() ({
        %run_scoped3A = tpu.sem_alloc : memref<!tpu.dma_semaphore, #tpu.memory_space<semaphore_mem>>
        %dma_start3A = arith.constant 0 : i32
        %dma_start3A_80 = tpu.memref_slice %arg11[%mul3A_79, %dma_start3A] : memref<160x128xf32, #tpu.memory_space<hbm>> -> memref<80x128xf32, #tpu.memory_space<hbm>>
        tpu.enqueue_dma source(%arg27 : memref<80x128xf32, #tpu.memory_space<vmem_shared>>) target(%dma_start3A_80 : memref<80x128xf32, #tpu.memory_space<hbm>>) target_semaphore(%run_scoped3A : memref<!tpu.dma_semaphore, #tpu.memory_space<semaphore_mem>>)
        %dma_wait3A = arith.constant 0 : i32
        %dma_wait3A_81 = tpu.memref_slice %arg11[%mul3A_79, %dma_wait3A] : memref<160x128xf32, #tpu.memory_space<hbm>> -> memref<80x128xf32, #tpu.memory_space<hbm>>
        tpu.wait_dma2 semaphore(%run_scoped3A : memref<!tpu.dma_semaphore, #tpu.memory_space<semaphore_mem>>) src(%arg27 : memref<80x128xf32, #tpu.memory_space<vmem_shared>>) dst(%dma_wait3A_81 : memref<80x128xf32, #tpu.memory_space<hbm>>)
        tpu.yield
      }) : () -> ()
    } else {
    }
    %barrier3A_51 = arith.constant 0 : index
    tpu.barrier barrier_id(%barrier3A_51)
    %mul3A_52 = arith.constant 640 : i32
    %mul3A_53 = arith.muli %arg1, %mul3A_52 : i32
    "tpu.region"() ({
      %run_scoped3A = tpu.sem_alloc : memref<!tpu.dma_semaphore, #tpu.memory_space<semaphore_mem>>
      %dma_start3A = arith.constant 0 : i32
      %dma_start3A_78 = tpu.memref_slice %arg26[%mul3A_53, %dma_start3A] : memref<10240x128xf32, #tpu.memory_space<vmem_shared>> -> memref<640x128xf32, #tpu.memory_space<vmem_shared>>
      tpu.enqueue_dma source(%arg8 : memref<640x128xf32, #tpu.memory_space<hbm>>) target(%dma_start3A_78 : memref<640x128xf32, #tpu.memory_space<vmem_shared>>) target_semaphore(%run_scoped3A : memref<!tpu.dma_semaphore, #tpu.memory_space<semaphore_mem>>)
      %dma_wait3A = arith.constant 0 : i32
      %dma_wait3A_79 = tpu.memref_slice %arg26[%mul3A_53, %dma_wait3A] : memref<10240x128xf32, #tpu.memory_space<vmem_shared>> -> memref<640x128xf32, #tpu.memory_space<vmem_shared>>
      tpu.wait_dma2 semaphore(%run_scoped3A : memref<!tpu.dma_semaphore, #tpu.memory_space<semaphore_mem>>) src(%arg8 : memref<640x128xf32, #tpu.memory_space<hbm>>) dst(%dma_wait3A_79 : memref<640x128xf32, #tpu.memory_space<vmem_shared>>)
      tpu.yield
    }) : () -> ()
    "tpu.region"() ({
      %run_scoped3A = tpu.sem_alloc : memref<!tpu.dma_semaphore, #tpu.memory_space<semaphore_mem>>
      %dma_start3A = arith.constant 0 : i32
      %dma_start3A_78 = arith.constant 0 : i32
      %dma_start3A_79 = tpu.memref_slice %arg8[%dma_start3A, %dma_start3A_78] : memref<640x128xf32, #tpu.memory_space<hbm>> -> memref<80x128xf32, #tpu.memory_space<hbm>>
      %dma_start3A_80 = arith.constant 0 : i32
      %dma_start3A_81 = arith.constant 0 : i32
      %dma_start3A_82 = tpu.memref_slice %arg8[%dma_start3A_80, %dma_start3A_81] : memref<640x128xf32, #tpu.memory_space<hbm>> -> memref<80x128xf32, #tpu.memory_space<hbm>>
      tpu.enqueue_dma source(%dma_start3A_82 : memref<80x128xf32, #tpu.memory_space<hbm>>) target(%arg25 : memref<80x128xf32, #tpu.memory_space<vmem>>) target_semaphore(%run_scoped3A : memref<!tpu.dma_semaphore, #tpu.memory_space<semaphore_mem>>)
      %dma_wait3A = arith.constant 0 : i32
      %dma_wait3A_83 = arith.constant 0 : i32
      %dma_wait3A_84 = tpu.memref_slice %arg8[%dma_wait3A, %dma_wait3A_83] : memref<640x128xf32, #tpu.memory_space<hbm>> -> memref<80x128xf32, #tpu.memory_space<hbm>>
      %dma_wait3A_85 = arith.constant 0 : i32
      %dma_wait3A_86 = arith.constant 0 : i32
      %dma_wait3A_87 = tpu.memref_slice %arg8[%dma_wait3A_85, %dma_wait3A_86] : memref<640x128xf32, #tpu.memory_space<hbm>> -> memref<80x128xf32, #tpu.memory_space<hbm>>
      tpu.wait_dma2 semaphore(%run_scoped3A : memref<!tpu.dma_semaphore, #tpu.memory_space<semaphore_mem>>) src(%dma_wait3A_87 : memref<80x128xf32, #tpu.memory_space<hbm>>) dst(%arg25 : memref<80x128xf32, #tpu.memory_space<vmem>>)
      tpu.yield
    }) : () -> ()
    %eq3A_54 = arith.constant 0 : i32
    %eq3A_55 = arith.cmpi eq, %arg1, %eq3A_54 : i32
    %convert_element_type3A_56 = arith.extui %eq3A_55 : i1 to i32
    %cond3A_57 = arith.constant 0 : i32
    %cond3A_58 = arith.cmpi ne, %convert_element_type3A_56, %cond3A_57 : i32
    scf.if %cond3A_58 {
      "tpu.region"() ({
        %run_scoped3A = tpu.sem_alloc : memref<!tpu.dma_semaphore, #tpu.memory_space<semaphore_mem>>
        %dma_start3A = arith.constant 0 : i32
        %dma_start3A_78 = arith.constant 0 : i32
        %dma_start3A_79 = tpu.memref_slice %arg8[%dma_start3A, %dma_start3A_78] : memref<640x128xf32, #tpu.memory_space<hbm>> -> memref<80x128xf32, #tpu.memory_space<hbm>>
        tpu.enqueue_dma source(%dma_start3A_79 : memref<80x128xf32, #tpu.memory_space<hbm>>) target(%arg27 : memref<80x128xf32, #tpu.memory_space<vmem_shared>>) target_semaphore(%run_scoped3A : memref<!tpu.dma_semaphore, #tpu.memory_space<semaphore_mem>>)
        %dma_wait3A = arith.constant 0 : i32
        %dma_wait3A_80 = arith.constant 0 : i32
        %dma_wait3A_81 = tpu.memref_slice %arg8[%dma_wait3A, %dma_wait3A_80] : memref<640x128xf32, #tpu.memory_space<hbm>> -> memref<80x128xf32, #tpu.memory_space<hbm>>
        tpu.wait_dma2 semaphore(%run_scoped3A : memref<!tpu.dma_semaphore, #tpu.memory_space<semaphore_mem>>) src(%dma_wait3A_81 : memref<80x128xf32, #tpu.memory_space<hbm>>) dst(%arg27 : memref<80x128xf32, #tpu.memory_space<vmem_shared>>)
        tpu.yield
      }) : () -> ()
    } else {
    }
    %barrier3A_59 = arith.constant 0 : index
    tpu.barrier barrier_id(%barrier3A_59)
    %scan3A_60 = arith.constant 0 : i32
    %scan3A_61 = arith.constant 0 : i32
    %scan3A_62 = arith.constant 5 : i32
    %scan3A_63 = arith.addi %scan3A_61, %scan3A_62 : i32
    %scan3A_64 = arith.constant 1 : i32
    scf.for %scan3A_78 = %scan3A_61 to %scan3A_63 step %scan3A_64  : i32 {
      %mul3A_79 = arith.constant 10000 : i32
      %mul3A_80 = arith.muli %arg1, %mul3A_79 : i32
      %mul3A_81 = arith.constant 2000 : i32
      %mul3A_82 = arith.muli %scan3A_78, %mul3A_81 : i32
      %add3A_83 = arith.addi %mul3A_80, %mul3A_82 : i32
      "tpu.region"() ({
        %run_scoped3A = tpu.sem_alloc : memref<!tpu.dma_semaphore, #tpu.memory_space<semaphore_mem>>
        %dma_start3A_185 = tpu.memref_slice %arg6[%add3A_83] : memref<160000xi32, #tpu.memory_space<hbm>> -> memref<2000xi32, #tpu.memory_space<hbm>>
        %dma_start3A_186 = tpu.memref_slice %arg6[%add3A_83] : memref<160000xi32, #tpu.memory_space<hbm>> -> memref<2000xi32, #tpu.memory_space<hbm>>
        tpu.enqueue_dma source(%dma_start3A_186 : memref<2000xi32, #tpu.memory_space<hbm>>) target(%arg13 : memref<2000xi32, #tpu.memory_space<vmem>>) target_semaphore(%run_scoped3A : memref<!tpu.dma_semaphore, #tpu.memory_space<semaphore_mem>>)
        %dma_wait3A_187 = tpu.memref_slice %arg6[%add3A_83] : memref<160000xi32, #tpu.memory_space<hbm>> -> memref<2000xi32, #tpu.memory_space<hbm>>
        %dma_wait3A_188 = tpu.memref_slice %arg6[%add3A_83] : memref<160000xi32, #tpu.memory_space<hbm>> -> memref<2000xi32, #tpu.memory_space<hbm>>
        tpu.wait_dma2 semaphore(%run_scoped3A : memref<!tpu.dma_semaphore, #tpu.memory_space<semaphore_mem>>) src(%dma_wait3A_188 : memref<2000xi32, #tpu.memory_space<hbm>>) dst(%arg13 : memref<2000xi32, #tpu.memory_space<vmem>>)
        tpu.yield
      }) : () -> ()
      %mul3A_84 = arith.constant 10000 : i32
      %mul3A_85 = arith.muli %arg1, %mul3A_84 : i32
      %mul3A_86 = arith.constant 2000 : i32
      %mul3A_87 = arith.muli %scan3A_78, %mul3A_86 : i32
      %add3A_88 = arith.addi %mul3A_85, %mul3A_87 : i32
      "tpu.region"() ({
        %run_scoped3A = tpu.sem_alloc : memref<!tpu.dma_semaphore, #tpu.memory_space<semaphore_mem>>
        %dma_start3A_185 = tpu.memref_slice %arg7[%add3A_88] : memref<160000xi32, #tpu.memory_space<hbm>> -> memref<2000xi32, #tpu.memory_space<hbm>>
        %dma_start3A_186 = tpu.memref_slice %arg7[%add3A_88] : memref<160000xi32, #tpu.memory_space<hbm>> -> memref<2000xi32, #tpu.memory_space<hbm>>
        tpu.enqueue_dma source(%dma_start3A_186 : memref<2000xi32, #tpu.memory_space<hbm>>) target(%arg14 : memref<2000xi32, #tpu.memory_space<vmem>>) target_semaphore(%run_scoped3A : memref<!tpu.dma_semaphore, #tpu.memory_space<semaphore_mem>>)
        %dma_wait3A_187 = tpu.memref_slice %arg7[%add3A_88] : memref<160000xi32, #tpu.memory_space<hbm>> -> memref<2000xi32, #tpu.memory_space<hbm>>
        %dma_wait3A_188 = tpu.memref_slice %arg7[%add3A_88] : memref<160000xi32, #tpu.memory_space<hbm>> -> memref<2000xi32, #tpu.memory_space<hbm>>
        tpu.wait_dma2 semaphore(%run_scoped3A : memref<!tpu.dma_semaphore, #tpu.memory_space<semaphore_mem>>) src(%dma_wait3A_188 : memref<2000xi32, #tpu.memory_space<hbm>>) dst(%arg14 : memref<2000xi32, #tpu.memory_space<vmem>>)
        tpu.yield
      }) : () -> ()
      %get3A = arith.constant 0 : index
      %get3A_89 = tpu.vector_load %arg13[%get3A] {strides = array<i32>} : memref<2000xi32, #tpu.memory_space<vmem>>, vector<16xi32>,
      %swap3A_90 = arith.constant 0 : index
      %swap3A_91 = tpu.vector_load %arg15[%swap3A_90] {strides = array<i32>} : memref<80xi32, #tpu.memory_space<vmem>>, vector<16xi32>,
      tpu.vector_store %arg15[%swap3A_90], %get3A_89 {strides = array<i32>} : memref<80xi32, #tpu.memory_space<vmem>>, vector<16xi32>,
      %get3A_92 = arith.constant 0 : index
      %get3A_93 = tpu.vector_load %arg14[%get3A_92] {strides = array<i32>} : memref<2000xi32, #tpu.memory_space<vmem>>, vector<16xi32>,
      %swap3A_94 = arith.constant 0 : index
      %swap3A_95 = tpu.vector_load %arg16[%swap3A_94] {strides = array<i32>} : memref<80xi32, #tpu.memory_space<vmem>>, vector<16xi32>,
      tpu.vector_store %arg16[%swap3A_94], %get3A_93 {strides = array<i32>} : memref<80xi32, #tpu.memory_space<vmem>>, vector<16xi32>,
      %get3A_96 = arith.constant 16 : index
      %get3A_97 = tpu.vector_load %arg13[%get3A_96] {strides = array<i32>} : memref<2000xi32, #tpu.memory_space<vmem>>, vector<16xi32>,
      %swap3A_98 = arith.constant 16 : index
      %swap3A_99 = tpu.vector_load %arg15[%swap3A_98] {strides = array<i32>} : memref<80xi32, #tpu.memory_space<vmem>>, vector<16xi32>,
      tpu.vector_store %arg15[%swap3A_98], %get3A_97 {strides = array<i32>} : memref<80xi32, #tpu.memory_space<vmem>>, vector<16xi32>,
      %get3A_100 = arith.constant 16 : index
      %get3A_101 = tpu.vector_load %arg14[%get3A_100] {strides = array<i32>} : memref<2000xi32, #tpu.memory_space<vmem>>, vector<16xi32>,
      %swap3A_102 = arith.constant 16 : index
      %swap3A_103 = tpu.vector_load %arg16[%swap3A_102] {strides = array<i32>} : memref<80xi32, #tpu.memory_space<vmem>>, vector<16xi32>,
      tpu.vector_store %arg16[%swap3A_102], %get3A_101 {strides = array<i32>} : memref<80xi32, #tpu.memory_space<vmem>>, vector<16xi32>,
      %get3A_104 = arith.constant 32 : index
      %get3A_105 = tpu.vector_load %arg13[%get3A_104] {strides = array<i32>} : memref<2000xi32, #tpu.memory_space<vmem>>, vector<16xi32>,
      %swap3A_106 = arith.constant 32 : index
      %swap3A_107 = tpu.vector_load %arg15[%swap3A_106] {strides = array<i32>} : memref<80xi32, #tpu.memory_space<vmem>>, vector<16xi32>,
      tpu.vector_store %arg15[%swap3A_106], %get3A_105 {strides = array<i32>} : memref<80xi32, #tpu.memory_space<vmem>>, vector<16xi32>,
      %get3A_108 = arith.constant 32 : index
      %get3A_109 = tpu.vector_load %arg14[%get3A_108] {strides = array<i32>} : memref<2000xi32, #tpu.memory_space<vmem>>, vector<16xi32>,
      %swap3A_110 = arith.constant 32 : index
      %swap3A_111 = tpu.vector_load %arg16[%swap3A_110] {strides = array<i32>} : memref<80xi32, #tpu.memory_space<vmem>>, vector<16xi32>,
      tpu.vector_store %arg16[%swap3A_110], %get3A_109 {strides = array<i32>} : memref<80xi32, #tpu.memory_space<vmem>>, vector<16xi32>,
      %get3A_112 = arith.constant 48 : index
      %get3A_113 = tpu.vector_load %arg13[%get3A_112] {strides = array<i32>} : memref<2000xi32, #tpu.memory_space<vmem>>, vector<16xi32>,
      %swap3A_114 = arith.constant 48 : index
      %swap3A_115 = tpu.vector_load %arg15[%swap3A_114] {strides = array<i32>} : memref<80xi32, #tpu.memory_space<vmem>>, vector<16xi32>,
      tpu.vector_store %arg15[%swap3A_114], %get3A_113 {strides = array<i32>} : memref<80xi32, #tpu.memory_space<vmem>>, vector<16xi32>,
      %get3A_116 = arith.constant 48 : index
      %get3A_117 = tpu.vector_load %arg14[%get3A_116] {strides = array<i32>} : memref<2000xi32, #tpu.memory_space<vmem>>, vector<16xi32>,
      %swap3A_118 = arith.constant 48 : index
      %swap3A_119 = tpu.vector_load %arg16[%swap3A_118] {strides = array<i32>} : memref<80xi32, #tpu.memory_space<vmem>>, vector<16xi32>,
      tpu.vector_store %arg16[%swap3A_118], %get3A_117 {strides = array<i32>} : memref<80xi32, #tpu.memory_space<vmem>>, vector<16xi32>,
      %get3A_120 = arith.constant 64 : index
      %get3A_121 = tpu.vector_load %arg13[%get3A_120] {strides = array<i32>} : memref<2000xi32, #tpu.memory_space<vmem>>, vector<16xi32>,
      %swap3A_122 = arith.constant 64 : index
      %swap3A_123 = tpu.vector_load %arg15[%swap3A_122] {strides = array<i32>} : memref<80xi32, #tpu.memory_space<vmem>>, vector<16xi32>,
      tpu.vector_store %arg15[%swap3A_122], %get3A_121 {strides = array<i32>} : memref<80xi32, #tpu.memory_space<vmem>>, vector<16xi32>,
      %get3A_124 = arith.constant 64 : index
      %get3A_125 = tpu.vector_load %arg14[%get3A_124] {strides = array<i32>} : memref<2000xi32, #tpu.memory_space<vmem>>, vector<16xi32>,
      %swap3A_126 = arith.constant 64 : index
      %swap3A_127 = tpu.vector_load %arg16[%swap3A_126] {strides = array<i32>} : memref<80xi32, #tpu.memory_space<vmem>>, vector<16xi32>,
      tpu.vector_store %arg16[%swap3A_126], %get3A_125 {strides = array<i32>} : memref<80xi32, #tpu.memory_space<vmem>>, vector<16xi32>,
      %dma_start3A = arith.constant 0 : i32
      %dma_start3A_128 = tpu.memref_slice %arg3[%dma_start3A, %multiple_of3A] : memref<10000x256xf32, #tpu.memory_space<hbm>> -> memref<10000x128xf32, #tpu.memory_space<hbm>>
      tpu.enqueue_indirect_dma source(%dma_start3A_128 : memref<10000x128xf32, #tpu.memory_space<hbm>>) target(%arg22 : memref<80x128xf32, #tpu.memory_space<vmem>>) offsets(%arg15 : memref<80xi32, #tpu.memory_space<vmem>>) semaphore(%arg28 : memref<!tpu.dma_semaphore, #tpu.memory_space<semaphore_mem>>)
      %get3A_129 = arith.constant 80 : index
      %get3A_130 = tpu.vector_load %arg13[%get3A_129] {strides = array<i32>} : memref<2000xi32, #tpu.memory_space<vmem>>, vector<16xi32>,
      %swap3A_131 = arith.constant 0 : index
      %swap3A_132 = tpu.vector_load %arg17[%swap3A_131] {strides = array<i32>} : memref<80xi32, #tpu.memory_space<vmem>>, vector<16xi32>,
      tpu.vector_store %arg17[%swap3A_131], %get3A_130 {strides = array<i32>} : memref<80xi32, #tpu.memory_space<vmem>>, vector<16xi32>,
      %get3A_133 = arith.constant 80 : index
      %get3A_134 = tpu.vector_load %arg14[%get3A_133] {strides = array<i32>} : memref<2000xi32, #tpu.memory_space<vmem>>, vector<16xi32>,
      %swap3A_135 = arith.constant 0 : index
      %swap3A_136 = tpu.vector_load %arg18[%swap3A_135] {strides = array<i32>} : memref<80xi32, #tpu.memory_space<vmem>>, vector<16xi32>,
      tpu.vector_store %arg18[%swap3A_135], %get3A_134 {strides = array<i32>} : memref<80xi32, #tpu.memory_space<vmem>>, vector<16xi32>,
      %get3A_137 = arith.constant 96 : index
      %get3A_138 = tpu.vector_load %arg13[%get3A_137] {strides = array<i32>} : memref<2000xi32, #tpu.memory_space<vmem>>, vector<16xi32>,
      %swap3A_139 = arith.constant 16 : index
      %swap3A_140 = tpu.vector_load %arg17[%swap3A_139] {strides = array<i32>} : memref<80xi32, #tpu.memory_space<vmem>>, vector<16xi32>,
      tpu.vector_store %arg17[%swap3A_139], %get3A_138 {strides = array<i32>} : memref<80xi32, #tpu.memory_space<vmem>>, vector<16xi32>,
      %get3A_141 = arith.constant 96 : index
      %get3A_142 = tpu.vector_load %arg14[%get3A_141] {strides = array<i32>} : memref<2000xi32, #tpu.memory_space<vmem>>, vector<16xi32>,
      %swap3A_143 = arith.constant 16 : index
      %swap3A_144 = tpu.vector_load %arg18[%swap3A_143] {strides = array<i32>} : memref<80xi32, #tpu.memory_space<vmem>>, vector<16xi32>,
      tpu.vector_store %arg18[%swap3A_143], %get3A_142 {strides = array<i32>} : memref<80xi32, #tpu.memory_space<vmem>>, vector<16xi32>,
      %get3A_145 = arith.constant 112 : index
      %get3A_146 = tpu.vector_load %arg13[%get3A_145] {strides = array<i32>} : memref<2000xi32, #tpu.memory_space<vmem>>, vector<16xi32>,
      %swap3A_147 = arith.constant 32 : index
      %swap3A_148 = tpu.vector_load %arg17[%swap3A_147] {strides = array<i32>} : memref<80xi32, #tpu.memory_space<vmem>>, vector<16xi32>,
      tpu.vector_store %arg17[%swap3A_147], %get3A_146 {strides = array<i32>} : memref<80xi32, #tpu.memory_space<vmem>>, vector<16xi32>,
      %get3A_149 = arith.constant 112 : index
      %get3A_150 = tpu.vector_load %arg14[%get3A_149] {strides = array<i32>} : memref<2000xi32, #tpu.memory_space<vmem>>, vector<16xi32>,
      %swap3A_151 = arith.constant 32 : index
      %swap3A_152 = tpu.vector_load %arg18[%swap3A_151] {strides = array<i32>} : memref<80xi32, #tpu.memory_space<vmem>>, vector<16xi32>,
      tpu.vector_store %arg18[%swap3A_151], %get3A_150 {strides = array<i32>} : memref<80xi32, #tpu.memory_space<vmem>>, vector<16xi32>,
      %get3A_153 = arith.constant 128 : index
      %get3A_154 = tpu.vector_load %arg13[%get3A_153] {strides = array<i32>} : memref<2000xi32, #tpu.memory_space<vmem>>, vector<16xi32>,
      %swap3A_155 = arith.constant 48 : index
      %swap3A_156 = tpu.vector_load %arg17[%swap3A_155] {strides = array<i32>} : memref<80xi32, #tpu.memory_space<vmem>>, vector<16xi32>,
      tpu.vector_store %arg17[%swap3A_155], %get3A_154 {strides = array<i32>} : memref<80xi32, #tpu.memory_space<vmem>>, vector<16xi32>,
      %get3A_157 = arith.constant 128 : index
      %get3A_158 = tpu.vector_load %arg14[%get3A_157] {strides = array<i32>} : memref<2000xi32, #tpu.memory_space<vmem>>, vector<16xi32>,
      %swap3A_159 = arith.constant 48 : index
      %swap3A_160 = tpu.vector_load %arg18[%swap3A_159] {strides = array<i32>} : memref<80xi32, #tpu.memory_space<vmem>>, vector<16xi32>,
      tpu.vector_store %arg18[%swap3A_159], %get3A_158 {strides = array<i32>} : memref<80xi32, #tpu.memory_space<vmem>>, vector<16xi32>,
      %get3A_161 = arith.constant 144 : index
      %get3A_162 = tpu.vector_load %arg13[%get3A_161] {strides = array<i32>} : memref<2000xi32, #tpu.memory_space<vmem>>, vector<16xi32>,
      %swap3A_163 = arith.constant 64 : index
      %swap3A_164 = tpu.vector_load %arg17[%swap3A_163] {strides = array<i32>} : memref<80xi32, #tpu.memory_space<vmem>>, vector<16xi32>,
      tpu.vector_store %arg17[%swap3A_163], %get3A_162 {strides = array<i32>} : memref<80xi32, #tpu.memory_space<vmem>>, vector<16xi32>,
      %get3A_165 = arith.constant 144 : index
      %get3A_166 = tpu.vector_load %arg14[%get3A_165] {strides = array<i32>} : memref<2000xi32, #tpu.memory_space<vmem>>, vector<16xi32>,
      %swap3A_167 = arith.constant 64 : index
      %swap3A_168 = tpu.vector_load %arg18[%swap3A_167] {strides = array<i32>} : memref<80xi32, #tpu.memory_space<vmem>>, vector<16xi32>,
      tpu.vector_store %arg18[%swap3A_167], %get3A_166 {strides = array<i32>} : memref<80xi32, #tpu.memory_space<vmem>>, vector<16xi32>,
      %dma_start3A_169 = arith.constant 0 : i32
      %dma_start3A_170 = tpu.memref_slice %arg3[%dma_start3A_169, %multiple_of3A] : memref<10000x256xf32, #tpu.memory_space<hbm>> -> memref<10000x128xf32, #tpu.memory_space<hbm>>
      tpu.enqueue_indirect_dma source(%dma_start3A_170 : memref<10000x128xf32, #tpu.memory_space<hbm>>) target(%arg23 : memref<80x128xf32, #tpu.memory_space<vmem>>) offsets(%arg17 : memref<80xi32, #tpu.memory_space<vmem>>) semaphore(%arg29 : memref<!tpu.dma_semaphore, #tpu.memory_space<semaphore_mem>>)
      %scan3A_171 = arith.constant 0 : i32
      %scan3A_172 = arith.constant 0 : i32
      %scan3A_173 = arith.constant 25 : i32
      %scan3A_174 = arith.addi %scan3A_172, %scan3A_173 : i32
      %scan3A_175 = arith.constant 1 : i32
      scf.for %scan3A_185 = %scan3A_172 to %scan3A_174 step %scan3A_175  : i32 {
        %add3A_186 = arith.constant 2 : i32
        %add3A_187 = arith.addi %scan3A_185, %add3A_186 : i32
        %lt3A = arith.constant 25 : i32
        %lt3A_188 = arith.cmpi slt, %add3A_187, %lt3A : i32
        %rem3A = arith.constant 3 : i32
        %rem3A_189 = arith.remsi %add3A_187, %rem3A : i32
        %eq3A_190 = arith.constant 0 : i32
        %eq3A_191 = arith.cmpi eq, %rem3A_189, %eq3A_190 : i32
        %and3A = arith.andi %lt3A_188, %eq3A_191 : i1
        %convert_element_type3A_192 = arith.extui %and3A : i1 to i32
        %cond3A_193 = arith.constant 0 : i32
        %cond3A_194 = arith.cmpi ne, %convert_element_type3A_192, %cond3A_193 : i32
        scf.if %cond3A_194 {
          %ge3A = arith.constant 3 : i32
          %ge3A_236 = arith.cmpi sge, %add3A_187, %ge3A : i32
          %convert_element_type3A_237 = arith.extui %ge3A_236 : i1 to i32
          %cond3A_238 = arith.constant 0 : i32
          %cond3A_239 = arith.cmpi ne, %convert_element_type3A_237, %cond3A_238 : i32
          scf.if %cond3A_239 {
            %dma_wait3A_304 = arith.constant 0 : i32
            %dma_wait3A_305 = arith.constant 0 : i32
            %dma_wait3A_306 = tpu.memref_slice %arg26[%dma_wait3A_304, %dma_wait3A_305] : memref<10240x128xf32, #tpu.memory_space<vmem_shared>> -> memref<10240x128xf32, #tpu.memory_space<vmem_shared>>
            tpu.wait_indirect_dma semaphore(%arg31 : memref<!tpu.dma_semaphore, #tpu.memory_space<semaphore_mem>>) src(%arg22 : memref<80x128xf32, #tpu.memory_space<vmem>>) dst(%dma_wait3A_306 : memref<10240x128xf32, #tpu.memory_space<vmem_shared>>)
          } else {
          }
          %mul3A_240 = arith.constant 80 : i32
          %mul3A_241 = arith.muli %add3A_187, %mul3A_240 : i32
          %add3A_242 = arith.constant 0 : i32
          %add3A_243 = arith.addi %mul3A_241, %add3A_242 : i32
          %get3A_244 = arith.index_cast %add3A_243 : i32 to index
          %get3A_245 = tpu.vector_load %arg13[%get3A_244] {strides = array<i32>} : memref<2000xi32, #tpu.memory_space<vmem>>, vector<16xi32>,
          %swap3A_246 = arith.constant 0 : index
          %swap3A_247 = tpu.vector_load %arg15[%swap3A_246] {strides = array<i32>} : memref<80xi32, #tpu.memory_space<vmem>>, vector<16xi32>,
          tpu.vector_store %arg15[%swap3A_246], %get3A_245 {strides = array<i32>} : memref<80xi32, #tpu.memory_space<vmem>>, vector<16xi32>,
          %add3A_248 = arith.constant 0 : i32
          %add3A_249 = arith.addi %mul3A_241, %add3A_248 : i32
          %get3A_250 = arith.index_cast %add3A_249 : i32 to index
          %get3A_251 = tpu.vector_load %arg14[%get3A_250] {strides = array<i32>} : memref<2000xi32, #tpu.memory_space<vmem>>, vector<16xi32>,
          %swap3A_252 = arith.constant 0 : index
          %swap3A_253 = tpu.vector_load %arg16[%swap3A_252] {strides = array<i32>} : memref<80xi32, #tpu.memory_space<vmem>>, vector<16xi32>,
          tpu.vector_store %arg16[%swap3A_252], %get3A_251 {strides = array<i32>} : memref<80xi32, #tpu.memory_space<vmem>>, vector<16xi32>,
          %add3A_254 = arith.constant 16 : i32
          %add3A_255 = arith.addi %mul3A_241, %add3A_254 : i32
          %get3A_256 = arith.index_cast %add3A_255 : i32 to index
          %get3A_257 = tpu.vector_load %arg13[%get3A_256] {strides = array<i32>} : memref<2000xi32, #tpu.memory_space<vmem>>, vector<16xi32>,
          %swap3A_258 = arith.constant 16 : index
          %swap3A_259 = tpu.vector_load %arg15[%swap3A_258] {strides = array<i32>} : memref<80xi32, #tpu.memory_space<vmem>>, vector<16xi32>,
          tpu.vector_store %arg15[%swap3A_258], %get3A_257 {strides = array<i32>} : memref<80xi32, #tpu.memory_space<vmem>>, vector<16xi32>,
          %add3A_260 = arith.constant 16 : i32
          %add3A_261 = arith.addi %mul3A_241, %add3A_260 : i32
          %get3A_262 = arith.index_cast %add3A_261 : i32 to index
          %get3A_263 = tpu.vector_load %arg14[%get3A_262] {strides = array<i32>} : memref<2000xi32, #tpu.memory_space<vmem>>, vector<16xi32>,
          %swap3A_264 = arith.constant 16 : index
          %swap3A_265 = tpu.vector_load %arg16[%swap3A_264] {strides = array<i32>} : memref<80xi32, #tpu.memory_space<vmem>>, vector<16xi32>,
          tpu.vector_store %arg16[%swap3A_264], %get3A_263 {strides = array<i32>} : memref<80xi32, #tpu.memory_space<vmem>>, vector<16xi32>,
          %add3A_266 = arith.constant 32 : i32
          %add3A_267 = arith.addi %mul3A_241, %add3A_266 : i32
          %get3A_268 = arith.index_cast %add3A_267 : i32 to index
          %get3A_269 = tpu.vector_load %arg13[%get3A_268] {strides = array<i32>} : memref<2000xi32, #tpu.memory_space<vmem>>, vector<16xi32>,
          %swap3A_270 = arith.constant 32 : index
          %swap3A_271 = tpu.vector_load %arg15[%swap3A_270] {strides = array<i32>} : memref<80xi32, #tpu.memory_space<vmem>>, vector<16xi32>,
          tpu.vector_store %arg15[%swap3A_270], %get3A_269 {strides = array<i32>} : memref<80xi32, #tpu.memory_space<vmem>>, vector<16xi32>,
          %add3A_272 = arith.constant 32 : i32
          %add3A_273 = arith.addi %mul3A_241, %add3A_272 : i32
          %get3A_274 = arith.index_cast %add3A_273 : i32 to index
          %get3A_275 = tpu.vector_load %arg14[%get3A_274] {strides = array<i32>} : memref<2000xi32, #tpu.memory_space<vmem>>, vector<16xi32>,
          %swap3A_276 = arith.constant 32 : index
          %swap3A_277 = tpu.vector_load %arg16[%swap3A_276] {strides = array<i32>} : memref<80xi32, #tpu.memory_space<vmem>>, vector<16xi32>,
          tpu.vector_store %arg16[%swap3A_276], %get3A_275 {strides = array<i32>} : memref<80xi32, #tpu.memory_space<vmem>>, vector<16xi32>,
          %add3A_278 = arith.constant 48 : i32
          %add3A_279 = arith.addi %mul3A_241, %add3A_278 : i32
          %get3A_280 = arith.index_cast %add3A_279 : i32 to index
          %get3A_281 = tpu.vector_load %arg13[%get3A_280] {strides = array<i32>} : memref<2000xi32, #tpu.memory_space<vmem>>, vector<16xi32>,
          %swap3A_282 = arith.constant 48 : index
          %swap3A_283 = tpu.vector_load %arg15[%swap3A_282] {strides = array<i32>} : memref<80xi32, #tpu.memory_space<vmem>>, vector<16xi32>,
          tpu.vector_store %arg15[%swap3A_282], %get3A_281 {strides = array<i32>} : memref<80xi32, #tpu.memory_space<vmem>>, vector<16xi32>,
          %add3A_284 = arith.constant 48 : i32
          %add3A_285 = arith.addi %mul3A_241, %add3A_284 : i32
          %get3A_286 = arith.index_cast %add3A_285 : i32 to index
          %get3A_287 = tpu.vector_load %arg14[%get3A_286] {strides = array<i32>} : memref<2000xi32, #tpu.memory_space<vmem>>, vector<16xi32>,
          %swap3A_288 = arith.constant 48 : index
          %swap3A_289 = tpu.vector_load %arg16[%swap3A_288] {strides = array<i32>} : memref<80xi32, #tpu.memory_space<vmem>>, vector<16xi32>,
          tpu.vector_store %arg16[%swap3A_288], %get3A_287 {strides = array<i32>} : memref<80xi32, #tpu.memory_space<vmem>>, vector<16xi32>,
          %add3A_290 = arith.constant 64 : i32
          %add3A_291 = arith.addi %mul3A_241, %add3A_290 : i32
          %get3A_292 = arith.index_cast %add3A_291 : i32 to index
          %get3A_293 = tpu.vector_load %arg13[%get3A_292] {strides = array<i32>} : memref<2000xi32, #tpu.memory_space<vmem>>, vector<16xi32>,
          %swap3A_294 = arith.constant 64 : index
          %swap3A_295 = tpu.vector_load %arg15[%swap3A_294] {strides = array<i32>} : memref<80xi32, #tpu.memory_space<vmem>>, vector<16xi32>,
          tpu.vector_store %arg15[%swap3A_294], %get3A_293 {strides = array<i32>} : memref<80xi32, #tpu.memory_space<vmem>>, vector<16xi32>,
          %add3A_296 = arith.constant 64 : i32
          %add3A_297 = arith.addi %mul3A_241, %add3A_296 : i32
          %get3A_298 = arith.index_cast %add3A_297 : i32 to index
          %get3A_299 = tpu.vector_load %arg14[%get3A_298] {strides = array<i32>} : memref<2000xi32, #tpu.memory_space<vmem>>, vector<16xi32>,
          %swap3A_300 = arith.constant 64 : index
          %swap3A_301 = tpu.vector_load %arg16[%swap3A_300] {strides = array<i32>} : memref<80xi32, #tpu.memory_space<vmem>>, vector<16xi32>,
          tpu.vector_store %arg16[%swap3A_300], %get3A_299 {strides = array<i32>} : memref<80xi32, #tpu.memory_space<vmem>>, vector<16xi32>,
          %dma_start3A_302 = arith.constant 0 : i32
          %dma_start3A_303 = tpu.memref_slice %arg3[%dma_start3A_302, %multiple_of3A] : memref<10000x256xf32, #tpu.memory_space<hbm>> -> memref<10000x128xf32, #tpu.memory_space<hbm>>
          tpu.enqueue_indirect_dma source(%dma_start3A_303 : memref<10000x128xf32, #tpu.memory_space<hbm>>) target(%arg22 : memref<80x128xf32, #tpu.memory_space<vmem>>) offsets(%arg15 : memref<80xi32, #tpu.memory_space<vmem>>) semaphore(%arg28 : memref<!tpu.dma_semaphore, #tpu.memory_space<semaphore_mem>>)
        } else {
        }
        %lt3A_195 = arith.constant 25 : i32
        %lt3A_196 = arith.cmpi slt, %add3A_187, %lt3A_195 : i32
        %rem3A_197 = arith.constant 3 : i32
        %rem3A_198 = arith.remsi %add3A_187, %rem3A_197 : i32
        %eq3A_199 = arith.constant 1 : i32
        %eq3A_200 = arith.cmpi eq, %rem3A_198, %eq3A_199 : i32
        %and3A_201 = arith.andi %lt3A_196, %eq3A_200 : i1
        %convert_element_type3A_202 = arith.extui %and3A_201 : i1 to i32
        %cond3A_203 = arith.constant 0 : i32
        %cond3A_204 = arith.cmpi ne, %convert_element_type3A_202, %cond3A_203 : i32
        scf.if %cond3A_204 {
          %ge3A = arith.constant 3 : i32
          %ge3A_236 = arith.cmpi sge, %add3A_187, %ge3A : i32
          %convert_element_type3A_237 = arith.extui %ge3A_236 : i1 to i32
          %cond3A_238 = arith.constant 0 : i32
          %cond3A_239 = arith.cmpi ne, %convert_element_type3A_237, %cond3A_238 : i32
          scf.if %cond3A_239 {
            %dma_wait3A_304 = arith.constant 0 : i32
            %dma_wait3A_305 = arith.constant 0 : i32
            %dma_wait3A_306 = tpu.memref_slice %arg26[%dma_wait3A_304, %dma_wait3A_305] : memref<10240x128xf32, #tpu.memory_space<vmem_shared>> -> memref<10240x128xf32, #tpu.memory_space<vmem_shared>>
            tpu.wait_indirect_dma semaphore(%arg32 : memref<!tpu.dma_semaphore, #tpu.memory_space<semaphore_mem>>) src(%arg23 : memref<80x128xf32, #tpu.memory_space<vmem>>) dst(%dma_wait3A_306 : memref<10240x128xf32, #tpu.memory_space<vmem_shared>>)
          } else {
          }
          %mul3A_240 = arith.constant 80 : i32
          %mul3A_241 = arith.muli %add3A_187, %mul3A_240 : i32
          %add3A_242 = arith.constant 0 : i32
          %add3A_243 = arith.addi %mul3A_241, %add3A_242 : i32
          %get3A_244 = arith.index_cast %add3A_243 : i32 to index
          %get3A_245 = tpu.vector_load %arg13[%get3A_244] {strides = array<i32>} : memref<2000xi32, #tpu.memory_space<vmem>>, vector<16xi32>,
          %swap3A_246 = arith.constant 0 : index
          %swap3A_247 = tpu.vector_load %arg17[%swap3A_246] {strides = array<i32>} : memref<80xi32, #tpu.memory_space<vmem>>, vector<16xi32>,
          tpu.vector_store %arg17[%swap3A_246], %get3A_245 {strides = array<i32>} : memref<80xi32, #tpu.memory_space<vmem>>, vector<16xi32>,
          %add3A_248 = arith.constant 0 : i32
          %add3A_249 = arith.addi %mul3A_241, %add3A_248 : i32
          %get3A_250 = arith.index_cast %add3A_249 : i32 to index
          %get3A_251 = tpu.vector_load %arg14[%get3A_250] {strides = array<i32>} : memref<2000xi32, #tpu.memory_space<vmem>>, vector<16xi32>,
          %swap3A_252 = arith.constant 0 : index
          %swap3A_253 = tpu.vector_load %arg18[%swap3A_252] {strides = array<i32>} : memref<80xi32, #tpu.memory_space<vmem>>, vector<16xi32>,
          tpu.vector_store %arg18[%swap3A_252], %get3A_251 {strides = array<i32>} : memref<80xi32, #tpu.memory_space<vmem>>, vector<16xi32>,
          %add3A_254 = arith.constant 16 : i32
          %add3A_255 = arith.addi %mul3A_241, %add3A_254 : i32
          %get3A_256 = arith.index_cast %add3A_255 : i32 to index
          %get3A_257 = tpu.vector_load %arg13[%get3A_256] {strides = array<i32>} : memref<2000xi32, #tpu.memory_space<vmem>>, vector<16xi32>,
          %swap3A_258 = arith.constant 16 : index
          %swap3A_259 = tpu.vector_load %arg17[%swap3A_258] {strides = array<i32>} : memref<80xi32, #tpu.memory_space<vmem>>, vector<16xi32>,
          tpu.vector_store %arg17[%swap3A_258], %get3A_257 {strides = array<i32>} : memref<80xi32, #tpu.memory_space<vmem>>, vector<16xi32>,
          %add3A_260 = arith.constant 16 : i32
          %add3A_261 = arith.addi %mul3A_241, %add3A_260 : i32
          %get3A_262 = arith.index_cast %add3A_261 : i32 to index
          %get3A_263 = tpu.vector_load %arg14[%get3A_262] {strides = array<i32>} : memref<2000xi32, #tpu.memory_space<vmem>>, vector<16xi32>,
          %swap3A_264 = arith.constant 16 : index
          %swap3A_265 = tpu.vector_load %arg18[%swap3A_264] {strides = array<i32>} : memref<80xi32, #tpu.memory_space<vmem>>, vector<16xi32>,
          tpu.vector_store %arg18[%swap3A_264], %get3A_263 {strides = array<i32>} : memref<80xi32, #tpu.memory_space<vmem>>, vector<16xi32>,
          %add3A_266 = arith.constant 32 : i32
          %add3A_267 = arith.addi %mul3A_241, %add3A_266 : i32
          %get3A_268 = arith.index_cast %add3A_267 : i32 to index
          %get3A_269 = tpu.vector_load %arg13[%get3A_268] {strides = array<i32>} : memref<2000xi32, #tpu.memory_space<vmem>>, vector<16xi32>,
          %swap3A_270 = arith.constant 32 : index
          %swap3A_271 = tpu.vector_load %arg17[%swap3A_270] {strides = array<i32>} : memref<80xi32, #tpu.memory_space<vmem>>, vector<16xi32>,
          tpu.vector_store %arg17[%swap3A_270], %get3A_269 {strides = array<i32>} : memref<80xi32, #tpu.memory_space<vmem>>, vector<16xi32>,
          %add3A_272 = arith.constant 32 : i32
          %add3A_273 = arith.addi %mul3A_241, %add3A_272 : i32
          %get3A_274 = arith.index_cast %add3A_273 : i32 to index
          %get3A_275 = tpu.vector_load %arg14[%get3A_274] {strides = array<i32>} : memref<2000xi32, #tpu.memory_space<vmem>>, vector<16xi32>,
          %swap3A_276 = arith.constant 32 : index
          %swap3A_277 = tpu.vector_load %arg18[%swap3A_276] {strides = array<i32>} : memref<80xi32, #tpu.memory_space<vmem>>, vector<16xi32>,
          tpu.vector_store %arg18[%swap3A_276], %get3A_275 {strides = array<i32>} : memref<80xi32, #tpu.memory_space<vmem>>, vector<16xi32>,
          %add3A_278 = arith.constant 48 : i32
          %add3A_279 = arith.addi %mul3A_241, %add3A_278 : i32
          %get3A_280 = arith.index_cast %add3A_279 : i32 to index
          %get3A_281 = tpu.vector_load %arg13[%get3A_280] {strides = array<i32>} : memref<2000xi32, #tpu.memory_space<vmem>>, vector<16xi32>,
          %swap3A_282 = arith.constant 48 : index
          %swap3A_283 = tpu.vector_load %arg17[%swap3A_282] {strides = array<i32>} : memref<80xi32, #tpu.memory_space<vmem>>, vector<16xi32>,
          tpu.vector_store %arg17[%swap3A_282], %get3A_281 {strides = array<i32>} : memref<80xi32, #tpu.memory_space<vmem>>, vector<16xi32>,
          %add3A_284 = arith.constant 48 : i32
          %add3A_285 = arith.addi %mul3A_241, %add3A_284 : i32
          %get3A_286 = arith.index_cast %add3A_285 : i32 to index
          %get3A_287 = tpu.vector_load %arg14[%get3A_286] {strides = array<i32>} : memref<2000xi32, #tpu.memory_space<vmem>>, vector<16xi32>,
          %swap3A_288 = arith.constant 48 : index
          %swap3A_289 = tpu.vector_load %arg18[%swap3A_288] {strides = array<i32>} : memref<80xi32, #tpu.memory_space<vmem>>, vector<16xi32>,
          tpu.vector_store %arg18[%swap3A_288], %get3A_287 {strides = array<i32>} : memref<80xi32, #tpu.memory_space<vmem>>, vector<16xi32>,
          %add3A_290 = arith.constant 64 : i32
          %add3A_291 = arith.addi %mul3A_241, %add3A_290 : i32
          %get3A_292 = arith.index_cast %add3A_291 : i32 to index
          %get3A_293 = tpu.vector_load %arg13[%get3A_292] {strides = array<i32>} : memref<2000xi32, #tpu.memory_space<vmem>>, vector<16xi32>,
          %swap3A_294 = arith.constant 64 : index
          %swap3A_295 = tpu.vector_load %arg17[%swap3A_294] {strides = array<i32>} : memref<80xi32, #tpu.memory_space<vmem>>, vector<16xi32>,
          tpu.vector_store %arg17[%swap3A_294], %get3A_293 {strides = array<i32>} : memref<80xi32, #tpu.memory_space<vmem>>, vector<16xi32>,
          %add3A_296 = arith.constant 64 : i32
          %add3A_297 = arith.addi %mul3A_241, %add3A_296 : i32
          %get3A_298 = arith.index_cast %add3A_297 : i32 to index
          %get3A_299 = tpu.vector_load %arg14[%get3A_298] {strides = array<i32>} : memref<2000xi32, #tpu.memory_space<vmem>>, vector<16xi32>,
          %swap3A_300 = arith.constant 64 : index
          %swap3A_301 = tpu.vector_load %arg18[%swap3A_300] {strides = array<i32>} : memref<80xi32, #tpu.memory_space<vmem>>, vector<16xi32>,
          tpu.vector_store %arg18[%swap3A_300], %get3A_299 {strides = array<i32>} : memref<80xi32, #tpu.memory_space<vmem>>, vector<16xi32>,
          %dma_start3A_302 = arith.constant 0 : i32
          %dma_start3A_303 = tpu.memref_slice %arg3[%dma_start3A_302, %multiple_of3A] : memref<10000x256xf32, #tpu.memory_space<hbm>> -> memref<10000x128xf32, #tpu.memory_space<hbm>>
          tpu.enqueue_indirect_dma source(%dma_start3A_303 : memref<10000x128xf32, #tpu.memory_space<hbm>>) target(%arg23 : memref<80x128xf32, #tpu.memory_space<vmem>>) offsets(%arg17 : memref<80xi32, #tpu.memory_space<vmem>>) semaphore(%arg29 : memref<!tpu.dma_semaphore, #tpu.memory_space<semaphore_mem>>)
        } else {
        }
        %lt3A_205 = arith.constant 25 : i32
        %lt3A_206 = arith.cmpi slt, %add3A_187, %lt3A_205 : i32
        %rem3A_207 = arith.constant 3 : i32
        %rem3A_208 = arith.remsi %add3A_187, %rem3A_207 : i32
        %eq3A_209 = arith.constant 2 : i32
        %eq3A_210 = arith.cmpi eq, %rem3A_208, %eq3A_209 : i32
        %and3A_211 = arith.andi %lt3A_206, %eq3A_210 : i1
        %convert_element_type3A_212 = arith.extui %and3A_211 : i1 to i32
        %cond3A_213 = arith.constant 0 : i32
        %cond3A_214 = arith.cmpi ne, %convert_element_type3A_212, %cond3A_213 : i32
        scf.if %cond3A_214 {
          %ge3A = arith.constant 3 : i32
          %ge3A_236 = arith.cmpi sge, %add3A_187, %ge3A : i32
          %convert_element_type3A_237 = arith.extui %ge3A_236 : i1 to i32
          %cond3A_238 = arith.constant 0 : i32
          %cond3A_239 = arith.cmpi ne, %convert_element_type3A_237, %cond3A_238 : i32
          scf.if %cond3A_239 {
            %dma_wait3A_304 = arith.constant 0 : i32
            %dma_wait3A_305 = arith.constant 0 : i32
            %dma_wait3A_306 = tpu.memref_slice %arg26[%dma_wait3A_304, %dma_wait3A_305] : memref<10240x128xf32, #tpu.memory_space<vmem_shared>> -> memref<10240x128xf32, #tpu.memory_space<vmem_shared>>
            tpu.wait_indirect_dma semaphore(%arg33 : memref<!tpu.dma_semaphore, #tpu.memory_space<semaphore_mem>>) src(%arg24 : memref<80x128xf32, #tpu.memory_space<vmem>>) dst(%dma_wait3A_306 : memref<10240x128xf32, #tpu.memory_space<vmem_shared>>)
          } else {
          }
          %mul3A_240 = arith.constant 80 : i32
          %mul3A_241 = arith.muli %add3A_187, %mul3A_240 : i32
          %add3A_242 = arith.constant 0 : i32
          %add3A_243 = arith.addi %mul3A_241, %add3A_242 : i32
          %get3A_244 = arith.index_cast %add3A_243 : i32 to index
          %get3A_245 = tpu.vector_load %arg13[%get3A_244] {strides = array<i32>} : memref<2000xi32, #tpu.memory_space<vmem>>, vector<16xi32>,
          %swap3A_246 = arith.constant 0 : index
          %swap3A_247 = tpu.vector_load %arg19[%swap3A_246] {strides = array<i32>} : memref<80xi32, #tpu.memory_space<vmem>>, vector<16xi32>,
          tpu.vector_store %arg19[%swap3A_246], %get3A_245 {strides = array<i32>} : memref<80xi32, #tpu.memory_space<vmem>>, vector<16xi32>,
          %add3A_248 = arith.constant 0 : i32
          %add3A_249 = arith.addi %mul3A_241, %add3A_248 : i32
          %get3A_250 = arith.index_cast %add3A_249 : i32 to index
          %get3A_251 = tpu.vector_load %arg14[%get3A_250] {strides = array<i32>} : memref<2000xi32, #tpu.memory_space<vmem>>, vector<16xi32>,
          %swap3A_252 = arith.constant 0 : index
          %swap3A_253 = tpu.vector_load %arg20[%swap3A_252] {strides = array<i32>} : memref<80xi32, #tpu.memory_space<vmem>>, vector<16xi32>,
          tpu.vector_store %arg20[%swap3A_252], %get3A_251 {strides = array<i32>} : memref<80xi32, #tpu.memory_space<vmem>>, vector<16xi32>,
          %add3A_254 = arith.constant 16 : i32
          %add3A_255 = arith.addi %mul3A_241, %add3A_254 : i32
          %get3A_256 = arith.index_cast %add3A_255 : i32 to index
          %get3A_257 = tpu.vector_load %arg13[%get3A_256] {strides = array<i32>} : memref<2000xi32, #tpu.memory_space<vmem>>, vector<16xi32>,
          %swap3A_258 = arith.constant 16 : index
          %swap3A_259 = tpu.vector_load %arg19[%swap3A_258] {strides = array<i32>} : memref<80xi32, #tpu.memory_space<vmem>>, vector<16xi32>,
          tpu.vector_store %arg19[%swap3A_258], %get3A_257 {strides = array<i32>} : memref<80xi32, #tpu.memory_space<vmem>>, vector<16xi32>,
          %add3A_260 = arith.constant 16 : i32
          %add3A_261 = arith.addi %mul3A_241, %add3A_260 : i32
          %get3A_262 = arith.index_cast %add3A_261 : i32 to index
          %get3A_263 = tpu.vector_load %arg14[%get3A_262] {strides = array<i32>} : memref<2000xi32, #tpu.memory_space<vmem>>, vector<16xi32>,
          %swap3A_264 = arith.constant 16 : index
          %swap3A_265 = tpu.vector_load %arg20[%swap3A_264] {strides = array<i32>} : memref<80xi32, #tpu.memory_space<vmem>>, vector<16xi32>,
          tpu.vector_store %arg20[%swap3A_264], %get3A_263 {strides = array<i32>} : memref<80xi32, #tpu.memory_space<vmem>>, vector<16xi32>,
          %add3A_266 = arith.constant 32 : i32
          %add3A_267 = arith.addi %mul3A_241, %add3A_266 : i32
          %get3A_268 = arith.index_cast %add3A_267 : i32 to index
          %get3A_269 = tpu.vector_load %arg13[%get3A_268] {strides = array<i32>} : memref<2000xi32, #tpu.memory_space<vmem>>, vector<16xi32>,
          %swap3A_270 = arith.constant 32 : index
          %swap3A_271 = tpu.vector_load %arg19[%swap3A_270] {strides = array<i32>} : memref<80xi32, #tpu.memory_space<vmem>>, vector<16xi32>,
          tpu.vector_store %arg19[%swap3A_270], %get3A_269 {strides = array<i32>} : memref<80xi32, #tpu.memory_space<vmem>>, vector<16xi32>,
          %add3A_272 = arith.constant 32 : i32
          %add3A_273 = arith.addi %mul3A_241, %add3A_272 : i32
          %get3A_274 = arith.index_cast %add3A_273 : i32 to index
          %get3A_275 = tpu.vector_load %arg14[%get3A_274] {strides = array<i32>} : memref<2000xi32, #tpu.memory_space<vmem>>, vector<16xi32>,
          %swap3A_276 = arith.constant 32 : index
          %swap3A_277 = tpu.vector_load %arg20[%swap3A_276] {strides = array<i32>} : memref<80xi32, #tpu.memory_space<vmem>>, vector<16xi32>,
          tpu.vector_store %arg20[%swap3A_276], %get3A_275 {strides = array<i32>} : memref<80xi32, #tpu.memory_space<vmem>>, vector<16xi32>,
          %add3A_278 = arith.constant 48 : i32
          %add3A_279 = arith.addi %mul3A_241, %add3A_278 : i32
          %get3A_280 = arith.index_cast %add3A_279 : i32 to index
          %get3A_281 = tpu.vector_load %arg13[%get3A_280] {strides = array<i32>} : memref<2000xi32, #tpu.memory_space<vmem>>, vector<16xi32>,
          %swap3A_282 = arith.constant 48 : index
          %swap3A_283 = tpu.vector_load %arg19[%swap3A_282] {strides = array<i32>} : memref<80xi32, #tpu.memory_space<vmem>>, vector<16xi32>,
          tpu.vector_store %arg19[%swap3A_282], %get3A_281 {strides = array<i32>} : memref<80xi32, #tpu.memory_space<vmem>>, vector<16xi32>,
          %add3A_284 = arith.constant 48 : i32
          %add3A_285 = arith.addi %mul3A_241, %add3A_284 : i32
          %get3A_286 = arith.index_cast %add3A_285 : i32 to index
          %get3A_287 = tpu.vector_load %arg14[%get3A_286] {strides = array<i32>} : memref<2000xi32, #tpu.memory_space<vmem>>, vector<16xi32>,
          %swap3A_288 = arith.constant 48 : index
          %swap3A_289 = tpu.vector_load %arg20[%swap3A_288] {strides = array<i32>} : memref<80xi32, #tpu.memory_space<vmem>>, vector<16xi32>,
          tpu.vector_store %arg20[%swap3A_288], %get3A_287 {strides = array<i32>} : memref<80xi32, #tpu.memory_space<vmem>>, vector<16xi32>,
          %add3A_290 = arith.constant 64 : i32
          %add3A_291 = arith.addi %mul3A_241, %add3A_290 : i32
          %get3A_292 = arith.index_cast %add3A_291 : i32 to index
          %get3A_293 = tpu.vector_load %arg13[%get3A_292] {strides = array<i32>} : memref<2000xi32, #tpu.memory_space<vmem>>, vector<16xi32>,
          %swap3A_294 = arith.constant 64 : index
          %swap3A_295 = tpu.vector_load %arg19[%swap3A_294] {strides = array<i32>} : memref<80xi32, #tpu.memory_space<vmem>>, vector<16xi32>,
          tpu.vector_store %arg19[%swap3A_294], %get3A_293 {strides = array<i32>} : memref<80xi32, #tpu.memory_space<vmem>>, vector<16xi32>,
          %add3A_296 = arith.constant 64 : i32
          %add3A_297 = arith.addi %mul3A_241, %add3A_296 : i32
          %get3A_298 = arith.index_cast %add3A_297 : i32 to index
          %get3A_299 = tpu.vector_load %arg14[%get3A_298] {strides = array<i32>} : memref<2000xi32, #tpu.memory_space<vmem>>, vector<16xi32>,
          %swap3A_300 = arith.constant 64 : index
          %swap3A_301 = tpu.vector_load %arg20[%swap3A_300] {strides = array<i32>} : memref<80xi32, #tpu.memory_space<vmem>>, vector<16xi32>,
          tpu.vector_store %arg20[%swap3A_300], %get3A_299 {strides = array<i32>} : memref<80xi32, #tpu.memory_space<vmem>>, vector<16xi32>,
          %dma_start3A_302 = arith.constant 0 : i32
          %dma_start3A_303 = tpu.memref_slice %arg3[%dma_start3A_302, %multiple_of3A] : memref<10000x256xf32, #tpu.memory_space<hbm>> -> memref<10000x128xf32, #tpu.memory_space<hbm>>
          tpu.enqueue_indirect_dma source(%dma_start3A_303 : memref<10000x128xf32, #tpu.memory_space<hbm>>) target(%arg24 : memref<80x128xf32, #tpu.memory_space<vmem>>) offsets(%arg19 : memref<80xi32, #tpu.memory_space<vmem>>) semaphore(%arg30 : memref<!tpu.dma_semaphore, #tpu.memory_space<semaphore_mem>>)
        } else {
        }
        %rem3A_215 = arith.constant 3 : i32
        %rem3A_216 = arith.remsi %scan3A_185, %rem3A_215 : i32
        %eq3A_217 = arith.constant 0 : i32
        %eq3A_218 = arith.cmpi eq, %rem3A_216, %eq3A_217 : i32
        %convert_element_type3A_219 = arith.extui %eq3A_218 : i1 to i32
        %cond3A_220 = arith.constant 0 : i32
        %cond3A_221 = arith.cmpi ne, %convert_element_type3A_219, %cond3A_220 : i32
        scf.if %cond3A_221 {
          %dma_wait3A_236 = arith.constant 0 : i32
          %dma_wait3A_237 = tpu.memref_slice %arg3[%dma_wait3A_236, %multiple_of3A] : memref<10000x256xf32, #tpu.memory_space<hbm>> -> memref<10000x128xf32, #tpu.memory_space<hbm>>
          tpu.wait_indirect_dma semaphore(%arg28 : memref<!tpu.dma_semaphore, #tpu.memory_space<semaphore_mem>>) src(%dma_wait3A_237 : memref<10000x128xf32, #tpu.memory_space<hbm>>) dst(%arg22 : memref<80x128xf32, #tpu.memory_space<vmem>>)
          %dma_start3A_238 = arith.constant 0 : i32
          %dma_start3A_239 = arith.constant 0 : i32
          %dma_start3A_240 = tpu.memref_slice %arg26[%dma_start3A_238, %dma_start3A_239] : memref<10240x128xf32, #tpu.memory_space<vmem_shared>> -> memref<10240x128xf32, #tpu.memory_space<vmem_shared>>
          tpu.enqueue_indirect_dma source(%arg22 : memref<80x128xf32, #tpu.memory_space<vmem>>) target(%dma_start3A_240 : memref<10240x128xf32, #tpu.memory_space<vmem_shared>>) offsets(%arg16 : memref<80xi32, #tpu.memory_space<vmem>>) semaphore(%arg31 : memref<!tpu.dma_semaphore, #tpu.memory_space<semaphore_mem>>) {add = true}
          %get3A_241 = arith.constant 0 : index
          %get3A_242 = tpu.vector_load %arg16[%get3A_241] {strides = array<i32>} : memref<80xi32, #tpu.memory_space<vmem>>, vector<16xi32>,
          %shift_right_logical3A = arith.constant 7 : i32
          %shift_right_logical3A_243 = vector.broadcast %shift_right_logical3A : i32 to vector<16xi32>
          %shift_right_logical3A_244 = arith.shrui %get3A_242, %shift_right_logical3A_243 : vector<16xi32>
          %and3A_245 = arith.constant 127 : i32
          %and3A_246 = vector.broadcast %and3A_245 : i32 to vector<16xi32>
          %and3A_247 = arith.andi %get3A_242, %and3A_246 : vector<16xi32>
          tpu.vector_store_idx %arg25[%shift_right_logical3A_244, %and3A_247], %broadcast_in_dim3A_30 {add = true} : memref<80x128xf32, #tpu.memory_space<vmem>>[vector<16xi32>, vector<16xi32>], vector<16xf32>,
          %get3A_248 = arith.constant 16 : index
          %get3A_249 = tpu.vector_load %arg16[%get3A_248] {strides = array<i32>} : memref<80xi32, #tpu.memory_space<vmem>>, vector<16xi32>,
          %shift_right_logical3A_250 = arith.constant 7 : i32
          %shift_right_logical3A_251 = vector.broadcast %shift_right_logical3A_250 : i32 to vector<16xi32>
          %shift_right_logical3A_252 = arith.shrui %get3A_249, %shift_right_logical3A_251 : vector<16xi32>
          %and3A_253 = arith.constant 127 : i32
          %and3A_254 = vector.broadcast %and3A_253 : i32 to vector<16xi32>
          %and3A_255 = arith.andi %get3A_249, %and3A_254 : vector<16xi32>
          tpu.vector_store_idx %arg25[%shift_right_logical3A_252, %and3A_255], %broadcast_in_dim3A_30 {add = true} : memref<80x128xf32, #tpu.memory_space<vmem>>[vector<16xi32>, vector<16xi32>], vector<16xf32>,
          %get3A_256 = arith.constant 32 : index
          %get3A_257 = tpu.vector_load %arg16[%get3A_256] {strides = array<i32>} : memref<80xi32, #tpu.memory_space<vmem>>, vector<16xi32>,
          %shift_right_logical3A_258 = arith.constant 7 : i32
          %shift_right_logical3A_259 = vector.broadcast %shift_right_logical3A_258 : i32 to vector<16xi32>
          %shift_right_logical3A_260 = arith.shrui %get3A_257, %shift_right_logical3A_259 : vector<16xi32>
          %and3A_261 = arith.constant 127 : i32
          %and3A_262 = vector.broadcast %and3A_261 : i32 to vector<16xi32>
          %and3A_263 = arith.andi %get3A_257, %and3A_262 : vector<16xi32>
          tpu.vector_store_idx %arg25[%shift_right_logical3A_260, %and3A_263], %broadcast_in_dim3A_30 {add = true} : memref<80x128xf32, #tpu.memory_space<vmem>>[vector<16xi32>, vector<16xi32>], vector<16xf32>,
          %get3A_264 = arith.constant 48 : index
          %get3A_265 = tpu.vector_load %arg16[%get3A_264] {strides = array<i32>} : memref<80xi32, #tpu.memory_space<vmem>>, vector<16xi32>,
          %shift_right_logical3A_266 = arith.constant 7 : i32
          %shift_right_logical3A_267 = vector.broadcast %shift_right_logical3A_266 : i32 to vector<16xi32>
          %shift_right_logical3A_268 = arith.shrui %get3A_265, %shift_right_logical3A_267 : vector<16xi32>
          %and3A_269 = arith.constant 127 : i32
          %and3A_270 = vector.broadcast %and3A_269 : i32 to vector<16xi32>
          %and3A_271 = arith.andi %get3A_265, %and3A_270 : vector<16xi32>
          tpu.vector_store_idx %arg25[%shift_right_logical3A_268, %and3A_271], %broadcast_in_dim3A_30 {add = true} : memref<80x128xf32, #tpu.memory_space<vmem>>[vector<16xi32>, vector<16xi32>], vector<16xf32>,
          %get3A_272 = arith.constant 64 : index
          %get3A_273 = tpu.vector_load %arg16[%get3A_272] {strides = array<i32>} : memref<80xi32, #tpu.memory_space<vmem>>, vector<16xi32>,
          %shift_right_logical3A_274 = arith.constant 7 : i32
          %shift_right_logical3A_275 = vector.broadcast %shift_right_logical3A_274 : i32 to vector<16xi32>
          %shift_right_logical3A_276 = arith.shrui %get3A_273, %shift_right_logical3A_275 : vector<16xi32>
          %and3A_277 = arith.constant 127 : i32
          %and3A_278 = vector.broadcast %and3A_277 : i32 to vector<16xi32>
          %and3A_279 = arith.andi %get3A_273, %and3A_278 : vector<16xi32>
          tpu.vector_store_idx %arg25[%shift_right_logical3A_276, %and3A_279], %broadcast_in_dim3A_30 {add = true} : memref<80x128xf32, #tpu.memory_space<vmem>>[vector<16xi32>, vector<16xi32>], vector<16xf32>,
        } else {
        }
        %rem3A_222 = arith.constant 3 : i32
        %rem3A_223 = arith.remsi %scan3A_185, %rem3A_222 : i32
        %eq3A_224 = arith.constant 1 : i32
        %eq3A_225 = arith.cmpi eq, %rem3A_223, %eq3A_224 : i32
        %convert_element_type3A_226 = arith.extui %eq3A_225 : i1 to i32
        %cond3A_227 = arith.constant 0 : i32
        %cond3A_228 = arith.cmpi ne, %convert_element_type3A_226, %cond3A_227 : i32
        scf.if %cond3A_228 {
          %dma_wait3A_236 = arith.constant 0 : i32
          %dma_wait3A_237 = tpu.memref_slice %arg3[%dma_wait3A_236, %multiple_of3A] : memref<10000x256xf32, #tpu.memory_space<hbm>> -> memref<10000x128xf32, #tpu.memory_space<hbm>>
          tpu.wait_indirect_dma semaphore(%arg29 : memref<!tpu.dma_semaphore, #tpu.memory_space<semaphore_mem>>) src(%dma_wait3A_237 : memref<10000x128xf32, #tpu.memory_space<hbm>>) dst(%arg23 : memref<80x128xf32, #tpu.memory_space<vmem>>)
          %dma_start3A_238 = arith.constant 0 : i32
          %dma_start3A_239 = arith.constant 0 : i32
          %dma_start3A_240 = tpu.memref_slice %arg26[%dma_start3A_238, %dma_start3A_239] : memref<10240x128xf32, #tpu.memory_space<vmem_shared>> -> memref<10240x128xf32, #tpu.memory_space<vmem_shared>>
          tpu.enqueue_indirect_dma source(%arg23 : memref<80x128xf32, #tpu.memory_space<vmem>>) target(%dma_start3A_240 : memref<10240x128xf32, #tpu.memory_space<vmem_shared>>) offsets(%arg18 : memref<80xi32, #tpu.memory_space<vmem>>) semaphore(%arg32 : memref<!tpu.dma_semaphore, #tpu.memory_space<semaphore_mem>>) {add = true}
          %get3A_241 = arith.constant 0 : index
          %get3A_242 = tpu.vector_load %arg18[%get3A_241] {strides = array<i32>} : memref<80xi32, #tpu.memory_space<vmem>>, vector<16xi32>,
          %shift_right_logical3A = arith.constant 7 : i32
          %shift_right_logical3A_243 = vector.broadcast %shift_right_logical3A : i32 to vector<16xi32>
          %shift_right_logical3A_244 = arith.shrui %get3A_242, %shift_right_logical3A_243 : vector<16xi32>
          %and3A_245 = arith.constant 127 : i32
          %and3A_246 = vector.broadcast %and3A_245 : i32 to vector<16xi32>
          %and3A_247 = arith.andi %get3A_242, %and3A_246 : vector<16xi32>
          tpu.vector_store_idx %arg25[%shift_right_logical3A_244, %and3A_247], %broadcast_in_dim3A_30 {add = true} : memref<80x128xf32, #tpu.memory_space<vmem>>[vector<16xi32>, vector<16xi32>], vector<16xf32>,
          %get3A_248 = arith.constant 16 : index
          %get3A_249 = tpu.vector_load %arg18[%get3A_248] {strides = array<i32>} : memref<80xi32, #tpu.memory_space<vmem>>, vector<16xi32>,
          %shift_right_logical3A_250 = arith.constant 7 : i32
          %shift_right_logical3A_251 = vector.broadcast %shift_right_logical3A_250 : i32 to vector<16xi32>
          %shift_right_logical3A_252 = arith.shrui %get3A_249, %shift_right_logical3A_251 : vector<16xi32>
          %and3A_253 = arith.constant 127 : i32
          %and3A_254 = vector.broadcast %and3A_253 : i32 to vector<16xi32>
          %and3A_255 = arith.andi %get3A_249, %and3A_254 : vector<16xi32>
          tpu.vector_store_idx %arg25[%shift_right_logical3A_252, %and3A_255], %broadcast_in_dim3A_30 {add = true} : memref<80x128xf32, #tpu.memory_space<vmem>>[vector<16xi32>, vector<16xi32>], vector<16xf32>,
          %get3A_256 = arith.constant 32 : index
          %get3A_257 = tpu.vector_load %arg18[%get3A_256] {strides = array<i32>} : memref<80xi32, #tpu.memory_space<vmem>>, vector<16xi32>,
          %shift_right_logical3A_258 = arith.constant 7 : i32
          %shift_right_logical3A_259 = vector.broadcast %shift_right_logical3A_258 : i32 to vector<16xi32>
          %shift_right_logical3A_260 = arith.shrui %get3A_257, %shift_right_logical3A_259 : vector<16xi32>
          %and3A_261 = arith.constant 127 : i32
          %and3A_262 = vector.broadcast %and3A_261 : i32 to vector<16xi32>
          %and3A_263 = arith.andi %get3A_257, %and3A_262 : vector<16xi32>
          tpu.vector_store_idx %arg25[%shift_right_logical3A_260, %and3A_263], %broadcast_in_dim3A_30 {add = true} : memref<80x128xf32, #tpu.memory_space<vmem>>[vector<16xi32>, vector<16xi32>], vector<16xf32>,
          %get3A_264 = arith.constant 48 : index
          %get3A_265 = tpu.vector_load %arg18[%get3A_264] {strides = array<i32>} : memref<80xi32, #tpu.memory_space<vmem>>, vector<16xi32>,
          %shift_right_logical3A_266 = arith.constant 7 : i32
          %shift_right_logical3A_267 = vector.broadcast %shift_right_logical3A_266 : i32 to vector<16xi32>
          %shift_right_logical3A_268 = arith.shrui %get3A_265, %shift_right_logical3A_267 : vector<16xi32>
          %and3A_269 = arith.constant 127 : i32
          %and3A_270 = vector.broadcast %and3A_269 : i32 to vector<16xi32>
          %and3A_271 = arith.andi %get3A_265, %and3A_270 : vector<16xi32>
          tpu.vector_store_idx %arg25[%shift_right_logical3A_268, %and3A_271], %broadcast_in_dim3A_30 {add = true} : memref<80x128xf32, #tpu.memory_space<vmem>>[vector<16xi32>, vector<16xi32>], vector<16xf32>,
          %get3A_272 = arith.constant 64 : index
          %get3A_273 = tpu.vector_load %arg18[%get3A_272] {strides = array<i32>} : memref<80xi32, #tpu.memory_space<vmem>>, vector<16xi32>,
          %shift_right_logical3A_274 = arith.constant 7 : i32
          %shift_right_logical3A_275 = vector.broadcast %shift_right_logical3A_274 : i32 to vector<16xi32>
          %shift_right_logical3A_276 = arith.shrui %get3A_273, %shift_right_logical3A_275 : vector<16xi32>
          %and3A_277 = arith.constant 127 : i32
          %and3A_278 = vector.broadcast %and3A_277 : i32 to vector<16xi32>
          %and3A_279 = arith.andi %get3A_273, %and3A_278 : vector<16xi32>
          tpu.vector_store_idx %arg25[%shift_right_logical3A_276, %and3A_279], %broadcast_in_dim3A_30 {add = true} : memref<80x128xf32, #tpu.memory_space<vmem>>[vector<16xi32>, vector<16xi32>], vector<16xf32>,
        } else {
        }
        %rem3A_229 = arith.constant 3 : i32
        %rem3A_230 = arith.remsi %scan3A_185, %rem3A_229 : i32
        %eq3A_231 = arith.constant 2 : i32
        %eq3A_232 = arith.cmpi eq, %rem3A_230, %eq3A_231 : i32
        %convert_element_type3A_233 = arith.extui %eq3A_232 : i1 to i32
        %cond3A_234 = arith.constant 0 : i32
        %cond3A_235 = arith.cmpi ne, %convert_element_type3A_233, %cond3A_234 : i32
        scf.if %cond3A_235 {
          %dma_wait3A_236 = arith.constant 0 : i32
          %dma_wait3A_237 = tpu.memref_slice %arg3[%dma_wait3A_236, %multiple_of3A] : memref<10000x256xf32, #tpu.memory_space<hbm>> -> memref<10000x128xf32, #tpu.memory_space<hbm>>
          tpu.wait_indirect_dma semaphore(%arg30 : memref<!tpu.dma_semaphore, #tpu.memory_space<semaphore_mem>>) src(%dma_wait3A_237 : memref<10000x128xf32, #tpu.memory_space<hbm>>) dst(%arg24 : memref<80x128xf32, #tpu.memory_space<vmem>>)
          %dma_start3A_238 = arith.constant 0 : i32
          %dma_start3A_239 = arith.constant 0 : i32
          %dma_start3A_240 = tpu.memref_slice %arg26[%dma_start3A_238, %dma_start3A_239] : memref<10240x128xf32, #tpu.memory_space<vmem_shared>> -> memref<10240x128xf32, #tpu.memory_space<vmem_shared>>
          tpu.enqueue_indirect_dma source(%arg24 : memref<80x128xf32, #tpu.memory_space<vmem>>) target(%dma_start3A_240 : memref<10240x128xf32, #tpu.memory_space<vmem_shared>>) offsets(%arg20 : memref<80xi32, #tpu.memory_space<vmem>>) semaphore(%arg33 : memref<!tpu.dma_semaphore, #tpu.memory_space<semaphore_mem>>) {add = true}
          %get3A_241 = arith.constant 0 : index
          %get3A_242 = tpu.vector_load %arg20[%get3A_241] {strides = array<i32>} : memref<80xi32, #tpu.memory_space<vmem>>, vector<16xi32>,
          %shift_right_logical3A = arith.constant 7 : i32
          %shift_right_logical3A_243 = vector.broadcast %shift_right_logical3A : i32 to vector<16xi32>
          %shift_right_logical3A_244 = arith.shrui %get3A_242, %shift_right_logical3A_243 : vector<16xi32>
          %and3A_245 = arith.constant 127 : i32
          %and3A_246 = vector.broadcast %and3A_245 : i32 to vector<16xi32>
          %and3A_247 = arith.andi %get3A_242, %and3A_246 : vector<16xi32>
          tpu.vector_store_idx %arg25[%shift_right_logical3A_244, %and3A_247], %broadcast_in_dim3A_30 {add = true} : memref<80x128xf32, #tpu.memory_space<vmem>>[vector<16xi32>, vector<16xi32>], vector<16xf32>,
          %get3A_248 = arith.constant 16 : index
          %get3A_249 = tpu.vector_load %arg20[%get3A_248] {strides = array<i32>} : memref<80xi32, #tpu.memory_space<vmem>>, vector<16xi32>,
          %shift_right_logical3A_250 = arith.constant 7 : i32
          %shift_right_logical3A_251 = vector.broadcast %shift_right_logical3A_250 : i32 to vector<16xi32>
          %shift_right_logical3A_252 = arith.shrui %get3A_249, %shift_right_logical3A_251 : vector<16xi32>
          %and3A_253 = arith.constant 127 : i32
          %and3A_254 = vector.broadcast %and3A_253 : i32 to vector<16xi32>
          %and3A_255 = arith.andi %get3A_249, %and3A_254 : vector<16xi32>
          tpu.vector_store_idx %arg25[%shift_right_logical3A_252, %and3A_255], %broadcast_in_dim3A_30 {add = true} : memref<80x128xf32, #tpu.memory_space<vmem>>[vector<16xi32>, vector<16xi32>], vector<16xf32>,
          %get3A_256 = arith.constant 32 : index
          %get3A_257 = tpu.vector_load %arg20[%get3A_256] {strides = array<i32>} : memref<80xi32, #tpu.memory_space<vmem>>, vector<16xi32>,
          %shift_right_logical3A_258 = arith.constant 7 : i32
          %shift_right_logical3A_259 = vector.broadcast %shift_right_logical3A_258 : i32 to vector<16xi32>
          %shift_right_logical3A_260 = arith.shrui %get3A_257, %shift_right_logical3A_259 : vector<16xi32>
          %and3A_261 = arith.constant 127 : i32
          %and3A_262 = vector.broadcast %and3A_261 : i32 to vector<16xi32>
          %and3A_263 = arith.andi %get3A_257, %and3A_262 : vector<16xi32>
          tpu.vector_store_idx %arg25[%shift_right_logical3A_260, %and3A_263], %broadcast_in_dim3A_30 {add = true} : memref<80x128xf32, #tpu.memory_space<vmem>>[vector<16xi32>, vector<16xi32>], vector<16xf32>,
          %get3A_264 = arith.constant 48 : index
          %get3A_265 = tpu.vector_load %arg20[%get3A_264] {strides = array<i32>} : memref<80xi32, #tpu.memory_space<vmem>>, vector<16xi32>,
          %shift_right_logical3A_266 = arith.constant 7 : i32
          %shift_right_logical3A_267 = vector.broadcast %shift_right_logical3A_266 : i32 to vector<16xi32>
          %shift_right_logical3A_268 = arith.shrui %get3A_265, %shift_right_logical3A_267 : vector<16xi32>
          %and3A_269 = arith.constant 127 : i32
          %and3A_270 = vector.broadcast %and3A_269 : i32 to vector<16xi32>
          %and3A_271 = arith.andi %get3A_265, %and3A_270 : vector<16xi32>
          tpu.vector_store_idx %arg25[%shift_right_logical3A_268, %and3A_271], %broadcast_in_dim3A_30 {add = true} : memref<80x128xf32, #tpu.memory_space<vmem>>[vector<16xi32>, vector<16xi32>], vector<16xf32>,
          %get3A_272 = arith.constant 64 : index
          %get3A_273 = tpu.vector_load %arg20[%get3A_272] {strides = array<i32>} : memref<80xi32, #tpu.memory_space<vmem>>, vector<16xi32>,
          %shift_right_logical3A_274 = arith.constant 7 : i32
          %shift_right_logical3A_275 = vector.broadcast %shift_right_logical3A_274 : i32 to vector<16xi32>
          %shift_right_logical3A_276 = arith.shrui %get3A_273, %shift_right_logical3A_275 : vector<16xi32>
          %and3A_277 = arith.constant 127 : i32
          %and3A_278 = vector.broadcast %and3A_277 : i32 to vector<16xi32>
          %and3A_279 = arith.andi %get3A_273, %and3A_278 : vector<16xi32>
          tpu.vector_store_idx %arg25[%shift_right_logical3A_276, %and3A_279], %broadcast_in_dim3A_30 {add = true} : memref<80x128xf32, #tpu.memory_space<vmem>>[vector<16xi32>, vector<16xi32>], vector<16xf32>,
        } else {
        }
      }
      %scan3A_176 = arith.constant 25 : i32
      %dma_wait3A = arith.constant 0 : i32
      %dma_wait3A_177 = arith.constant 0 : i32
      %dma_wait3A_178 = tpu.memref_slice %arg26[%dma_wait3A, %dma_wait3A_177] : memref<10240x128xf32, #tpu.memory_space<vmem_shared>> -> memref<10240x128xf32, #tpu.memory_space<vmem_shared>>
      tpu.wait_indirect_dma semaphore(%arg31 : memref<!tpu.dma_semaphore, #tpu.memory_space<semaphore_mem>>) src(%arg22 : memref<80x128xf32, #tpu.memory_space<vmem>>) dst(%dma_wait3A_178 : memref<10240x128xf32, #tpu.memory_space<vmem_shared>>)
      %dma_wait3A_179 = arith.constant 0 : i32
      %dma_wait3A_180 = arith.constant 0 : i32
      %dma_wait3A_181 = tpu.memref_slice %arg26[%dma_wait3A_179, %dma_wait3A_180] : memref<10240x128xf32, #tpu.memory_space<vmem_shared>> -> memref<10240x128xf32, #tpu.memory_space<vmem_shared>>
      tpu.wait_indirect_dma semaphore(%arg32 : memref<!tpu.dma_semaphore, #tpu.memory_space<semaphore_mem>>) src(%arg23 : memref<80x128xf32, #tpu.memory_space<vmem>>) dst(%dma_wait3A_181 : memref<10240x128xf32, #tpu.memory_space<vmem_shared>>)
      %dma_wait3A_182 = arith.constant 0 : i32
      %dma_wait3A_183 = arith.constant 0 : i32
      %dma_wait3A_184 = tpu.memref_slice %arg26[%dma_wait3A_182, %dma_wait3A_183] : memref<10240x128xf32, #tpu.memory_space<vmem_shared>> -> memref<10240x128xf32, #tpu.memory_space<vmem_shared>>
      tpu.wait_indirect_dma semaphore(%arg33 : memref<!tpu.dma_semaphore, #tpu.memory_space<semaphore_mem>>) src(%arg24 : memref<80x128xf32, #tpu.memory_space<vmem>>) dst(%dma_wait3A_184 : memref<10240x128xf32, #tpu.memory_space<vmem_shared>>)
    }
    %scan3A_65 = arith.constant 5 : i32
    "tpu.region"() ({
      %run_scoped3A = tpu.sem_alloc : memref<!tpu.dma_semaphore, #tpu.memory_space<semaphore_mem>>
      %dma_start3A = arith.constant 0 : i32
      %dma_start3A_78 = arith.constant 0 : i32
      %dma_start3A_79 = tpu.memref_slice %arg27[%dma_start3A, %dma_start3A_78] : memref<80x128xf32, #tpu.memory_space<vmem_shared>> -> memref<80x128xf32, #tpu.memory_space<vmem_shared>>
      tpu.enqueue_indirect_dma source(%arg25 : memref<80x128xf32, #tpu.memory_space<vmem>>) target(%dma_start3A_79 : memref<80x128xf32, #tpu.memory_space<vmem_shared>>) offsets(%arg21 : memref<80xi32, #tpu.memory_space<vmem>>) semaphore(%run_scoped3A : memref<!tpu.dma_semaphore, #tpu.memory_space<semaphore_mem>>) {add = true}
      %dma_wait3A = arith.constant 0 : i32
      %dma_wait3A_80 = arith.constant 0 : i32
      %dma_wait3A_81 = tpu.memref_slice %arg27[%dma_wait3A, %dma_wait3A_80] : memref<80x128xf32, #tpu.memory_space<vmem_shared>> -> memref<80x128xf32, #tpu.memory_space<vmem_shared>>
      tpu.wait_indirect_dma semaphore(%run_scoped3A : memref<!tpu.dma_semaphore, #tpu.memory_space<semaphore_mem>>) src(%arg25 : memref<80x128xf32, #tpu.memory_space<vmem>>) dst(%dma_wait3A_81 : memref<80x128xf32, #tpu.memory_space<vmem_shared>>)
      tpu.yield
    }) : () -> ()
    %barrier3A_66 = arith.constant 0 : index
    tpu.barrier barrier_id(%barrier3A_66)
    %mul3A_67 = arith.constant 640 : i32
    %mul3A_68 = arith.muli %arg1, %mul3A_67 : i32
    %mul3A_69 = arith.constant 640 : i32
    %mul3A_70 = arith.muli %arg1, %mul3A_69 : i32
    %add3A_71 = arith.addi %mul3A_2, %mul3A_70 : i32
    "tpu.region"() ({
      %run_scoped3A = tpu.sem_alloc : memref<!tpu.dma_semaphore, #tpu.memory_space<semaphore_mem>>
      %dma_start3A = arith.constant 0 : i32
      %dma_start3A_78 = tpu.memref_slice %arg10[%add3A_71, %dma_start3A] : memref<20480x128xf32, #tpu.memory_space<hbm>> -> memref<640x128xf32, #tpu.memory_space<hbm>>
      %dma_start3A_79 = arith.constant 0 : i32
      %dma_start3A_80 = tpu.memref_slice %arg26[%mul3A_68, %dma_start3A_79] : memref<10240x128xf32, #tpu.memory_space<vmem_shared>> -> memref<640x128xf32, #tpu.memory_space<vmem_shared>>
      tpu.enqueue_dma source(%dma_start3A_80 : memref<640x128xf32, #tpu.memory_space<vmem_shared>>) target(%dma_start3A_78 : memref<640x128xf32, #tpu.memory_space<hbm>>) target_semaphore(%run_scoped3A : memref<!tpu.dma_semaphore, #tpu.memory_space<semaphore_mem>>)
      %dma_wait3A = arith.constant 0 : i32
      %dma_wait3A_81 = tpu.memref_slice %arg10[%add3A_71, %dma_wait3A] : memref<20480x128xf32, #tpu.memory_space<hbm>> -> memref<640x128xf32, #tpu.memory_space<hbm>>
      %dma_wait3A_82 = arith.constant 0 : i32
      %dma_wait3A_83 = tpu.memref_slice %arg26[%mul3A_68, %dma_wait3A_82] : memref<10240x128xf32, #tpu.memory_space<vmem_shared>> -> memref<640x128xf32, #tpu.memory_space<vmem_shared>>
      tpu.wait_dma2 semaphore(%run_scoped3A : memref<!tpu.dma_semaphore, #tpu.memory_space<semaphore_mem>>) src(%dma_wait3A_83 : memref<640x128xf32, #tpu.memory_space<vmem_shared>>) dst(%dma_wait3A_81 : memref<640x128xf32, #tpu.memory_space<hbm>>)
      tpu.yield
    }) : () -> ()
    %eq3A_72 = arith.constant 0 : i32
    %eq3A_73 = arith.cmpi eq, %arg1, %eq3A_72 : i32
    %convert_element_type3A_74 = arith.extui %eq3A_73 : i1 to i32
    %cond3A_75 = arith.constant 0 : i32
    %cond3A_76 = arith.cmpi ne, %convert_element_type3A_74, %cond3A_75 : i32
    scf.if %cond3A_76 {
      %mul3A_78 = arith.constant 80 : i32
      %mul3A_79 = arith.muli %arg0, %mul3A_78 : i32
      "tpu.region"() ({
        %run_scoped3A = tpu.sem_alloc : memref<!tpu.dma_semaphore, #tpu.memory_space<semaphore_mem>>
        %dma_start3A = arith.constant 0 : i32
        %dma_start3A_80 = tpu.memref_slice %arg12[%mul3A_79, %dma_start3A] : memref<160x128xf32, #tpu.memory_space<hbm>> -> memref<80x128xf32, #tpu.memory_space<hbm>>
        tpu.enqueue_dma source(%arg27 : memref<80x128xf32, #tpu.memory_space<vmem_shared>>) target(%dma_start3A_80 : memref<80x128xf32, #tpu.memory_space<hbm>>) target_semaphore(%run_scoped3A : memref<!tpu.dma_semaphore, #tpu.memory_space<semaphore_mem>>)
        %dma_wait3A = arith.constant 0 : i32
        %dma_wait3A_81 = tpu.memref_slice %arg12[%mul3A_79, %dma_wait3A] : memref<160x128xf32, #tpu.memory_space<hbm>> -> memref<80x128xf32, #tpu.memory_space<hbm>>
        tpu.wait_dma2 semaphore(%run_scoped3A : memref<!tpu.dma_semaphore, #tpu.memory_space<semaphore_mem>>) src(%arg27 : memref<80x128xf32, #tpu.memory_space<vmem_shared>>) dst(%dma_wait3A_81 : memref<80x128xf32, #tpu.memory_space<hbm>>)
        tpu.yield
      }) : () -> ()
    } else {
    }
    %barrier3A_77 = arith.constant 0 : index
    tpu.barrier barrier_id(%barrier3A_77)
    return
  }
}

module attributes {stable_mosaic.version = 14 : i64} {
  func.func @_tc_a_body(%arg0: i32, %arg1: memref<2000x256xf32, #tpu.memory_space<vmem>>, %arg2: memref<2000x256xf32, #tpu.memory_space<vmem>>, %arg3: memref<1x2000x128xf32, #tpu.memory_space<vmem>>, %arg4: memref<1x2000x128xf32, #tpu.memory_space<vmem>>, %arg5: memref<1x2000x128xf32, #tpu.memory_space<vmem>>, %arg6: memref<1x2000x128xf32, #tpu.memory_space<vmem>>, %arg7: memref<2000x1xf32, #tpu.memory_space<vmem>>, %arg8: memref<2000x1xf32, #tpu.memory_space<vmem>>, %arg9: memref<256x256xf32, #tpu.memory_space<vmem>>, %arg10: memref<256x256xf32, #tpu.memory_space<vmem>>, %arg11: memref<256x256xf32, #tpu.memory_space<vmem>>, %arg12: memref<256x256xf32, #tpu.memory_space<vmem>>, %arg13: memref<2000x256xf32, #tpu.memory_space<vmem>>, %arg14: memref<2000x256xf32, #tpu.memory_space<vmem>>, %arg15: memref<4x256xf32, #tpu.memory_space<vmem>>) attributes {dimension_semantics = [#tpu.dimension_semantics<arbitrary>], iteration_bounds = array<i64: 5>, scalar_prefetch = 0 : i64, scratch_operands = 0 : i64, tpu.core_type = #tpu.core_type<tc>, window_params = [{transform_indices = @transform_0, window_bounds = array<i64: 2000, 256>}, {transform_indices = @transform_1, window_bounds = array<i64: 2000, 256>}, {transform_indices = @transform_2, window_bounds = array<i64: 1, 2000, 128>}, {transform_indices = @transform_3, window_bounds = array<i64: 1, 2000, 128>}, {transform_indices = @transform_4, window_bounds = array<i64: 1, 2000, 128>}, {transform_indices = @transform_5, window_bounds = array<i64: 1, 2000, 128>}, {transform_indices = @transform_6, window_bounds = array<i64: 2000, 1>}, {transform_indices = @transform_7, window_bounds = array<i64: 2000, 1>}, {pipeline_mode = #tpu.pipeline_mode<synchronous>, transform_indices = @transform_8, window_bounds = array<i64: 256, 256>}, {pipeline_mode = #tpu.pipeline_mode<synchronous>, transform_indices = @transform_9, window_bounds = array<i64: 256, 256>}, {pipeline_mode = #tpu.pipeline_mode<synchronous>, transform_indices = @transform_10, window_bounds = array<i64: 256, 256>}, {pipeline_mode = #tpu.pipeline_mode<synchronous>, transform_indices = @transform_11, window_bounds = array<i64: 256, 256>}, {transform_indices = @transform_12, window_bounds = array<i64: 2000, 256>}, {transform_indices = @transform_13, window_bounds = array<i64: 2000, 256>}, {pipeline_mode = #tpu.pipeline_mode<synchronous>, transform_indices = @transform_14, window_bounds = array<i64: 4, 256>}]} {
    %get3A = arith.constant 0 : index
    %get3A_0 = arith.constant 0 : index
    %get3A_1 = arith.constant 0 : index
    %get3A_2 = vector.load %arg3[%get3A, %get3A_0, %get3A_1] : memref<1x2000x128xf32, #tpu.memory_space<vmem>>, vector<1x2000x128xf32>
    %get3A_3 = vector.shape_cast %get3A_2 : vector<1x2000x128xf32> to vector<2000x128xf32>
    %get3A_4 = arith.constant 0 : index
    %get3A_5 = arith.constant 0 : index
    %get3A_6 = arith.constant 0 : index
    %get3A_7 = vector.load %arg4[%get3A_4, %get3A_5, %get3A_6] : memref<1x2000x128xf32, #tpu.memory_space<vmem>>, vector<1x2000x128xf32>
    %get3A_8 = vector.shape_cast %get3A_7 : vector<1x2000x128xf32> to vector<2000x128xf32>
    %concatenate3A = tpu.concatenate %get3A_3, %get3A_8 in 1 : vector<2000x128xf32>, vector<2000x128xf32> -> vector<2000x256xf32>
    %get3A_9 = arith.constant 0 : index
    %get3A_10 = arith.constant 0 : index
    %get3A_11 = arith.constant 0 : index
    %get3A_12 = vector.load %arg5[%get3A_9, %get3A_10, %get3A_11] : memref<1x2000x128xf32, #tpu.memory_space<vmem>>, vector<1x2000x128xf32>
    %get3A_13 = vector.shape_cast %get3A_12 : vector<1x2000x128xf32> to vector<2000x128xf32>
    %get3A_14 = arith.constant 0 : index
    %get3A_15 = arith.constant 0 : index
    %get3A_16 = arith.constant 0 : index
    %get3A_17 = vector.load %arg6[%get3A_14, %get3A_15, %get3A_16] : memref<1x2000x128xf32, #tpu.memory_space<vmem>>, vector<1x2000x128xf32>
    %get3A_18 = vector.shape_cast %get3A_17 : vector<1x2000x128xf32> to vector<2000x128xf32>
    %concatenate3A_19 = tpu.concatenate %get3A_13, %get3A_18 in 1 : vector<2000x128xf32>, vector<2000x128xf32> -> vector<2000x256xf32>
    %get3A_20 = arith.constant 0 : index
    %get3A_21 = arith.constant 0 : index
    %get3A_22 = vector.load %arg7[%get3A_20, %get3A_21] : memref<2000x1xf32, #tpu.memory_space<vmem>>, vector<2000x1xf32>
    %max3A = arith.constant 1.000000e+00 : f32
    %max3A_23 = vector.broadcast %max3A : f32 to vector<2000x1xf32>
    %max3A_24 = arith.maximumf %get3A_22, %max3A_23 : vector<2000x1xf32>
    %get3A_25 = arith.constant 0 : index
    %get3A_26 = arith.constant 0 : index
    %get3A_27 = vector.load %arg8[%get3A_25, %get3A_26] : memref<2000x1xf32, #tpu.memory_space<vmem>>, vector<2000x1xf32>
    %max3A_28 = arith.constant 1.000000e+00 : f32
    %max3A_29 = vector.broadcast %max3A_28 : f32 to vector<2000x1xf32>
    %max3A_30 = arith.maximumf %get3A_27, %max3A_29 : vector<2000x1xf32>
    %get3A_31 = arith.constant 0 : index
    %get3A_32 = arith.constant 0 : index
    %get3A_33 = vector.load %arg9[%get3A_31, %get3A_32] : memref<256x256xf32, #tpu.memory_space<vmem>>, vector<256x256xf32>
    %dot_general3A = arith.constant dense<0.000000e+00> : vector<2000x256xf32>
    %dot_general3A_34 = tpu.matmul %concatenate3A, %get3A_33, %dot_general3A {dimension_numbers = #tpu.dot_dimension_numbers<[1], [0], [0], [1], [0, 0, 1, 1], [], []>, transpose_lhs_hint = false} : vector<2000x256xf32>, vector<256x256xf32>, vector<2000x256xf32> -> vector<2000x256xf32>
    %div3A = vector.broadcast %max3A_24 : vector<2000x1xf32> to vector<2000x256xf32>
    %div3A_35 = arith.divf %dot_general3A_34, %div3A : vector<2000x256xf32>
    %get3A_36 = arith.constant 0 : index
    %get3A_37 = arith.constant 0 : index
    %get3A_38 = vector.load %arg1[%get3A_36, %get3A_37] : memref<2000x256xf32, #tpu.memory_space<vmem>>, vector<2000x256xf32>
    %get3A_39 = arith.constant 0 : index
    %get3A_40 = arith.constant 0 : index
    %get3A_41 = vector.load %arg10[%get3A_39, %get3A_40] : memref<256x256xf32, #tpu.memory_space<vmem>>, vector<256x256xf32>
    %dot_general3A_42 = arith.constant dense<0.000000e+00> : vector<2000x256xf32>
    %dot_general3A_43 = tpu.matmul %get3A_38, %get3A_41, %dot_general3A_42 {dimension_numbers = #tpu.dot_dimension_numbers<[1], [0], [0], [1], [0, 0, 1, 1], [], []>, transpose_lhs_hint = false} : vector<2000x256xf32>, vector<256x256xf32>, vector<2000x256xf32> -> vector<2000x256xf32>
    %add3A = arith.addf %div3A_35, %dot_general3A_43 : vector<2000x256xf32>
    %max3A_44 = arith.constant 0.000000e+00 : f32
    %max3A_45 = vector.broadcast %max3A_44 : f32 to vector<2000x256xf32>
    %max3A_46 = arith.maximumf %add3A, %max3A_45 : vector<2000x256xf32>
    %get3A_47 = arith.constant 0 : index
    %get3A_48 = arith.constant 0 : index
    %get3A_49 = vector.load %arg11[%get3A_47, %get3A_48] : memref<256x256xf32, #tpu.memory_space<vmem>>, vector<256x256xf32>
    %dot_general3A_50 = arith.constant dense<0.000000e+00> : vector<2000x256xf32>
    %dot_general3A_51 = tpu.matmul %concatenate3A_19, %get3A_49, %dot_general3A_50 {dimension_numbers = #tpu.dot_dimension_numbers<[1], [0], [0], [1], [0, 0, 1, 1], [], []>, transpose_lhs_hint = false} : vector<2000x256xf32>, vector<256x256xf32>, vector<2000x256xf32> -> vector<2000x256xf32>
    %div3A_52 = vector.broadcast %max3A_30 : vector<2000x1xf32> to vector<2000x256xf32>
    %div3A_53 = arith.divf %dot_general3A_51, %div3A_52 : vector<2000x256xf32>
    %get3A_54 = arith.constant 0 : index
    %get3A_55 = arith.constant 0 : index
    %get3A_56 = vector.load %arg2[%get3A_54, %get3A_55] : memref<2000x256xf32, #tpu.memory_space<vmem>>, vector<2000x256xf32>
    %get3A_57 = arith.constant 0 : index
    %get3A_58 = arith.constant 0 : index
    %get3A_59 = vector.load %arg12[%get3A_57, %get3A_58] : memref<256x256xf32, #tpu.memory_space<vmem>>, vector<256x256xf32>
    %dot_general3A_60 = arith.constant dense<0.000000e+00> : vector<2000x256xf32>
    %dot_general3A_61 = tpu.matmul %get3A_56, %get3A_59, %dot_general3A_60 {dimension_numbers = #tpu.dot_dimension_numbers<[1], [0], [0], [1], [0, 0, 1, 1], [], []>, transpose_lhs_hint = false} : vector<2000x256xf32>, vector<256x256xf32>, vector<2000x256xf32> -> vector<2000x256xf32>
    %add3A_62 = arith.addf %div3A_53, %dot_general3A_61 : vector<2000x256xf32>
    %max3A_63 = arith.constant 0.000000e+00 : f32
    %max3A_64 = vector.broadcast %max3A_63 : f32 to vector<2000x256xf32>
    %max3A_65 = arith.maximumf %add3A_62, %max3A_64 : vector<2000x256xf32>
    %swap3A = arith.constant 0 : index
    %swap3A_66 = arith.constant 0 : index
    %swap3A_67 = vector.load %arg13[%swap3A, %swap3A_66] : memref<2000x256xf32, #tpu.memory_space<vmem>>, vector<2000x256xf32>
    tpu.vector_store %arg13[%swap3A, %swap3A_66], %max3A_46 {strides = array<i32>} : memref<2000x256xf32, #tpu.memory_space<vmem>>, vector<2000x256xf32>,
    %swap3A_68 = arith.constant 0 : index
    %swap3A_69 = arith.constant 0 : index
    %swap3A_70 = vector.load %arg14[%swap3A_68, %swap3A_69] : memref<2000x256xf32, #tpu.memory_space<vmem>>, vector<2000x256xf32>
    tpu.vector_store %arg14[%swap3A_68, %swap3A_69], %max3A_65 {strides = array<i32>} : memref<2000x256xf32, #tpu.memory_space<vmem>>, vector<2000x256xf32>,
    %reduce_sum3A = arith.constant dense<0.000000e+00> : vector<256xf32>
    %reduce_sum3A_71 = vector.multi_reduction <add>, %max3A_46, %reduce_sum3A [0] : vector<2000x256xf32> to vector<256xf32>
    %broadcast_in_dim3A = vector.shape_cast %reduce_sum3A_71 : vector<256xf32> to vector<1x256xf32>
    %mul3A = arith.mulf %max3A_46, %max3A_46 : vector<2000x256xf32>
    %reduce_sum3A_72 = arith.constant dense<0.000000e+00> : vector<256xf32>
    %reduce_sum3A_73 = vector.multi_reduction <add>, %mul3A, %reduce_sum3A_72 [0] : vector<2000x256xf32> to vector<256xf32>
    %broadcast_in_dim3A_74 = vector.shape_cast %reduce_sum3A_73 : vector<256xf32> to vector<1x256xf32>
    %reduce_sum3A_75 = arith.constant dense<0.000000e+00> : vector<256xf32>
    %reduce_sum3A_76 = vector.multi_reduction <add>, %max3A_65, %reduce_sum3A_75 [0] : vector<2000x256xf32> to vector<256xf32>
    %broadcast_in_dim3A_77 = vector.shape_cast %reduce_sum3A_76 : vector<256xf32> to vector<1x256xf32>
    %mul3A_78 = arith.mulf %max3A_65, %max3A_65 : vector<2000x256xf32>
    %reduce_sum3A_79 = arith.constant dense<0.000000e+00> : vector<256xf32>
    %reduce_sum3A_80 = vector.multi_reduction <add>, %mul3A_78, %reduce_sum3A_79 [0] : vector<2000x256xf32> to vector<256xf32>
    %broadcast_in_dim3A_81 = vector.shape_cast %reduce_sum3A_80 : vector<256xf32> to vector<1x256xf32>
    %concatenate3A_82 = tpu.concatenate %broadcast_in_dim3A, %broadcast_in_dim3A_74, %broadcast_in_dim3A_77, %broadcast_in_dim3A_81 in 0 : vector<1x256xf32>, vector<1x256xf32>, vector<1x256xf32>, vector<1x256xf32> -> vector<4x256xf32>
    %eq3A = arith.constant 0 : i32
    %eq3A_83 = arith.cmpi eq, %arg0, %eq3A : i32
    %convert_element_type3A = arith.extui %eq3A_83 : i1 to i32
    %cond3A = arith.constant 0 : i32
    %cond3A_84 = arith.cmpi ne, %convert_element_type3A, %cond3A : i32
    scf.if %cond3A_84 {
      %swap3A_89 = arith.constant 0 : index
      %swap3A_90 = arith.constant 0 : index
      %swap3A_91 = vector.load %arg15[%swap3A_89, %swap3A_90] : memref<4x256xf32, #tpu.memory_space<vmem>>, vector<4x256xf32>
      tpu.vector_store %arg15[%swap3A_89, %swap3A_90], %concatenate3A_82 {strides = array<i32>} : memref<4x256xf32, #tpu.memory_space<vmem>>, vector<4x256xf32>,
    } else {
    }
    %ne3A = arith.constant 0 : i32
    %ne3A_85 = arith.cmpi ne, %arg0, %ne3A : i32
    %convert_element_type3A_86 = arith.extui %ne3A_85 : i1 to i32
    %cond3A_87 = arith.constant 0 : i32
    %cond3A_88 = arith.cmpi ne, %convert_element_type3A_86, %cond3A_87 : i32
    scf.if %cond3A_88 {
      %get3A_89 = arith.constant 0 : index
      %get3A_90 = arith.constant 0 : index
      %get3A_91 = vector.load %arg15[%get3A_89, %get3A_90] : memref<4x256xf32, #tpu.memory_space<vmem>>, vector<4x256xf32>
      %add3A_92 = arith.addf %get3A_91, %concatenate3A_82 : vector<4x256xf32>
      %swap3A_93 = arith.constant 0 : index
      %swap3A_94 = arith.constant 0 : index
      %swap3A_95 = vector.load %arg15[%swap3A_93, %swap3A_94] : memref<4x256xf32, #tpu.memory_space<vmem>>, vector<4x256xf32>
      tpu.vector_store %arg15[%swap3A_93, %swap3A_94], %add3A_92 {strides = array<i32>} : memref<4x256xf32, #tpu.memory_space<vmem>>, vector<4x256xf32>,
    } else {
    }
    return
  }
  func.func @transform_0(%arg0: i32) -> (i32, i32) {
    %c0_i32 = arith.constant 0 : i32
    %c0_i32_0 = arith.constant 0 : i32
    return %arg0, %c0_i32 : i32, i32
  }
  func.func @transform_1(%arg0: i32) -> (i32, i32) {
    %c0_i32 = arith.constant 0 : i32
    %c0_i32_0 = arith.constant 0 : i32
    return %arg0, %c0_i32 : i32, i32
  }
  func.func @transform_2(%arg0: i32) -> (i32, i32, i32) {
    %c0_i32 = arith.constant 0 : i32
    %c0_i32_0 = arith.constant 0 : i32
    %c0_i32_1 = arith.constant 0 : i32
    return %c0_i32, %arg0, %c0_i32_0 : i32, i32, i32
  }
  func.func @transform_3(%arg0: i32) -> (i32, i32, i32) {
    %c1_i32 = arith.constant 1 : i32
    %c0_i32 = arith.constant 0 : i32
    %c0_i32_0 = arith.constant 0 : i32
    return %c1_i32, %arg0, %c0_i32 : i32, i32, i32
  }
  func.func @transform_4(%arg0: i32) -> (i32, i32, i32) {
    %c0_i32 = arith.constant 0 : i32
    %c0_i32_0 = arith.constant 0 : i32
    %c0_i32_1 = arith.constant 0 : i32
    return %c0_i32, %arg0, %c0_i32_0 : i32, i32, i32
  }
  func.func @transform_5(%arg0: i32) -> (i32, i32, i32) {
    %c1_i32 = arith.constant 1 : i32
    %c0_i32 = arith.constant 0 : i32
    %c0_i32_0 = arith.constant 0 : i32
    return %c1_i32, %arg0, %c0_i32 : i32, i32, i32
  }
  func.func @transform_6(%arg0: i32) -> (i32, i32) {
    %c0_i32 = arith.constant 0 : i32
    %c0_i32_0 = arith.constant 0 : i32
    return %arg0, %c0_i32 : i32, i32
  }
  func.func @transform_7(%arg0: i32) -> (i32, i32) {
    %c0_i32 = arith.constant 0 : i32
    %c0_i32_0 = arith.constant 0 : i32
    return %arg0, %c0_i32 : i32, i32
  }
  func.func @transform_8(%arg0: i32) -> (i32, i32) {
    %c0_i32 = arith.constant 0 : i32
    %c0_i32_0 = arith.constant 0 : i32
    %c0_i32_1 = arith.constant 0 : i32
    return %c0_i32, %c0_i32_0 : i32, i32
  }
  func.func @transform_9(%arg0: i32) -> (i32, i32) {
    %c0_i32 = arith.constant 0 : i32
    %c0_i32_0 = arith.constant 0 : i32
    %c0_i32_1 = arith.constant 0 : i32
    return %c0_i32, %c0_i32_0 : i32, i32
  }
  func.func @transform_10(%arg0: i32) -> (i32, i32) {
    %c0_i32 = arith.constant 0 : i32
    %c0_i32_0 = arith.constant 0 : i32
    %c0_i32_1 = arith.constant 0 : i32
    return %c0_i32, %c0_i32_0 : i32, i32
  }
  func.func @transform_11(%arg0: i32) -> (i32, i32) {
    %c0_i32 = arith.constant 0 : i32
    %c0_i32_0 = arith.constant 0 : i32
    %c0_i32_1 = arith.constant 0 : i32
    return %c0_i32, %c0_i32_0 : i32, i32
  }
  func.func @transform_12(%arg0: i32) -> (i32, i32) {
    %c0_i32 = arith.constant 0 : i32
    %c0_i32_0 = arith.constant 0 : i32
    return %arg0, %c0_i32 : i32, i32
  }
  func.func @transform_13(%arg0: i32) -> (i32, i32) {
    %c0_i32 = arith.constant 0 : i32
    %c0_i32_0 = arith.constant 0 : i32
    return %arg0, %c0_i32 : i32, i32
  }
  func.func @transform_14(%arg0: i32) -> (i32, i32) {
    %c0_i32 = arith.constant 0 : i32
    %c0_i32_0 = arith.constant 0 : i32
    %c0_i32_1 = arith.constant 0 : i32
    return %c0_i32, %c0_i32_0 : i32, i32
  }
}

module attributes {stable_mosaic.version = 14 : i64} {
  func.func @_tc_b_body(%arg0: i32, %arg1: memref<2000x256xf32, #tpu.memory_space<vmem>>, %arg2: memref<2000x256xf32, #tpu.memory_space<vmem>>, %arg3: memref<4x256xf32, #tpu.memory_space<vmem>>, %arg4: memref<1x256xf32, #tpu.memory_space<vmem>>, %arg5: memref<1x256xf32, #tpu.memory_space<vmem>>, %arg6: memref<1x256xf32, #tpu.memory_space<vmem>>, %arg7: memref<2000x256xf32, #tpu.memory_space<vmem>>, %arg8: memref<2000x256xf32, #tpu.memory_space<vmem>>) attributes {dimension_semantics = [#tpu.dimension_semantics<arbitrary>], iteration_bounds = array<i64: 5>, scalar_prefetch = 0 : i64, scratch_operands = 0 : i64, tpu.core_type = #tpu.core_type<tc>, window_params = [{transform_indices = @transform_0, window_bounds = array<i64: 2000, 256>}, {transform_indices = @transform_1, window_bounds = array<i64: 2000, 256>}, {pipeline_mode = #tpu.pipeline_mode<synchronous>, transform_indices = @transform_2, window_bounds = array<i64: 4, 256>}, {pipeline_mode = #tpu.pipeline_mode<synchronous>, transform_indices = @transform_3, window_bounds = array<i64: 1, 256>}, {pipeline_mode = #tpu.pipeline_mode<synchronous>, transform_indices = @transform_4, window_bounds = array<i64: 1, 256>}, {pipeline_mode = #tpu.pipeline_mode<synchronous>, transform_indices = @transform_5, window_bounds = array<i64: 1, 256>}, {transform_indices = @transform_6, window_bounds = array<i64: 2000, 256>}, {transform_indices = @transform_7, window_bounds = array<i64: 2000, 256>}]} {
    %get3A = arith.constant 0 : index
    %get3A_0 = arith.constant 0 : index
    %get3A_1 = vector.load %arg6[%get3A, %get3A_0] : memref<1x256xf32, #tpu.memory_space<vmem>>, vector<1x256xf32>
    %get3A_2 = arith.constant 0 : index
    %get3A_3 = arith.constant 0 : index
    %get3A_4 = vector.load %arg4[%get3A_2, %get3A_3] : memref<1x256xf32, #tpu.memory_space<vmem>>, vector<1x256xf32>
    %get3A_5 = arith.constant 0 : index
    %get3A_6 = arith.constant 0 : index
    %get3A_7 = vector.load %arg5[%get3A_5, %get3A_6] : memref<1x256xf32, #tpu.memory_space<vmem>>, vector<1x256xf32>
    %get3A_8 = arith.constant 0 : index
    %get3A_9 = arith.constant 0 : index
    %get3A_10 = vector.load %arg3[%get3A_8, %get3A_9] : memref<4x256xf32, #tpu.memory_space<vmem>>, vector<1x256xf32>
    %div3A = arith.constant 1.000000e+04 : f32
    %div3A_11 = vector.broadcast %div3A : f32 to vector<1x256xf32>
    %div3A_12 = arith.divf %get3A_10, %div3A_11 : vector<1x256xf32>
    %get3A_13 = arith.constant 1 : index
    %get3A_14 = arith.constant 0 : index
    %get3A_15 = vector.load %arg3[%get3A_13, %get3A_14] : memref<4x256xf32, #tpu.memory_space<vmem>>, vector<1x256xf32>
    %div3A_16 = arith.constant 1.000000e+04 : f32
    %div3A_17 = vector.broadcast %div3A_16 : f32 to vector<1x256xf32>
    %div3A_18 = arith.divf %get3A_15, %div3A_17 : vector<1x256xf32>
    %mul3A = arith.mulf %div3A_12, %div3A_12 : vector<1x256xf32>
    %sub3A = arith.subf %div3A_18, %mul3A : vector<1x256xf32>
    %add3A = arith.constant 9.99999974E-6 : f32
    %add3A_19 = vector.broadcast %add3A : f32 to vector<1x256xf32>
    %add3A_20 = arith.addf %sub3A, %add3A_19 : vector<1x256xf32>
    %rsqrt3A = math.rsqrt %add3A_20 : vector<1x256xf32>
    %mul3A_21 = arith.mulf %get3A_4, %rsqrt3A : vector<1x256xf32>
    %mul3A_22 = arith.mulf %get3A_1, %mul3A_21 : vector<1x256xf32>
    %sub3A_23 = arith.constant 1.000000e+00 : f32
    %sub3A_24 = vector.broadcast %sub3A_23 : f32 to vector<1x256xf32>
    %sub3A_25 = arith.subf %sub3A_24, %get3A_1 : vector<1x256xf32>
    %add3A_26 = arith.addf %mul3A_22, %sub3A_25 : vector<1x256xf32>
    %mul3A_27 = arith.mulf %div3A_12, %mul3A_21 : vector<1x256xf32>
    %sub3A_28 = arith.subf %get3A_7, %mul3A_27 : vector<1x256xf32>
    %mul3A_29 = arith.mulf %get3A_1, %sub3A_28 : vector<1x256xf32>
    %get3A_30 = arith.constant 0 : index
    %get3A_31 = arith.constant 0 : index
    %get3A_32 = vector.load %arg1[%get3A_30, %get3A_31] : memref<2000x256xf32, #tpu.memory_space<vmem>>, vector<2000x256xf32>
    %mul3A_33 = vector.broadcast %add3A_26 : vector<1x256xf32> to vector<2000x256xf32>
    %mul3A_34 = arith.mulf %get3A_32, %mul3A_33 : vector<2000x256xf32>
    %add3A_35 = vector.broadcast %mul3A_29 : vector<1x256xf32> to vector<2000x256xf32>
    %add3A_36 = arith.addf %mul3A_34, %add3A_35 : vector<2000x256xf32>
    %swap3A = arith.constant 0 : index
    %swap3A_37 = arith.constant 0 : index
    %swap3A_38 = vector.load %arg7[%swap3A, %swap3A_37] : memref<2000x256xf32, #tpu.memory_space<vmem>>, vector<2000x256xf32>
    tpu.vector_store %arg7[%swap3A, %swap3A_37], %add3A_36 {strides = array<i32>} : memref<2000x256xf32, #tpu.memory_space<vmem>>, vector<2000x256xf32>,
    %get3A_39 = arith.constant 2 : index
    %get3A_40 = arith.constant 0 : index
    %get3A_41 = vector.load %arg3[%get3A_39, %get3A_40] : memref<4x256xf32, #tpu.memory_space<vmem>>, vector<1x256xf32>
    %div3A_42 = arith.constant 1.000000e+04 : f32
    %div3A_43 = vector.broadcast %div3A_42 : f32 to vector<1x256xf32>
    %div3A_44 = arith.divf %get3A_41, %div3A_43 : vector<1x256xf32>
    %get3A_45 = arith.constant 3 : index
    %get3A_46 = arith.constant 0 : index
    %get3A_47 = vector.load %arg3[%get3A_45, %get3A_46] : memref<4x256xf32, #tpu.memory_space<vmem>>, vector<1x256xf32>
    %div3A_48 = arith.constant 1.000000e+04 : f32
    %div3A_49 = vector.broadcast %div3A_48 : f32 to vector<1x256xf32>
    %div3A_50 = arith.divf %get3A_47, %div3A_49 : vector<1x256xf32>
    %mul3A_51 = arith.mulf %div3A_44, %div3A_44 : vector<1x256xf32>
    %sub3A_52 = arith.subf %div3A_50, %mul3A_51 : vector<1x256xf32>
    %add3A_53 = arith.constant 9.99999974E-6 : f32
    %add3A_54 = vector.broadcast %add3A_53 : f32 to vector<1x256xf32>
    %add3A_55 = arith.addf %sub3A_52, %add3A_54 : vector<1x256xf32>
    %rsqrt3A_56 = math.rsqrt %add3A_55 : vector<1x256xf32>
    %mul3A_57 = arith.mulf %get3A_4, %rsqrt3A_56 : vector<1x256xf32>
    %mul3A_58 = arith.mulf %get3A_1, %mul3A_57 : vector<1x256xf32>
    %sub3A_59 = arith.constant 1.000000e+00 : f32
    %sub3A_60 = vector.broadcast %sub3A_59 : f32 to vector<1x256xf32>
    %sub3A_61 = arith.subf %sub3A_60, %get3A_1 : vector<1x256xf32>
    %add3A_62 = arith.addf %mul3A_58, %sub3A_61 : vector<1x256xf32>
    %mul3A_63 = arith.mulf %div3A_44, %mul3A_57 : vector<1x256xf32>
    %sub3A_64 = arith.subf %get3A_7, %mul3A_63 : vector<1x256xf32>
    %mul3A_65 = arith.mulf %get3A_1, %sub3A_64 : vector<1x256xf32>
    %get3A_66 = arith.constant 0 : index
    %get3A_67 = arith.constant 0 : index
    %get3A_68 = vector.load %arg2[%get3A_66, %get3A_67] : memref<2000x256xf32, #tpu.memory_space<vmem>>, vector<2000x256xf32>
    %mul3A_69 = vector.broadcast %add3A_62 : vector<1x256xf32> to vector<2000x256xf32>
    %mul3A_70 = arith.mulf %get3A_68, %mul3A_69 : vector<2000x256xf32>
    %add3A_71 = vector.broadcast %mul3A_65 : vector<1x256xf32> to vector<2000x256xf32>
    %add3A_72 = arith.addf %mul3A_70, %add3A_71 : vector<2000x256xf32>
    %swap3A_73 = arith.constant 0 : index
    %swap3A_74 = arith.constant 0 : index
    %swap3A_75 = vector.load %arg8[%swap3A_73, %swap3A_74] : memref<2000x256xf32, #tpu.memory_space<vmem>>, vector<2000x256xf32>
    tpu.vector_store %arg8[%swap3A_73, %swap3A_74], %add3A_72 {strides = array<i32>} : memref<2000x256xf32, #tpu.memory_space<vmem>>, vector<2000x256xf32>,
    return
  }
  func.func @transform_0(%arg0: i32) -> (i32, i32) {
    %c0_i32 = arith.constant 0 : i32
    %c0_i32_0 = arith.constant 0 : i32
    return %arg0, %c0_i32 : i32, i32
  }
  func.func @transform_1(%arg0: i32) -> (i32, i32) {
    %c0_i32 = arith.constant 0 : i32
    %c0_i32_0 = arith.constant 0 : i32
    return %arg0, %c0_i32 : i32, i32
  }
  func.func @transform_2(%arg0: i32) -> (i32, i32) {
    %c0_i32 = arith.constant 0 : i32
    %c0_i32_0 = arith.constant 0 : i32
    %c0_i32_1 = arith.constant 0 : i32
    return %c0_i32, %c0_i32_0 : i32, i32
  }
  func.func @transform_3(%arg0: i32) -> (i32, i32) {
    %c0_i32 = arith.constant 0 : i32
    %c0_i32_0 = arith.constant 0 : i32
    %c0_i32_1 = arith.constant 0 : i32
    return %c0_i32, %c0_i32_0 : i32, i32
  }
  func.func @transform_4(%arg0: i32) -> (i32, i32) {
    %c0_i32 = arith.constant 0 : i32
    %c0_i32_0 = arith.constant 0 : i32
    %c0_i32_1 = arith.constant 0 : i32
    return %c0_i32, %c0_i32_0 : i32, i32
  }
  func.func @transform_5(%arg0: i32) -> (i32, i32) {
    %c0_i32 = arith.constant 0 : i32
    %c0_i32_0 = arith.constant 0 : i32
    %c0_i32_1 = arith.constant 0 : i32
    return %c0_i32, %c0_i32_0 : i32, i32
  }
  func.func @transform_6(%arg0: i32) -> (i32, i32) {
    %c0_i32 = arith.constant 0 : i32
    %c0_i32_0 = arith.constant 0 : i32
    return %arg0, %c0_i32 : i32, i32
  }
  func.func @transform_7(%arg0: i32) -> (i32, i32) {
    %c0_i32 = arith.constant 0 : i32
    %c0_i32_0 = arith.constant 0 : i32
    return %arg0, %c0_i32 : i32, i32
  }
}

</mosaic_0001>

<sc_bundles>
// kernel: kernel.5.cloned.1.call-start
scs
__scs_entry_jumppad:
0x0: {  	(pc) =	sbr.rel $0x88, $3  }
0x1: {  	(tag) =	ssettag $0x0;
	lr =	simm.s32 $0x1  }
0x2: {  	[smem:$0x3F96] =	sst lr;
	_ =	strace $0xD0000000  }
0x3: {  	_ = 	snop  }
0x4: {  	_ = 	snop  }
0x5: {  	_ = 	snop  }
0x6: {  	_ = 	snop  }
0x7: {  	_ = 	snop  }
__scs_overlays_trampoline_lowered:
0x8: {  	[smem:$0x3FA5] =	sst s0  }
0x9: {  	[smem:$0x3FA6] =	sst s1  }
0xa: {  	[smem:$0x3FA7] =	sst s2  }
0xb: {  	[smem:$0x3FA8] =	sst s3  }
0xc: {  	[smem:$0x3FA9] =	sst s4  }
0xd: {  	[smem:$0x3FAA] =	sst s5  }
0xe: {  	[smem:$0x3FAB] =	sst s6  }
0xf: {  	[smem:$0x3FAC] =	sst s7  }
0x10: {  	[smem:$0x3FAD] =	sst s8  }
0x11: {  	[smem:$0x3FAE] =	sst s9;
	s0 =	simm.s32 @!p0 $0x0  }
0x12: {  	s1 =	sld [smem:$0x3F94];
	s0 =	simm.s32 @p0 $0x1  }
0x13: {  	[smem:$0x3FAF] =	sst s0;
	s0 =	simm.s32 @!p1 $0x0  }
0x14: {  	s2 =	sld [smem:$0x3F93];
	s0 =	simm.s32 @p1 $0x1  }
0x15: {  	[smem:$0x3FB0] =	sst s0;
	s0 =	simm.s32 @!p2 $0x0  }
0x16: {  	s3 =	sld [smem:$0x3FDB];
	s0 =	simm.s32 @p2 $0x1  }
0x17: {  	s4 =	simm.s32 $0x1BF5;
	[smem:$0x3FB2] =	sst s0  }
0x18: {  	s0 =	sld [smem:$0x3F95];
	_ =	swait.ge [sflag:s4], $0x0  }
0x19: {  	s7 =	sld [smem:$0x3F96]  }
0x1a: {  	s8 =	sadd.s32 $0xFFFFE003, lr  }
0x1b: {  	s9 =	sadd.s32 $0xFFFFFEF7, lr;
	s5 =	simm.s32 $0xFFFFFFFF;
	p2 =	slt.u32 s8, $0xFFFFF086  }
0x1c: {  	p1 =	slt.u32 s9, $0xF7A;
	s5 =	simm.s32 @!p2 $0x0  }
0x1d: {  	s5 =	simm.s32 @p1 $0x1;
	p0 =	seq.s32 s7, s2  }
0x1e: {  	s7 =	smul.u32 @!p0 $0xF7A, s2;
	p2 =	seq.s32 @!p0 s5, $0x0  }
0x1f: {  	s9 =	smul.u32 $0xF7A, s1;
	s8 =	simm.s32 @!p0 $0x1BF5;
	p2 =	por !p2, p0  }
0x20: {  	[sflag:s8] =	ssyncset.s32 @!p0 $0xFFFFF086;
	s6 =	sadd.s32 @!p0 s3, s7;
	s7 =	simm.s32 @!p0 $0x108  }
0x21: {  	s3 =	sadd.s32 s3, s9;
	s6 =	sadd.s32 @!p0 $0x88, s6;
	s7 =	simm.s32 @p2 $0x1082  }
0x22: {  	[simem:s7], [sflag:s8] =	dma.local @!p0 [hbm:s6], $0xF7A  }
0x23: {  	s9 =	sor.u32 $0xD0000000, s2;
	s6 =	simm.s32 $0x108;
	_ =	swait.ge @!p0 [sflag:s8], $0x0  }
0x24: {  	s3 =	sadd.s32 $0x88, s3;
	s6 =	simm.s32 @!p1 $0x1082;
	[sflag:s4] =	ssyncset.s32 $0xFFFFF086  }
0x25: {  	[simem:s6], [sflag:s4] =	dma.local [hbm:s3], $0xF7A  }
0x26: {  	[smem:$0x3F96] =	sst s1;
	(tag) =	ssettag s2;
	_ =	strace s9  }
0x27: {  	s1 =	sld [smem:$0x3FA6]  }
0x28: {  	s2 =	sld [smem:$0x3FA7]  }
0x29: {  	s4 =	sld [smem:$0x3FA9]  }
0x2a: {  	p0 =	seq.s32 s5, $0x0;
	s5 =	sld [smem:$0x3FAA]  }
0x2b: {  	s6 =	sld [smem:$0x3FAB]  }
0x2c: {  	s7 =	sld [smem:$0x3FAC]  }
0x2d: {  	s3 =	simm.s32 $0x108;
	s8 =	sld [smem:$0x3FAD]  }
0x2e: {  	s3 =	simm.s32 @!p0 $0x1082;
	s9 =	sld [smem:$0x3FAE]  }
0x2f: {  	lr =	sadd.s32 s0, s3;
	s0 =	sld [smem:$0x3FA5]  }
0x30: {  	s3 =	sld [smem:$0x3FA8]  }
0x31: {  	[smem:$0x3FB1] =	sst s10  }
0x32: {  	s10 =	sld [smem:$0x3FAF];
	_ =	sdelay $0x3  }
0x33: {  	p0 =	seq.s32 s10, $0x1;
	s10 =	sld [smem:$0x3FB1];
	_ =	sdelay $0x3  }
0x34: {  	[smem:$0x3FB1] =	sst s10  }
0x35: {  	s10 =	sld [smem:$0x3FB0];
	_ =	sdelay $0x3  }
0x36: {  	p1 =	seq.s32 s10, $0x1;
	s10 =	sld [smem:$0x3FB1];
	_ =	sdelay $0x3  }
0x37: {  	[smem:$0x3FB1] =	sst s10  }
0x38: {  	s10 =	sld [smem:$0x3FB2]  }
0x39: {  	_ = 	snop;
	(pc) =	sbr.ind lr, $3  }
0x3a: {  	_ = 	snop  }
0x3b: {  	_ = 	snop  }
0x3c: {  	p2 =	seq.s32 s10, $0x1;
	s10 =	sld [smem:$0x3FB1]  }
0x3d: {  	_ =	shalt  }
0x3e: {  	_ =	shalt  }
0x3f: {  	_ =	shalt  }
0x40: {  	_ =	shalt  }
0x41: {  	_ =	shalt  }
0x42: {  	_ =	shalt  }
0x43: {  	_ =	shalt  }
0x44: {  	_ =	shalt  }
0x45: {  	_ =	shalt  }
0x46: {  	_ =	shalt  }
0x47: {  	_ =	shalt  }
0x48: {  	_ =	shalt  }
0x49: {  	_ =	shalt  }
0x4a: {  	_ =	shalt  }
0x4b: {  	_ =	shalt  }
0x4c: {  	_ =	shalt  }
0x4d: {  	_ =	shalt  }
0x4e: {  	_ =	shalt  }
0x4f: {  	_ =	shalt  }
0x50: {  	_ =	shalt  }
0x51: {  	_ =	shalt  }
0x52: {  	_ =	shalt  }
0x53: {  	_ =	shalt  }
0x54: {  	_ =	shalt  }
0x55: {  	_ =	shalt  }
0x56: {  	_ =	shalt  }
0x57: {  	_ =	shalt  }
0x58: {  	_ =	shalt  }
0x59: {  	_ =	shalt  }
0x5a: {  	_ =	shalt  }
0x5b: {  	_ =	shalt  }
0x5c: {  	_ =	shalt  }
0x5d: {  	_ =	shalt  }
0x5e: {  	_ =	shalt  }
0x5f: {  	_ =	shalt  }
0x60: {  	_ =	shalt  }
0x61: {  	_ =	shalt  }
0x62: {  	_ =	shalt  }
0x63: {  	_ =	shalt  }
0x64: {  	_ =	shalt  }
0x65: {  	_ =	shalt  }
0x66: {  	_ =	shalt  }
0x67: {  	_ =	shalt  }
0x68: {  	_ =	shalt  }
0x69: {  	_ =	shalt  }
0x6a: {  	_ =	shalt  }
0x6b: {  	_ =	shalt  }
0x6c: {  	_ =	shalt  }
0x6d: {  	_ =	shalt  }
0x6e: {  	_ =	shalt  }
0x6f: {  	_ =	shalt  }
0x70: {  	_ =	shalt  }
0x71: {  	_ =	shalt  }
0x72: {  	_ =	shalt  }
0x73: {  	_ =	shalt  }
0x74: {  	_ =	shalt  }
0x75: {  	_ =	shalt  }
0x76: {  	_ =	shalt  }
0x77: {  	_ =	shalt  }
0x78: {  	_ =	shalt  }
0x79: {  	_ =	shalt  }
0x7a: {  	_ =	shalt  }
0x7b: {  	_ =	shalt  }
0x7c: {  	_ =	shalt  }
0x7d: {  	_ =	shalt  }
0x7e: {  	_ =	shalt  }
0x7f: {  	_ =	shalt  }
0x80: {  	_ =	shalt  }
0x81: {  	_ =	shalt  }
0x82: {  	_ =	shalt  }
0x83: {  	_ =	shalt  }
0x84: {  	_ =	shalt  }
0x85: {  	_ =	shalt  }
0x86: {  	_ =	shalt  }
0x87: {  	_ =	shalt  }
.Lfunc_end0:
.L_simem_size_0:
called_computation_lowered:
.L_overlay_start_0:
0x88: {  	s2 =	sld [smem:$0x3FD9]  }
0x89: {  	s3 =	sld [smem:$0x3FFE];
	_ =	sdelay $0x1  }
0x8a: {  	s1 =	srdreg.scid  }
0x8b: {  	s0 =	sand.u32 $0x1, s1  }
0x8c: {  	s14 =	sshll.u32 s0, $0xA;
	s2 =	sadd.s32 s3, s2  }
0x8d: {  	s2 =	sadd.s32 s2, s14  }
0x8e: {  	[smem:$0x3FBD] =	sst s2  }
0x8f: {  	_ = 	snop  }
0x90: {  	s2 =	sld [smem:$0x3FD0];
	_ =	sdelay $0x1  }
0x91: {  	s15 =	sld [smem:$0x3FC9]  }
0x92: {  	s5 =	simm.s32 $0xA;
	s6 =	simm.s32 $0x10;
	s4 =	sld [smem:$0x3FC8]  }
0x93: {  	[smem:s6], [sflag:s5] =	dma.local [hbm:s2], $0x1  }
0x94: {  	_ =	swait.eq [sflag:s5], $0x1  }
0x95: {  	[sflag:s5] =	ssyncset.done $0x0  }
0x96: {  	s16 =	sld [smem:$0x10];
	[sflag:s5] =	ssyncadd.s32 $0xFFFFFFFF  }
0x97: {  	s17 =	sld [smem:$0x11];
	(tm) =	ssettm $0x1  }
0x98: {  	s18 =	sld [smem:$0x3FFB];
	_ =	sdelay $0x3  }
0x99: {  	_ =	strace s18  }
0x9a: {  	s6 =	sld [smem:$0x3FFC];
	_ =	sdelay $0x3  }
0x9b: {  	_ =	strace s6  }
0x9c: {  	s6 =	sld [smem:$0x3FFD];
	_ =	sdelay $0x3  }
0x9d: {  	_ =	strace s6  }
0x9e: {  	_ =	strace $0x8FFFFFFF  }
0x9f: {  	s19 =	sld [smem:$0x3FDB];
	_ =	sdelay $0x1  }
0xa0: {  	s7 =	simm.s32 $_scs_section_size  }
0xa1: {  	s8 =	simm.s32 $_size__tile_overlayer_lowered;
	s9 =	simm.s32 $_tile_overlayer_lowered  }
0xa2: {  	s22 =	simm.s32 $0x1BFF;
	s21 =	sshll.u32 s9, $0x1;
	s6 =	sadd.s32 s7, s19  }
0xa3: {  	s10 =	simm.s32 $0x0;
	s20 =	sshll.u32 s8, $0x1;
	s8 =	sadd.s32 s21, s6  }
0xa4: {  	[timem:s10], [sflag:s22] =	dma.local [hbm:s8], s20  }
0xa5: {  	_ =	swait.ge [sflag:s22], s20  }
0xa6: {  	s7 =	ssub.s32 $0x0, s20;
	[sflag:s22] =	ssyncset.done $0x0  }
0xa7: {  	[sflag:s22] =	ssyncadd.s32 s7;
	_ =	sdelay $0x1  }
0xa8: {  	s23 =	simm.s32 $0x1B8B  }
0xa9: {  	_ =	swait.ge [sflag:s23], $0x1  }
0xaa: {  	[sflag:s23] =	ssyncset.done $0x0  }
0xab: {  	s25 =	simm.s32 $0x1B8E;
	s24 =	sld [smem:$0x3FFE];
	[sflag:s23] =	ssyncadd.s32 $0xFFFFFFFF  }
0xac: {  	s26 =	simm.s32 $execute0_lowered;
	[smem:$0x3FD2] =	sst s25  }
0xad: {  	s8 =	sshll.u32 s26, $0x1;
	_ =	strace $0x80000046;
	[dreg:$0x1] =	wrdreg $0xFFFFFFFF  }
0xae: {  	s28 =	simm.s32 $_size_execute0_lowered;
	s6 =	sadd.s32 s6, s8;
	[dreg:$0x0] =	wrdreg $0x0  }
0xaf: {  	s8 =	sshll.u32 s28, $0x1;
	[dreg:$0x2] =	wrdreg s6  }
0xb0: {  	[dreg:$0x3] =	wrdreg s8  }
0xb1: {  	[dreg:$0x4] =	wrdreg $0xC0  }
0xb2: {  	_ =	task [dreg:s10], $0x5FFFF  }
0xb3: {  	[dreg:$0x1] =	wrdreg $0xFFFFFFFF  }
0xb4: {  	[dreg:$0x0] =	wrdreg $0x60  }
0xb5: {  	[dreg:$0x2] =	wrdreg s15  }
0xb6: {  	[dreg:$0x3] =	wrdreg s4  }
0xb7: {  	[dreg:$0x4] =	wrdreg s16  }
0xb8: {  	[dreg:$0x5] =	wrdreg s17  }
0xb9: {  	[dreg:$0x6] =	wrdreg s24  }
0xba: {  	[dreg:$0x7] =	wrdreg $0xB3800  }
0xbb: {  	[dreg:$0x8] =	wrdreg $0x1F3800  }
0xbc: {  	[dreg:$0x9] =	wrdreg $0x9  }
0xbd: {  	_ =	task.clear_ibuf [dreg:s10], $0xAFFFF;
	_ =	strace $0x90000046  }
0xbe: {  	s29 =	simm.s32 $0x9;
	_ =	strace $0x80000048  }
0xbf: {  	_ =	swait.ge [sflag:s29], $0x1  }
0xc0: {  	[sflag:s29] =	ssyncadd.s32 $0xFFFFFFFF  }
0xc1: {  	_ =	strace $0x90000048  }
0xc2: {  	_ =	sfence  }
0xc3: {  	s30 =	sld [smem:$0x0];
	_ =	sdelay $0x2  }
0xc4: {  	s31 =	sshll.u32 s1, $0xD;
	s1 =	sshrl.u32 s1, $0x2  }
0xc5: {  	s3 =	sand.u32 $0x4000, s31;
	s1 =	sadd.s32 s1, s30  }
0xc6: {  	s0 =	sor.u32 s3, s0;
	s1 =	sshll.u32 s1, $0x11  }
0xc7: {  	s0 =	sor.u32 s1, s0  }
0xc8: {  	s0 =	sadd.s32 $0x8F2B, s0  }
0xc9: {  	[sflag:s0] =	ssyncadd.remote.s32 $0x1  }
0xca: {  	_ =	sfence.sel $0xFFFF  }
0xcb: {  	[dreg:$0x0] =	wrdreg $0xFFFFFFFF;
	(pc) =	sbr.abs _section_cstart, $3  }
0xcc: {  	[dreg:$0x1] =	wrdreg $0xFFFFFFFF  }
0xcd: {  	_ =	task.clear_ibuf [dreg:s10], $0x2FFFF;
	_ =	strace $0x9FFFFFFF  }
0xce: {  	(tm) =	ssettm $0x7FFFFFFF  }
0xcf: {  	_ =	shalt  }
tec
execute0_lowered:
.L_overlay_start_1:
0x0: {  	(tag) =	ssettag $0x1  }
0x1: {  	s0 =	rddreg [dreg:$0x0]  }
0x2: {  	s1 =	rddreg [dreg:$0x1]  }
0x3: {  	s2 =	rddreg [dreg:$0x4]  }
0x4: {  	s3 =	rddreg [dreg:$0x5]  }
0x5: {  	s13 =	rddreg [dreg:$0x6];
	s4 =	srdreg.scid;
	s5 =	simm.s32 $0x0  }
0x6: {  	s6 =	stileid.u32;
	s28 =	simm.s32 $0x3A80;
	s29 =	simm.s32 $0x3B00  }
0x7: {  	s30 =	simm.s32 $0x3;
	s31 =	simm.s32 $0x50;
	s4 =	sand.u32 $0x1, s4  }
0x8: {  	[smem:$0x7FF] =	sst s5;
	s8 =	smul.u32 $0x280, s6;
	s9 =	sadd.s32 $0x5A00, s2  }
0x9: {  	s14 =	sadd.s32 $0xA00, s2;
	s10 =	smul.u32 $0x50000, s6;
	s11 =	sadd.s32 $0xAA00, s2  }
0xa: {  	s20 =	sshll.u32 s6, $0x6;
	s21 =	smul.u32 $0x2710, s6;
	p0 =	sne.s32 s6, $0x0  }
0xb: {  	s7 =	smul.u32 $0x2800, s4;
	_ =	strace $0x80000047;
	[dreg:$0x8] =	wrdreg s9  }
0xc: {  	s6 =	simm.s32 $0x3700;
	[dreg:$0x9] =	wrdreg s14;
	s15 =	smul.u32 $0x500, s4  }
0xd: {  	s16 =	ssub.s32 $0x2, s4;
	[dreg:$0xa] =	wrdreg s11;
	s4 =	sshll.u32 s4, $0x7  }
0xe: {  	s9 =	sor.u32 $0x1C07, s20;
	s11 =	simm.s32 $0x3880;
	s20 =	simm.s32 $0x3900  }
0xf: {  	s17 =	sshrl.u32 s16, $0x1;
	s19 =	sshrl.u32 s10, $0x2;
	[dreg:$0xd] =	wrdreg s21  }
0x10: {  	s12 =	sadd.s32 s0, s4;
	s21 =	simm.s32 $0x8B80;
	s0 =	simm.s32 $0x3600  }
0x11: {  	s7 =	sadd.s32 s8, s7;
	s18 =	ssub.s32 s16, s17;
	s10 =	sadd.s32 s19, s3  }
0x12: {  	s16 =	simm.s32 $0x7;
	s17 =	sshrl.u32 @!p0 s13, $0x3;
	s13 =	smov.u32 s9  }
0x13: {  	s19 =	simm.s32 $0x3400;
	s8 =	simm.s32 $0x3500;
	s7 =	sshll.u32 s7, $0x4  }
0x14: {  	s26 =	smax.u32 s18, $0x1;
	[dreg:$0xb] =	wrdreg s10;
	s14 =	sshrl.u32 s10, $0x3  }
0x15: {  	s10 =	simm.s32 $0x3580;
	s18 =	simm.s32 $0x0;
	[dreg:$0xc] =	wrdreg s13  }
0x16: {  	v0 =	vlaneseq.u32;
	v5 =	vimm.s32 $0x7;
	v6 =	vimm.s32 $0x1;
	[dreg:$0x14] =	wrdreg s17;
	s7 =	sadd.s32 s7, s2;
	s2 =	sadd.s32 s15, s2  }
0x17: {  	v7 =	vimm.s32 $0x0;
	vm0 =	vmmov $0x1;
	v9 =	vimm.s32 $0x2;
	s15 =	sadd.s32 s1, s4;
	[dreg:$0x12] =	wrdreg s26;
	s26 =	simm.s32 $0x3A00  }
0x18: {  	v10 =	vimm.s32 $0x3;
	v11 =	vimm.s32 $0x4;
	v12 =	vimm.s32 $0x5;
	s1 =	simm.s32 $0x2;
	[dreg:$0x13] =	wrdreg s14;
	s22 =	sadd.s32 $0xE600, s7  }
.Ltmp0:
0x19: {  	v13 =	vimm.s32 $0x6;
	v14 =	vimm.s32 $0x8;
	v15 =	vimm.s32 $0x9;
	s23 =	sadd.s32 $0xD200, s2;
	[dreg:$0xe] =	wrdreg s22;
	(pc) =	sbr.rel .LBB2_1-.Ltmp0, $4  }
0x1a: {  	v16 =	vimm.s32 $0xA;
	v17 =	vimm.s32 $0xB;
	v18 =	vimm.s32 $0xC;
	s4 =	simm.s32 $0x1;
	s24 =	sadd.s32 $0x5E600, s7;
	[dreg:$0xf] =	wrdreg s23  }
0x1b: {  	v19 =	vimm.s32 $0xD;
	v20 =	vimm.s32 $0xE;
	v21 =	vimm.s32 $0xF;
	s25 =	sadd.s32 $0xDC00, s2;
	s2 =	simm.s32 $0x3680;
	[dreg:$0x10] =	wrdreg s24  }
0x1c: {  	v22 =	vimm.f32 $1.000000000e+00;
	v1 =	vor.u32 $0x10, v0;
	v2 =	vor.u32 $0x20, v0;
	s7 =	simm.s32 $0x3780;
	[dreg:$0x11] =	wrdreg s25;
	s24 =	simm.s32 $0x1380  }
0x1d: {  	v3 =	vor.u32 $0x30, v0;
	v4 =	vor.u32 $0x40, v0;
	v8 =	vmul.u32 $0x8, v0;
	s22 =	simm.s32 $0x3480;
	s23 =	simm.s32 $0x3800;
	s25 =	simm.s32 $0x3980  }
.LBB2_27:
0x1e: {  	s9 =	rddreg [dreg:$0x6];
	s13 =	simm.s32 $0x1300;
	s16 =	simm.s32 $0x7  }
0x1f: {  	[spmem:s9] =	stream.indirect.scatter.add.f32 [tilespmem:s21], [sflag:$0x7], $0x80, s13, s31, $0xb8;
	[tilespmem:$0x1F600] =	vst v63  }
0x20: {  	_ =	swait.ge [sflag:s16], $0x2800  }
0x21: {  	[sflag:s16] =	ssyncset.done $0x0  }
0x22: {  	[sflag:s16] =	ssyncadd.s32 $0xFFFFD800  }
0x23: {  	[bflag:$0x0] =	sbarrier.arrive $0xFFFF  }
0x24: {  	s13 =	rddreg [dreg:$0xc]  }
0x25: {  	s18 =	rddreg [dreg:$0x10]  }
0x26: {  	s14 =	rddreg [dreg:$0x13]  }
0x27: {  	[hbm:s18], [sflag:s13] =	dma.local [spmem:s14], $0x2800  }
0x28: {  	_ =	swait.ge [sflag:s16], $0x2800  }
0x29: {  	[sflag:s16] =	ssyncset.done $0x0;
	s9 =	rddreg [dreg:$0x11]  }
0x2a: {  	s17 =	rddreg [dreg:$0x14];
	[sflag:s16] =	ssyncadd.s32 $0xFFFFD800  }
0x2b: {  	[hbm:s9], [sflag:s13] =	dma.local @!p0 [spmem:s17], $0x500  }
0x2c: {  	s9 =	simm.s32 @!p0 $0x7  }
0x2d: {  	_ =	swait.ge @!p0 [sflag:s9], $0x500  }
0x2e: {  	[sflag:s9] =	ssyncset.done @!p0 $0x0;
	s18 =	rddreg [dreg:$0x15]  }
0x2f: {  	s18 =	sadd.s32 $0x1, s18;
	[sflag:s9] =	ssyncadd.s32 @!p0 $0xFFFFFB00;
	s9 =	rddreg [dreg:$0x12]  }
0x30: {  	p1 =	sne.s32 s18, s9  }
.Ltmp1:
0x31: {  	_ = 	snop;
	(pc) =	sbr.rel @!p1 .LBB2_28-.Ltmp1, $2  }
0x32: {  	_ =	sdelay $0x1  }
0x33: {  	[bflag:$0x0] =	sbarrier.arrive $0xFFFF;
	_ =	sdelay $0x1  }
.LBB2_1:
0x34: {  	[tilespmem:$0x1300] =	vst v0  }
0x35: {  	[tilespmem:$0x1310] =	vst v1  }
0x36: {  	[tilespmem:$0x1320] =	vst v2  }
0x37: {  	[dreg:$0x15] =	wrdreg s18;
	[tilespmem:$0x1330] =	vst v3  }
0x38: {  	[tilespmem:$0x1340] =	vst v4;
	s9 =	rddreg [dreg:$0xa]  }
0x39: {  	[spmem:s14], [sflag:s13] =	dma.local [hbm:s9], $0x2800  }
0x3a: {  	_ =	swait.ge [sflag:s16], $0x2800  }
0x3b: {  	[sflag:s16] =	ssyncset.done $0x0  }
0x3c: {  	[sflag:s16] =	ssyncadd.s32 $0xFFFFD800  }
0x3d: {  	[tilespmem:s21], [sflag:$0x7] =	stream.linear.gather [hbm4b:s9+s5], $0x2800, $0x38;
	[tilespmem:$0x1F600] =	vst v63  }
0x3e: {  	_ =	swait.ge [sflag:s16], $0x2800  }
0x3f: {  	[sflag:s16] =	ssyncset.done $0x0  }
0x40: {  	[sflag:s16] =	ssyncadd.s32 $0xFFFFD800  }
0x41: {  	[spmem:s17], [sflag:s13] =	dma.local @!p0 [hbm:s9], $0x500  }
0x42: {  	s9 =	simm.s32 @!p0 $0x7  }
.Ltmp2:
0x43: {  	_ =	swait.ge @!p0 [sflag:s9], $0x500;
	(pc) =	sbr.rel .LBB2_2-.Ltmp2, $4  }
0x44: {  	[sflag:s9] =	ssyncset.done @!p0 $0x0  }
0x45: {  	[sflag:s9] =	ssyncadd.s32 @!p0 $0xFFFFFB00  }
0x46: {  	[bflag:$0x0] =	sbarrier.arrive $0xFFFF  }
0x47: {  	s13 =	simm.s32 $0x0  }
.LBB2_13:
0x48: {  	s9 =	simm.s32 $0x4  }
0x49: {  	_ =	swait.ge [sflag:s9], $0x2800  }
0x4a: {  	[sflag:s9] =	ssyncset.done $0x0  }
0x4b: {  	s17 =	simm.s32 $0x5;
	[sflag:s9] =	ssyncadd.s32 $0xFFFFD800  }
0x4c: {  	_ =	swait.ge [sflag:s17], $0x2800  }
0x4d: {  	[sflag:s17] =	ssyncset.done $0x0  }
0x4e: {  	s18 =	simm.s32 $0x6;
	[sflag:s17] =	ssyncadd.s32 $0xFFFFD800  }
0x4f: {  	_ =	swait.ge [sflag:s18], $0x2800  }
0x50: {  	s13 =	rddreg [dreg:$0x16]  }
0x51: {  	s13 =	sadd.s32 $0x1, s13  }
0x52: {  	p1 =	sne.s32 s13, $0x5  }
.Ltmp3:
0x53: {  	_ = 	snop;
	(pc) =	sbr.rel @!p1 .LBB2_14-.Ltmp3, $3  }
0x54: {  	_ =	sdelay $0x1  }
0x55: {  	[sflag:s18] =	ssyncset.done $0x0  }
0x56: {  	s16 =	simm.s32 $0x7;
	[sflag:s18] =	ssyncadd.s32 $0xFFFFD800  }
.LBB2_2:
0x57: {  	s9 =	smul.u32 $0x7D0, s13  }
0x58: {  	s18 =	rddreg [dreg:$0xd]  }
0x59: {  	s9 =	sadd.s32 s18, s9  }
0x5a: {  	s14 =	rddreg [dreg:$0x2];
	s9 =	sshrl.u32 s9, $0x3  }
0x5b: {  	[dreg:$0x16] =	wrdreg s13;
	s13 =	simm.s32 $0x0;
	s14 =	sadd.s32 s14, s9  }
0x5c: {  	[tilespmem:s13], [sflag:$0x7] =	stream.linear.gather [hbm4b:s14+s13], $0x7D0, $0x38;
	[tilespmem:$0x1F600] =	vst v63  }
0x5d: {  	_ =	swait.ge [sflag:s16], $0x7D0  }
0x5e: {  	[sflag:s16] =	ssyncset.done $0x0  }
0x5f: {  	[sflag:s16] =	ssyncadd.s32 $0xFFFFF830  }
0x60: {  	s17 =	rddreg [dreg:$0x3]  }
0x61: {  	s18 =	simm.s32 $0x800;
	s9 =	sadd.s32 s17, s9  }
0x62: {  	[tilespmem:s18], [sflag:$0x7] =	stream.linear.gather [hbm4b:s9+s13], $0x7D0, $0x38;
	[tilespmem:$0x1F600] =	vst v63  }
0x63: {  	_ =	swait.ge [sflag:s16], $0x7D0  }
0x64: {  	[sflag:s16] =	ssyncset.done $0x0  }
0x65: {  	[sflag:s16] =	ssyncadd.s32 $0xFFFFF830  }
0x66: {  	v23 =	vld [tilespmem:$0x0];
	_ =	sdelay $0x4  }
0x67: {  	[tilespmem:$0x1000] =	vst v23  }
0x68: {  	v23 =	vld [tilespmem:$0x1000]  }
0x69: {  	v24 =	vld [tilespmem:$0x800]  }
0x6a: {  	v25 =	vld [tilespmem:$0x10]  }
0x6b: {  	v26 =	vld [tilespmem:$0x810]  }
0x6c: {  	v27 =	vld [tilespmem:$0x20]  }
0x6d: {  	v28 =	vld [tilespmem:$0x820];
	v29 =	vshll.u32 v23, $0x1  }
0x6e: {  	v56 =	vld [tilespmem:$0x30];
	[tilespmem:$0x1080] =	vst v24;
	v23 =	vand.u32 $0x7, v23;
	v29 =	vand.u32 $0xFFFFFFF0, v29  }
0x6f: {  	v57 =	vld [tilespmem:$0x830];
	[tilespmem:$0x1010] =	vst v25;
	v23 =	vor.u32 v23, v29  }
0x70: {  	v58 =	vld [tilespmem:$0x40];
	[tilespmem:$0x1090] =	vst v26;
	v29 =	vperm.xlane v23, v7  }
0x71: {  	v59 =	vld [tilespmem:$0x840];
	[tilespmem:$0x1020] =	vst v27  }
0x72: {  	[tilespmem:$0x10A0] =	vst v28;
	v61 =	vperm.xlane v23, v6;
	v60 =	vadd.s32 v8, v29  }
0x73: {  	[tilespmem:$0x1030] =	vst v56  }
0x74: {  	[tilespmem:$0x10B0] =	vst v57;
	v63 =	vperm.xlane v23, v9;
	v62 =	vadd.s32 v8, v61  }
0x75: {  	[tilespmem:$0x1040] =	vst v58  }
0x76: {  	[tilespmem:$0x10C0] =	vst v59;
	v25 =	vadd.s32 v8, v63;
	v29 =	vperm.xlane v23, v10  }
0x77: {  	[tilespmem:s24], [sflag:$0x1] =	stream.indirect_vreg.gather [hbm4b:s12+s13], $0x80, v60, vm0, $0xb8;
	[tilespmem:$0x1F600] =	vst v63  }
0x78: {  	s14 =	simm.s32 $0x1400;
	v30 =	vperm.xlane v23, v11;
	v26 =	vadd.s32 v8, v29  }
0x79: {  	[tilespmem:s14], [sflag:$0x1] =	stream.indirect_vreg.gather [hbm4b:s12+s13], $0x80, v62, vm0, $0xb8;
	[tilespmem:$0x1F600] =	vst v63  }
0x7a: {  	s16 =	simm.s32 $0x1480;
	v32 =	vperm.xlane v23, v12;
	v31 =	vadd.s32 v8, v30  }
0x7b: {  	[tilespmem:s16], [sflag:$0x1] =	stream.indirect_vreg.gather [hbm4b:s12+s13], $0x80, v25, vm0, $0xb8;
	[tilespmem:$0x1F600] =	vst v63  }
0x7c: {  	s17 =	simm.s32 $0x1500;
	v34 =	vperm.xlane v23, v13;
	v33 =	vadd.s32 v8, v32  }
0x7d: {  	[tilespmem:s17], [sflag:$0x1] =	stream.indirect_vreg.gather [hbm4b:s12+s13], $0x80, v26, vm0, $0xb8;
	[tilespmem:$0x1F600] =	vst v63  }
0x7e: {  	s18 =	simm.s32 $0x1580;
	v36 =	vperm.xlane v23, v5;
	v35 =	vadd.s32 v8, v34  }
0x7f: {  	[tilespmem:s18], [sflag:$0x1] =	stream.indirect_vreg.gather [hbm4b:s12+s13], $0x80, v31, vm0, $0xb8;
	[tilespmem:$0x1F600] =	vst v63  }
0x80: {  	v38 =	vperm.xlane v23, v14;
	v37 =	vadd.s32 v8, v36;
	s14 =	simm.s32 $0x1600  }
0x81: {  	[tilespmem:s14], [sflag:$0x1] =	stream.indirect_vreg.gather [hbm4b:s12+s13], $0x80, v33, vm0, $0xb8;
	[tilespmem:$0x1F600] =	vst v63  }
0x82: {  	v40 =	vperm.xlane v23, v15;
	v39 =	vadd.s32 v8, v38;
	s16 =	simm.s32 $0x1680  }
0x83: {  	[tilespmem:s16], [sflag:$0x1] =	stream.indirect_vreg.gather [hbm4b:s12+s13], $0x80, v35, vm0, $0xb8;
	[tilespmem:$0x1F600] =	vst v63  }
0x84: {  	v42 =	vperm.xlane v23, v16;
	v41 =	vadd.s32 v8, v40;
	s17 =	simm.s32 $0x1700  }
0x85: {  	[tilespmem:s17], [sflag:$0x1] =	stream.indirect_vreg.gather [hbm4b:s12+s13], $0x80, v37, vm0, $0xb8;
	[tilespmem:$0x1F600] =	vst v63  }
0x86: {  	v44 =	vperm.xlane v23, v17;
	v43 =	vadd.s32 v8, v42;
	s18 =	simm.s32 $0x1780  }
0x87: {  	[tilespmem:s18], [sflag:$0x1] =	stream.indirect_vreg.gather [hbm4b:s12+s13], $0x80, v39, vm0, $0xb8;
	[tilespmem:$0x1F600] =	vst v63  }
0x88: {  	v46 =	vperm.xlane v23, v18;
	v45 =	vadd.s32 v8, v44;
	s14 =	simm.s32 $0x1800  }
0x89: {  	[tilespmem:s14], [sflag:$0x1] =	stream.indirect_vreg.gather [hbm4b:s12+s13], $0x80, v41, vm0, $0xb8;
	[tilespmem:$0x1F600] =	vst v63  }
0x8a: {  	v48 =	vperm.xlane v23, v19;
	v47 =	vadd.s32 v8, v46;
	s16 =	simm.s32 $0x1880  }
0x8b: {  	[tilespmem:s16], [sflag:$0x1] =	stream.indirect_vreg.gather [hbm4b:s12+s13], $0x80, v43, vm0, $0xb8;
	[tilespmem:$0x1F600] =	vst v63  }
0x8c: {  	v50 =	vperm.xlane v23, v20;
	v49 =	vadd.s32 v8, v48;
	s17 =	simm.s32 $0x1900  }
0x8d: {  	[tilespmem:s17], [sflag:$0x1] =	stream.indirect_vreg.gather [hbm4b:s12+s13], $0x80, v45, vm0, $0xb8;
	[tilespmem:$0x1F600] =	vst v63  }
0x8e: {  	v51 =	vadd.s32 v8, v50;
	v23 =	vperm.xlane v23, v21;
	s18 =	simm.s32 $0x1980  }
0x8f: {  	[tilespmem:s18], [sflag:$0x1] =	stream.indirect_vreg.gather [hbm4b:s12+s13], $0x80, v47, vm0, $0xb8;
	[tilespmem:$0x1F600] =	vst v63  }
0x90: {  	v23 =	vadd.s32 v8, v23;
	s14 =	simm.s32 $0x1A00  }
0x91: {  	[tilespmem:s14], [sflag:$0x1] =	stream.indirect_vreg.gather [hbm4b:s12+s13], $0x80, v49, vm0, $0xb8;
	[tilespmem:$0x1F600] =	vst v63  }
0x92: {  	s16 =	simm.s32 $0x1A80  }
0x93: {  	[tilespmem:s16], [sflag:$0x1] =	stream.indirect_vreg.gather [hbm4b:s12+s13], $0x80, v51, vm0, $0xb8;
	[tilespmem:$0x1F600] =	vst v63  }
0x94: {  	s17 =	simm.s32 $0x1B00  }
0x95: {  	[tilespmem:s17], [sflag:$0x1] =	stream.indirect_vreg.gather [hbm4b:s12+s13], $0x80, v23, vm0, $0xb8;
	[tilespmem:$0x1F600] =	vst v63  }
0x96: {  	v23 =	vld [tilespmem:$0x1010];
	_ =	sdelay $0x4  }
0x97: {  	v52 =	vshll.u32 v23, $0x1  }
0x98: {  	v23 =	vand.u32 $0x7, v23;
	v24 =	vand.u32 $0xFFFFFFF0, v52  }
0x99: {  	v23 =	vor.u32 v23, v24  }
0x9a: {  	v24 =	vperm.xlane v23, v7;
	_ =	sdelay $0x1  }
0x9b: {  	v53 =	vperm.xlane v23, v6;
	v24 =	vadd.s32 v8, v24;
	_ =	sdelay $0x1  }
0x9c: {  	v54 =	vperm.xlane v23, v9;
	v25 =	vadd.s32 v8, v53;
	_ =	sdelay $0x1  }
0x9d: {  	s18 =	simm.s32 $0x1B80;
	v55 =	vperm.xlane v23, v10;
	v26 =	vadd.s32 v8, v54  }
0x9e: {  	[tilespmem:s18], [sflag:$0x1] =	stream.indirect_vreg.gather [hbm4b:s12+s13], $0x80, v24, vm0, $0xb8;
	[tilespmem:$0x1F600] =	vst v63  }
0x9f: {  	s14 =	simm.s32 $0x1C00;
	v57 =	vperm.xlane v23, v11;
	v56 =	vadd.s32 v8, v55  }
0xa0: {  	[tilespmem:s14], [sflag:$0x1] =	stream.indirect_vreg.gather [hbm4b:s12+s13], $0x80, v25, vm0, $0xb8;
	[tilespmem:$0x1F600] =	vst v63  }
0xa1: {  	s16 =	simm.s32 $0x1C80;
	v59 =	vperm.xlane v23, v12;
	v58 =	vadd.s32 v8, v57  }
0xa2: {  	[tilespmem:s16], [sflag:$0x1] =	stream.indirect_vreg.gather [hbm4b:s12+s13], $0x80, v26, vm0, $0xb8;
	[tilespmem:$0x1F600] =	vst v63  }
0xa3: {  	s17 =	simm.s32 $0x1D00;
	v61 =	vperm.xlane v23, v13;
	v60 =	vadd.s32 v8, v59  }
0xa4: {  	[tilespmem:s17], [sflag:$0x1] =	stream.indirect_vreg.gather [hbm4b:s12+s13], $0x80, v56, vm0, $0xb8;
	[tilespmem:$0x1F600] =	vst v63  }
0xa5: {  	v63 =	vperm.xlane v23, v5;
	v62 =	vadd.s32 v8, v61;
	s18 =	simm.s32 $0x1D80  }
0xa6: {  	[tilespmem:s18], [sflag:$0x1] =	stream.indirect_vreg.gather [hbm4b:s12+s13], $0x80, v58, vm0, $0xb8;
	[tilespmem:$0x1F600] =	vst v63  }
0xa7: {  	v31 =	vperm.xlane v23, v14;
	v30 =	vadd.s32 v8, v63;
	s14 =	simm.s32 $0x1E00  }
0xa8: {  	[tilespmem:s14], [sflag:$0x1] =	stream.indirect_vreg.gather [hbm4b:s12+s13], $0x80, v60, vm0, $0xb8;
	[tilespmem:$0x1F600] =	vst v63  }
0xa9: {  	v33 =	vperm.xlane v23, v15;
	v32 =	vadd.s32 v8, v31;
	s16 =	simm.s32 $0x1E80  }
0xaa: {  	[tilespmem:s16], [sflag:$0x1] =	stream.indirect_vreg.gather [hbm4b:s12+s13], $0x80, v62, vm0, $0xb8;
	[tilespmem:$0x1F600] =	vst v63  }
0xab: {  	v35 =	vperm.xlane v23, v16;
	v34 =	vadd.s32 v8, v33;
	s17 =	simm.s32 $0x1F00  }
0xac: {  	[tilespmem:s17], [sflag:$0x1] =	stream.indirect_vreg.gather [hbm4b:s12+s13], $0x80, v30, vm0, $0xb8;
	[tilespmem:$0x1F600] =	vst v63  }
0xad: {  	v37 =	vperm.xlane v23, v17;
	v36 =	vadd.s32 v8, v35;
	s18 =	simm.s32 $0x1F80  }
0xae: {  	[tilespmem:s18], [sflag:$0x1] =	stream.indirect_vreg.gather [hbm4b:s12+s13], $0x80, v32, vm0, $0xb8;
	[tilespmem:$0x1F600] =	vst v63  }
0xaf: {  	v39 =	vperm.xlane v23, v18;
	v38 =	vadd.s32 v8, v37;
	s14 =	simm.s32 $0x2000  }
0xb0: {  	[tilespmem:s14], [sflag:$0x1] =	stream.indirect_vreg.gather [hbm4b:s12+s13], $0x80, v34, vm0, $0xb8;
	[tilespmem:$0x1F600] =	vst v63  }
0xb1: {  	v41 =	vperm.xlane v23, v19;
	v40 =	vadd.s32 v8, v39;
	s16 =	simm.s32 $0x2080  }
0xb2: {  	[tilespmem:s16], [sflag:$0x1] =	stream.indirect_vreg.gather [hbm4b:s12+s13], $0x80, v36, vm0, $0xb8;
	[tilespmem:$0x1F600] =	vst v63  }
0xb3: {  	v43 =	vperm.xlane v23, v20;
	v42 =	vadd.s32 v8, v41;
	s17 =	simm.s32 $0x2100  }
0xb4: {  	[tilespmem:s17], [sflag:$0x1] =	stream.indirect_vreg.gather [hbm4b:s12+s13], $0x80, v38, vm0, $0xb8;
	[tilespmem:$0x1F600] =	vst v63  }
0xb5: {  	v23 =	vperm.xlane v23, v21;
	v44 =	vadd.s32 v8, v43;
	s18 =	simm.s32 $0x2180  }
0xb6: {  	[tilespmem:s18], [sflag:$0x1] =	stream.indirect_vreg.gather [hbm4b:s12+s13], $0x80, v40, vm0, $0xb8;
	[tilespmem:$0x1F600] =	vst v63  }
0xb7: {  	v23 =	vadd.s32 v8, v23;
	s14 =	simm.s32 $0x2200  }
0xb8: {  	[tilespmem:s14], [sflag:$0x1] =	stream.indirect_vreg.gather [hbm4b:s12+s13], $0x80, v42, vm0, $0xb8;
	[tilespmem:$0x1F600] =	vst v63  }
0xb9: {  	s16 =	simm.s32 $0x2280  }
0xba: {  	[tilespmem:s16], [sflag:$0x1] =	stream.indirect_vreg.gather [hbm4b:s12+s13], $0x80, v44, vm0, $0xb8;
	[tilespmem:$0x1F600] =	vst v63  }
0xbb: {  	s17 =	simm.s32 $0x2300  }
0xbc: {  	[tilespmem:s17], [sflag:$0x1] =	stream.indirect_vreg.gather [hbm4b:s12+s13], $0x80, v23, vm0, $0xb8;
	[tilespmem:$0x1F600] =	vst v63  }
0xbd: {  	v23 =	vld [tilespmem:$0x1020];
	_ =	sdelay $0x4  }
0xbe: {  	v45 =	vshll.u32 v23, $0x1  }
0xbf: {  	v23 =	vand.u32 $0x7, v23;
	v24 =	vand.u32 $0xFFFFFFF0, v45  }
0xc0: {  	v23 =	vor.u32 v23, v24  }
0xc1: {  	v24 =	vperm.xlane v23, v7;
	_ =	sdelay $0x1  }
0xc2: {  	v46 =	vperm.xlane v23, v6;
	v24 =	vadd.s32 v8, v24;
	_ =	sdelay $0x1  }
0xc3: {  	v47 =	vperm.xlane v23, v9;
	v25 =	vadd.s32 v8, v46;
	_ =	sdelay $0x1  }
0xc4: {  	s18 =	simm.s32 $0x2380;
	v48 =	vperm.xlane v23, v10;
	v26 =	vadd.s32 v8, v47  }
0xc5: {  	[tilespmem:s18], [sflag:$0x1] =	stream.indirect_vreg.gather [hbm4b:s12+s13], $0x80, v24, vm0, $0xb8;
	[tilespmem:$0x1F600] =	vst v63  }
0xc6: {  	s14 =	simm.s32 $0x2400;
	v50 =	vperm.xlane v23, v11;
	v49 =	vadd.s32 v8, v48  }
0xc7: {  	[tilespmem:s14], [sflag:$0x1] =	stream.indirect_vreg.gather [hbm4b:s12+s13], $0x80, v25, vm0, $0xb8;
	[tilespmem:$0x1F600] =	vst v63  }
0xc8: {  	s16 =	simm.s32 $0x2480;
	v52 =	vperm.xlane v23, v12;
	v51 =	vadd.s32 v8, v50  }
0xc9: {  	[tilespmem:s16], [sflag:$0x1] =	stream.indirect_vreg.gather [hbm4b:s12+s13], $0x80, v26, vm0, $0xb8;
	[tilespmem:$0x1F600] =	vst v63  }
0xca: {  	s17 =	simm.s32 $0x2500;
	v54 =	vperm.xlane v23, v13;
	v53 =	vadd.s32 v8, v52  }
0xcb: {  	[tilespmem:s17], [sflag:$0x1] =	stream.indirect_vreg.gather [hbm4b:s12+s13], $0x80, v49, vm0, $0xb8;
	[tilespmem:$0x1F600] =	vst v63  }
0xcc: {  	v56 =	vperm.xlane v23, v5;
	v55 =	vadd.s32 v8, v54;
	s18 =	simm.s32 $0x2580  }
0xcd: {  	[tilespmem:s18], [sflag:$0x1] =	stream.indirect_vreg.gather [hbm4b:s12+s13], $0x80, v51, vm0, $0xb8;
	[tilespmem:$0x1F600] =	vst v63  }
0xce: {  	v58 =	vperm.xlane v23, v14;
	v57 =	vadd.s32 v8, v56;
	s14 =	simm.s32 $0x2600  }
0xcf: {  	[tilespmem:s14], [sflag:$0x1] =	stream.indirect_vreg.gather [hbm4b:s12+s13], $0x80, v53, vm0, $0xb8;
	[tilespmem:$0x1F600] =	vst v63  }
0xd0: {  	v60 =	vperm.xlane v23, v15;
	v59 =	vadd.s32 v8, v58;
	s16 =	simm.s32 $0x2680  }
0xd1: {  	[tilespmem:s16], [sflag:$0x1] =	stream.indirect_vreg.gather [hbm4b:s12+s13], $0x80, v55, vm0, $0xb8;
	[tilespmem:$0x1F600] =	vst v63  }
0xd2: {  	v62 =	vperm.xlane v23, v16;
	v61 =	vadd.s32 v8, v60;
	s17 =	simm.s32 $0x2700  }
0xd3: {  	[tilespmem:s17], [sflag:$0x1] =	stream.indirect_vreg.gather [hbm4b:s12+s13], $0x80, v57, vm0, $0xb8;
	[tilespmem:$0x1F600] =	vst v63  }
0xd4: {  	v30 =	vperm.xlane v23, v17;
	v63 =	vadd.s32 v8, v62;
	s18 =	simm.s32 $0x2780  }
0xd5: {  	[tilespmem:s18], [sflag:$0x1] =	stream.indirect_vreg.gather [hbm4b:s12+s13], $0x80, v59, vm0, $0xb8;
	[tilespmem:$0x1F600] =	vst v63  }
0xd6: {  	v32 =	vperm.xlane v23, v18;
	v31 =	vadd.s32 v8, v30;
	s14 =	simm.s32 $0x2800  }
0xd7: {  	[tilespmem:s14], [sflag:$0x1] =	stream.indirect_vreg.gather [hbm4b:s12+s13], $0x80, v61, vm0, $0xb8;
	[tilespmem:$0x1F600] =	vst v63  }
0xd8: {  	v34 =	vperm.xlane v23, v19;
	v33 =	vadd.s32 v8, v32;
	s16 =	simm.s32 $0x2880  }
0xd9: {  	[tilespmem:s16], [sflag:$0x1] =	stream.indirect_vreg.gather [hbm4b:s12+s13], $0x80, v63, vm0, $0xb8;
	[tilespmem:$0x1F600] =	vst v63  }
0xda: {  	v36 =	vperm.xlane v23, v20;
	v35 =	vadd.s32 v8, v34;
	s17 =	simm.s32 $0x2900  }
0xdb: {  	[tilespmem:s17], [sflag:$0x1] =	stream.indirect_vreg.gather [hbm4b:s12+s13], $0x80, v31, vm0, $0xb8;
	[tilespmem:$0x1F600] =	vst v63  }
0xdc: {  	v23 =	vperm.xlane v23, v21;
	v37 =	vadd.s32 v8, v36;
	s18 =	simm.s32 $0x2980  }
0xdd: {  	[tilespmem:s18], [sflag:$0x1] =	stream.indirect_vreg.gather [hbm4b:s12+s13], $0x80, v33, vm0, $0xb8;
	[tilespmem:$0x1F600] =	vst v63  }
0xde: {  	v23 =	vadd.s32 v8, v23;
	s14 =	simm.s32 $0x2A00  }
0xdf: {  	[tilespmem:s14], [sflag:$0x1] =	stream.indirect_vreg.gather [hbm4b:s12+s13], $0x80, v35, vm0, $0xb8;
	[tilespmem:$0x1F600] =	vst v63  }
0xe0: {  	s16 =	simm.s32 $0x2A80  }
0xe1: {  	[tilespmem:s16], [sflag:$0x1] =	stream.indirect_vreg.gather [hbm4b:s12+s13], $0x80, v37, vm0, $0xb8;
	[tilespmem:$0x1F600] =	vst v63  }
0xe2: {  	s17 =	simm.s32 $0x2B00  }
0xe3: {  	[tilespmem:s17], [sflag:$0x1] =	stream.indirect_vreg.gather [hbm4b:s12+s13], $0x80, v23, vm0, $0xb8;
	[tilespmem:$0x1F600] =	vst v63  }
0xe4: {  	v23 =	vld [tilespmem:$0x1030];
	_ =	sdelay $0x4  }
0xe5: {  	v38 =	vshll.u32 v23, $0x1  }
0xe6: {  	v23 =	vand.u32 $0x7, v23;
	v24 =	vand.u32 $0xFFFFFFF0, v38  }
0xe7: {  	v23 =	vor.u32 v23, v24  }
0xe8: {  	v24 =	vperm.xlane v23, v7;
	_ =	sdelay $0x1  }
0xe9: {  	v39 =	vperm.xlane v23, v6;
	v24 =	vadd.s32 v8, v24;
	_ =	sdelay $0x1  }
0xea: {  	v40 =	vperm.xlane v23, v9;
	v25 =	vadd.s32 v8, v39;
	_ =	sdelay $0x1  }
0xeb: {  	s18 =	simm.s32 $0x2B80;
	v41 =	vperm.xlane v23, v10;
	v26 =	vadd.s32 v8, v40  }
0xec: {  	[tilespmem:s18], [sflag:$0x1] =	stream.indirect_vreg.gather [hbm4b:s12+s13], $0x80, v24, vm0, $0xb8;
	[tilespmem:$0x1F600] =	vst v63  }
0xed: {  	s14 =	simm.s32 $0x2C00;
	v43 =	vperm.xlane v23, v11;
	v42 =	vadd.s32 v8, v41  }
0xee: {  	[tilespmem:s14], [sflag:$0x1] =	stream.indirect_vreg.gather [hbm4b:s12+s13], $0x80, v25, vm0, $0xb8;
	[tilespmem:$0x1F600] =	vst v63  }
0xef: {  	s16 =	simm.s32 $0x2C80;
	v45 =	vperm.xlane v23, v12;
	v44 =	vadd.s32 v8, v43  }
0xf0: {  	[tilespmem:s16], [sflag:$0x1] =	stream.indirect_vreg.gather [hbm4b:s12+s13], $0x80, v26, vm0, $0xb8;
	[tilespmem:$0x1F600] =	vst v63  }
0xf1: {  	s17 =	simm.s32 $0x2D00;
	v47 =	vperm.xlane v23, v13;
	v46 =	vadd.s32 v8, v45  }
0xf2: {  	[tilespmem:s17], [sflag:$0x1] =	stream.indirect_vreg.gather [hbm4b:s12+s13], $0x80, v42, vm0, $0xb8;
	[tilespmem:$0x1F600] =	vst v63  }
0xf3: {  	v49 =	vperm.xlane v23, v5;
	v48 =	vadd.s32 v8, v47;
	s18 =	simm.s32 $0x2D80  }
0xf4: {  	[tilespmem:s18], [sflag:$0x1] =	stream.indirect_vreg.gather [hbm4b:s12+s13], $0x80, v44, vm0, $0xb8;
	[tilespmem:$0x1F600] =	vst v63  }
0xf5: {  	v51 =	vperm.xlane v23, v14;
	v50 =	vadd.s32 v8, v49;
	s14 =	simm.s32 $0x2E00  }
0xf6: {  	[tilespmem:s14], [sflag:$0x1] =	stream.indirect_vreg.gather [hbm4b:s12+s13], $0x80, v46, vm0, $0xb8;
	[tilespmem:$0x1F600] =	vst v63  }
0xf7: {  	v53 =	vperm.xlane v23, v15;
	v52 =	vadd.s32 v8, v51;
	s16 =	simm.s32 $0x2E80  }
0xf8: {  	[tilespmem:s16], [sflag:$0x1] =	stream.indirect_vreg.gather [hbm4b:s12+s13], $0x80, v48, vm0, $0xb8;
	[tilespmem:$0x1F600] =	vst v63  }
0xf9: {  	v55 =	vperm.xlane v23, v16;
	v54 =	vadd.s32 v8, v53;
	s17 =	simm.s32 $0x2F00  }
0xfa: {  	[tilespmem:s17], [sflag:$0x1] =	stream.indirect_vreg.gather [hbm4b:s12+s13], $0x80, v50, vm0, $0xb8;
	[tilespmem:$0x1F600] =	vst v63  }
0xfb: {  	v57 =	vperm.xlane v23, v17;
	v56 =	vadd.s32 v8, v55;
	s18 =	simm.s32 $0x2F80  }
0xfc: {  	[tilespmem:s18], [sflag:$0x1] =	stream.indirect_vreg.gather [hbm4b:s12+s13], $0x80, v52, vm0, $0xb8;
	[tilespmem:$0x1F600] =	vst v63  }
0xfd: {  	v59 =	vperm.xlane v23, v18;
	v58 =	vadd.s32 v8, v57;
	s14 =	simm.s32 $0x3000  }
0xfe: {  	[tilespmem:s14], [sflag:$0x1] =	stream.indirect_vreg.gather [hbm4b:s12+s13], $0x80, v54, vm0, $0xb8;
	[tilespmem:$0x1F600] =	vst v63  }
0xff: {  	v61 =	vperm.xlane v23, v19;
	v60 =	vadd.s32 v8, v59;
	s16 =	simm.s32 $0x3080  }
0x100: {  	[tilespmem:s16], [sflag:$0x1] =	stream.indirect_vreg.gather [hbm4b:s12+s13], $0x80, v56, vm0, $0xb8;
	[tilespmem:$0x1F600] =	vst v63  }
0x101: {  	v63 =	vperm.xlane v23, v20;
	v62 =	vadd.s32 v8, v61;
	s17 =	simm.s32 $0x3100  }
0x102: {  	[tilespmem:s17], [sflag:$0x1] =	stream.indirect_vreg.gather [hbm4b:s12+s13], $0x80, v58, vm0, $0xb8;
	[tilespmem:$0x1F600] =	vst v63  }
0x103: {  	v23 =	vperm.xlane v23, v21;
	v29 =	vadd.s32 v8, v63;
	s18 =	simm.s32 $0x3180  }
0x104: {  	[tilespmem:s18], [sflag:$0x1] =	stream.indirect_vreg.gather [hbm4b:s12+s13], $0x80, v60, vm0, $0xb8;
	[tilespmem:$0x1F600] =	vst v63  }
0x105: {  	v23 =	vadd.s32 v8, v23;
	s14 =	simm.s32 $0x3200  }
0x106: {  	[tilespmem:s14], [sflag:$0x1] =	stream.indirect_vreg.gather [hbm4b:s12+s13], $0x80, v62, vm0, $0xb8;
	[tilespmem:$0x1F600] =	vst v63  }
0x107: {  	s16 =	simm.s32 $0x3280  }
0x108: {  	[tilespmem:s16], [sflag:$0x1] =	stream.indirect_vreg.gather [hbm4b:s12+s13], $0x80, v29, vm0, $0xb8;
	[tilespmem:$0x1F600] =	vst v63  }
0x109: {  	s17 =	simm.s32 $0x3300  }
0x10a: {  	[tilespmem:s17], [sflag:$0x1] =	stream.indirect_vreg.gather [hbm4b:s12+s13], $0x80, v23, vm0, $0xb8;
	[tilespmem:$0x1F600] =	vst v63  }
0x10b: {  	v23 =	vld [tilespmem:$0x1040];
	_ =	sdelay $0x4  }
0x10c: {  	v30 =	vshll.u32 v23, $0x1  }
0x10d: {  	v23 =	vand.u32 $0x7, v23;
	v24 =	vand.u32 $0xFFFFFFF0, v30  }
0x10e: {  	v23 =	vor.u32 v23, v24  }
0x10f: {  	v24 =	vperm.xlane v23, v7;
	_ =	sdelay $0x1  }
0x110: {  	v31 =	vperm.xlane v23, v6;
	v24 =	vadd.s32 v8, v24;
	_ =	sdelay $0x1  }
0x111: {  	v32 =	vperm.xlane v23, v9;
	v25 =	vadd.s32 v8, v31;
	_ =	sdelay $0x1  }
0x112: {  	s18 =	simm.s32 $0x3380;
	v33 =	vperm.xlane v23, v10;
	v26 =	vadd.s32 v8, v32  }
0x113: {  	[tilespmem:s18], [sflag:$0x1] =	stream.indirect_vreg.gather [hbm4b:s12+s13], $0x80, v24, vm0, $0xb8;
	[tilespmem:$0x1F600] =	vst v63  }
0x114: {  	v35 =	vperm.xlane v23, v11;
	v34 =	vadd.s32 v8, v33  }
0x115: {  	[tilespmem:s19], [sflag:$0x1] =	stream.indirect_vreg.gather [hbm4b:s12+s13], $0x80, v25, vm0, $0xb8;
	[tilespmem:$0x1F600] =	vst v63  }
0x116: {  	v37 =	vperm.xlane v23, v12;
	v36 =	vadd.s32 v8, v35  }
0x117: {  	[tilespmem:s22], [sflag:$0x1] =	stream.indirect_vreg.gather [hbm4b:s12+s13], $0x80, v26, vm0, $0xb8;
	[tilespmem:$0x1F600] =	vst v63  }
0x118: {  	v39 =	vperm.xlane v23, v13;
	v38 =	vadd.s32 v8, v37  }
0x119: {  	[tilespmem:s8], [sflag:$0x1] =	stream.indirect_vreg.gather [hbm4b:s12+s13], $0x80, v34, vm0, $0xb8;
	[tilespmem:$0x1F600] =	vst v63  }
0x11a: {  	v41 =	vperm.xlane v23, v5;
	v40 =	vadd.s32 v8, v39  }
0x11b: {  	[tilespmem:s10], [sflag:$0x1] =	stream.indirect_vreg.gather [hbm4b:s12+s13], $0x80, v36, vm0, $0xb8;
	[tilespmem:$0x1F600] =	vst v63  }
0x11c: {  	v43 =	vperm.xlane v23, v14;
	v42 =	vadd.s32 v8, v41  }
0x11d: {  	[tilespmem:s0], [sflag:$0x1] =	stream.indirect_vreg.gather [hbm4b:s12+s13], $0x80, v38, vm0, $0xb8;
	[tilespmem:$0x1F600] =	vst v63  }
0x11e: {  	v45 =	vperm.xlane v23, v15;
	v44 =	vadd.s32 v8, v43  }
0x11f: {  	[tilespmem:s2], [sflag:$0x1] =	stream.indirect_vreg.gather [hbm4b:s12+s13], $0x80, v40, vm0, $0xb8;
	[tilespmem:$0x1F600] =	vst v63  }
0x120: {  	v47 =	vperm.xlane v23, v16;
	v46 =	vadd.s32 v8, v45  }
0x121: {  	[tilespmem:s6], [sflag:$0x1] =	stream.indirect_vreg.gather [hbm4b:s12+s13], $0x80, v42, vm0, $0xb8;
	[tilespmem:$0x1F600] =	vst v63  }
0x122: {  	v49 =	vperm.xlane v23, v17;
	v48 =	vadd.s32 v8, v47  }
0x123: {  	[tilespmem:s7], [sflag:$0x1] =	stream.indirect_vreg.gather [hbm4b:s12+s13], $0x80, v44, vm0, $0xb8;
	[tilespmem:$0x1F600] =	vst v63  }
0x124: {  	v51 =	vperm.xlane v23, v18;
	v50 =	vadd.s32 v8, v49  }
0x125: {  	[tilespmem:s23], [sflag:$0x1] =	stream.indirect_vreg.gather [hbm4b:s12+s13], $0x80, v46, vm0, $0xb8;
	[tilespmem:$0x1F600] =	vst v63  }
0x126: {  	v53 =	vperm.xlane v23, v19;
	v52 =	vadd.s32 v8, v51  }
0x127: {  	[tilespmem:s11], [sflag:$0x1] =	stream.indirect_vreg.gather [hbm4b:s12+s13], $0x80, v48, vm0, $0xb8;
	[tilespmem:$0x1F600] =	vst v63  }
0x128: {  	v55 =	vperm.xlane v23, v20;
	v54 =	vadd.s32 v8, v53  }
0x129: {  	[tilespmem:s20], [sflag:$0x1] =	stream.indirect_vreg.gather [hbm4b:s12+s13], $0x80, v50, vm0, $0xb8;
	[tilespmem:$0x1F600] =	vst v63  }
0x12a: {  	v23 =	vperm.xlane v23, v21;
	v56 =	vadd.s32 v8, v55  }
0x12b: {  	[tilespmem:s25], [sflag:$0x1] =	stream.indirect_vreg.gather [hbm4b:s12+s13], $0x80, v52, vm0, $0xb8;
	[tilespmem:$0x1F600] =	vst v63  }
0x12c: {  	v23 =	vadd.s32 v8, v23  }
0x12d: {  	[tilespmem:s26], [sflag:$0x1] =	stream.indirect_vreg.gather [hbm4b:s12+s13], $0x80, v54, vm0, $0xb8;
	[tilespmem:$0x1F600] =	vst v63  }
0x12e: {  	_ = 	snop  }
0x12f: {  	[tilespmem:s28], [sflag:$0x1] =	stream.indirect_vreg.gather [hbm4b:s12+s13], $0x80, v56, vm0, $0xb8;
	[tilespmem:$0x1F600] =	vst v63  }
0x130: {  	_ = 	snop  }
0x131: {  	[tilespmem:s29], [sflag:$0x1] =	stream.indirect_vreg.gather [hbm4b:s12+s13], $0x80, v23, vm0, $0xb8;
	[tilespmem:$0x1F600] =	vst v63  }
0x132: {  	v23 =	vld [tilespmem:$0x50];
	_ =	sdelay $0x4  }
0x133: {  	[tilespmem:$0x1100] =	vst v23  }
0x134: {  	v23 =	vld [tilespmem:$0x1100]  }
0x135: {  	v24 =	vld [tilespmem:$0x850]  }
0x136: {  	v25 =	vld [tilespmem:$0x60]  }
0x137: {  	v26 =	vld [tilespmem:$0x860]  }
0x138: {  	v57 =	vld [tilespmem:$0x70]  }
0x139: {  	v28 =	vld [tilespmem:$0x870];
	v58 =	vshll.u32 v23, $0x1  }
0x13a: {  	v59 =	vld [tilespmem:$0x80];
	[tilespmem:$0x1180] =	vst v24;
	v23 =	vand.u32 $0x7, v23;
	v29 =	vand.u32 $0xFFFFFFF0, v58  }
0x13b: {  	v60 =	vld [tilespmem:$0x880];
	[tilespmem:$0x1110] =	vst v25;
	v23 =	vor.u32 v23, v29  }
0x13c: {  	v61 =	vld [tilespmem:$0x90];
	[tilespmem:$0x1190] =	vst v26;
	v29 =	vperm.xlane v23, v7  }
0x13d: {  	v62 =	vld [tilespmem:$0x890];
	[tilespmem:$0x1120] =	vst v57  }
0x13e: {  	[tilespmem:$0x11A0] =	vst v28;
	v32 =	vperm.xlane v23, v6;
	v63 =	vadd.s32 v8, v29  }
0x13f: {  	[tilespmem:$0x1130] =	vst v59  }
0x140: {  	[tilespmem:$0x11B0] =	vst v60;
	v34 =	vperm.xlane v23, v9;
	v33 =	vadd.s32 v8, v32  }
0x141: {  	[tilespmem:$0x1140] =	vst v61  }
0x142: {  	s14 =	simm.s32 $0x3B80;
	[tilespmem:$0x11C0] =	vst v62;
	v35 =	vperm.xlane v23, v10;
	v25 =	vadd.s32 v8, v34  }
0x143: {  	[tilespmem:s14], [sflag:$0x2] =	stream.indirect_vreg.gather [hbm4b:s12+s13], $0x80, v63, vm0, $0xb8;
	[tilespmem:$0x1F600] =	vst v63  }
0x144: {  	s16 =	simm.s32 $0x3C00;
	v36 =	vperm.xlane v23, v11;
	v26 =	vadd.s32 v8, v35  }
0x145: {  	[tilespmem:s16], [sflag:$0x2] =	stream.indirect_vreg.gather [hbm4b:s12+s13], $0x80, v33, vm0, $0xb8;
	[tilespmem:$0x1F600] =	vst v63  }
0x146: {  	s17 =	simm.s32 $0x3C80;
	v38 =	vperm.xlane v23, v12;
	v37 =	vadd.s32 v8, v36  }
0x147: {  	[tilespmem:s17], [sflag:$0x2] =	stream.indirect_vreg.gather [hbm4b:s12+s13], $0x80, v25, vm0, $0xb8;
	[tilespmem:$0x1F600] =	vst v63  }
0x148: {  	s18 =	simm.s32 $0x3D00;
	v40 =	vperm.xlane v23, v13;
	v39 =	vadd.s32 v8, v38  }
0x149: {  	[tilespmem:s18], [sflag:$0x2] =	stream.indirect_vreg.gather [hbm4b:s12+s13], $0x80, v26, vm0, $0xb8;
	[tilespmem:$0x1F600] =	vst v63  }
0x14a: {  	v42 =	vperm.xlane v23, v5;
	v41 =	vadd.s32 v8, v40;
	s14 =	simm.s32 $0x3D80  }
0x14b: {  	[tilespmem:s14], [sflag:$0x2] =	stream.indirect_vreg.gather [hbm4b:s12+s13], $0x80, v37, vm0, $0xb8;
	[tilespmem:$0x1F600] =	vst v63  }
0x14c: {  	v44 =	vperm.xlane v23, v14;
	v43 =	vadd.s32 v8, v42;
	s16 =	simm.s32 $0x3E00  }
0x14d: {  	[tilespmem:s16], [sflag:$0x2] =	stream.indirect_vreg.gather [hbm4b:s12+s13], $0x80, v39, vm0, $0xb8;
	[tilespmem:$0x1F600] =	vst v63  }
0x14e: {  	v46 =	vperm.xlane v23, v15;
	v45 =	vadd.s32 v8, v44;
	s17 =	simm.s32 $0x3E80  }
0x14f: {  	[tilespmem:s17], [sflag:$0x2] =	stream.indirect_vreg.gather [hbm4b:s12+s13], $0x80, v41, vm0, $0xb8;
	[tilespmem:$0x1F600] =	vst v63  }
0x150: {  	v48 =	vperm.xlane v23, v16;
	v47 =	vadd.s32 v8, v46;
	s18 =	simm.s32 $0x3F00  }
0x151: {  	[tilespmem:s18], [sflag:$0x2] =	stream.indirect_vreg.gather [hbm4b:s12+s13], $0x80, v43, vm0, $0xb8;
	[tilespmem:$0x1F600] =	vst v63  }
0x152: {  	v50 =	vperm.xlane v23, v17;
	v49 =	vadd.s32 v8, v48;
	s14 =	simm.s32 $0x3F80  }
0x153: {  	[tilespmem:s14], [sflag:$0x2] =	stream.indirect_vreg.gather [hbm4b:s12+s13], $0x80, v45, vm0, $0xb8;
	[tilespmem:$0x1F600] =	vst v63  }
0x154: {  	v52 =	vperm.xlane v23, v18;
	v51 =	vadd.s32 v8, v50;
	s16 =	simm.s32 $0x4000  }
0x155: {  	[tilespmem:s16], [sflag:$0x2] =	stream.indirect_vreg.gather [hbm4b:s12+s13], $0x80, v47, vm0, $0xb8;
	[tilespmem:$0x1F600] =	vst v63  }
0x156: {  	v54 =	vperm.xlane v23, v19;
	v53 =	vadd.s32 v8, v52;
	s17 =	simm.s32 $0x4080  }
0x157: {  	[tilespmem:s17], [sflag:$0x2] =	stream.indirect_vreg.gather [hbm4b:s12+s13], $0x80, v49, vm0, $0xb8;
	[tilespmem:$0x1F600] =	vst v63  }
0x158: {  	v56 =	vperm.xlane v23, v20;
	v55 =	vadd.s32 v8, v54;
	s18 =	simm.s32 $0x4100  }
0x159: {  	[tilespmem:s18], [sflag:$0x2] =	stream.indirect_vreg.gather [hbm4b:s12+s13], $0x80, v51, vm0, $0xb8;
	[tilespmem:$0x1F600] =	vst v63  }
0x15a: {  	v23 =	vperm.xlane v23, v21;
	v57 =	vadd.s32 v8, v56;
	s14 =	simm.s32 $0x4180  }
0x15b: {  	[tilespmem:s14], [sflag:$0x2] =	stream.indirect_vreg.gather [hbm4b:s12+s13], $0x80, v53, vm0, $0xb8;
	[tilespmem:$0x1F600] =	vst v63  }
0x15c: {  	v23 =	vadd.s32 v8, v23;
	s16 =	simm.s32 $0x4200  }
0x15d: {  	[tilespmem:s16], [sflag:$0x2] =	stream.indirect_vreg.gather [hbm4b:s12+s13], $0x80, v55, vm0, $0xb8;
	[tilespmem:$0x1F600] =	vst v63  }
0x15e: {  	s17 =	simm.s32 $0x4280  }
0x15f: {  	[tilespmem:s17], [sflag:$0x2] =	stream.indirect_vreg.gather [hbm4b:s12+s13], $0x80, v57, vm0, $0xb8;
	[tilespmem:$0x1F600] =	vst v63  }
0x160: {  	s18 =	simm.s32 $0x4300  }
0x161: {  	[tilespmem:s18], [sflag:$0x2] =	stream.indirect_vreg.gather [hbm4b:s12+s13], $0x80, v23, vm0, $0xb8;
	[tilespmem:$0x1F600] =	vst v63  }
0x162: {  	v23 =	vld [tilespmem:$0x1110];
	_ =	sdelay $0x4  }
0x163: {  	v58 =	vshll.u32 v23, $0x1  }
0x164: {  	v23 =	vand.u32 $0x7, v23;
	v24 =	vand.u32 $0xFFFFFFF0, v58  }
0x165: {  	v23 =	vor.u32 v23, v24  }
0x166: {  	v24 =	vperm.xlane v23, v7;
	_ =	sdelay $0x1  }
0x167: {  	v59 =	vperm.xlane v23, v6;
	v24 =	vadd.s32 v8, v24;
	_ =	sdelay $0x1  }
0x168: {  	v60 =	vperm.xlane v23, v9;
	v25 =	vadd.s32 v8, v59;
	_ =	sdelay $0x1  }
0x169: {  	s14 =	simm.s32 $0x4380;
	v61 =	vperm.xlane v23, v10;
	v26 =	vadd.s32 v8, v60  }
0x16a: {  	[tilespmem:s14], [sflag:$0x2] =	stream.indirect_vreg.gather [hbm4b:s12+s13], $0x80, v24, vm0, $0xb8;
	[tilespmem:$0x1F600] =	vst v63  }
0x16b: {  	s16 =	simm.s32 $0x4400;
	v63 =	vperm.xlane v23, v11;
	v62 =	vadd.s32 v8, v61  }
0x16c: {  	[tilespmem:s16], [sflag:$0x2] =	stream.indirect_vreg.gather [hbm4b:s12+s13], $0x80, v25, vm0, $0xb8;
	[tilespmem:$0x1F600] =	vst v63  }
0x16d: {  	s17 =	simm.s32 $0x4480;
	v31 =	vperm.xlane v23, v12;
	v30 =	vadd.s32 v8, v63  }
0x16e: {  	[tilespmem:s17], [sflag:$0x2] =	stream.indirect_vreg.gather [hbm4b:s12+s13], $0x80, v26, vm0, $0xb8;
	[tilespmem:$0x1F600] =	vst v63  }
0x16f: {  	s18 =	simm.s32 $0x4500;
	v33 =	vperm.xlane v23, v13;
	v32 =	vadd.s32 v8, v31  }
0x170: {  	[tilespmem:s18], [sflag:$0x2] =	stream.indirect_vreg.gather [hbm4b:s12+s13], $0x80, v62, vm0, $0xb8;
	[tilespmem:$0x1F600] =	vst v63  }
0x171: {  	v35 =	vperm.xlane v23, v5;
	v34 =	vadd.s32 v8, v33;
	s14 =	simm.s32 $0x4580  }
0x172: {  	[tilespmem:s14], [sflag:$0x2] =	stream.indirect_vreg.gather [hbm4b:s12+s13], $0x80, v30, vm0, $0xb8;
	[tilespmem:$0x1F600] =	vst v63  }
0x173: {  	v37 =	vperm.xlane v23, v14;
	v36 =	vadd.s32 v8, v35;
	s16 =	simm.s32 $0x4600  }
0x174: {  	[tilespmem:s16], [sflag:$0x2] =	stream.indirect_vreg.gather [hbm4b:s12+s13], $0x80, v32, vm0, $0xb8;
	[tilespmem:$0x1F600] =	vst v63  }
0x175: {  	v39 =	vperm.xlane v23, v15;
	v38 =	vadd.s32 v8, v37;
	s17 =	simm.s32 $0x4680  }
0x176: {  	[tilespmem:s17], [sflag:$0x2] =	stream.indirect_vreg.gather [hbm4b:s12+s13], $0x80, v34, vm0, $0xb8;
	[tilespmem:$0x1F600] =	vst v63  }
0x177: {  	v41 =	vperm.xlane v23, v16;
	v40 =	vadd.s32 v8, v39;
	s18 =	simm.s32 $0x4700  }
0x178: {  	[tilespmem:s18], [sflag:$0x2] =	stream.indirect_vreg.gather [hbm4b:s12+s13], $0x80, v36, vm0, $0xb8;
	[tilespmem:$0x1F600] =	vst v63  }
0x179: {  	v43 =	vperm.xlane v23, v17;
	v42 =	vadd.s32 v8, v41;
	s14 =	simm.s32 $0x4780  }
0x17a: {  	[tilespmem:s14], [sflag:$0x2] =	stream.indirect_vreg.gather [hbm4b:s12+s13], $0x80, v38, vm0, $0xb8;
	[tilespmem:$0x1F600] =	vst v63  }
0x17b: {  	v45 =	vperm.xlane v23, v18;
	v44 =	vadd.s32 v8, v43;
	s16 =	simm.s32 $0x4800  }
0x17c: {  	[tilespmem:s16], [sflag:$0x2] =	stream.indirect_vreg.gather [hbm4b:s12+s13], $0x80, v40, vm0, $0xb8;
	[tilespmem:$0x1F600] =	vst v63  }
0x17d: {  	v47 =	vperm.xlane v23, v19;
	v46 =	vadd.s32 v8, v45;
	s17 =	simm.s32 $0x4880  }
0x17e: {  	[tilespmem:s17], [sflag:$0x2] =	stream.indirect_vreg.gather [hbm4b:s12+s13], $0x80, v42, vm0, $0xb8;
	[tilespmem:$0x1F600] =	vst v63  }
0x17f: {  	v49 =	vperm.xlane v23, v20;
	v48 =	vadd.s32 v8, v47;
	s18 =	simm.s32 $0x4900  }
0x180: {  	[tilespmem:s18], [sflag:$0x2] =	stream.indirect_vreg.gather [hbm4b:s12+s13], $0x80, v44, vm0, $0xb8;
	[tilespmem:$0x1F600] =	vst v63  }
0x181: {  	v23 =	vperm.xlane v23, v21;
	v50 =	vadd.s32 v8, v49;
	s14 =	simm.s32 $0x4980  }
0x182: {  	[tilespmem:s14], [sflag:$0x2] =	stream.indirect_vreg.gather [hbm4b:s12+s13], $0x80, v46, vm0, $0xb8;
	[tilespmem:$0x1F600] =	vst v63  }
0x183: {  	v23 =	vadd.s32 v8, v23;
	s16 =	simm.s32 $0x4A00  }
0x184: {  	[tilespmem:s16], [sflag:$0x2] =	stream.indirect_vreg.gather [hbm4b:s12+s13], $0x80, v48, vm0, $0xb8;
	[tilespmem:$0x1F600] =	vst v63  }
0x185: {  	s17 =	simm.s32 $0x4A80  }
0x186: {  	[tilespmem:s17], [sflag:$0x2] =	stream.indirect_vreg.gather [hbm4b:s12+s13], $0x80, v50, vm0, $0xb8;
	[tilespmem:$0x1F600] =	vst v63  }
0x187: {  	s18 =	simm.s32 $0x4B00  }
0x188: {  	[tilespmem:s18], [sflag:$0x2] =	stream.indirect_vreg.gather [hbm4b:s12+s13], $0x80, v23, vm0, $0xb8;
	[tilespmem:$0x1F600] =	vst v63  }
0x189: {  	v23 =	vld [tilespmem:$0x1120];
	_ =	sdelay $0x4  }
0x18a: {  	v51 =	vshll.u32 v23, $0x1  }
0x18b: {  	v23 =	vand.u32 $0x7, v23;
	v24 =	vand.u32 $0xFFFFFFF0, v51  }
0x18c: {  	v23 =	vor.u32 v23, v24  }
0x18d: {  	v24 =	vperm.xlane v23, v7;
	_ =	sdelay $0x1  }
0x18e: {  	v52 =	vperm.xlane v23, v6;
	v24 =	vadd.s32 v8, v24;
	_ =	sdelay $0x1  }
0x18f: {  	v53 =	vperm.xlane v23, v9;
	v25 =	vadd.s32 v8, v52;
	_ =	sdelay $0x1  }
0x190: {  	s14 =	simm.s32 $0x4B80;
	v54 =	vperm.xlane v23, v10;
	v26 =	vadd.s32 v8, v53  }
0x191: {  	[tilespmem:s14], [sflag:$0x2] =	stream.indirect_vreg.gather [hbm4b:s12+s13], $0x80, v24, vm0, $0xb8;
	[tilespmem:$0x1F600] =	vst v63  }
0x192: {  	s16 =	simm.s32 $0x4C00;
	v56 =	vperm.xlane v23, v11;
	v55 =	vadd.s32 v8, v54  }
0x193: {  	[tilespmem:s16], [sflag:$0x2] =	stream.indirect_vreg.gather [hbm4b:s12+s13], $0x80, v25, vm0, $0xb8;
	[tilespmem:$0x1F600] =	vst v63  }
0x194: {  	s17 =	simm.s32 $0x4C80;
	v58 =	vperm.xlane v23, v12;
	v57 =	vadd.s32 v8, v56  }
0x195: {  	[tilespmem:s17], [sflag:$0x2] =	stream.indirect_vreg.gather [hbm4b:s12+s13], $0x80, v26, vm0, $0xb8;
	[tilespmem:$0x1F600] =	vst v63  }
0x196: {  	s18 =	simm.s32 $0x4D00;
	v60 =	vperm.xlane v23, v13;
	v59 =	vadd.s32 v8, v58  }
0x197: {  	[tilespmem:s18], [sflag:$0x2] =	stream.indirect_vreg.gather [hbm4b:s12+s13], $0x80, v55, vm0, $0xb8;
	[tilespmem:$0x1F600] =	vst v63  }
0x198: {  	v62 =	vperm.xlane v23, v5;
	v61 =	vadd.s32 v8, v60;
	s14 =	simm.s32 $0x4D80  }
0x199: {  	[tilespmem:s14], [sflag:$0x2] =	stream.indirect_vreg.gather [hbm4b:s12+s13], $0x80, v57, vm0, $0xb8;
	[tilespmem:$0x1F600] =	vst v63  }
0x19a: {  	v30 =	vperm.xlane v23, v14;
	v63 =	vadd.s32 v8, v62;
	s16 =	simm.s32 $0x4E00  }
0x19b: {  	[tilespmem:s16], [sflag:$0x2] =	stream.indirect_vreg.gather [hbm4b:s12+s13], $0x80, v59, vm0, $0xb8;
	[tilespmem:$0x1F600] =	vst v63  }
0x19c: {  	v32 =	vperm.xlane v23, v15;
	v31 =	vadd.s32 v8, v30;
	s17 =	simm.s32 $0x4E80  }
0x19d: {  	[tilespmem:s17], [sflag:$0x2] =	stream.indirect_vreg.gather [hbm4b:s12+s13], $0x80, v61, vm0, $0xb8;
	[tilespmem:$0x1F600] =	vst v63  }
0x19e: {  	v34 =	vperm.xlane v23, v16;
	v33 =	vadd.s32 v8, v32;
	s18 =	simm.s32 $0x4F00  }
0x19f: {  	[tilespmem:s18], [sflag:$0x2] =	stream.indirect_vreg.gather [hbm4b:s12+s13], $0x80, v63, vm0, $0xb8;
	[tilespmem:$0x1F600] =	vst v63  }
0x1a0: {  	v36 =	vperm.xlane v23, v17;
	v35 =	vadd.s32 v8, v34;
	s14 =	simm.s32 $0x4F80  }
0x1a1: {  	[tilespmem:s14], [sflag:$0x2] =	stream.indirect_vreg.gather [hbm4b:s12+s13], $0x80, v31, vm0, $0xb8;
	[tilespmem:$0x1F600] =	vst v63  }
0x1a2: {  	v38 =	vperm.xlane v23, v18;
	v37 =	vadd.s32 v8, v36;
	s16 =	simm.s32 $0x5000  }
0x1a3: {  	[tilespmem:s16], [sflag:$0x2] =	stream.indirect_vreg.gather [hbm4b:s12+s13], $0x80, v33, vm0, $0xb8;
	[tilespmem:$0x1F600] =	vst v63  }
0x1a4: {  	v40 =	vperm.xlane v23, v19;
	v39 =	vadd.s32 v8, v38;
	s17 =	simm.s32 $0x5080  }
0x1a5: {  	[tilespmem:s17], [sflag:$0x2] =	stream.indirect_vreg.gather [hbm4b:s12+s13], $0x80, v35, vm0, $0xb8;
	[tilespmem:$0x1F600] =	vst v63  }
0x1a6: {  	v42 =	vperm.xlane v23, v20;
	v41 =	vadd.s32 v8, v40;
	s18 =	simm.s32 $0x5100  }
0x1a7: {  	[tilespmem:s18], [sflag:$0x2] =	stream.indirect_vreg.gather [hbm4b:s12+s13], $0x80, v37, vm0, $0xb8;
	[tilespmem:$0x1F600] =	vst v63  }
0x1a8: {  	v23 =	vperm.xlane v23, v21;
	v43 =	vadd.s32 v8, v42;
	s14 =	simm.s32 $0x5180  }
0x1a9: {  	[tilespmem:s14], [sflag:$0x2] =	stream.indirect_vreg.gather [hbm4b:s12+s13], $0x80, v39, vm0, $0xb8;
	[tilespmem:$0x1F600] =	vst v63  }
0x1aa: {  	v23 =	vadd.s32 v8, v23;
	s16 =	simm.s32 $0x5200  }
0x1ab: {  	[tilespmem:s16], [sflag:$0x2] =	stream.indirect_vreg.gather [hbm4b:s12+s13], $0x80, v41, vm0, $0xb8;
	[tilespmem:$0x1F600] =	vst v63  }
0x1ac: {  	s17 =	simm.s32 $0x5280  }
0x1ad: {  	[tilespmem:s17], [sflag:$0x2] =	stream.indirect_vreg.gather [hbm4b:s12+s13], $0x80, v43, vm0, $0xb8;
	[tilespmem:$0x1F600] =	vst v63  }
0x1ae: {  	s18 =	simm.s32 $0x5300  }
0x1af: {  	[tilespmem:s18], [sflag:$0x2] =	stream.indirect_vreg.gather [hbm4b:s12+s13], $0x80, v23, vm0, $0xb8;
	[tilespmem:$0x1F600] =	vst v63  }
0x1b0: {  	v23 =	vld [tilespmem:$0x1130];
	_ =	sdelay $0x4  }
0x1b1: {  	v44 =	vshll.u32 v23, $0x1  }
0x1b2: {  	v23 =	vand.u32 $0x7, v23;
	v24 =	vand.u32 $0xFFFFFFF0, v44  }
0x1b3: {  	v23 =	vor.u32 v23, v24  }
0x1b4: {  	v24 =	vperm.xlane v23, v7;
	_ =	sdelay $0x1  }
0x1b5: {  	v45 =	vperm.xlane v23, v6;
	v24 =	vadd.s32 v8, v24;
	_ =	sdelay $0x1  }
0x1b6: {  	v46 =	vperm.xlane v23, v9;
	v25 =	vadd.s32 v8, v45;
	_ =	sdelay $0x1  }
0x1b7: {  	s14 =	simm.s32 $0x5380;
	v47 =	vperm.xlane v23, v10;
	v26 =	vadd.s32 v8, v46  }
0x1b8: {  	[tilespmem:s14], [sflag:$0x2] =	stream.indirect_vreg.gather [hbm4b:s12+s13], $0x80, v24, vm0, $0xb8;
	[tilespmem:$0x1F600] =	vst v63  }
0x1b9: {  	s16 =	simm.s32 $0x5400;
	v49 =	vperm.xlane v23, v11;
	v48 =	vadd.s32 v8, v47  }
0x1ba: {  	[tilespmem:s16], [sflag:$0x2] =	stream.indirect_vreg.gather [hbm4b:s12+s13], $0x80, v25, vm0, $0xb8;
	[tilespmem:$0x1F600] =	vst v63  }
0x1bb: {  	s17 =	simm.s32 $0x5480;
	v51 =	vperm.xlane v23, v12;
	v50 =	vadd.s32 v8, v49  }
0x1bc: {  	[tilespmem:s17], [sflag:$0x2] =	stream.indirect_vreg.gather [hbm4b:s12+s13], $0x80, v26, vm0, $0xb8;
	[tilespmem:$0x1F600] =	vst v63  }
0x1bd: {  	s18 =	simm.s32 $0x5500;
	v53 =	vperm.xlane v23, v13;
	v52 =	vadd.s32 v8, v51  }
0x1be: {  	[tilespmem:s18], [sflag:$0x2] =	stream.indirect_vreg.gather [hbm4b:s12+s13], $0x80, v48, vm0, $0xb8;
	[tilespmem:$0x1F600] =	vst v63  }
0x1bf: {  	v55 =	vperm.xlane v23, v5;
	v54 =	vadd.s32 v8, v53;
	s14 =	simm.s32 $0x5580  }
0x1c0: {  	[tilespmem:s14], [sflag:$0x2] =	stream.indirect_vreg.gather [hbm4b:s12+s13], $0x80, v50, vm0, $0xb8;
	[tilespmem:$0x1F600] =	vst v63  }
0x1c1: {  	v57 =	vperm.xlane v23, v14;
	v56 =	vadd.s32 v8, v55;
	s16 =	simm.s32 $0x5600  }
0x1c2: {  	[tilespmem:s16], [sflag:$0x2] =	stream.indirect_vreg.gather [hbm4b:s12+s13], $0x80, v52, vm0, $0xb8;
	[tilespmem:$0x1F600] =	vst v63  }
0x1c3: {  	v59 =	vperm.xlane v23, v15;
	v58 =	vadd.s32 v8, v57;
	s17 =	simm.s32 $0x5680  }
0x1c4: {  	[tilespmem:s17], [sflag:$0x2] =	stream.indirect_vreg.gather [hbm4b:s12+s13], $0x80, v54, vm0, $0xb8;
	[tilespmem:$0x1F600] =	vst v63  }
0x1c5: {  	v61 =	vperm.xlane v23, v16;
	v60 =	vadd.s32 v8, v59;
	s18 =	simm.s32 $0x5700  }
0x1c6: {  	[tilespmem:s18], [sflag:$0x2] =	stream.indirect_vreg.gather [hbm4b:s12+s13], $0x80, v56, vm0, $0xb8;
	[tilespmem:$0x1F600] =	vst v63  }
0x1c7: {  	v63 =	vperm.xlane v23, v17;
	v62 =	vadd.s32 v8, v61;
	s14 =	simm.s32 $0x5780  }
0x1c8: {  	[tilespmem:s14], [sflag:$0x2] =	stream.indirect_vreg.gather [hbm4b:s12+s13], $0x80, v58, vm0, $0xb8;
	[tilespmem:$0x1F600] =	vst v63  }
0x1c9: {  	v31 =	vperm.xlane v23, v18;
	v30 =	vadd.s32 v8, v63;
	s16 =	simm.s32 $0x5800  }
0x1ca: {  	[tilespmem:s16], [sflag:$0x2] =	stream.indirect_vreg.gather [hbm4b:s12+s13], $0x80, v60, vm0, $0xb8;
	[tilespmem:$0x1F600] =	vst v63  }
0x1cb: {  	v33 =	vperm.xlane v23, v19;
	v32 =	vadd.s32 v8, v31;
	s17 =	simm.s32 $0x5880  }
0x1cc: {  	[tilespmem:s17], [sflag:$0x2] =	stream.indirect_vreg.gather [hbm4b:s12+s13], $0x80, v62, vm0, $0xb8;
	[tilespmem:$0x1F600] =	vst v63  }
0x1cd: {  	v35 =	vperm.xlane v23, v20;
	v34 =	vadd.s32 v8, v33;
	s18 =	simm.s32 $0x5900  }
0x1ce: {  	[tilespmem:s18], [sflag:$0x2] =	stream.indirect_vreg.gather [hbm4b:s12+s13], $0x80, v30, vm0, $0xb8;
	[tilespmem:$0x1F600] =	vst v63  }
0x1cf: {  	v23 =	vperm.xlane v23, v21;
	v36 =	vadd.s32 v8, v35;
	s14 =	simm.s32 $0x5980  }
0x1d0: {  	[tilespmem:s14], [sflag:$0x2] =	stream.indirect_vreg.gather [hbm4b:s12+s13], $0x80, v32, vm0, $0xb8;
	[tilespmem:$0x1F600] =	vst v63  }
0x1d1: {  	v23 =	vadd.s32 v8, v23;
	s16 =	simm.s32 $0x5A00  }
0x1d2: {  	[tilespmem:s16], [sflag:$0x2] =	stream.indirect_vreg.gather [hbm4b:s12+s13], $0x80, v34, vm0, $0xb8;
	[tilespmem:$0x1F600] =	vst v63  }
0x1d3: {  	s17 =	simm.s32 $0x5A80  }
0x1d4: {  	[tilespmem:s17], [sflag:$0x2] =	stream.indirect_vreg.gather [hbm4b:s12+s13], $0x80, v36, vm0, $0xb8;
	[tilespmem:$0x1F600] =	vst v63  }
0x1d5: {  	s18 =	simm.s32 $0x5B00  }
0x1d6: {  	[tilespmem:s18], [sflag:$0x2] =	stream.indirect_vreg.gather [hbm4b:s12+s13], $0x80, v23, vm0, $0xb8;
	[tilespmem:$0x1F600] =	vst v63  }
0x1d7: {  	v23 =	vld [tilespmem:$0x1140];
	_ =	sdelay $0x4  }
0x1d8: {  	v37 =	vshll.u32 v23, $0x1  }
0x1d9: {  	v23 =	vand.u32 $0x7, v23;
	v24 =	vand.u32 $0xFFFFFFF0, v37  }
0x1da: {  	v23 =	vor.u32 v23, v24  }
0x1db: {  	v24 =	vperm.xlane v23, v7;
	_ =	sdelay $0x1  }
0x1dc: {  	v38 =	vperm.xlane v23, v6;
	v24 =	vadd.s32 v8, v24;
	_ =	sdelay $0x1  }
0x1dd: {  	v39 =	vperm.xlane v23, v9;
	v25 =	vadd.s32 v8, v38;
	_ =	sdelay $0x1  }
0x1de: {  	s14 =	simm.s32 $0x5B80;
	v40 =	vperm.xlane v23, v10;
	v26 =	vadd.s32 v8, v39  }
0x1df: {  	[tilespmem:s14], [sflag:$0x2] =	stream.indirect_vreg.gather [hbm4b:s12+s13], $0x80, v24, vm0, $0xb8;
	[tilespmem:$0x1F600] =	vst v63  }
0x1e0: {  	s16 =	simm.s32 $0x5C00;
	v42 =	vperm.xlane v23, v11;
	v41 =	vadd.s32 v8, v40  }
0x1e1: {  	[tilespmem:s16], [sflag:$0x2] =	stream.indirect_vreg.gather [hbm4b:s12+s13], $0x80, v25, vm0, $0xb8;
	[tilespmem:$0x1F600] =	vst v63  }
0x1e2: {  	s17 =	simm.s32 $0x5C80;
	v44 =	vperm.xlane v23, v12;
	v43 =	vadd.s32 v8, v42  }
0x1e3: {  	[tilespmem:s17], [sflag:$0x2] =	stream.indirect_vreg.gather [hbm4b:s12+s13], $0x80, v26, vm0, $0xb8;
	[tilespmem:$0x1F600] =	vst v63  }
0x1e4: {  	s18 =	simm.s32 $0x5D00;
	v46 =	vperm.xlane v23, v13;
	v45 =	vadd.s32 v8, v44  }
0x1e5: {  	[tilespmem:s18], [sflag:$0x2] =	stream.indirect_vreg.gather [hbm4b:s12+s13], $0x80, v41, vm0, $0xb8;
	[tilespmem:$0x1F600] =	vst v63  }
0x1e6: {  	v48 =	vperm.xlane v23, v5;
	v47 =	vadd.s32 v8, v46;
	s14 =	simm.s32 $0x5D80  }
0x1e7: {  	[tilespmem:s14], [sflag:$0x2] =	stream.indirect_vreg.gather [hbm4b:s12+s13], $0x80, v43, vm0, $0xb8;
	[tilespmem:$0x1F600] =	vst v63  }
0x1e8: {  	v50 =	vperm.xlane v23, v14;
	v49 =	vadd.s32 v8, v48;
	s16 =	simm.s32 $0x5E00  }
0x1e9: {  	[tilespmem:s16], [sflag:$0x2] =	stream.indirect_vreg.gather [hbm4b:s12+s13], $0x80, v45, vm0, $0xb8;
	[tilespmem:$0x1F600] =	vst v63  }
0x1ea: {  	v52 =	vperm.xlane v23, v15;
	v51 =	vadd.s32 v8, v50;
	s17 =	simm.s32 $0x5E80  }
0x1eb: {  	[tilespmem:s17], [sflag:$0x2] =	stream.indirect_vreg.gather [hbm4b:s12+s13], $0x80, v47, vm0, $0xb8;
	[tilespmem:$0x1F600] =	vst v63  }
0x1ec: {  	v54 =	vperm.xlane v23, v16;
	v53 =	vadd.s32 v8, v52;
	s18 =	simm.s32 $0x5F00  }
0x1ed: {  	[tilespmem:s18], [sflag:$0x2] =	stream.indirect_vreg.gather [hbm4b:s12+s13], $0x80, v49, vm0, $0xb8;
	[tilespmem:$0x1F600] =	vst v63  }
0x1ee: {  	v56 =	vperm.xlane v23, v17;
	v55 =	vadd.s32 v8, v54;
	s14 =	simm.s32 $0x5F80  }
0x1ef: {  	[tilespmem:s14], [sflag:$0x2] =	stream.indirect_vreg.gather [hbm4b:s12+s13], $0x80, v51, vm0, $0xb8;
	[tilespmem:$0x1F600] =	vst v63  }
0x1f0: {  	v58 =	vperm.xlane v23, v18;
	v57 =	vadd.s32 v8, v56;
	s16 =	simm.s32 $0x6000  }
0x1f1: {  	[tilespmem:s16], [sflag:$0x2] =	stream.indirect_vreg.gather [hbm4b:s12+s13], $0x80, v53, vm0, $0xb8;
	[tilespmem:$0x1F600] =	vst v63  }
0x1f2: {  	v60 =	vperm.xlane v23, v19;
	v59 =	vadd.s32 v8, v58;
	s17 =	simm.s32 $0x6080  }
0x1f3: {  	[tilespmem:s17], [sflag:$0x2] =	stream.indirect_vreg.gather [hbm4b:s12+s13], $0x80, v55, vm0, $0xb8;
	[tilespmem:$0x1F600] =	vst v63  }
0x1f4: {  	v61 =	vadd.s32 v8, v60;
	s18 =	simm.s32 $0x6100  }
0x1f5: {  	v62 =	vperm.xlane v23, v20;
	[tilespmem:s18], [sflag:$0x2] =	stream.indirect_vreg.gather [hbm4b:s12+s13], $0x80, v57, vm0, $0xb8;
	[tilespmem:$0x1F600] =	vst v63  }
0x1f6: {  	s14 =	simm.s32 $0x6180  }
0x1f7: {  	v23 =	vperm.xlane v23, v21;
	v63 =	vadd.s32 v8, v62;
	[tilespmem:s14], [sflag:$0x2] =	stream.indirect_vreg.gather [hbm4b:s12+s13], $0x80, v59, vm0, $0xb8;
	[tilespmem:$0x1F600] =	vst v63  }
0x1f8: {  	s16 =	simm.s32 $0x6200  }
0x1f9: {  	v23 =	vadd.s32 v8, v23;
	[tilespmem:s16], [sflag:$0x2] =	stream.indirect_vreg.gather [hbm4b:s12+s13], $0x80, v61, vm0, $0xb8;
	[tilespmem:$0x1F600] =	vst v63  }
.Ltmp4:
0x1fa: {  	_ = 	snop;
	(pc) =	sbr.rel .LBB2_3-.Ltmp4, $4  }
0x1fb: {  	s17 =	simm.s32 $0x6280  }
0x1fc: {  	[tilespmem:s17], [sflag:$0x2] =	stream.indirect_vreg.gather [hbm4b:s12+s13], $0x80, v63, vm0, $0xb8;
	[tilespmem:$0x1F600] =	vst v63  }
0x1fd: {  	s18 =	simm.s32 $0x6300;
	s14 =	simm.s32 $0x8E0;
	s16 =	simm.s32 $0xE0  }
0x1fe: {  	[tilespmem:s18], [sflag:$0x2] =	stream.indirect_vreg.gather [hbm4b:s12+s13], $0x80, v23, vm0, $0xb8;
	[tilespmem:$0x1F600] =	vst v63  }
.LBB2_11:
0x1ff: {  	_ =	swait.ge [sflag:s30], $0x2800  }
0x200: {  	[sflag:s30] =	ssyncset.done $0x0  }
0x201: {  	s9 =	simm.s32 $0x1280;
	s17 =	simm.s32 $0x6380;
	[sflag:s30] =	ssyncadd.s32 $0xFFFFD800  }
0x202: {  	[spmem:s3] =	stream.indirect.scatter.add.f32 [tilespmem:s17], [sflag:$0x6], $0x80, s9, s31, $0xb8;
	[tilespmem:$0x1F600] =	vst v63  }
0x203: {  	v23 =	vld [tilespmem:$0x1280];
	_ =	sdelay $0x7  }
0x204: {  	[tilespmem:v23+s21+$0x0] =	vst.idx.add.f32.msk $0xffff, v22  }
0x205: {  	v23 =	vld [tilespmem:$0x1290];
	_ =	sdelay $0x7  }
0x206: {  	[tilespmem:v23+s21+$0x0] =	vst.idx.add.f32.msk $0xffff, v22  }
0x207: {  	v23 =	vld [tilespmem:$0x12A0];
	_ =	sdelay $0x7  }
0x208: {  	s18 =	simm.s32 $0x12B0;
	s17 =	simm.s32 $0x12C0;
	[tilespmem:v23+s21+$0x0] =	vst.idx.add.f32.msk $0xffff, v22  }
.LBB2_12:
0x209: {  	v23 =	vld [tilespmem:s18+$0x0];
	_ =	sdelay $0x7  }
0x20a: {  	[tilespmem:v23+s21+$0x0] =	vst.idx.add.f32.msk $0xffff, v22  }
0x20b: {  	v23 =	vld [tilespmem:s17+$0x0];
	_ =	sdelay $0x1  }
0x20c: {  	s13 =	sadd.s32 $0x1, s13  }
0x20d: {  	p1 =	sne.s32 s13, $0x19  }
.Ltmp5:
0x20e: {  	_ = 	snop;
	(pc) =	sbr.rel @!p1 .LBB2_13-.Ltmp5, $2  }
0x20f: {  	_ =	sdelay $0x2  }
0x210: {  	s14 =	sadd.s32 $0x50, s14;
	s16 =	sadd.s32 $0x50, s16;
	[tilespmem:v23+s21+$0x0] =	vst.idx.add.f32.msk $0xffff, v22  }
.LBB2_3:
0x211: {  	s9 =	sadd.s32 $0x2, s13  }
0x212: {  	s17 =	smul.u32 $0xAB, s9;
	_ =	sdelay $0x1  }
0x213: {  	s17 =	sshrl.u32 s17, $0x9  }
0x214: {  	s17 =	sand.u32 $0x7F, s17  }
0x215: {  	s17 =	smul.u32 $0x3, s17;
	_ =	sdelay $0x1  }
0x216: {  	p1 =	sgt.u32 s13, $0x16;
	s9 =	ssub.s32 s9, s17  }
0x217: {  	s17 =	sand.u32 @!p1 $0xFF, s9  }
0x218: {  	p2 =	sne.s32 @!p1 s17, $0x0  }
0x219: {  	p2 =	por p1, p2  }
.Ltmp6:
0x21a: {  	_ = 	snop;
	(pc) =	sbr.rel @p2 .LBB2_5-.Ltmp6, $1  }
0x21b: {  	_ =	sdelay $0x3  }
0x21c: {  	p1 =	seq.s32 s13, $0x0  }
0x21d: {  	s9 =	simm.s32 @!p1 $0x4  }
0x21e: {  	_ =	swait.ge @!p1 [sflag:s9], $0x2800  }
0x21f: {  	[sflag:s9] =	ssyncset.done @!p1 $0x0  }
0x220: {  	[sflag:s9] =	ssyncadd.s32 @!p1 $0xFFFFD800  }
0x221: {  	v23 =	vld [tilespmem:s16+$0xFFFFFFC0];
	_ =	sdelay $0x4  }
0x222: {  	[tilespmem:$0x1000] =	vst v23  }
0x223: {  	v23 =	vld [tilespmem:s14+$0xFFFFFFC0];
	_ =	sdelay $0x4  }
0x224: {  	[tilespmem:$0x1080] =	vst v23  }
0x225: {  	v23 =	vld [tilespmem:s16+$0xFFFFFFD0];
	_ =	sdelay $0x4  }
0x226: {  	[tilespmem:$0x1010] =	vst v23  }
0x227: {  	v23 =	vld [tilespmem:s14+$0xFFFFFFD0];
	_ =	sdelay $0x4  }
0x228: {  	[tilespmem:$0x1090] =	vst v23  }
0x229: {  	v23 =	vld [tilespmem:s16+$0xFFFFFFE0];
	_ =	sdelay $0x4  }
0x22a: {  	[tilespmem:$0x1020] =	vst v23  }
0x22b: {  	v23 =	vld [tilespmem:s14+$0xFFFFFFE0];
	_ =	sdelay $0x4  }
0x22c: {  	[tilespmem:$0x10A0] =	vst v23  }
0x22d: {  	v23 =	vld [tilespmem:s16+$0xFFFFFFF0];
	_ =	sdelay $0x4  }
0x22e: {  	[tilespmem:$0x1030] =	vst v23  }
0x22f: {  	v23 =	vld [tilespmem:s14+$0xFFFFFFF0];
	_ =	sdelay $0x2  }
0x230: {  	v24 =	vld [tilespmem:$0x1000];
	_ =	sdelay $0x1  }
0x231: {  	[tilespmem:$0x10B0] =	vst v23  }
0x232: {  	v23 =	vld [tilespmem:s16+$0x0];
	_ =	sdelay $0x1  }
0x233: {  	v25 =	vshll.u32 v24, $0x1  }
0x234: {  	v24 =	vand.u32 $0x7, v24;
	v25 =	vand.u32 $0xFFFFFFF0, v25  }
0x235: {  	v24 =	vor.u32 v24, v25  }
0x236: {  	[tilespmem:$0x1040] =	vst v23;
	v23 =	vperm.xlane v24, v7  }
0x237: {  	v36 =	vld [tilespmem:s14+$0x0]  }
0x238: {  	v26 =	vperm.xlane v24, v6;
	v23 =	vadd.s32 v8, v23;
	_ =	sdelay $0x1  }
0x239: {  	v27 =	vperm.xlane v24, v9;
	v26 =	vadd.s32 v8, v26;
	_ =	sdelay $0x1  }
0x23a: {  	v38 =	vperm.xlane v24, v10;
	v37 =	vadd.s32 v8, v27;
	[tilespmem:$0x10C0] =	vst v36  }
0x23b: {  	[tilespmem:s24], [sflag:$0x1] =	stream.indirect_vreg.gather [hbm4b:s12+s5], $0x80, v23, vm0, $0xb8;
	[tilespmem:$0x1F600] =	vst v63  }
0x23c: {  	s17 =	simm.s32 $0x1400;
	v39 =	vperm.xlane v24, v11;
	v23 =	vadd.s32 v8, v38  }
0x23d: {  	[tilespmem:s17], [sflag:$0x1] =	stream.indirect_vreg.gather [hbm4b:s12+s5], $0x80, v26, vm0, $0xb8;
	[tilespmem:$0x1F600] =	vst v63  }
0x23e: {  	s18 =	simm.s32 $0x1480;
	v41 =	vperm.xlane v24, v12;
	v40 =	vadd.s32 v8, v39  }
0x23f: {  	[tilespmem:s18], [sflag:$0x1] =	stream.indirect_vreg.gather [hbm4b:s12+s5], $0x80, v37, vm0, $0xb8;
	[tilespmem:$0x1F600] =	vst v63  }
0x240: {  	v43 =	vperm.xlane v24, v13;
	v42 =	vadd.s32 v8, v41;
	s17 =	simm.s32 $0x1500  }
0x241: {  	[tilespmem:s17], [sflag:$0x1] =	stream.indirect_vreg.gather [hbm4b:s12+s5], $0x80, v23, vm0, $0xb8;
	[tilespmem:$0x1F600] =	vst v63  }
0x242: {  	v44 =	vperm.xlane v24, v5;
	s18 =	simm.s32 $0x1580;
	v23 =	vadd.s32 v8, v43  }
0x243: {  	[tilespmem:s18], [sflag:$0x1] =	stream.indirect_vreg.gather [hbm4b:s12+s5], $0x80, v40, vm0, $0xb8;
	[tilespmem:$0x1F600] =	vst v63  }
0x244: {  	v46 =	vperm.xlane v24, v14;
	v45 =	vadd.s32 v8, v44;
	s17 =	simm.s32 $0x1600  }
0x245: {  	[tilespmem:s17], [sflag:$0x1] =	stream.indirect_vreg.gather [hbm4b:s12+s5], $0x80, v42, vm0, $0xb8;
	[tilespmem:$0x1F600] =	vst v63  }
0x246: {  	v48 =	vperm.xlane v24, v15;
	v47 =	vadd.s32 v8, v46;
	s18 =	simm.s32 $0x1680  }
0x247: {  	[tilespmem:s18], [sflag:$0x1] =	stream.indirect_vreg.gather [hbm4b:s12+s5], $0x80, v23, vm0, $0xb8;
	[tilespmem:$0x1F600] =	vst v63  }
0x248: {  	v49 =	vperm.xlane v24, v16;
	s17 =	simm.s32 $0x1700;
	v23 =	vadd.s32 v8, v48  }
0x249: {  	[tilespmem:s17], [sflag:$0x1] =	stream.indirect_vreg.gather [hbm4b:s12+s5], $0x80, v45, vm0, $0xb8;
	[tilespmem:$0x1F600] =	vst v63  }
0x24a: {  	v51 =	vperm.xlane v24, v17;
	v50 =	vadd.s32 v8, v49;
	s18 =	simm.s32 $0x1780  }
0x24b: {  	[tilespmem:s18], [sflag:$0x1] =	stream.indirect_vreg.gather [hbm4b:s12+s5], $0x80, v47, vm0, $0xb8;
	[tilespmem:$0x1F600] =	vst v63  }
0x24c: {  	v53 =	vperm.xlane v24, v18;
	v52 =	vadd.s32 v8, v51;
	s17 =	simm.s32 $0x1800  }
0x24d: {  	[tilespmem:s17], [sflag:$0x1] =	stream.indirect_vreg.gather [hbm4b:s12+s5], $0x80, v23, vm0, $0xb8;
	[tilespmem:$0x1F600] =	vst v63  }
0x24e: {  	v54 =	vperm.xlane v24, v19;
	s18 =	simm.s32 $0x1880;
	v23 =	vadd.s32 v8, v53  }
0x24f: {  	[tilespmem:s18], [sflag:$0x1] =	stream.indirect_vreg.gather [hbm4b:s12+s5], $0x80, v50, vm0, $0xb8;
	[tilespmem:$0x1F600] =	vst v63  }
0x250: {  	v56 =	vperm.xlane v24, v20;
	v55 =	vadd.s32 v8, v54;
	s17 =	simm.s32 $0x1900  }
0x251: {  	[tilespmem:s17], [sflag:$0x1] =	stream.indirect_vreg.gather [hbm4b:s12+s5], $0x80, v52, vm0, $0xb8;
	[tilespmem:$0x1F600] =	vst v63  }
0x252: {  	v57 =	vadd.s32 v8, v56;
	v24 =	vperm.xlane v24, v21;
	s18 =	simm.s32 $0x1980  }
0x253: {  	[tilespmem:s18], [sflag:$0x1] =	stream.indirect_vreg.gather [hbm4b:s12+s5], $0x80, v23, vm0, $0xb8;
	[tilespmem:$0x1F600] =	vst v63  }
0x254: {  	s17 =	simm.s32 $0x1A00;
	v23 =	vadd.s32 v8, v24  }
0x255: {  	[tilespmem:s17], [sflag:$0x1] =	stream.indirect_vreg.gather [hbm4b:s12+s5], $0x80, v55, vm0, $0xb8;
	[tilespmem:$0x1F600] =	vst v63  }
0x256: {  	s18 =	simm.s32 $0x1A80  }
0x257: {  	[tilespmem:s18], [sflag:$0x1] =	stream.indirect_vreg.gather [hbm4b:s12+s5], $0x80, v57, vm0, $0xb8;
	[tilespmem:$0x1F600] =	vst v63  }
0x258: {  	s17 =	simm.s32 $0x1B00  }
0x259: {  	[tilespmem:s17], [sflag:$0x1] =	stream.indirect_vreg.gather [hbm4b:s12+s5], $0x80, v23, vm0, $0xb8;
	[tilespmem:$0x1F600] =	vst v63  }
0x25a: {  	v23 =	vld [tilespmem:$0x1010];
	_ =	sdelay $0x4  }
0x25b: {  	v58 =	vshll.u32 v23, $0x1  }
0x25c: {  	v23 =	vand.u32 $0x7, v23;
	v24 =	vand.u32 $0xFFFFFFF0, v58  }
0x25d: {  	v23 =	vor.u32 v23, v24  }
0x25e: {  	v24 =	vperm.xlane v23, v7;
	_ =	sdelay $0x1  }
0x25f: {  	v59 =	vperm.xlane v23, v6;
	v24 =	vadd.s32 v8, v24;
	_ =	sdelay $0x1  }
0x260: {  	v60 =	vperm.xlane v23, v9;
	v25 =	vadd.s32 v8, v59;
	_ =	sdelay $0x1  }
0x261: {  	s18 =	simm.s32 $0x1B80;
	v61 =	vperm.xlane v23, v10;
	v26 =	vadd.s32 v8, v60  }
0x262: {  	[tilespmem:s18], [sflag:$0x1] =	stream.indirect_vreg.gather [hbm4b:s12+s5], $0x80, v24, vm0, $0xb8;
	[tilespmem:$0x1F600] =	vst v63  }
0x263: {  	s17 =	simm.s32 $0x1C00;
	v63 =	vperm.xlane v23, v11;
	v62 =	vadd.s32 v8, v61  }
0x264: {  	[tilespmem:s17], [sflag:$0x1] =	stream.indirect_vreg.gather [hbm4b:s12+s5], $0x80, v25, vm0, $0xb8;
	[tilespmem:$0x1F600] =	vst v63  }
0x265: {  	v31 =	vperm.xlane v23, v12;
	v30 =	vadd.s32 v8, v63;
	s18 =	simm.s32 $0x1C80  }
0x266: {  	[tilespmem:s18], [sflag:$0x1] =	stream.indirect_vreg.gather [hbm4b:s12+s5], $0x80, v26, vm0, $0xb8;
	[tilespmem:$0x1F600] =	vst v63  }
0x267: {  	v33 =	vperm.xlane v23, v13;
	v32 =	vadd.s32 v8, v31;
	s17 =	simm.s32 $0x1D00  }
0x268: {  	[tilespmem:s17], [sflag:$0x1] =	stream.indirect_vreg.gather [hbm4b:s12+s5], $0x80, v62, vm0, $0xb8;
	[tilespmem:$0x1F600] =	vst v63  }
0x269: {  	v35 =	vperm.xlane v23, v5;
	v34 =	vadd.s32 v8, v33;
	s18 =	simm.s32 $0x1D80  }
0x26a: {  	[tilespmem:s18], [sflag:$0x1] =	stream.indirect_vreg.gather [hbm4b:s12+s5], $0x80, v30, vm0, $0xb8;
	[tilespmem:$0x1F600] =	vst v63  }
0x26b: {  	v37 =	vperm.xlane v23, v14;
	v36 =	vadd.s32 v8, v35;
	s17 =	simm.s32 $0x1E00  }
0x26c: {  	[tilespmem:s17], [sflag:$0x1] =	stream.indirect_vreg.gather [hbm4b:s12+s5], $0x80, v32, vm0, $0xb8;
	[tilespmem:$0x1F600] =	vst v63  }
0x26d: {  	v39 =	vperm.xlane v23, v15;
	v38 =	vadd.s32 v8, v37;
	s18 =	simm.s32 $0x1E80  }
0x26e: {  	[tilespmem:s18], [sflag:$0x1] =	stream.indirect_vreg.gather [hbm4b:s12+s5], $0x80, v34, vm0, $0xb8;
	[tilespmem:$0x1F600] =	vst v63  }
0x26f: {  	v41 =	vperm.xlane v23, v16;
	v40 =	vadd.s32 v8, v39;
	s17 =	simm.s32 $0x1F00  }
0x270: {  	[tilespmem:s17], [sflag:$0x1] =	stream.indirect_vreg.gather [hbm4b:s12+s5], $0x80, v36, vm0, $0xb8;
	[tilespmem:$0x1F600] =	vst v63  }
0x271: {  	v43 =	vperm.xlane v23, v17;
	v42 =	vadd.s32 v8, v41;
	s18 =	simm.s32 $0x1F80  }
0x272: {  	[tilespmem:s18], [sflag:$0x1] =	stream.indirect_vreg.gather [hbm4b:s12+s5], $0x80, v38, vm0, $0xb8;
	[tilespmem:$0x1F600] =	vst v63  }
0x273: {  	v45 =	vperm.xlane v23, v18;
	v44 =	vadd.s32 v8, v43;
	s17 =	simm.s32 $0x2000  }
0x274: {  	[tilespmem:s17], [sflag:$0x1] =	stream.indirect_vreg.gather [hbm4b:s12+s5], $0x80, v40, vm0, $0xb8;
	[tilespmem:$0x1F600] =	vst v63  }
0x275: {  	v47 =	vperm.xlane v23, v19;
	v46 =	vadd.s32 v8, v45;
	s18 =	simm.s32 $0x2080  }
0x276: {  	[tilespmem:s18], [sflag:$0x1] =	stream.indirect_vreg.gather [hbm4b:s12+s5], $0x80, v42, vm0, $0xb8;
	[tilespmem:$0x1F600] =	vst v63  }
0x277: {  	v49 =	vperm.xlane v23, v20;
	v48 =	vadd.s32 v8, v47;
	s17 =	simm.s32 $0x2100  }
0x278: {  	[tilespmem:s17], [sflag:$0x1] =	stream.indirect_vreg.gather [hbm4b:s12+s5], $0x80, v44, vm0, $0xb8;
	[tilespmem:$0x1F600] =	vst v63  }
0x279: {  	v23 =	vperm.xlane v23, v21;
	v50 =	vadd.s32 v8, v49;
	s18 =	simm.s32 $0x2180  }
0x27a: {  	[tilespmem:s18], [sflag:$0x1] =	stream.indirect_vreg.gather [hbm4b:s12+s5], $0x80, v46, vm0, $0xb8;
	[tilespmem:$0x1F600] =	vst v63  }
0x27b: {  	v23 =	vadd.s32 v8, v23;
	s17 =	simm.s32 $0x2200  }
0x27c: {  	[tilespmem:s17], [sflag:$0x1] =	stream.indirect_vreg.gather [hbm4b:s12+s5], $0x80, v48, vm0, $0xb8;
	[tilespmem:$0x1F600] =	vst v63  }
0x27d: {  	s18 =	simm.s32 $0x2280  }
0x27e: {  	[tilespmem:s18], [sflag:$0x1] =	stream.indirect_vreg.gather [hbm4b:s12+s5], $0x80, v50, vm0, $0xb8;
	[tilespmem:$0x1F600] =	vst v63  }
0x27f: {  	s17 =	simm.s32 $0x2300  }
0x280: {  	[tilespmem:s17], [sflag:$0x1] =	stream.indirect_vreg.gather [hbm4b:s12+s5], $0x80, v23, vm0, $0xb8;
	[tilespmem:$0x1F600] =	vst v63  }
0x281: {  	v23 =	vld [tilespmem:$0x1020];
	_ =	sdelay $0x4  }
0x282: {  	v51 =	vshll.u32 v23, $0x1  }
0x283: {  	v23 =	vand.u32 $0x7, v23;
	v24 =	vand.u32 $0xFFFFFFF0, v51  }
0x284: {  	v23 =	vor.u32 v23, v24  }
0x285: {  	v24 =	vperm.xlane v23, v7;
	_ =	sdelay $0x1  }
0x286: {  	v52 =	vperm.xlane v23, v6;
	v24 =	vadd.s32 v8, v24;
	_ =	sdelay $0x1  }
0x287: {  	v53 =	vperm.xlane v23, v9;
	v25 =	vadd.s32 v8, v52;
	_ =	sdelay $0x1  }
0x288: {  	s18 =	simm.s32 $0x2380;
	v54 =	vperm.xlane v23, v10;
	v26 =	vadd.s32 v8, v53  }
0x289: {  	[tilespmem:s18], [sflag:$0x1] =	stream.indirect_vreg.gather [hbm4b:s12+s5], $0x80, v24, vm0, $0xb8;
	[tilespmem:$0x1F600] =	vst v63  }
0x28a: {  	s17 =	simm.s32 $0x2400;
	v56 =	vperm.xlane v23, v11;
	v55 =	vadd.s32 v8, v54  }
0x28b: {  	[tilespmem:s17], [sflag:$0x1] =	stream.indirect_vreg.gather [hbm4b:s12+s5], $0x80, v25, vm0, $0xb8;
	[tilespmem:$0x1F600] =	vst v63  }
0x28c: {  	v58 =	vperm.xlane v23, v12;
	v57 =	vadd.s32 v8, v56;
	s18 =	simm.s32 $0x2480  }
0x28d: {  	[tilespmem:s18], [sflag:$0x1] =	stream.indirect_vreg.gather [hbm4b:s12+s5], $0x80, v26, vm0, $0xb8;
	[tilespmem:$0x1F600] =	vst v63  }
0x28e: {  	v60 =	vperm.xlane v23, v13;
	v59 =	vadd.s32 v8, v58;
	s17 =	simm.s32 $0x2500  }
0x28f: {  	[tilespmem:s17], [sflag:$0x1] =	stream.indirect_vreg.gather [hbm4b:s12+s5], $0x80, v55, vm0, $0xb8;
	[tilespmem:$0x1F600] =	vst v63  }
0x290: {  	v62 =	vperm.xlane v23, v5;
	v61 =	vadd.s32 v8, v60;
	s18 =	simm.s32 $0x2580  }
0x291: {  	[tilespmem:s18], [sflag:$0x1] =	stream.indirect_vreg.gather [hbm4b:s12+s5], $0x80, v57, vm0, $0xb8;
	[tilespmem:$0x1F600] =	vst v63  }
0x292: {  	v30 =	vperm.xlane v23, v14;
	v63 =	vadd.s32 v8, v62;
	s17 =	simm.s32 $0x2600  }
0x293: {  	[tilespmem:s17], [sflag:$0x1] =	stream.indirect_vreg.gather [hbm4b:s12+s5], $0x80, v59, vm0, $0xb8;
	[tilespmem:$0x1F600] =	vst v63  }
0x294: {  	v32 =	vperm.xlane v23, v15;
	v31 =	vadd.s32 v8, v30;
	s18 =	simm.s32 $0x2680  }
0x295: {  	[tilespmem:s18], [sflag:$0x1] =	stream.indirect_vreg.gather [hbm4b:s12+s5], $0x80, v61, vm0, $0xb8;
	[tilespmem:$0x1F600] =	vst v63  }
0x296: {  	v34 =	vperm.xlane v23, v16;
	v33 =	vadd.s32 v8, v32;
	s17 =	simm.s32 $0x2700  }
0x297: {  	[tilespmem:s17], [sflag:$0x1] =	stream.indirect_vreg.gather [hbm4b:s12+s5], $0x80, v63, vm0, $0xb8;
	[tilespmem:$0x1F600] =	vst v63  }
0x298: {  	v36 =	vperm.xlane v23, v17;
	v35 =	vadd.s32 v8, v34;
	s18 =	simm.s32 $0x2780  }
0x299: {  	[tilespmem:s18], [sflag:$0x1] =	stream.indirect_vreg.gather [hbm4b:s12+s5], $0x80, v31, vm0, $0xb8;
	[tilespmem:$0x1F600] =	vst v63  }
0x29a: {  	v38 =	vperm.xlane v23, v18;
	v37 =	vadd.s32 v8, v36;
	s17 =	simm.s32 $0x2800  }
0x29b: {  	[tilespmem:s17], [sflag:$0x1] =	stream.indirect_vreg.gather [hbm4b:s12+s5], $0x80, v33, vm0, $0xb8;
	[tilespmem:$0x1F600] =	vst v63  }
0x29c: {  	v40 =	vperm.xlane v23, v19;
	v39 =	vadd.s32 v8, v38;
	s18 =	simm.s32 $0x2880  }
0x29d: {  	[tilespmem:s18], [sflag:$0x1] =	stream.indirect_vreg.gather [hbm4b:s12+s5], $0x80, v35, vm0, $0xb8;
	[tilespmem:$0x1F600] =	vst v63  }
0x29e: {  	v42 =	vperm.xlane v23, v20;
	v41 =	vadd.s32 v8, v40;
	s17 =	simm.s32 $0x2900  }
0x29f: {  	[tilespmem:s17], [sflag:$0x1] =	stream.indirect_vreg.gather [hbm4b:s12+s5], $0x80, v37, vm0, $0xb8;
	[tilespmem:$0x1F600] =	vst v63  }
0x2a0: {  	v23 =	vperm.xlane v23, v21;
	v43 =	vadd.s32 v8, v42;
	s18 =	simm.s32 $0x2980  }
0x2a1: {  	[tilespmem:s18], [sflag:$0x1] =	stream.indirect_vreg.gather [hbm4b:s12+s5], $0x80, v39, vm0, $0xb8;
	[tilespmem:$0x1F600] =	vst v63  }
0x2a2: {  	v23 =	vadd.s32 v8, v23;
	s17 =	simm.s32 $0x2A00  }
0x2a3: {  	[tilespmem:s17], [sflag:$0x1] =	stream.indirect_vreg.gather [hbm4b:s12+s5], $0x80, v41, vm0, $0xb8;
	[tilespmem:$0x1F600] =	vst v63  }
0x2a4: {  	s18 =	simm.s32 $0x2A80  }
0x2a5: {  	[tilespmem:s18], [sflag:$0x1] =	stream.indirect_vreg.gather [hbm4b:s12+s5], $0x80, v43, vm0, $0xb8;
	[tilespmem:$0x1F600] =	vst v63  }
0x2a6: {  	s17 =	simm.s32 $0x2B00  }
0x2a7: {  	[tilespmem:s17], [sflag:$0x1] =	stream.indirect_vreg.gather [hbm4b:s12+s5], $0x80, v23, vm0, $0xb8;
	[tilespmem:$0x1F600] =	vst v63  }
0x2a8: {  	v23 =	vld [tilespmem:$0x1030];
	_ =	sdelay $0x4  }
0x2a9: {  	v44 =	vshll.u32 v23, $0x1  }
0x2aa: {  	v23 =	vand.u32 $0x7, v23;
	v24 =	vand.u32 $0xFFFFFFF0, v44  }
0x2ab: {  	v23 =	vor.u32 v23, v24  }
0x2ac: {  	v24 =	vperm.xlane v23, v7;
	_ =	sdelay $0x1  }
0x2ad: {  	v45 =	vperm.xlane v23, v6;
	v24 =	vadd.s32 v8, v24;
	_ =	sdelay $0x1  }
0x2ae: {  	v46 =	vperm.xlane v23, v9;
	v25 =	vadd.s32 v8, v45;
	_ =	sdelay $0x1  }
0x2af: {  	s18 =	simm.s32 $0x2B80;
	v47 =	vperm.xlane v23, v10;
	v26 =	vadd.s32 v8, v46  }
0x2b0: {  	[tilespmem:s18], [sflag:$0x1] =	stream.indirect_vreg.gather [hbm4b:s12+s5], $0x80, v24, vm0, $0xb8;
	[tilespmem:$0x1F600] =	vst v63  }
0x2b1: {  	s17 =	simm.s32 $0x2C00;
	v49 =	vperm.xlane v23, v11;
	v48 =	vadd.s32 v8, v47  }
0x2b2: {  	[tilespmem:s17], [sflag:$0x1] =	stream.indirect_vreg.gather [hbm4b:s12+s5], $0x80, v25, vm0, $0xb8;
	[tilespmem:$0x1F600] =	vst v63  }
0x2b3: {  	v51 =	vperm.xlane v23, v12;
	v50 =	vadd.s32 v8, v49;
	s18 =	simm.s32 $0x2C80  }
0x2b4: {  	[tilespmem:s18], [sflag:$0x1] =	stream.indirect_vreg.gather [hbm4b:s12+s5], $0x80, v26, vm0, $0xb8;
	[tilespmem:$0x1F600] =	vst v63  }
0x2b5: {  	v53 =	vperm.xlane v23, v13;
	v52 =	vadd.s32 v8, v51;
	s17 =	simm.s32 $0x2D00  }
0x2b6: {  	[tilespmem:s17], [sflag:$0x1] =	stream.indirect_vreg.gather [hbm4b:s12+s5], $0x80, v48, vm0, $0xb8;
	[tilespmem:$0x1F600] =	vst v63  }
0x2b7: {  	v55 =	vperm.xlane v23, v5;
	v54 =	vadd.s32 v8, v53;
	s18 =	simm.s32 $0x2D80  }
0x2b8: {  	[tilespmem:s18], [sflag:$0x1] =	stream.indirect_vreg.gather [hbm4b:s12+s5], $0x80, v50, vm0, $0xb8;
	[tilespmem:$0x1F600] =	vst v63  }
0x2b9: {  	v57 =	vperm.xlane v23, v14;
	v56 =	vadd.s32 v8, v55;
	s17 =	simm.s32 $0x2E00  }
0x2ba: {  	[tilespmem:s17], [sflag:$0x1] =	stream.indirect_vreg.gather [hbm4b:s12+s5], $0x80, v52, vm0, $0xb8;
	[tilespmem:$0x1F600] =	vst v63  }
0x2bb: {  	v59 =	vperm.xlane v23, v15;
	v58 =	vadd.s32 v8, v57;
	s18 =	simm.s32 $0x2E80  }
0x2bc: {  	[tilespmem:s18], [sflag:$0x1] =	stream.indirect_vreg.gather [hbm4b:s12+s5], $0x80, v54, vm0, $0xb8;
	[tilespmem:$0x1F600] =	vst v63  }
0x2bd: {  	v61 =	vperm.xlane v23, v16;
	v60 =	vadd.s32 v8, v59;
	s17 =	simm.s32 $0x2F00  }
0x2be: {  	[tilespmem:s17], [sflag:$0x1] =	stream.indirect_vreg.gather [hbm4b:s12+s5], $0x80, v56, vm0, $0xb8;
	[tilespmem:$0x1F600] =	vst v63  }
0x2bf: {  	v63 =	vperm.xlane v23, v17;
	v62 =	vadd.s32 v8, v61;
	s18 =	simm.s32 $0x2F80  }
0x2c0: {  	[tilespmem:s18], [sflag:$0x1] =	stream.indirect_vreg.gather [hbm4b:s12+s5], $0x80, v58, vm0, $0xb8;
	[tilespmem:$0x1F600] =	vst v63  }
0x2c1: {  	v31 =	vperm.xlane v23, v18;
	v30 =	vadd.s32 v8, v63;
	s17 =	simm.s32 $0x3000  }
0x2c2: {  	[tilespmem:s17], [sflag:$0x1] =	stream.indirect_vreg.gather [hbm4b:s12+s5], $0x80, v60, vm0, $0xb8;
	[tilespmem:$0x1F600] =	vst v63  }
0x2c3: {  	v33 =	vperm.xlane v23, v19;
	v32 =	vadd.s32 v8, v31;
	s18 =	simm.s32 $0x3080  }
0x2c4: {  	[tilespmem:s18], [sflag:$0x1] =	stream.indirect_vreg.gather [hbm4b:s12+s5], $0x80, v62, vm0, $0xb8;
	[tilespmem:$0x1F600] =	vst v63  }
0x2c5: {  	v35 =	vperm.xlane v23, v20;
	v34 =	vadd.s32 v8, v33;
	s17 =	simm.s32 $0x3100  }
0x2c6: {  	[tilespmem:s17], [sflag:$0x1] =	stream.indirect_vreg.gather [hbm4b:s12+s5], $0x80, v30, vm0, $0xb8;
	[tilespmem:$0x1F600] =	vst v63  }
0x2c7: {  	v23 =	vperm.xlane v23, v21;
	v36 =	vadd.s32 v8, v35;
	s18 =	simm.s32 $0x3180  }
0x2c8: {  	[tilespmem:s18], [sflag:$0x1] =	stream.indirect_vreg.gather [hbm4b:s12+s5], $0x80, v32, vm0, $0xb8;
	[tilespmem:$0x1F600] =	vst v63  }
0x2c9: {  	v23 =	vadd.s32 v8, v23;
	s17 =	simm.s32 $0x3200  }
0x2ca: {  	[tilespmem:s17], [sflag:$0x1] =	stream.indirect_vreg.gather [hbm4b:s12+s5], $0x80, v34, vm0, $0xb8;
	[tilespmem:$0x1F600] =	vst v63  }
0x2cb: {  	s18 =	simm.s32 $0x3280  }
0x2cc: {  	[tilespmem:s18], [sflag:$0x1] =	stream.indirect_vreg.gather [hbm4b:s12+s5], $0x80, v36, vm0, $0xb8;
	[tilespmem:$0x1F600] =	vst v63  }
0x2cd: {  	s17 =	simm.s32 $0x3300  }
0x2ce: {  	[tilespmem:s17], [sflag:$0x1] =	stream.indirect_vreg.gather [hbm4b:s12+s5], $0x80, v23, vm0, $0xb8;
	[tilespmem:$0x1F600] =	vst v63  }
0x2cf: {  	v23 =	vld [tilespmem:$0x1040];
	_ =	sdelay $0x4  }
0x2d0: {  	v37 =	vshll.u32 v23, $0x1  }
0x2d1: {  	v23 =	vand.u32 $0x7, v23;
	v24 =	vand.u32 $0xFFFFFFF0, v37  }
0x2d2: {  	v23 =	vor.u32 v23, v24  }
0x2d3: {  	v24 =	vperm.xlane v23, v7;
	_ =	sdelay $0x1  }
0x2d4: {  	v38 =	vperm.xlane v23, v6;
	v24 =	vadd.s32 v8, v24;
	_ =	sdelay $0x1  }
0x2d5: {  	v39 =	vperm.xlane v23, v9;
	v25 =	vadd.s32 v8, v38;
	_ =	sdelay $0x1  }
0x2d6: {  	s18 =	simm.s32 $0x3380;
	v40 =	vperm.xlane v23, v10;
	v26 =	vadd.s32 v8, v39  }
0x2d7: {  	[tilespmem:s18], [sflag:$0x1] =	stream.indirect_vreg.gather [hbm4b:s12+s5], $0x80, v24, vm0, $0xb8;
	[tilespmem:$0x1F600] =	vst v63  }
0x2d8: {  	v42 =	vperm.xlane v23, v11;
	v41 =	vadd.s32 v8, v40  }
0x2d9: {  	[tilespmem:s19], [sflag:$0x1] =	stream.indirect_vreg.gather [hbm4b:s12+s5], $0x80, v25, vm0, $0xb8;
	[tilespmem:$0x1F600] =	vst v63  }
0x2da: {  	v44 =	vperm.xlane v23, v12;
	v43 =	vadd.s32 v8, v42  }
0x2db: {  	[tilespmem:s22], [sflag:$0x1] =	stream.indirect_vreg.gather [hbm4b:s12+s5], $0x80, v26, vm0, $0xb8;
	[tilespmem:$0x1F600] =	vst v63  }
0x2dc: {  	v46 =	vperm.xlane v23, v13;
	v45 =	vadd.s32 v8, v44  }
0x2dd: {  	[tilespmem:s8], [sflag:$0x1] =	stream.indirect_vreg.gather [hbm4b:s12+s5], $0x80, v41, vm0, $0xb8;
	[tilespmem:$0x1F600] =	vst v63  }
0x2de: {  	v48 =	vperm.xlane v23, v5;
	v47 =	vadd.s32 v8, v46  }
0x2df: {  	[tilespmem:s10], [sflag:$0x1] =	stream.indirect_vreg.gather [hbm4b:s12+s5], $0x80, v43, vm0, $0xb8;
	[tilespmem:$0x1F600] =	vst v63  }
0x2e0: {  	v50 =	vperm.xlane v23, v14;
	v49 =	vadd.s32 v8, v48  }
0x2e1: {  	[tilespmem:s0], [sflag:$0x1] =	stream.indirect_vreg.gather [hbm4b:s12+s5], $0x80, v45, vm0, $0xb8;
	[tilespmem:$0x1F600] =	vst v63  }
0x2e2: {  	v52 =	vperm.xlane v23, v15;
	v51 =	vadd.s32 v8, v50  }
0x2e3: {  	[tilespmem:s2], [sflag:$0x1] =	stream.indirect_vreg.gather [hbm4b:s12+s5], $0x80, v47, vm0, $0xb8;
	[tilespmem:$0x1F600] =	vst v63  }
0x2e4: {  	v54 =	vperm.xlane v23, v16;
	v53 =	vadd.s32 v8, v52  }
0x2e5: {  	[tilespmem:s6], [sflag:$0x1] =	stream.indirect_vreg.gather [hbm4b:s12+s5], $0x80, v49, vm0, $0xb8;
	[tilespmem:$0x1F600] =	vst v63  }
0x2e6: {  	v56 =	vperm.xlane v23, v17;
	v55 =	vadd.s32 v8, v54  }
0x2e7: {  	[tilespmem:s7], [sflag:$0x1] =	stream.indirect_vreg.gather [hbm4b:s12+s5], $0x80, v51, vm0, $0xb8;
	[tilespmem:$0x1F600] =	vst v63  }
0x2e8: {  	v58 =	vperm.xlane v23, v18;
	v57 =	vadd.s32 v8, v56  }
0x2e9: {  	[tilespmem:s23], [sflag:$0x1] =	stream.indirect_vreg.gather [hbm4b:s12+s5], $0x80, v53, vm0, $0xb8;
	[tilespmem:$0x1F600] =	vst v63  }
0x2ea: {  	v60 =	vperm.xlane v23, v19;
	v59 =	vadd.s32 v8, v58  }
0x2eb: {  	[tilespmem:s11], [sflag:$0x1] =	stream.indirect_vreg.gather [hbm4b:s12+s5], $0x80, v55, vm0, $0xb8;
	[tilespmem:$0x1F600] =	vst v63  }
0x2ec: {  	v61 =	vadd.s32 v8, v60  }
0x2ed: {  	v62 =	vperm.xlane v23, v20;
	[tilespmem:s20], [sflag:$0x1] =	stream.indirect_vreg.gather [hbm4b:s12+s5], $0x80, v57, vm0, $0xb8;
	[tilespmem:$0x1F600] =	vst v63  }
0x2ee: {  	_ = 	snop  }
0x2ef: {  	v23 =	vperm.xlane v23, v21;
	v63 =	vadd.s32 v8, v62;
	[tilespmem:s25], [sflag:$0x1] =	stream.indirect_vreg.gather [hbm4b:s12+s5], $0x80, v59, vm0, $0xb8;
	[tilespmem:$0x1F600] =	vst v63  }
0x2f0: {  	_ = 	snop  }
0x2f1: {  	v23 =	vadd.s32 v8, v23;
	[tilespmem:s26], [sflag:$0x1] =	stream.indirect_vreg.gather [hbm4b:s12+s5], $0x80, v61, vm0, $0xb8;
	[tilespmem:$0x1F600] =	vst v63  }
.Ltmp7:
0x2f2: {  	_ = 	snop;
	(pc) =	sbr.rel .LBB2_9-.Ltmp7, $4  }
0x2f3: {  	_ = 	snop  }
0x2f4: {  	[tilespmem:s28], [sflag:$0x1] =	stream.indirect_vreg.gather [hbm4b:s12+s5], $0x80, v63, vm0, $0xb8;
	[tilespmem:$0x1F600] =	vst v63  }
0x2f5: {  	_ = 	snop  }
0x2f6: {  	[tilespmem:s29], [sflag:$0x1] =	stream.indirect_vreg.gather [hbm4b:s12+s5], $0x80, v23, vm0, $0xb8;
	[tilespmem:$0x1F600] =	vst v63  }
.LBB2_5:
0x2f7: {  	p2 =	sne.s32 @!p1 s17, $0x1  }
0x2f8: {  	p2 =	por p1, p2  }
.Ltmp8:
0x2f9: {  	_ = 	snop;
	(pc) =	sbr.rel @p2 .LBB2_7-.Ltmp8, $1  }
0x2fa: {  	_ =	sdelay $0x3  }
0x2fb: {  	p1 =	seq.s32 s13, $0x0  }
0x2fc: {  	s9 =	simm.s32 @!p1 $0x5  }
0x2fd: {  	_ =	swait.ge @!p1 [sflag:s9], $0x2800  }
0x2fe: {  	[sflag:s9] =	ssyncset.done @!p1 $0x0  }
0x2ff: {  	[sflag:s9] =	ssyncadd.s32 @!p1 $0xFFFFD800  }
0x300: {  	v23 =	vld [tilespmem:s16+$0xFFFFFFC0];
	_ =	sdelay $0x4  }
0x301: {  	[tilespmem:$0x1100] =	vst v23  }
0x302: {  	v23 =	vld [tilespmem:s14+$0xFFFFFFC0];
	_ =	sdelay $0x4  }
0x303: {  	[tilespmem:$0x1180] =	vst v23  }
0x304: {  	v23 =	vld [tilespmem:s16+$0xFFFFFFD0];
	_ =	sdelay $0x4  }
0x305: {  	[tilespmem:$0x1110] =	vst v23  }
0x306: {  	v23 =	vld [tilespmem:s14+$0xFFFFFFD0];
	_ =	sdelay $0x4  }
0x307: {  	[tilespmem:$0x1190] =	vst v23  }
0x308: {  	v23 =	vld [tilespmem:s16+$0xFFFFFFE0];
	_ =	sdelay $0x4  }
0x309: {  	[tilespmem:$0x1120] =	vst v23  }
0x30a: {  	v23 =	vld [tilespmem:s14+$0xFFFFFFE0];
	_ =	sdelay $0x4  }
0x30b: {  	[tilespmem:$0x11A0] =	vst v23  }
0x30c: {  	v23 =	vld [tilespmem:s16+$0xFFFFFFF0];
	_ =	sdelay $0x4  }
0x30d: {  	[tilespmem:$0x1130] =	vst v23  }
0x30e: {  	v23 =	vld [tilespmem:s14+$0xFFFFFFF0];
	_ =	sdelay $0x2  }
0x30f: {  	v24 =	vld [tilespmem:$0x1100];
	_ =	sdelay $0x1  }
0x310: {  	[tilespmem:$0x11B0] =	vst v23  }
0x311: {  	v23 =	vld [tilespmem:s16+$0x0];
	_ =	sdelay $0x1  }
0x312: {  	v25 =	vshll.u32 v24, $0x1  }
0x313: {  	v24 =	vand.u32 $0x7, v24;
	v25 =	vand.u32 $0xFFFFFFF0, v25  }
0x314: {  	v24 =	vor.u32 v24, v25  }
0x315: {  	[tilespmem:$0x1140] =	vst v23;
	v23 =	vperm.xlane v24, v7  }
0x316: {  	v36 =	vld [tilespmem:s14+$0x0]  }
0x317: {  	v26 =	vperm.xlane v24, v6;
	v23 =	vadd.s32 v8, v23;
	_ =	sdelay $0x1  }
0x318: {  	v27 =	vperm.xlane v24, v9;
	v26 =	vadd.s32 v8, v26;
	_ =	sdelay $0x1  }
0x319: {  	s17 =	simm.s32 $0x3B80;
	v38 =	vperm.xlane v24, v10;
	v37 =	vadd.s32 v8, v27;
	[tilespmem:$0x11C0] =	vst v36  }
0x31a: {  	[tilespmem:s17], [sflag:$0x2] =	stream.indirect_vreg.gather [hbm4b:s12+s5], $0x80, v23, vm0, $0xb8;
	[tilespmem:$0x1F600] =	vst v63  }
0x31b: {  	s18 =	simm.s32 $0x3C00;
	v39 =	vperm.xlane v24, v11;
	v23 =	vadd.s32 v8, v38  }
0x31c: {  	[tilespmem:s18], [sflag:$0x2] =	stream.indirect_vreg.gather [hbm4b:s12+s5], $0x80, v26, vm0, $0xb8;
	[tilespmem:$0x1F600] =	vst v63  }
0x31d: {  	v41 =	vperm.xlane v24, v12;
	v40 =	vadd.s32 v8, v39;
	s17 =	simm.s32 $0x3C80  }
0x31e: {  	[tilespmem:s17], [sflag:$0x2] =	stream.indirect_vreg.gather [hbm4b:s12+s5], $0x80, v37, vm0, $0xb8;
	[tilespmem:$0x1F600] =	vst v63  }
0x31f: {  	v43 =	vperm.xlane v24, v13;
	v42 =	vadd.s32 v8, v41;
	s18 =	simm.s32 $0x3D00  }
0x320: {  	[tilespmem:s18], [sflag:$0x2] =	stream.indirect_vreg.gather [hbm4b:s12+s5], $0x80, v23, vm0, $0xb8;
	[tilespmem:$0x1F600] =	vst v63  }
0x321: {  	v44 =	vperm.xlane v24, v5;
	s17 =	simm.s32 $0x3D80;
	v23 =	vadd.s32 v8, v43  }
0x322: {  	[tilespmem:s17], [sflag:$0x2] =	stream.indirect_vreg.gather [hbm4b:s12+s5], $0x80, v40, vm0, $0xb8;
	[tilespmem:$0x1F600] =	vst v63  }
0x323: {  	v46 =	vperm.xlane v24, v14;
	v45 =	vadd.s32 v8, v44;
	s18 =	simm.s32 $0x3E00  }
0x324: {  	[tilespmem:s18], [sflag:$0x2] =	stream.indirect_vreg.gather [hbm4b:s12+s5], $0x80, v42, vm0, $0xb8;
	[tilespmem:$0x1F600] =	vst v63  }
0x325: {  	v48 =	vperm.xlane v24, v15;
	v47 =	vadd.s32 v8, v46;
	s17 =	simm.s32 $0x3E80  }
0x326: {  	[tilespmem:s17], [sflag:$0x2] =	stream.indirect_vreg.gather [hbm4b:s12+s5], $0x80, v23, vm0, $0xb8;
	[tilespmem:$0x1F600] =	vst v63  }
0x327: {  	v49 =	vperm.xlane v24, v16;
	s18 =	simm.s32 $0x3F00;
	v23 =	vadd.s32 v8, v48  }
0x328: {  	[tilespmem:s18], [sflag:$0x2] =	stream.indirect_vreg.gather [hbm4b:s12+s5], $0x80, v45, vm0, $0xb8;
	[tilespmem:$0x1F600] =	vst v63  }
0x329: {  	v51 =	vperm.xlane v24, v17;
	v50 =	vadd.s32 v8, v49;
	s17 =	simm.s32 $0x3F80  }
0x32a: {  	[tilespmem:s17], [sflag:$0x2] =	stream.indirect_vreg.gather [hbm4b:s12+s5], $0x80, v47, vm0, $0xb8;
	[tilespmem:$0x1F600] =	vst v63  }
0x32b: {  	v53 =	vperm.xlane v24, v18;
	v52 =	vadd.s32 v8, v51;
	s18 =	simm.s32 $0x4000  }
0x32c: {  	[tilespmem:s18], [sflag:$0x2] =	stream.indirect_vreg.gather [hbm4b:s12+s5], $0x80, v23, vm0, $0xb8;
	[tilespmem:$0x1F600] =	vst v63  }
0x32d: {  	v54 =	vperm.xlane v24, v19;
	s17 =	simm.s32 $0x4080;
	v23 =	vadd.s32 v8, v53  }
0x32e: {  	[tilespmem:s17], [sflag:$0x2] =	stream.indirect_vreg.gather [hbm4b:s12+s5], $0x80, v50, vm0, $0xb8;
	[tilespmem:$0x1F600] =	vst v63  }
0x32f: {  	v56 =	vperm.xlane v24, v20;
	v55 =	vadd.s32 v8, v54;
	s18 =	simm.s32 $0x4100  }
0x330: {  	[tilespmem:s18], [sflag:$0x2] =	stream.indirect_vreg.gather [hbm4b:s12+s5], $0x80, v52, vm0, $0xb8;
	[tilespmem:$0x1F600] =	vst v63  }
0x331: {  	v57 =	vadd.s32 v8, v56;
	v24 =	vperm.xlane v24, v21;
	s17 =	simm.s32 $0x4180  }
0x332: {  	[tilespmem:s17], [sflag:$0x2] =	stream.indirect_vreg.gather [hbm4b:s12+s5], $0x80, v23, vm0, $0xb8;
	[tilespmem:$0x1F600] =	vst v63  }
0x333: {  	s18 =	simm.s32 $0x4200;
	v23 =	vadd.s32 v8, v24  }
0x334: {  	[tilespmem:s18], [sflag:$0x2] =	stream.indirect_vreg.gather [hbm4b:s12+s5], $0x80, v55, vm0, $0xb8;
	[tilespmem:$0x1F600] =	vst v63  }
0x335: {  	s17 =	simm.s32 $0x4280  }
0x336: {  	[tilespmem:s17], [sflag:$0x2] =	stream.indirect_vreg.gather [hbm4b:s12+s5], $0x80, v57, vm0, $0xb8;
	[tilespmem:$0x1F600] =	vst v63  }
0x337: {  	s18 =	simm.s32 $0x4300  }
0x338: {  	[tilespmem:s18], [sflag:$0x2] =	stream.indirect_vreg.gather [hbm4b:s12+s5], $0x80, v23, vm0, $0xb8;
	[tilespmem:$0x1F600] =	vst v63  }
0x339: {  	v23 =	vld [tilespmem:$0x1110];
	_ =	sdelay $0x4  }
0x33a: {  	v58 =	vshll.u32 v23, $0x1  }
0x33b: {  	v23 =	vand.u32 $0x7, v23;
	v24 =	vand.u32 $0xFFFFFFF0, v58  }
0x33c: {  	v23 =	vor.u32 v23, v24  }
0x33d: {  	v24 =	vperm.xlane v23, v7;
	_ =	sdelay $0x1  }
0x33e: {  	v59 =	vperm.xlane v23, v6;
	v24 =	vadd.s32 v8, v24;
	_ =	sdelay $0x1  }
0x33f: {  	v60 =	vperm.xlane v23, v9;
	v25 =	vadd.s32 v8, v59;
	_ =	sdelay $0x1  }
0x340: {  	s17 =	simm.s32 $0x4380;
	v61 =	vperm.xlane v23, v10;
	v26 =	vadd.s32 v8, v60  }
0x341: {  	[tilespmem:s17], [sflag:$0x2] =	stream.indirect_vreg.gather [hbm4b:s12+s5], $0x80, v24, vm0, $0xb8;
	[tilespmem:$0x1F600] =	vst v63  }
0x342: {  	s18 =	simm.s32 $0x4400;
	v63 =	vperm.xlane v23, v11;
	v62 =	vadd.s32 v8, v61  }
0x343: {  	[tilespmem:s18], [sflag:$0x2] =	stream.indirect_vreg.gather [hbm4b:s12+s5], $0x80, v25, vm0, $0xb8;
	[tilespmem:$0x1F600] =	vst v63  }
0x344: {  	v31 =	vperm.xlane v23, v12;
	v30 =	vadd.s32 v8, v63;
	s17 =	simm.s32 $0x4480  }
0x345: {  	[tilespmem:s17], [sflag:$0x2] =	stream.indirect_vreg.gather [hbm4b:s12+s5], $0x80, v26, vm0, $0xb8;
	[tilespmem:$0x1F600] =	vst v63  }
0x346: {  	v33 =	vperm.xlane v23, v13;
	v32 =	vadd.s32 v8, v31;
	s18 =	simm.s32 $0x4500  }
0x347: {  	[tilespmem:s18], [sflag:$0x2] =	stream.indirect_vreg.gather [hbm4b:s12+s5], $0x80, v62, vm0, $0xb8;
	[tilespmem:$0x1F600] =	vst v63  }
0x348: {  	v35 =	vperm.xlane v23, v5;
	v34 =	vadd.s32 v8, v33;
	s17 =	simm.s32 $0x4580  }
0x349: {  	[tilespmem:s17], [sflag:$0x2] =	stream.indirect_vreg.gather [hbm4b:s12+s5], $0x80, v30, vm0, $0xb8;
	[tilespmem:$0x1F600] =	vst v63  }
0x34a: {  	v37 =	vperm.xlane v23, v14;
	v36 =	vadd.s32 v8, v35;
	s18 =	simm.s32 $0x4600  }
0x34b: {  	[tilespmem:s18], [sflag:$0x2] =	stream.indirect_vreg.gather [hbm4b:s12+s5], $0x80, v32, vm0, $0xb8;
	[tilespmem:$0x1F600] =	vst v63  }
0x34c: {  	v39 =	vperm.xlane v23, v15;
	v38 =	vadd.s32 v8, v37;
	s17 =	simm.s32 $0x4680  }
0x34d: {  	[tilespmem:s17], [sflag:$0x2] =	stream.indirect_vreg.gather [hbm4b:s12+s5], $0x80, v34, vm0, $0xb8;
	[tilespmem:$0x1F600] =	vst v63  }
0x34e: {  	v41 =	vperm.xlane v23, v16;
	v40 =	vadd.s32 v8, v39;
	s18 =	simm.s32 $0x4700  }
0x34f: {  	[tilespmem:s18], [sflag:$0x2] =	stream.indirect_vreg.gather [hbm4b:s12+s5], $0x80, v36, vm0, $0xb8;
	[tilespmem:$0x1F600] =	vst v63  }
0x350: {  	v43 =	vperm.xlane v23, v17;
	v42 =	vadd.s32 v8, v41;
	s17 =	simm.s32 $0x4780  }
0x351: {  	[tilespmem:s17], [sflag:$0x2] =	stream.indirect_vreg.gather [hbm4b:s12+s5], $0x80, v38, vm0, $0xb8;
	[tilespmem:$0x1F600] =	vst v63  }
0x352: {  	v45 =	vperm.xlane v23, v18;
	v44 =	vadd.s32 v8, v43;
	s18 =	simm.s32 $0x4800  }
0x353: {  	[tilespmem:s18], [sflag:$0x2] =	stream.indirect_vreg.gather [hbm4b:s12+s5], $0x80, v40, vm0, $0xb8;
	[tilespmem:$0x1F600] =	vst v63  }
0x354: {  	v47 =	vperm.xlane v23, v19;
	v46 =	vadd.s32 v8, v45;
	s17 =	simm.s32 $0x4880  }
0x355: {  	[tilespmem:s17], [sflag:$0x2] =	stream.indirect_vreg.gather [hbm4b:s12+s5], $0x80, v42, vm0, $0xb8;
	[tilespmem:$0x1F600] =	vst v63  }
0x356: {  	v49 =	vperm.xlane v23, v20;
	v48 =	vadd.s32 v8, v47;
	s18 =	simm.s32 $0x4900  }
0x357: {  	[tilespmem:s18], [sflag:$0x2] =	stream.indirect_vreg.gather [hbm4b:s12+s5], $0x80, v44, vm0, $0xb8;
	[tilespmem:$0x1F600] =	vst v63  }
0x358: {  	v23 =	vperm.xlane v23, v21;
	v50 =	vadd.s32 v8, v49;
	s17 =	simm.s32 $0x4980  }
0x359: {  	[tilespmem:s17], [sflag:$0x2] =	stream.indirect_vreg.gather [hbm4b:s12+s5], $0x80, v46, vm0, $0xb8;
	[tilespmem:$0x1F600] =	vst v63  }
0x35a: {  	v23 =	vadd.s32 v8, v23;
	s18 =	simm.s32 $0x4A00  }
0x35b: {  	[tilespmem:s18], [sflag:$0x2] =	stream.indirect_vreg.gather [hbm4b:s12+s5], $0x80, v48, vm0, $0xb8;
	[tilespmem:$0x1F600] =	vst v63  }
0x35c: {  	s17 =	simm.s32 $0x4A80  }
0x35d: {  	[tilespmem:s17], [sflag:$0x2] =	stream.indirect_vreg.gather [hbm4b:s12+s5], $0x80, v50, vm0, $0xb8;
	[tilespmem:$0x1F600] =	vst v63  }
0x35e: {  	s18 =	simm.s32 $0x4B00  }
0x35f: {  	[tilespmem:s18], [sflag:$0x2] =	stream.indirect_vreg.gather [hbm4b:s12+s5], $0x80, v23, vm0, $0xb8;
	[tilespmem:$0x1F600] =	vst v63  }
0x360: {  	v23 =	vld [tilespmem:$0x1120];
	_ =	sdelay $0x4  }
0x361: {  	v51 =	vshll.u32 v23, $0x1  }
0x362: {  	v23 =	vand.u32 $0x7, v23;
	v24 =	vand.u32 $0xFFFFFFF0, v51  }
0x363: {  	v23 =	vor.u32 v23, v24  }
0x364: {  	v24 =	vperm.xlane v23, v7;
	_ =	sdelay $0x1  }
0x365: {  	v52 =	vperm.xlane v23, v6;
	v24 =	vadd.s32 v8, v24;
	_ =	sdelay $0x1  }
0x366: {  	v53 =	vperm.xlane v23, v9;
	v25 =	vadd.s32 v8, v52;
	_ =	sdelay $0x1  }
0x367: {  	s17 =	simm.s32 $0x4B80;
	v54 =	vperm.xlane v23, v10;
	v26 =	vadd.s32 v8, v53  }
0x368: {  	[tilespmem:s17], [sflag:$0x2] =	stream.indirect_vreg.gather [hbm4b:s12+s5], $0x80, v24, vm0, $0xb8;
	[tilespmem:$0x1F600] =	vst v63  }
0x369: {  	s18 =	simm.s32 $0x4C00;
	v56 =	vperm.xlane v23, v11;
	v55 =	vadd.s32 v8, v54  }
0x36a: {  	[tilespmem:s18], [sflag:$0x2] =	stream.indirect_vreg.gather [hbm4b:s12+s5], $0x80, v25, vm0, $0xb8;
	[tilespmem:$0x1F600] =	vst v63  }
0x36b: {  	v58 =	vperm.xlane v23, v12;
	v57 =	vadd.s32 v8, v56;
	s17 =	simm.s32 $0x4C80  }
0x36c: {  	[tilespmem:s17], [sflag:$0x2] =	stream.indirect_vreg.gather [hbm4b:s12+s5], $0x80, v26, vm0, $0xb8;
	[tilespmem:$0x1F600] =	vst v63  }
0x36d: {  	v60 =	vperm.xlane v23, v13;
	v59 =	vadd.s32 v8, v58;
	s18 =	simm.s32 $0x4D00  }
0x36e: {  	[tilespmem:s18], [sflag:$0x2] =	stream.indirect_vreg.gather [hbm4b:s12+s5], $0x80, v55, vm0, $0xb8;
	[tilespmem:$0x1F600] =	vst v63  }
0x36f: {  	v62 =	vperm.xlane v23, v5;
	v61 =	vadd.s32 v8, v60;
	s17 =	simm.s32 $0x4D80  }
0x370: {  	[tilespmem:s17], [sflag:$0x2] =	stream.indirect_vreg.gather [hbm4b:s12+s5], $0x80, v57, vm0, $0xb8;
	[tilespmem:$0x1F600] =	vst v63  }
0x371: {  	v30 =	vperm.xlane v23, v14;
	v63 =	vadd.s32 v8, v62;
	s18 =	simm.s32 $0x4E00  }
0x372: {  	[tilespmem:s18], [sflag:$0x2] =	stream.indirect_vreg.gather [hbm4b:s12+s5], $0x80, v59, vm0, $0xb8;
	[tilespmem:$0x1F600] =	vst v63  }
0x373: {  	v32 =	vperm.xlane v23, v15;
	v31 =	vadd.s32 v8, v30;
	s17 =	simm.s32 $0x4E80  }
0x374: {  	[tilespmem:s17], [sflag:$0x2] =	stream.indirect_vreg.gather [hbm4b:s12+s5], $0x80, v61, vm0, $0xb8;
	[tilespmem:$0x1F600] =	vst v63  }
0x375: {  	v34 =	vperm.xlane v23, v16;
	v33 =	vadd.s32 v8, v32;
	s18 =	simm.s32 $0x4F00  }
0x376: {  	[tilespmem:s18], [sflag:$0x2] =	stream.indirect_vreg.gather [hbm4b:s12+s5], $0x80, v63, vm0, $0xb8;
	[tilespmem:$0x1F600] =	vst v63  }
0x377: {  	v36 =	vperm.xlane v23, v17;
	v35 =	vadd.s32 v8, v34;
	s17 =	simm.s32 $0x4F80  }
0x378: {  	[tilespmem:s17], [sflag:$0x2] =	stream.indirect_vreg.gather [hbm4b:s12+s5], $0x80, v31, vm0, $0xb8;
	[tilespmem:$0x1F600] =	vst v63  }
0x379: {  	v38 =	vperm.xlane v23, v18;
	v37 =	vadd.s32 v8, v36;
	s18 =	simm.s32 $0x5000  }
0x37a: {  	[tilespmem:s18], [sflag:$0x2] =	stream.indirect_vreg.gather [hbm4b:s12+s5], $0x80, v33, vm0, $0xb8;
	[tilespmem:$0x1F600] =	vst v63  }
0x37b: {  	v40 =	vperm.xlane v23, v19;
	v39 =	vadd.s32 v8, v38;
	s17 =	simm.s32 $0x5080  }
0x37c: {  	[tilespmem:s17], [sflag:$0x2] =	stream.indirect_vreg.gather [hbm4b:s12+s5], $0x80, v35, vm0, $0xb8;
	[tilespmem:$0x1F600] =	vst v63  }
0x37d: {  	v42 =	vperm.xlane v23, v20;
	v41 =	vadd.s32 v8, v40;
	s18 =	simm.s32 $0x5100  }
0x37e: {  	[tilespmem:s18], [sflag:$0x2] =	stream.indirect_vreg.gather [hbm4b:s12+s5], $0x80, v37, vm0, $0xb8;
	[tilespmem:$0x1F600] =	vst v63  }
0x37f: {  	v23 =	vperm.xlane v23, v21;
	v43 =	vadd.s32 v8, v42;
	s17 =	simm.s32 $0x5180  }
0x380: {  	[tilespmem:s17], [sflag:$0x2] =	stream.indirect_vreg.gather [hbm4b:s12+s5], $0x80, v39, vm0, $0xb8;
	[tilespmem:$0x1F600] =	vst v63  }
0x381: {  	v23 =	vadd.s32 v8, v23;
	s18 =	simm.s32 $0x5200  }
0x382: {  	[tilespmem:s18], [sflag:$0x2] =	stream.indirect_vreg.gather [hbm4b:s12+s5], $0x80, v41, vm0, $0xb8;
	[tilespmem:$0x1F600] =	vst v63  }
0x383: {  	s17 =	simm.s32 $0x5280  }
0x384: {  	[tilespmem:s17], [sflag:$0x2] =	stream.indirect_vreg.gather [hbm4b:s12+s5], $0x80, v43, vm0, $0xb8;
	[tilespmem:$0x1F600] =	vst v63  }
0x385: {  	s18 =	simm.s32 $0x5300  }
0x386: {  	[tilespmem:s18], [sflag:$0x2] =	stream.indirect_vreg.gather [hbm4b:s12+s5], $0x80, v23, vm0, $0xb8;
	[tilespmem:$0x1F600] =	vst v63  }
0x387: {  	v23 =	vld [tilespmem:$0x1130];
	_ =	sdelay $0x4  }
0x388: {  	v44 =	vshll.u32 v23, $0x1  }
0x389: {  	v23 =	vand.u32 $0x7, v23;
	v24 =	vand.u32 $0xFFFFFFF0, v44  }
0x38a: {  	v23 =	vor.u32 v23, v24  }
0x38b: {  	v24 =	vperm.xlane v23, v7;
	_ =	sdelay $0x1  }
0x38c: {  	v45 =	vperm.xlane v23, v6;
	v24 =	vadd.s32 v8, v24;
	_ =	sdelay $0x1  }
0x38d: {  	v46 =	vperm.xlane v23, v9;
	v25 =	vadd.s32 v8, v45;
	_ =	sdelay $0x1  }
0x38e: {  	s17 =	simm.s32 $0x5380;
	v47 =	vperm.xlane v23, v10;
	v26 =	vadd.s32 v8, v46  }
0x38f: {  	[tilespmem:s17], [sflag:$0x2] =	stream.indirect_vreg.gather [hbm4b:s12+s5], $0x80, v24, vm0, $0xb8;
	[tilespmem:$0x1F600] =	vst v63  }
0x390: {  	s18 =	simm.s32 $0x5400;
	v49 =	vperm.xlane v23, v11;
	v48 =	vadd.s32 v8, v47  }
0x391: {  	[tilespmem:s18], [sflag:$0x2] =	stream.indirect_vreg.gather [hbm4b:s12+s5], $0x80, v25, vm0, $0xb8;
	[tilespmem:$0x1F600] =	vst v63  }
0x392: {  	v51 =	vperm.xlane v23, v12;
	v50 =	vadd.s32 v8, v49;
	s17 =	simm.s32 $0x5480  }
0x393: {  	[tilespmem:s17], [sflag:$0x2] =	stream.indirect_vreg.gather [hbm4b:s12+s5], $0x80, v26, vm0, $0xb8;
	[tilespmem:$0x1F600] =	vst v63  }
0x394: {  	v53 =	vperm.xlane v23, v13;
	v52 =	vadd.s32 v8, v51;
	s18 =	simm.s32 $0x5500  }
0x395: {  	[tilespmem:s18], [sflag:$0x2] =	stream.indirect_vreg.gather [hbm4b:s12+s5], $0x80, v48, vm0, $0xb8;
	[tilespmem:$0x1F600] =	vst v63  }
0x396: {  	v55 =	vperm.xlane v23, v5;
	v54 =	vadd.s32 v8, v53;
	s17 =	simm.s32 $0x5580  }
0x397: {  	[tilespmem:s17], [sflag:$0x2] =	stream.indirect_vreg.gather [hbm4b:s12+s5], $0x80, v50, vm0, $0xb8;
	[tilespmem:$0x1F600] =	vst v63  }
0x398: {  	v57 =	vperm.xlane v23, v14;
	v56 =	vadd.s32 v8, v55;
	s18 =	simm.s32 $0x5600  }
0x399: {  	[tilespmem:s18], [sflag:$0x2] =	stream.indirect_vreg.gather [hbm4b:s12+s5], $0x80, v52, vm0, $0xb8;
	[tilespmem:$0x1F600] =	vst v63  }
0x39a: {  	v59 =	vperm.xlane v23, v15;
	v58 =	vadd.s32 v8, v57;
	s17 =	simm.s32 $0x5680  }
0x39b: {  	[tilespmem:s17], [sflag:$0x2] =	stream.indirect_vreg.gather [hbm4b:s12+s5], $0x80, v54, vm0, $0xb8;
	[tilespmem:$0x1F600] =	vst v63  }
0x39c: {  	v61 =	vperm.xlane v23, v16;
	v60 =	vadd.s32 v8, v59;
	s18 =	simm.s32 $0x5700  }
0x39d: {  	[tilespmem:s18], [sflag:$0x2] =	stream.indirect_vreg.gather [hbm4b:s12+s5], $0x80, v56, vm0, $0xb8;
	[tilespmem:$0x1F600] =	vst v63  }
0x39e: {  	v63 =	vperm.xlane v23, v17;
	v62 =	vadd.s32 v8, v61;
	s17 =	simm.s32 $0x5780  }
0x39f: {  	[tilespmem:s17], [sflag:$0x2] =	stream.indirect_vreg.gather [hbm4b:s12+s5], $0x80, v58, vm0, $0xb8;
	[tilespmem:$0x1F600] =	vst v63  }
0x3a0: {  	v31 =	vperm.xlane v23, v18;
	v30 =	vadd.s32 v8, v63;
	s18 =	simm.s32 $0x5800  }
0x3a1: {  	[tilespmem:s18], [sflag:$0x2] =	stream.indirect_vreg.gather [hbm4b:s12+s5], $0x80, v60, vm0, $0xb8;
	[tilespmem:$0x1F600] =	vst v63  }
0x3a2: {  	v33 =	vperm.xlane v23, v19;
	v32 =	vadd.s32 v8, v31;
	s17 =	simm.s32 $0x5880  }
0x3a3: {  	[tilespmem:s17], [sflag:$0x2] =	stream.indirect_vreg.gather [hbm4b:s12+s5], $0x80, v62, vm0, $0xb8;
	[tilespmem:$0x1F600] =	vst v63  }
0x3a4: {  	v35 =	vperm.xlane v23, v20;
	v34 =	vadd.s32 v8, v33;
	s18 =	simm.s32 $0x5900  }
0x3a5: {  	[tilespmem:s18], [sflag:$0x2] =	stream.indirect_vreg.gather [hbm4b:s12+s5], $0x80, v30, vm0, $0xb8;
	[tilespmem:$0x1F600] =	vst v63  }
0x3a6: {  	v23 =	vperm.xlane v23, v21;
	v36 =	vadd.s32 v8, v35;
	s17 =	simm.s32 $0x5980  }
0x3a7: {  	[tilespmem:s17], [sflag:$0x2] =	stream.indirect_vreg.gather [hbm4b:s12+s5], $0x80, v32, vm0, $0xb8;
	[tilespmem:$0x1F600] =	vst v63  }
0x3a8: {  	v23 =	vadd.s32 v8, v23;
	s18 =	simm.s32 $0x5A00  }
0x3a9: {  	[tilespmem:s18], [sflag:$0x2] =	stream.indirect_vreg.gather [hbm4b:s12+s5], $0x80, v34, vm0, $0xb8;
	[tilespmem:$0x1F600] =	vst v63  }
0x3aa: {  	s17 =	simm.s32 $0x5A80  }
0x3ab: {  	[tilespmem:s17], [sflag:$0x2] =	stream.indirect_vreg.gather [hbm4b:s12+s5], $0x80, v36, vm0, $0xb8;
	[tilespmem:$0x1F600] =	vst v63  }
0x3ac: {  	s18 =	simm.s32 $0x5B00  }
0x3ad: {  	[tilespmem:s18], [sflag:$0x2] =	stream.indirect_vreg.gather [hbm4b:s12+s5], $0x80, v23, vm0, $0xb8;
	[tilespmem:$0x1F600] =	vst v63  }
0x3ae: {  	v23 =	vld [tilespmem:$0x1140];
	_ =	sdelay $0x4  }
0x3af: {  	v37 =	vshll.u32 v23, $0x1  }
0x3b0: {  	v23 =	vand.u32 $0x7, v23;
	v24 =	vand.u32 $0xFFFFFFF0, v37  }
0x3b1: {  	v23 =	vor.u32 v23, v24  }
0x3b2: {  	v24 =	vperm.xlane v23, v7;
	_ =	sdelay $0x1  }
0x3b3: {  	v38 =	vperm.xlane v23, v6;
	v24 =	vadd.s32 v8, v24;
	_ =	sdelay $0x1  }
0x3b4: {  	v39 =	vperm.xlane v23, v9;
	v25 =	vadd.s32 v8, v38;
	_ =	sdelay $0x1  }
0x3b5: {  	s17 =	simm.s32 $0x5B80;
	v40 =	vperm.xlane v23, v10;
	v26 =	vadd.s32 v8, v39  }
0x3b6: {  	[tilespmem:s17], [sflag:$0x2] =	stream.indirect_vreg.gather [hbm4b:s12+s5], $0x80, v24, vm0, $0xb8;
	[tilespmem:$0x1F600] =	vst v63  }
0x3b7: {  	s18 =	simm.s32 $0x5C00;
	v42 =	vperm.xlane v23, v11;
	v41 =	vadd.s32 v8, v40  }
0x3b8: {  	[tilespmem:s18], [sflag:$0x2] =	stream.indirect_vreg.gather [hbm4b:s12+s5], $0x80, v25, vm0, $0xb8;
	[tilespmem:$0x1F600] =	vst v63  }
0x3b9: {  	v44 =	vperm.xlane v23, v12;
	v43 =	vadd.s32 v8, v42;
	s17 =	simm.s32 $0x5C80  }
0x3ba: {  	[tilespmem:s17], [sflag:$0x2] =	stream.indirect_vreg.gather [hbm4b:s12+s5], $0x80, v26, vm0, $0xb8;
	[tilespmem:$0x1F600] =	vst v63  }
0x3bb: {  	v46 =	vperm.xlane v23, v13;
	v45 =	vadd.s32 v8, v44;
	s18 =	simm.s32 $0x5D00  }
0x3bc: {  	[tilespmem:s18], [sflag:$0x2] =	stream.indirect_vreg.gather [hbm4b:s12+s5], $0x80, v41, vm0, $0xb8;
	[tilespmem:$0x1F600] =	vst v63  }
0x3bd: {  	v48 =	vperm.xlane v23, v5;
	v47 =	vadd.s32 v8, v46;
	s17 =	simm.s32 $0x5D80  }
0x3be: {  	[tilespmem:s17], [sflag:$0x2] =	stream.indirect_vreg.gather [hbm4b:s12+s5], $0x80, v43, vm0, $0xb8;
	[tilespmem:$0x1F600] =	vst v63  }
0x3bf: {  	v50 =	vperm.xlane v23, v14;
	v49 =	vadd.s32 v8, v48;
	s18 =	simm.s32 $0x5E00  }
0x3c0: {  	[tilespmem:s18], [sflag:$0x2] =	stream.indirect_vreg.gather [hbm4b:s12+s5], $0x80, v45, vm0, $0xb8;
	[tilespmem:$0x1F600] =	vst v63  }
0x3c1: {  	v52 =	vperm.xlane v23, v15;
	v51 =	vadd.s32 v8, v50;
	s17 =	simm.s32 $0x5E80  }
0x3c2: {  	[tilespmem:s17], [sflag:$0x2] =	stream.indirect_vreg.gather [hbm4b:s12+s5], $0x80, v47, vm0, $0xb8;
	[tilespmem:$0x1F600] =	vst v63  }
0x3c3: {  	v54 =	vperm.xlane v23, v16;
	v53 =	vadd.s32 v8, v52;
	s18 =	simm.s32 $0x5F00  }
0x3c4: {  	[tilespmem:s18], [sflag:$0x2] =	stream.indirect_vreg.gather [hbm4b:s12+s5], $0x80, v49, vm0, $0xb8;
	[tilespmem:$0x1F600] =	vst v63  }
0x3c5: {  	v56 =	vperm.xlane v23, v17;
	v55 =	vadd.s32 v8, v54;
	s17 =	simm.s32 $0x5F80  }
0x3c6: {  	[tilespmem:s17], [sflag:$0x2] =	stream.indirect_vreg.gather [hbm4b:s12+s5], $0x80, v51, vm0, $0xb8;
	[tilespmem:$0x1F600] =	vst v63  }
0x3c7: {  	v58 =	vperm.xlane v23, v18;
	v57 =	vadd.s32 v8, v56;
	s18 =	simm.s32 $0x6000  }
0x3c8: {  	[tilespmem:s18], [sflag:$0x2] =	stream.indirect_vreg.gather [hbm4b:s12+s5], $0x80, v53, vm0, $0xb8;
	[tilespmem:$0x1F600] =	vst v63  }
0x3c9: {  	v60 =	vperm.xlane v23, v19;
	v59 =	vadd.s32 v8, v58;
	s17 =	simm.s32 $0x6080  }
0x3ca: {  	[tilespmem:s17], [sflag:$0x2] =	stream.indirect_vreg.gather [hbm4b:s12+s5], $0x80, v55, vm0, $0xb8;
	[tilespmem:$0x1F600] =	vst v63  }
0x3cb: {  	v61 =	vadd.s32 v8, v60;
	s18 =	simm.s32 $0x6100  }
0x3cc: {  	v62 =	vperm.xlane v23, v20;
	[tilespmem:s18], [sflag:$0x2] =	stream.indirect_vreg.gather [hbm4b:s12+s5], $0x80, v57, vm0, $0xb8;
	[tilespmem:$0x1F600] =	vst v63  }
0x3cd: {  	s17 =	simm.s32 $0x6180  }
0x3ce: {  	v23 =	vperm.xlane v23, v21;
	v63 =	vadd.s32 v8, v62;
	[tilespmem:s17], [sflag:$0x2] =	stream.indirect_vreg.gather [hbm4b:s12+s5], $0x80, v59, vm0, $0xb8;
	[tilespmem:$0x1F600] =	vst v63  }
0x3cf: {  	s18 =	simm.s32 $0x6200  }
0x3d0: {  	v23 =	vadd.s32 v8, v23;
	[tilespmem:s18], [sflag:$0x2] =	stream.indirect_vreg.gather [hbm4b:s12+s5], $0x80, v61, vm0, $0xb8;
	[tilespmem:$0x1F600] =	vst v63  }
.Ltmp9:
0x3d1: {  	_ = 	snop;
	(pc) =	sbr.rel .LBB2_9-.Ltmp9, $4  }
0x3d2: {  	s17 =	simm.s32 $0x6280  }
0x3d3: {  	[tilespmem:s17], [sflag:$0x2] =	stream.indirect_vreg.gather [hbm4b:s12+s5], $0x80, v63, vm0, $0xb8;
	[tilespmem:$0x1F600] =	vst v63  }
0x3d4: {  	s18 =	simm.s32 $0x6300  }
0x3d5: {  	[tilespmem:s18], [sflag:$0x2] =	stream.indirect_vreg.gather [hbm4b:s12+s5], $0x80, v23, vm0, $0xb8;
	[tilespmem:$0x1F600] =	vst v63  }
.LBB2_7:
0x3d6: {  	p2 =	sne.s32 @!p1 s17, $0x2  }
0x3d7: {  	p1 =	por p1, p2  }
.Ltmp10:
0x3d8: {  	_ = 	snop;
	(pc) =	sbr.rel @p1 .LBB2_9-.Ltmp10, $1  }
0x3d9: {  	_ =	sdelay $0x3  }
0x3da: {  	p1 =	seq.s32 s13, $0x0  }
0x3db: {  	s9 =	simm.s32 @!p1 $0x6  }
0x3dc: {  	_ =	swait.ge @!p1 [sflag:s9], $0x2800  }
0x3dd: {  	[sflag:s9] =	ssyncset.done @!p1 $0x0  }
0x3de: {  	[sflag:s9] =	ssyncadd.s32 @!p1 $0xFFFFD800  }
0x3df: {  	v23 =	vld [tilespmem:s16+$0xFFFFFFC0];
	_ =	sdelay $0x4  }
0x3e0: {  	[tilespmem:$0x1200] =	vst v23  }
0x3e1: {  	v23 =	vld [tilespmem:s14+$0xFFFFFFC0];
	_ =	sdelay $0x4  }
0x3e2: {  	[tilespmem:$0x1280] =	vst v23  }
0x3e3: {  	v23 =	vld [tilespmem:s16+$0xFFFFFFD0];
	_ =	sdelay $0x4  }
0x3e4: {  	[tilespmem:$0x1210] =	vst v23  }
0x3e5: {  	v23 =	vld [tilespmem:s14+$0xFFFFFFD0];
	_ =	sdelay $0x4  }
0x3e6: {  	[tilespmem:$0x1290] =	vst v23  }
0x3e7: {  	v23 =	vld [tilespmem:s16+$0xFFFFFFE0];
	_ =	sdelay $0x4  }
0x3e8: {  	[tilespmem:$0x1220] =	vst v23  }
0x3e9: {  	v23 =	vld [tilespmem:s14+$0xFFFFFFE0];
	_ =	sdelay $0x4  }
0x3ea: {  	[tilespmem:$0x12A0] =	vst v23  }
0x3eb: {  	v23 =	vld [tilespmem:s16+$0xFFFFFFF0];
	_ =	sdelay $0x4  }
0x3ec: {  	[tilespmem:$0x1230] =	vst v23  }
0x3ed: {  	v23 =	vld [tilespmem:s14+$0xFFFFFFF0];
	_ =	sdelay $0x2  }
0x3ee: {  	v24 =	vld [tilespmem:$0x1200];
	_ =	sdelay $0x1  }
0x3ef: {  	[tilespmem:$0x12B0] =	vst v23  }
0x3f0: {  	v23 =	vld [tilespmem:s16+$0x0];
	_ =	sdelay $0x1  }
0x3f1: {  	v25 =	vshll.u32 v24, $0x1  }
0x3f2: {  	v24 =	vand.u32 $0x7, v24;
	v25 =	vand.u32 $0xFFFFFFF0, v25  }
0x3f3: {  	v24 =	vor.u32 v24, v25  }
0x3f4: {  	[tilespmem:$0x1240] =	vst v23;
	v23 =	vperm.xlane v24, v7  }
0x3f5: {  	v36 =	vld [tilespmem:s14+$0x0]  }
0x3f6: {  	v26 =	vperm.xlane v24, v6;
	v23 =	vadd.s32 v8, v23;
	_ =	sdelay $0x1  }
0x3f7: {  	v27 =	vperm.xlane v24, v9;
	v26 =	vadd.s32 v8, v26;
	_ =	sdelay $0x1  }
0x3f8: {  	s17 =	simm.s32 $0x6380;
	v38 =	vperm.xlane v24, v10;
	v37 =	vadd.s32 v8, v27;
	[tilespmem:$0x12C0] =	vst v36  }
0x3f9: {  	[tilespmem:s17], [sflag:$0x3] =	stream.indirect_vreg.gather [hbm4b:s12+s5], $0x80, v23, vm0, $0xb8;
	[tilespmem:$0x1F600] =	vst v63  }
0x3fa: {  	s18 =	simm.s32 $0x6400;
	v39 =	vperm.xlane v24, v11;
	v23 =	vadd.s32 v8, v38  }
0x3fb: {  	[tilespmem:s18], [sflag:$0x3] =	stream.indirect_vreg.gather [hbm4b:s12+s5], $0x80, v26, vm0, $0xb8;
	[tilespmem:$0x1F600] =	vst v63  }
0x3fc: {  	v41 =	vperm.xlane v24, v12;
	v40 =	vadd.s32 v8, v39;
	s17 =	simm.s32 $0x6480  }
0x3fd: {  	[tilespmem:s17], [sflag:$0x3] =	stream.indirect_vreg.gather [hbm4b:s12+s5], $0x80, v37, vm0, $0xb8;
	[tilespmem:$0x1F600] =	vst v63  }
0x3fe: {  	v43 =	vperm.xlane v24, v13;
	v42 =	vadd.s32 v8, v41;
	s18 =	simm.s32 $0x6500  }
0x3ff: {  	[tilespmem:s18], [sflag:$0x3] =	stream.indirect_vreg.gather [hbm4b:s12+s5], $0x80, v23, vm0, $0xb8;
	[tilespmem:$0x1F600] =	vst v63  }
0x400: {  	v44 =	vperm.xlane v24, v5;
	s17 =	simm.s32 $0x6580;
	v23 =	vadd.s32 v8, v43  }
0x401: {  	[tilespmem:s17], [sflag:$0x3] =	stream.indirect_vreg.gather [hbm4b:s12+s5], $0x80, v40, vm0, $0xb8;
	[tilespmem:$0x1F600] =	vst v63  }
0x402: {  	v46 =	vperm.xlane v24, v14;
	v45 =	vadd.s32 v8, v44;
	s18 =	simm.s32 $0x6600  }
0x403: {  	[tilespmem:s18], [sflag:$0x3] =	stream.indirect_vreg.gather [hbm4b:s12+s5], $0x80, v42, vm0, $0xb8;
	[tilespmem:$0x1F600] =	vst v63  }
0x404: {  	v48 =	vperm.xlane v24, v15;
	v47 =	vadd.s32 v8, v46;
	s17 =	simm.s32 $0x6680  }
0x405: {  	[tilespmem:s17], [sflag:$0x3] =	stream.indirect_vreg.gather [hbm4b:s12+s5], $0x80, v23, vm0, $0xb8;
	[tilespmem:$0x1F600] =	vst v63  }
0x406: {  	v49 =	vperm.xlane v24, v16;
	s18 =	simm.s32 $0x6700;
	v23 =	vadd.s32 v8, v48  }
0x407: {  	[tilespmem:s18], [sflag:$0x3] =	stream.indirect_vreg.gather [hbm4b:s12+s5], $0x80, v45, vm0, $0xb8;
	[tilespmem:$0x1F600] =	vst v63  }
0x408: {  	v51 =	vperm.xlane v24, v17;
	v50 =	vadd.s32 v8, v49;
	s17 =	simm.s32 $0x6780  }
0x409: {  	[tilespmem:s17], [sflag:$0x3] =	stream.indirect_vreg.gather [hbm4b:s12+s5], $0x80, v47, vm0, $0xb8;
	[tilespmem:$0x1F600] =	vst v63  }
0x40a: {  	v53 =	vperm.xlane v24, v18;
	v52 =	vadd.s32 v8, v51;
	s18 =	simm.s32 $0x6800  }
0x40b: {  	[tilespmem:s18], [sflag:$0x3] =	stream.indirect_vreg.gather [hbm4b:s12+s5], $0x80, v23, vm0, $0xb8;
	[tilespmem:$0x1F600] =	vst v63  }
0x40c: {  	v54 =	vperm.xlane v24, v19;
	s17 =	simm.s32 $0x6880;
	v23 =	vadd.s32 v8, v53  }
0x40d: {  	[tilespmem:s17], [sflag:$0x3] =	stream.indirect_vreg.gather [hbm4b:s12+s5], $0x80, v50, vm0, $0xb8;
	[tilespmem:$0x1F600] =	vst v63  }
0x40e: {  	v56 =	vperm.xlane v24, v20;
	v55 =	vadd.s32 v8, v54;
	s18 =	simm.s32 $0x6900  }
0x40f: {  	[tilespmem:s18], [sflag:$0x3] =	stream.indirect_vreg.gather [hbm4b:s12+s5], $0x80, v52, vm0, $0xb8;
	[tilespmem:$0x1F600] =	vst v63  }
0x410: {  	v57 =	vadd.s32 v8, v56;
	v24 =	vperm.xlane v24, v21;
	s17 =	simm.s32 $0x6980  }
0x411: {  	[tilespmem:s17], [sflag:$0x3] =	stream.indirect_vreg.gather [hbm4b:s12+s5], $0x80, v23, vm0, $0xb8;
	[tilespmem:$0x1F600] =	vst v63  }
0x412: {  	s18 =	simm.s32 $0x6A00;
	v23 =	vadd.s32 v8, v24  }
0x413: {  	[tilespmem:s18], [sflag:$0x3] =	stream.indirect_vreg.gather [hbm4b:s12+s5], $0x80, v55, vm0, $0xb8;
	[tilespmem:$0x1F600] =	vst v63  }
0x414: {  	s17 =	simm.s32 $0x6A80  }
0x415: {  	[tilespmem:s17], [sflag:$0x3] =	stream.indirect_vreg.gather [hbm4b:s12+s5], $0x80, v57, vm0, $0xb8;
	[tilespmem:$0x1F600] =	vst v63  }
0x416: {  	s18 =	simm.s32 $0x6B00  }
0x417: {  	[tilespmem:s18], [sflag:$0x3] =	stream.indirect_vreg.gather [hbm4b:s12+s5], $0x80, v23, vm0, $0xb8;
	[tilespmem:$0x1F600] =	vst v63  }
0x418: {  	v23 =	vld [tilespmem:$0x1210];
	_ =	sdelay $0x4  }
0x419: {  	v58 =	vshll.u32 v23, $0x1  }
0x41a: {  	v23 =	vand.u32 $0x7, v23;
	v24 =	vand.u32 $0xFFFFFFF0, v58  }
0x41b: {  	v23 =	vor.u32 v23, v24  }
0x41c: {  	v24 =	vperm.xlane v23, v7;
	_ =	sdelay $0x1  }
0x41d: {  	v59 =	vperm.xlane v23, v6;
	v24 =	vadd.s32 v8, v24;
	_ =	sdelay $0x1  }
0x41e: {  	v60 =	vperm.xlane v23, v9;
	v25 =	vadd.s32 v8, v59;
	_ =	sdelay $0x1  }
0x41f: {  	s17 =	simm.s32 $0x6B80;
	v61 =	vperm.xlane v23, v10;
	v26 =	vadd.s32 v8, v60  }
0x420: {  	[tilespmem:s17], [sflag:$0x3] =	stream.indirect_vreg.gather [hbm4b:s12+s5], $0x80, v24, vm0, $0xb8;
	[tilespmem:$0x1F600] =	vst v63  }
0x421: {  	s18 =	simm.s32 $0x6C00;
	v63 =	vperm.xlane v23, v11;
	v62 =	vadd.s32 v8, v61  }
0x422: {  	[tilespmem:s18], [sflag:$0x3] =	stream.indirect_vreg.gather [hbm4b:s12+s5], $0x80, v25, vm0, $0xb8;
	[tilespmem:$0x1F600] =	vst v63  }
0x423: {  	v31 =	vperm.xlane v23, v12;
	v30 =	vadd.s32 v8, v63;
	s17 =	simm.s32 $0x6C80  }
0x424: {  	[tilespmem:s17], [sflag:$0x3] =	stream.indirect_vreg.gather [hbm4b:s12+s5], $0x80, v26, vm0, $0xb8;
	[tilespmem:$0x1F600] =	vst v63  }
0x425: {  	v33 =	vperm.xlane v23, v13;
	v32 =	vadd.s32 v8, v31;
	s18 =	simm.s32 $0x6D00  }
0x426: {  	[tilespmem:s18], [sflag:$0x3] =	stream.indirect_vreg.gather [hbm4b:s12+s5], $0x80, v62, vm0, $0xb8;
	[tilespmem:$0x1F600] =	vst v63  }
0x427: {  	v35 =	vperm.xlane v23, v5;
	v34 =	vadd.s32 v8, v33;
	s17 =	simm.s32 $0x6D80  }
0x428: {  	[tilespmem:s17], [sflag:$0x3] =	stream.indirect_vreg.gather [hbm4b:s12+s5], $0x80, v30, vm0, $0xb8;
	[tilespmem:$0x1F600] =	vst v63  }
0x429: {  	v37 =	vperm.xlane v23, v14;
	v36 =	vadd.s32 v8, v35;
	s18 =	simm.s32 $0x6E00  }
0x42a: {  	[tilespmem:s18], [sflag:$0x3] =	stream.indirect_vreg.gather [hbm4b:s12+s5], $0x80, v32, vm0, $0xb8;
	[tilespmem:$0x1F600] =	vst v63  }
0x42b: {  	v39 =	vperm.xlane v23, v15;
	v38 =	vadd.s32 v8, v37;
	s17 =	simm.s32 $0x6E80  }
0x42c: {  	[tilespmem:s17], [sflag:$0x3] =	stream.indirect_vreg.gather [hbm4b:s12+s5], $0x80, v34, vm0, $0xb8;
	[tilespmem:$0x1F600] =	vst v63  }
0x42d: {  	v41 =	vperm.xlane v23, v16;
	v40 =	vadd.s32 v8, v39;
	s18 =	simm.s32 $0x6F00  }
0x42e: {  	[tilespmem:s18], [sflag:$0x3] =	stream.indirect_vreg.gather [hbm4b:s12+s5], $0x80, v36, vm0, $0xb8;
	[tilespmem:$0x1F600] =	vst v63  }
0x42f: {  	v43 =	vperm.xlane v23, v17;
	v42 =	vadd.s32 v8, v41;
	s17 =	simm.s32 $0x6F80  }
0x430: {  	[tilespmem:s17], [sflag:$0x3] =	stream.indirect_vreg.gather [hbm4b:s12+s5], $0x80, v38, vm0, $0xb8;
	[tilespmem:$0x1F600] =	vst v63  }
0x431: {  	v45 =	vperm.xlane v23, v18;
	v44 =	vadd.s32 v8, v43;
	s18 =	simm.s32 $0x7000  }
0x432: {  	[tilespmem:s18], [sflag:$0x3] =	stream.indirect_vreg.gather [hbm4b:s12+s5], $0x80, v40, vm0, $0xb8;
	[tilespmem:$0x1F600] =	vst v63  }
0x433: {  	v47 =	vperm.xlane v23, v19;
	v46 =	vadd.s32 v8, v45;
	s17 =	simm.s32 $0x7080  }
0x434: {  	[tilespmem:s17], [sflag:$0x3] =	stream.indirect_vreg.gather [hbm4b:s12+s5], $0x80, v42, vm0, $0xb8;
	[tilespmem:$0x1F600] =	vst v63  }
0x435: {  	v49 =	vperm.xlane v23, v20;
	v48 =	vadd.s32 v8, v47;
	s18 =	simm.s32 $0x7100  }
0x436: {  	[tilespmem:s18], [sflag:$0x3] =	stream.indirect_vreg.gather [hbm4b:s12+s5], $0x80, v44, vm0, $0xb8;
	[tilespmem:$0x1F600] =	vst v63  }
0x437: {  	v23 =	vperm.xlane v23, v21;
	v50 =	vadd.s32 v8, v49;
	s17 =	simm.s32 $0x7180  }
0x438: {  	[tilespmem:s17], [sflag:$0x3] =	stream.indirect_vreg.gather [hbm4b:s12+s5], $0x80, v46, vm0, $0xb8;
	[tilespmem:$0x1F600] =	vst v63  }
0x439: {  	v23 =	vadd.s32 v8, v23;
	s18 =	simm.s32 $0x7200  }
0x43a: {  	[tilespmem:s18], [sflag:$0x3] =	stream.indirect_vreg.gather [hbm4b:s12+s5], $0x80, v48, vm0, $0xb8;
	[tilespmem:$0x1F600] =	vst v63  }
0x43b: {  	s17 =	simm.s32 $0x7280  }
0x43c: {  	[tilespmem:s17], [sflag:$0x3] =	stream.indirect_vreg.gather [hbm4b:s12+s5], $0x80, v50, vm0, $0xb8;
	[tilespmem:$0x1F600] =	vst v63  }
0x43d: {  	s18 =	simm.s32 $0x7300  }
0x43e: {  	[tilespmem:s18], [sflag:$0x3] =	stream.indirect_vreg.gather [hbm4b:s12+s5], $0x80, v23, vm0, $0xb8;
	[tilespmem:$0x1F600] =	vst v63  }
0x43f: {  	v23 =	vld [tilespmem:$0x1220];
	_ =	sdelay $0x4  }
0x440: {  	v51 =	vshll.u32 v23, $0x1  }
0x441: {  	v23 =	vand.u32 $0x7, v23;
	v24 =	vand.u32 $0xFFFFFFF0, v51  }
0x442: {  	v23 =	vor.u32 v23, v24  }
0x443: {  	v24 =	vperm.xlane v23, v7;
	_ =	sdelay $0x1  }
0x444: {  	v52 =	vperm.xlane v23, v6;
	v24 =	vadd.s32 v8, v24;
	_ =	sdelay $0x1  }
0x445: {  	v53 =	vperm.xlane v23, v9;
	v25 =	vadd.s32 v8, v52;
	_ =	sdelay $0x1  }
0x446: {  	s17 =	simm.s32 $0x7380;
	v54 =	vperm.xlane v23, v10;
	v26 =	vadd.s32 v8, v53  }
0x447: {  	[tilespmem:s17], [sflag:$0x3] =	stream.indirect_vreg.gather [hbm4b:s12+s5], $0x80, v24, vm0, $0xb8;
	[tilespmem:$0x1F600] =	vst v63  }
0x448: {  	s18 =	simm.s32 $0x7400;
	v56 =	vperm.xlane v23, v11;
	v55 =	vadd.s32 v8, v54  }
0x449: {  	[tilespmem:s18], [sflag:$0x3] =	stream.indirect_vreg.gather [hbm4b:s12+s5], $0x80, v25, vm0, $0xb8;
	[tilespmem:$0x1F600] =	vst v63  }
0x44a: {  	v58 =	vperm.xlane v23, v12;
	v57 =	vadd.s32 v8, v56;
	s17 =	simm.s32 $0x7480  }
0x44b: {  	[tilespmem:s17], [sflag:$0x3] =	stream.indirect_vreg.gather [hbm4b:s12+s5], $0x80, v26, vm0, $0xb8;
	[tilespmem:$0x1F600] =	vst v63  }
0x44c: {  	v60 =	vperm.xlane v23, v13;
	v59 =	vadd.s32 v8, v58;
	s18 =	simm.s32 $0x7500  }
0x44d: {  	[tilespmem:s18], [sflag:$0x3] =	stream.indirect_vreg.gather [hbm4b:s12+s5], $0x80, v55, vm0, $0xb8;
	[tilespmem:$0x1F600] =	vst v63  }
0x44e: {  	v62 =	vperm.xlane v23, v5;
	v61 =	vadd.s32 v8, v60;
	s17 =	simm.s32 $0x7580  }
0x44f: {  	[tilespmem:s17], [sflag:$0x3] =	stream.indirect_vreg.gather [hbm4b:s12+s5], $0x80, v57, vm0, $0xb8;
	[tilespmem:$0x1F600] =	vst v63  }
0x450: {  	v30 =	vperm.xlane v23, v14;
	v63 =	vadd.s32 v8, v62;
	s18 =	simm.s32 $0x7600  }
0x451: {  	[tilespmem:s18], [sflag:$0x3] =	stream.indirect_vreg.gather [hbm4b:s12+s5], $0x80, v59, vm0, $0xb8;
	[tilespmem:$0x1F600] =	vst v63  }
0x452: {  	v32 =	vperm.xlane v23, v15;
	v31 =	vadd.s32 v8, v30;
	s17 =	simm.s32 $0x7680  }
0x453: {  	[tilespmem:s17], [sflag:$0x3] =	stream.indirect_vreg.gather [hbm4b:s12+s5], $0x80, v61, vm0, $0xb8;
	[tilespmem:$0x1F600] =	vst v63  }
0x454: {  	v34 =	vperm.xlane v23, v16;
	v33 =	vadd.s32 v8, v32;
	s18 =	simm.s32 $0x7700  }
0x455: {  	[tilespmem:s18], [sflag:$0x3] =	stream.indirect_vreg.gather [hbm4b:s12+s5], $0x80, v63, vm0, $0xb8;
	[tilespmem:$0x1F600] =	vst v63  }
0x456: {  	v36 =	vperm.xlane v23, v17;
	v35 =	vadd.s32 v8, v34;
	s17 =	simm.s32 $0x7780  }
0x457: {  	[tilespmem:s17], [sflag:$0x3] =	stream.indirect_vreg.gather [hbm4b:s12+s5], $0x80, v31, vm0, $0xb8;
	[tilespmem:$0x1F600] =	vst v63  }
0x458: {  	v38 =	vperm.xlane v23, v18;
	v37 =	vadd.s32 v8, v36;
	s18 =	simm.s32 $0x7800  }
0x459: {  	[tilespmem:s18], [sflag:$0x3] =	stream.indirect_vreg.gather [hbm4b:s12+s5], $0x80, v33, vm0, $0xb8;
	[tilespmem:$0x1F600] =	vst v63  }
0x45a: {  	v40 =	vperm.xlane v23, v19;
	v39 =	vadd.s32 v8, v38;
	s17 =	simm.s32 $0x7880  }
0x45b: {  	[tilespmem:s17], [sflag:$0x3] =	stream.indirect_vreg.gather [hbm4b:s12+s5], $0x80, v35, vm0, $0xb8;
	[tilespmem:$0x1F600] =	vst v63  }
0x45c: {  	v42 =	vperm.xlane v23, v20;
	v41 =	vadd.s32 v8, v40;
	s18 =	simm.s32 $0x7900  }
0x45d: {  	[tilespmem:s18], [sflag:$0x3] =	stream.indirect_vreg.gather [hbm4b:s12+s5], $0x80, v37, vm0, $0xb8;
	[tilespmem:$0x1F600] =	vst v63  }
0x45e: {  	v23 =	vperm.xlane v23, v21;
	v43 =	vadd.s32 v8, v42;
	s17 =	simm.s32 $0x7980  }
0x45f: {  	[tilespmem:s17], [sflag:$0x3] =	stream.indirect_vreg.gather [hbm4b:s12+s5], $0x80, v39, vm0, $0xb8;
	[tilespmem:$0x1F600] =	vst v63  }
0x460: {  	v23 =	vadd.s32 v8, v23;
	s18 =	simm.s32 $0x7A00  }
0x461: {  	[tilespmem:s18], [sflag:$0x3] =	stream.indirect_vreg.gather [hbm4b:s12+s5], $0x80, v41, vm0, $0xb8;
	[tilespmem:$0x1F600] =	vst v63  }
0x462: {  	s17 =	simm.s32 $0x7A80  }
0x463: {  	[tilespmem:s17], [sflag:$0x3] =	stream.indirect_vreg.gather [hbm4b:s12+s5], $0x80, v43, vm0, $0xb8;
	[tilespmem:$0x1F600] =	vst v63  }
0x464: {  	s18 =	simm.s32 $0x7B00  }
0x465: {  	[tilespmem:s18], [sflag:$0x3] =	stream.indirect_vreg.gather [hbm4b:s12+s5], $0x80, v23, vm0, $0xb8;
	[tilespmem:$0x1F600] =	vst v63  }
0x466: {  	v23 =	vld [tilespmem:$0x1230];
	_ =	sdelay $0x4  }
0x467: {  	v44 =	vshll.u32 v23, $0x1  }
0x468: {  	v23 =	vand.u32 $0x7, v23;
	v24 =	vand.u32 $0xFFFFFFF0, v44  }
0x469: {  	v23 =	vor.u32 v23, v24  }
0x46a: {  	v24 =	vperm.xlane v23, v7;
	_ =	sdelay $0x1  }
0x46b: {  	v45 =	vperm.xlane v23, v6;
	v24 =	vadd.s32 v8, v24;
	_ =	sdelay $0x1  }
0x46c: {  	v46 =	vperm.xlane v23, v9;
	v25 =	vadd.s32 v8, v45;
	_ =	sdelay $0x1  }
0x46d: {  	s17 =	simm.s32 $0x7B80;
	v47 =	vperm.xlane v23, v10;
	v26 =	vadd.s32 v8, v46  }
0x46e: {  	[tilespmem:s17], [sflag:$0x3] =	stream.indirect_vreg.gather [hbm4b:s12+s5], $0x80, v24, vm0, $0xb8;
	[tilespmem:$0x1F600] =	vst v63  }
0x46f: {  	s18 =	simm.s32 $0x7C00;
	v49 =	vperm.xlane v23, v11;
	v48 =	vadd.s32 v8, v47  }
0x470: {  	[tilespmem:s18], [sflag:$0x3] =	stream.indirect_vreg.gather [hbm4b:s12+s5], $0x80, v25, vm0, $0xb8;
	[tilespmem:$0x1F600] =	vst v63  }
0x471: {  	v51 =	vperm.xlane v23, v12;
	v50 =	vadd.s32 v8, v49;
	s17 =	simm.s32 $0x7C80  }
0x472: {  	[tilespmem:s17], [sflag:$0x3] =	stream.indirect_vreg.gather [hbm4b:s12+s5], $0x80, v26, vm0, $0xb8;
	[tilespmem:$0x1F600] =	vst v63  }
0x473: {  	v53 =	vperm.xlane v23, v13;
	v52 =	vadd.s32 v8, v51;
	s18 =	simm.s32 $0x7D00  }
0x474: {  	[tilespmem:s18], [sflag:$0x3] =	stream.indirect_vreg.gather [hbm4b:s12+s5], $0x80, v48, vm0, $0xb8;
	[tilespmem:$0x1F600] =	vst v63  }
0x475: {  	v55 =	vperm.xlane v23, v5;
	v54 =	vadd.s32 v8, v53;
	s17 =	simm.s32 $0x7D80  }
0x476: {  	[tilespmem:s17], [sflag:$0x3] =	stream.indirect_vreg.gather [hbm4b:s12+s5], $0x80, v50, vm0, $0xb8;
	[tilespmem:$0x1F600] =	vst v63  }
0x477: {  	v57 =	vperm.xlane v23, v14;
	v56 =	vadd.s32 v8, v55;
	s18 =	simm.s32 $0x7E00  }
0x478: {  	[tilespmem:s18], [sflag:$0x3] =	stream.indirect_vreg.gather [hbm4b:s12+s5], $0x80, v52, vm0, $0xb8;
	[tilespmem:$0x1F600] =	vst v63  }
0x479: {  	v59 =	vperm.xlane v23, v15;
	v58 =	vadd.s32 v8, v57;
	s17 =	simm.s32 $0x7E80  }
0x47a: {  	[tilespmem:s17], [sflag:$0x3] =	stream.indirect_vreg.gather [hbm4b:s12+s5], $0x80, v54, vm0, $0xb8;
	[tilespmem:$0x1F600] =	vst v63  }
0x47b: {  	v61 =	vperm.xlane v23, v16;
	v60 =	vadd.s32 v8, v59;
	s18 =	simm.s32 $0x7F00  }
0x47c: {  	[tilespmem:s18], [sflag:$0x3] =	stream.indirect_vreg.gather [hbm4b:s12+s5], $0x80, v56, vm0, $0xb8;
	[tilespmem:$0x1F600] =	vst v63  }
0x47d: {  	v63 =	vperm.xlane v23, v17;
	v62 =	vadd.s32 v8, v61;
	s17 =	simm.s32 $0x7F80  }
0x47e: {  	[tilespmem:s17], [sflag:$0x3] =	stream.indirect_vreg.gather [hbm4b:s12+s5], $0x80, v58, vm0, $0xb8;
	[tilespmem:$0x1F600] =	vst v63  }
0x47f: {  	v31 =	vperm.xlane v23, v18;
	v30 =	vadd.s32 v8, v63;
	s18 =	simm.s32 $0x8000  }
0x480: {  	[tilespmem:s18], [sflag:$0x3] =	stream.indirect_vreg.gather [hbm4b:s12+s5], $0x80, v60, vm0, $0xb8;
	[tilespmem:$0x1F600] =	vst v63  }
0x481: {  	v33 =	vperm.xlane v23, v19;
	v32 =	vadd.s32 v8, v31;
	s17 =	simm.s32 $0x8080  }
0x482: {  	[tilespmem:s17], [sflag:$0x3] =	stream.indirect_vreg.gather [hbm4b:s12+s5], $0x80, v62, vm0, $0xb8;
	[tilespmem:$0x1F600] =	vst v63  }
0x483: {  	v35 =	vperm.xlane v23, v20;
	v34 =	vadd.s32 v8, v33;
	s18 =	simm.s32 $0x8100  }
0x484: {  	[tilespmem:s18], [sflag:$0x3] =	stream.indirect_vreg.gather [hbm4b:s12+s5], $0x80, v30, vm0, $0xb8;
	[tilespmem:$0x1F600] =	vst v63  }
0x485: {  	v23 =	vperm.xlane v23, v21;
	v36 =	vadd.s32 v8, v35;
	s17 =	simm.s32 $0x8180  }
0x486: {  	[tilespmem:s17], [sflag:$0x3] =	stream.indirect_vreg.gather [hbm4b:s12+s5], $0x80, v32, vm0, $0xb8;
	[tilespmem:$0x1F600] =	vst v63  }
0x487: {  	v23 =	vadd.s32 v8, v23;
	s18 =	simm.s32 $0x8200  }
0x488: {  	[tilespmem:s18], [sflag:$0x3] =	stream.indirect_vreg.gather [hbm4b:s12+s5], $0x80, v34, vm0, $0xb8;
	[tilespmem:$0x1F600] =	vst v63  }
0x489: {  	s17 =	simm.s32 $0x8280  }
0x48a: {  	[tilespmem:s17], [sflag:$0x3] =	stream.indirect_vreg.gather [hbm4b:s12+s5], $0x80, v36, vm0, $0xb8;
	[tilespmem:$0x1F600] =	vst v63  }
0x48b: {  	s18 =	simm.s32 $0x8300  }
0x48c: {  	[tilespmem:s18], [sflag:$0x3] =	stream.indirect_vreg.gather [hbm4b:s12+s5], $0x80, v23, vm0, $0xb8;
	[tilespmem:$0x1F600] =	vst v63  }
0x48d: {  	v23 =	vld [tilespmem:$0x1240];
	_ =	sdelay $0x4  }
0x48e: {  	v37 =	vshll.u32 v23, $0x1  }
0x48f: {  	v23 =	vand.u32 $0x7, v23;
	v24 =	vand.u32 $0xFFFFFFF0, v37  }
0x490: {  	v23 =	vor.u32 v23, v24  }
0x491: {  	v24 =	vperm.xlane v23, v7;
	_ =	sdelay $0x1  }
0x492: {  	v38 =	vperm.xlane v23, v6;
	v24 =	vadd.s32 v8, v24;
	_ =	sdelay $0x1  }
0x493: {  	v39 =	vperm.xlane v23, v9;
	v25 =	vadd.s32 v8, v38;
	_ =	sdelay $0x1  }
0x494: {  	s17 =	simm.s32 $0x8380;
	v40 =	vperm.xlane v23, v10;
	v26 =	vadd.s32 v8, v39  }
0x495: {  	[tilespmem:s17], [sflag:$0x3] =	stream.indirect_vreg.gather [hbm4b:s12+s5], $0x80, v24, vm0, $0xb8;
	[tilespmem:$0x1F600] =	vst v63  }
0x496: {  	s18 =	simm.s32 $0x8400;
	v42 =	vperm.xlane v23, v11;
	v41 =	vadd.s32 v8, v40  }
0x497: {  	[tilespmem:s18], [sflag:$0x3] =	stream.indirect_vreg.gather [hbm4b:s12+s5], $0x80, v25, vm0, $0xb8;
	[tilespmem:$0x1F600] =	vst v63  }
0x498: {  	v44 =	vperm.xlane v23, v12;
	v43 =	vadd.s32 v8, v42;
	s17 =	simm.s32 $0x8480  }
0x499: {  	[tilespmem:s17], [sflag:$0x3] =	stream.indirect_vreg.gather [hbm4b:s12+s5], $0x80, v26, vm0, $0xb8;
	[tilespmem:$0x1F600] =	vst v63  }
0x49a: {  	v46 =	vperm.xlane v23, v13;
	v45 =	vadd.s32 v8, v44;
	s18 =	simm.s32 $0x8500  }
0x49b: {  	[tilespmem:s18], [sflag:$0x3] =	stream.indirect_vreg.gather [hbm4b:s12+s5], $0x80, v41, vm0, $0xb8;
	[tilespmem:$0x1F600] =	vst v63  }
0x49c: {  	v48 =	vperm.xlane v23, v5;
	v47 =	vadd.s32 v8, v46;
	s17 =	simm.s32 $0x8580  }
0x49d: {  	[tilespmem:s17], [sflag:$0x3] =	stream.indirect_vreg.gather [hbm4b:s12+s5], $0x80, v43, vm0, $0xb8;
	[tilespmem:$0x1F600] =	vst v63  }
0x49e: {  	v50 =	vperm.xlane v23, v14;
	v49 =	vadd.s32 v8, v48;
	s18 =	simm.s32 $0x8600  }
0x49f: {  	[tilespmem:s18], [sflag:$0x3] =	stream.indirect_vreg.gather [hbm4b:s12+s5], $0x80, v45, vm0, $0xb8;
	[tilespmem:$0x1F600] =	vst v63  }
0x4a0: {  	v52 =	vperm.xlane v23, v15;
	v51 =	vadd.s32 v8, v50;
	s17 =	simm.s32 $0x8680  }
0x4a1: {  	[tilespmem:s17], [sflag:$0x3] =	stream.indirect_vreg.gather [hbm4b:s12+s5], $0x80, v47, vm0, $0xb8;
	[tilespmem:$0x1F600] =	vst v63  }
0x4a2: {  	v54 =	vperm.xlane v23, v16;
	v53 =	vadd.s32 v8, v52;
	s18 =	simm.s32 $0x8700  }
0x4a3: {  	[tilespmem:s18], [sflag:$0x3] =	stream.indirect_vreg.gather [hbm4b:s12+s5], $0x80, v49, vm0, $0xb8;
	[tilespmem:$0x1F600] =	vst v63  }
0x4a4: {  	v56 =	vperm.xlane v23, v17;
	v55 =	vadd.s32 v8, v54;
	s17 =	simm.s32 $0x8780  }
0x4a5: {  	[tilespmem:s17], [sflag:$0x3] =	stream.indirect_vreg.gather [hbm4b:s12+s5], $0x80, v51, vm0, $0xb8;
	[tilespmem:$0x1F600] =	vst v63  }
0x4a6: {  	v58 =	vperm.xlane v23, v18;
	v57 =	vadd.s32 v8, v56;
	s18 =	simm.s32 $0x8800  }
0x4a7: {  	[tilespmem:s18], [sflag:$0x3] =	stream.indirect_vreg.gather [hbm4b:s12+s5], $0x80, v53, vm0, $0xb8;
	[tilespmem:$0x1F600] =	vst v63  }
0x4a8: {  	v60 =	vperm.xlane v23, v19;
	v59 =	vadd.s32 v8, v58;
	s17 =	simm.s32 $0x8880  }
0x4a9: {  	[tilespmem:s17], [sflag:$0x3] =	stream.indirect_vreg.gather [hbm4b:s12+s5], $0x80, v55, vm0, $0xb8;
	[tilespmem:$0x1F600] =	vst v63  }
0x4aa: {  	v62 =	vperm.xlane v23, v20;
	v61 =	vadd.s32 v8, v60;
	s18 =	simm.s32 $0x8900  }
0x4ab: {  	[tilespmem:s18], [sflag:$0x3] =	stream.indirect_vreg.gather [hbm4b:s12+s5], $0x80, v57, vm0, $0xb8;
	[tilespmem:$0x1F600] =	vst v63  }
0x4ac: {  	v23 =	vperm.xlane v23, v21;
	v63 =	vadd.s32 v8, v62;
	s17 =	simm.s32 $0x8980  }
0x4ad: {  	[tilespmem:s17], [sflag:$0x3] =	stream.indirect_vreg.gather [hbm4b:s12+s5], $0x80, v59, vm0, $0xb8;
	[tilespmem:$0x1F600] =	vst v63  }
0x4ae: {  	v23 =	vadd.s32 v8, v23;
	s18 =	simm.s32 $0x8A00  }
0x4af: {  	[tilespmem:s18], [sflag:$0x3] =	stream.indirect_vreg.gather [hbm4b:s12+s5], $0x80, v61, vm0, $0xb8;
	[tilespmem:$0x1F600] =	vst v63  }
0x4b0: {  	s17 =	simm.s32 $0x8A80  }
0x4b1: {  	[tilespmem:s17], [sflag:$0x3] =	stream.indirect_vreg.gather [hbm4b:s12+s5], $0x80, v63, vm0, $0xb8;
	[tilespmem:$0x1F600] =	vst v63  }
0x4b2: {  	s18 =	simm.s32 $0x8B00  }
0x4b3: {  	[tilespmem:s18], [sflag:$0x3] =	stream.indirect_vreg.gather [hbm4b:s12+s5], $0x80, v23, vm0, $0xb8;
	[tilespmem:$0x1F600] =	vst v63  }
.LBB2_9:
0x4b4: {  	s9 =	smul.u32 $0xAB, s13;
	_ =	sdelay $0x1  }
0x4b5: {  	s9 =	sshrl.u32 s9, $0x9  }
0x4b6: {  	s9 =	sand.u32 $0x7F, s9  }
0x4b7: {  	s9 =	smul.u32 $0x3, s9;
	_ =	sdelay $0x1  }
0x4b8: {  	s9 =	ssub.s32 s13, s9  }
0x4b9: {  	s9 =	sand.u32 $0xFF, s9  }
0x4ba: {  	p1 =	seq.s32 s9, $0x2  }
.Ltmp11:
0x4bb: {  	_ = 	snop;
	(pc) =	sbr.rel @p1 .LBB2_11-.Ltmp11, $1  }
0x4bc: {  	_ =	sdelay $0x3  }
0x4bd: {  	p1 =	seq.s32 s9, $0x1  }
0x4be: {  	_ =	swait.ge @!p1 [sflag:s4], $0x2800  }
0x4bf: {  	[sflag:s4] =	ssyncset.done @!p1 $0x0  }
0x4c0: {  	s9 =	simm.s32 @!p1 $0x1080;
	[sflag:s4] =	ssyncadd.s32 @!p1 $0xFFFFD800  }
0x4c1: {  	[spmem:s3] =	stream.indirect.scatter.add.f32 @!p1 [tilespmem:s24], [sflag:$0x4], $0x80, s9, s31, $0xb8;
	[tilespmem:$0x1F600] =	vst v63  }
0x4c2: {  	v23 =	vld @!p1 [tilespmem:$0x1080];
	_ =	sdelay $0x7  }
0x4c3: {  	[tilespmem:v23+s21+$0x0] =	vst.idx.add.f32.msk @!p1 $0xffff, v22  }
0x4c4: {  	v23 =	vld @!p1 [tilespmem:$0x1090];
	_ =	sdelay $0x7  }
0x4c5: {  	[tilespmem:v23+s21+$0x0] =	vst.idx.add.f32.msk @!p1 $0xffff, v22  }
0x4c6: {  	v23 =	vld @!p1 [tilespmem:$0x10A0];
	_ =	sdelay $0x7  }
0x4c7: {  	[tilespmem:v23+s21+$0x0] =	vst.idx.add.f32.msk @!p1 $0xffff, v22  }
0x4c8: {  	_ =	swait.ge @p1 [sflag:s1], $0x2800  }
0x4c9: {  	s17 =	simm.s32 @!p1 $0x10C0;
	[sflag:s1] =	ssyncset.done @p1 $0x0  }
0x4ca: {  	s17 =	simm.s32 @p1 $0x1180;
	s9 =	simm.s32 @p1 $0x3B80;
	[sflag:s1] =	ssyncadd.s32 @p1 $0xFFFFD800  }
0x4cb: {  	[spmem:s3] =	stream.indirect.scatter.add.f32 @p1 [tilespmem:s9], [sflag:$0x5], $0x80, s17, s31, $0xb8;
	[tilespmem:$0x1F600] =	vst v63  }
0x4cc: {  	v23 =	vld @p1 [tilespmem:$0x1180];
	_ =	sdelay $0x7  }
0x4cd: {  	[tilespmem:v23+s21+$0x0] =	vst.idx.add.f32.msk @p1 $0xffff, v22  }
0x4ce: {  	v23 =	vld @p1 [tilespmem:$0x1190];
	_ =	sdelay $0x7  }
0x4cf: {  	[tilespmem:v23+s21+$0x0] =	vst.idx.add.f32.msk @p1 $0xffff, v22  }
0x4d0: {  	v23 =	vld @p1 [tilespmem:$0x11A0];
	_ =	sdelay $0x3  }
.Ltmp12:
0x4d1: {  	_ = 	snop;
	(pc) =	sbr.rel .LBB2_12-.Ltmp12, $3  }
0x4d2: {  	_ =	sdelay $0x1  }
0x4d3: {  	s18 =	simm.s32 @!p1 $0x10B0  }
0x4d4: {  	s18 =	simm.s32 @p1 $0x11B0;
	s17 =	simm.s32 @p1 $0x11C0;
	[tilespmem:v23+s21+$0x0] =	vst.idx.add.f32.msk @p1 $0xffff, v22  }
.LBB2_14:
0x4d5: {  	s9 =	rddreg [dreg:$0x6];
	s13 =	simm.s32 $0x1300  }
0x4d6: {  	[spmem:s9] =	stream.indirect.scatter.add.f32 [tilespmem:s21], [sflag:$0x7], $0x80, s13, s31, $0xb8;
	[tilespmem:$0x1F600] =	vst v63  }
0x4d7: {  	_ =	swait.ge [sflag:s16], $0x2800  }
0x4d8: {  	[sflag:s16] =	ssyncset.done $0x0  }
0x4d9: {  	[sflag:s16] =	ssyncadd.s32 $0xFFFFD800  }
0x4da: {  	[bflag:$0x0] =	sbarrier.arrive $0xFFFF  }
0x4db: {  	s18 =	rddreg [dreg:$0xc]  }
0x4dc: {  	s14 =	rddreg [dreg:$0xe]  }
0x4dd: {  	s17 =	rddreg [dreg:$0x13]  }
0x4de: {  	[hbm:s14], [sflag:s18] =	dma.local [spmem:s17], $0x2800  }
0x4df: {  	_ =	swait.ge [sflag:s16], $0x2800  }
0x4e0: {  	[sflag:s16] =	ssyncset.done $0x0  }
0x4e1: {  	[sflag:s16] =	ssyncadd.s32 $0xFFFFD800  }
0x4e2: {  	[bflag:$0x0] =	sbarrier.arrive @p0 $0xFFFF  }
0x4e3: {  	s13 =	rddreg [dreg:$0xb]  }
0x4e4: {  	s16 =	rddreg [dreg:$0xa];
	s9 =	sshrl.u32 @p0 s13, $0x3  }
0x4e5: {  	[spmem:s9], [sflag:s18] =	dma.local @p0 [hbm:s16], $0x2800  }
0x4e6: {  	s9 =	simm.s32 @p0 $0x7  }
0x4e7: {  	_ =	swait.ge @p0 [sflag:s9], $0x2800  }
0x4e8: {  	[sflag:s9] =	ssyncset.done @p0 $0x0  }
0x4e9: {  	s17 =	simm.s32 @p0 $0x0;
	s14 =	simm.s32 @p0 $0x8B80;
	[sflag:s9] =	ssyncadd.s32 @p0 $0xFFFFD800  }
0x4ea: {  	[tilespmem:s14], [sflag:$0x7] =	stream.linear.gather @p0 [hbm4b:s16+s17], $0x2800, $0x38;
	[tilespmem:$0x1F600] =	vst v63  }
0x4eb: {  	_ =	swait.ge @p0 [sflag:s9], $0x2800  }
0x4ec: {  	[sflag:s9] =	ssyncset.done @p0 $0x0;
	s17 =	rddreg [dreg:$0x14]  }
0x4ed: {  	[sflag:s9] =	ssyncadd.s32 @p0 $0xFFFFD800;
	s9 =	rddreg [dreg:$0xf]  }
0x4ee: {  	[hbm:s9], [sflag:s18] =	dma.local @!p0 [spmem:s17], $0x500  }
0x4ef: {  	s9 =	simm.s32 @!p0 $0x7  }
0x4f0: {  	_ =	swait.ge @!p0 [sflag:s9], $0x500  }
0x4f1: {  	[sflag:s9] =	ssyncset.done @!p0 $0x0  }
0x4f2: {  	[sflag:s9] =	ssyncadd.s32 @!p0 $0xFFFFFB00  }
0x4f3: {  	s13 =	sshrl.u32 @!p0 s13, $0x3;
	[bflag:$0x0] =	sbarrier.arrive @!p0 $0xFFFF  }
0x4f4: {  	[spmem:s13], [sflag:s18] =	dma.local @!p0 [hbm:s16], $0x2800  }
0x4f5: {  	_ =	swait.ge @!p0 [sflag:s9], $0x2800  }
0x4f6: {  	[sflag:s9] =	ssyncset.done @!p0 $0x0  }
0x4f7: {  	s14 =	simm.s32 @!p0 $0x8B80;
	s13 =	simm.s32 @!p0 $0x0;
	[sflag:s9] =	ssyncadd.s32 @!p0 $0xFFFFD800  }
0x4f8: {  	[tilespmem:s14], [sflag:$0x7] =	stream.linear.gather @!p0 [hbm4b:s16+s13], $0x2800, $0x38;
	[tilespmem:$0x1F600] =	vst v63  }
0x4f9: {  	_ =	swait.ge @!p0 [sflag:s9], $0x2800  }
0x4fa: {  	[sflag:s9] =	ssyncset.done @!p0 $0x0  }
0x4fb: {  	[sflag:s9] =	ssyncadd.s32 @!p0 $0xFFFFD800  }
0x4fc: {  	[spmem:s17], [sflag:s18] =	dma.local @!p0 [hbm:s16], $0x500  }
.Ltmp13:
0x4fd: {  	_ =	swait.ge @!p0 [sflag:s9], $0x500;
	(pc) =	sbr.rel .LBB2_15-.Ltmp13, $4  }
0x4fe: {  	[sflag:s9] =	ssyncset.done @!p0 $0x0  }
0x4ff: {  	[sflag:s9] =	ssyncadd.s32 @!p0 $0xFFFFFB00  }
0x500: {  	[bflag:$0x0] =	sbarrier.arrive $0xFFFF  }
0x501: {  	s13 =	simm.s32 $0x0;
	s14 =	simm.s32 $0x0  }
.LBB2_26:
0x502: {  	s9 =	simm.s32 $0x4  }
0x503: {  	_ =	swait.ge [sflag:s9], $0x2800  }
0x504: {  	[sflag:s9] =	ssyncset.done $0x0  }
0x505: {  	s17 =	simm.s32 $0x5;
	[sflag:s9] =	ssyncadd.s32 $0xFFFFD800  }
0x506: {  	_ =	swait.ge [sflag:s17], $0x2800  }
0x507: {  	[sflag:s17] =	ssyncset.done $0x0  }
0x508: {  	s18 =	simm.s32 $0x6;
	[sflag:s17] =	ssyncadd.s32 $0xFFFFD800  }
0x509: {  	_ =	swait.ge [sflag:s18], $0x2800  }
0x50a: {  	s14 =	rddreg [dreg:$0x17]  }
0x50b: {  	s14 =	sadd.s32 $0x1, s14  }
0x50c: {  	p1 =	sne.s32 s14, $0x5  }
.Ltmp14:
0x50d: {  	_ = 	snop;
	(pc) =	sbr.rel @!p1 .LBB2_27-.Ltmp14, $3  }
0x50e: {  	_ =	sdelay $0x1  }
0x50f: {  	[sflag:s18] =	ssyncset.done $0x0  }
0x510: {  	[sflag:s18] =	ssyncadd.s32 $0xFFFFD800  }
.LBB2_15:
0x511: {  	s9 =	smul.u32 $0x7D0, s14  }
0x512: {  	s18 =	rddreg [dreg:$0xd]  }
0x513: {  	s9 =	sadd.s32 s18, s9  }
0x514: {  	s16 =	rddreg [dreg:$0x8];
	s9 =	sshrl.u32 s9, $0x3  }
0x515: {  	[dreg:$0x17] =	wrdreg s14;
	s14 =	sadd.s32 s16, s9;
	s16 =	simm.s32 $0x7  }
0x516: {  	[tilespmem:s13], [sflag:$0x7] =	stream.linear.gather [hbm4b:s14+s13], $0x7D0, $0x38;
	[tilespmem:$0x1F600] =	vst v63  }
0x517: {  	_ =	swait.ge [sflag:s16], $0x7D0  }
0x518: {  	[sflag:s16] =	ssyncset.done $0x0;
	s17 =	rddreg [dreg:$0x9]  }
0x519: {  	s18 =	simm.s32 $0x800;
	[sflag:s16] =	ssyncadd.s32 $0xFFFFF830;
	s9 =	sadd.s32 s17, s9  }
0x51a: {  	[tilespmem:s18], [sflag:$0x7] =	stream.linear.gather [hbm4b:s9+s13], $0x7D0, $0x38;
	[tilespmem:$0x1F600] =	vst v63  }
0x51b: {  	_ =	swait.ge [sflag:s16], $0x7D0  }
0x51c: {  	[sflag:s16] =	ssyncset.done $0x0  }
0x51d: {  	[sflag:s16] =	ssyncadd.s32 $0xFFFFF830  }
0x51e: {  	v23 =	vld [tilespmem:$0x0];
	_ =	sdelay $0x4  }
0x51f: {  	[tilespmem:$0x1000] =	vst v23  }
0x520: {  	v23 =	vld [tilespmem:$0x1000]  }
0x521: {  	v24 =	vld [tilespmem:$0x800]  }
0x522: {  	v25 =	vld [tilespmem:$0x10]  }
0x523: {  	v26 =	vld [tilespmem:$0x810]  }
0x524: {  	v27 =	vld [tilespmem:$0x20]  }
0x525: {  	v28 =	vld [tilespmem:$0x820];
	v29 =	vshll.u32 v23, $0x1  }
0x526: {  	v56 =	vld [tilespmem:$0x30];
	[tilespmem:$0x1080] =	vst v24;
	v23 =	vand.u32 $0x7, v23;
	v29 =	vand.u32 $0xFFFFFFF0, v29  }
0x527: {  	v57 =	vld [tilespmem:$0x830];
	[tilespmem:$0x1010] =	vst v25;
	v23 =	vor.u32 v23, v29  }
0x528: {  	v58 =	vld [tilespmem:$0x40];
	[tilespmem:$0x1090] =	vst v26;
	v29 =	vperm.xlane v23, v7  }
0x529: {  	v59 =	vld [tilespmem:$0x840];
	[tilespmem:$0x1020] =	vst v27  }
0x52a: {  	[tilespmem:$0x10A0] =	vst v28;
	v61 =	vperm.xlane v23, v6;
	v60 =	vadd.s32 v8, v29  }
0x52b: {  	[tilespmem:$0x1030] =	vst v56  }
0x52c: {  	[tilespmem:$0x10B0] =	vst v57;
	v63 =	vperm.xlane v23, v9;
	v62 =	vadd.s32 v8, v61  }
0x52d: {  	[tilespmem:$0x1040] =	vst v58  }
0x52e: {  	[tilespmem:$0x10C0] =	vst v59;
	v25 =	vadd.s32 v8, v63;
	v29 =	vperm.xlane v23, v10  }
0x52f: {  	[tilespmem:s24], [sflag:$0x1] =	stream.indirect_vreg.gather [hbm4b:s15+s13], $0x80, v60, vm0, $0xb8;
	[tilespmem:$0x1F600] =	vst v63  }
0x530: {  	s14 =	simm.s32 $0x1400;
	v30 =	vperm.xlane v23, v11;
	v26 =	vadd.s32 v8, v29  }
0x531: {  	[tilespmem:s14], [sflag:$0x1] =	stream.indirect_vreg.gather [hbm4b:s15+s13], $0x80, v62, vm0, $0xb8;
	[tilespmem:$0x1F600] =	vst v63  }
0x532: {  	s16 =	simm.s32 $0x1480;
	v32 =	vperm.xlane v23, v12;
	v31 =	vadd.s32 v8, v30  }
0x533: {  	[tilespmem:s16], [sflag:$0x1] =	stream.indirect_vreg.gather [hbm4b:s15+s13], $0x80, v25, vm0, $0xb8;
	[tilespmem:$0x1F600] =	vst v63  }
0x534: {  	s17 =	simm.s32 $0x1500;
	v34 =	vperm.xlane v23, v13;
	v33 =	vadd.s32 v8, v32  }
0x535: {  	[tilespmem:s17], [sflag:$0x1] =	stream.indirect_vreg.gather [hbm4b:s15+s13], $0x80, v26, vm0, $0xb8;
	[tilespmem:$0x1F600] =	vst v63  }
0x536: {  	s18 =	simm.s32 $0x1580;
	v36 =	vperm.xlane v23, v5;
	v35 =	vadd.s32 v8, v34  }
0x537: {  	[tilespmem:s18], [sflag:$0x1] =	stream.indirect_vreg.gather [hbm4b:s15+s13], $0x80, v31, vm0, $0xb8;
	[tilespmem:$0x1F600] =	vst v63  }
0x538: {  	v38 =	vperm.xlane v23, v14;
	v37 =	vadd.s32 v8, v36;
	s14 =	simm.s32 $0x1600  }
0x539: {  	[tilespmem:s14], [sflag:$0x1] =	stream.indirect_vreg.gather [hbm4b:s15+s13], $0x80, v33, vm0, $0xb8;
	[tilespmem:$0x1F600] =	vst v63  }
0x53a: {  	v40 =	vperm.xlane v23, v15;
	v39 =	vadd.s32 v8, v38;
	s16 =	simm.s32 $0x1680  }
0x53b: {  	[tilespmem:s16], [sflag:$0x1] =	stream.indirect_vreg.gather [hbm4b:s15+s13], $0x80, v35, vm0, $0xb8;
	[tilespmem:$0x1F600] =	vst v63  }
0x53c: {  	v42 =	vperm.xlane v23, v16;
	v41 =	vadd.s32 v8, v40;
	s17 =	simm.s32 $0x1700  }
0x53d: {  	[tilespmem:s17], [sflag:$0x1] =	stream.indirect_vreg.gather [hbm4b:s15+s13], $0x80, v37, vm0, $0xb8;
	[tilespmem:$0x1F600] =	vst v63  }
0x53e: {  	v44 =	vperm.xlane v23, v17;
	v43 =	vadd.s32 v8, v42;
	s18 =	simm.s32 $0x1780  }
0x53f: {  	[tilespmem:s18], [sflag:$0x1] =	stream.indirect_vreg.gather [hbm4b:s15+s13], $0x80, v39, vm0, $0xb8;
	[tilespmem:$0x1F600] =	vst v63  }
0x540: {  	v46 =	vperm.xlane v23, v18;
	v45 =	vadd.s32 v8, v44;
	s14 =	simm.s32 $0x1800  }
0x541: {  	[tilespmem:s14], [sflag:$0x1] =	stream.indirect_vreg.gather [hbm4b:s15+s13], $0x80, v41, vm0, $0xb8;
	[tilespmem:$0x1F600] =	vst v63  }
0x542: {  	v48 =	vperm.xlane v23, v19;
	v47 =	vadd.s32 v8, v46;
	s16 =	simm.s32 $0x1880  }
0x543: {  	[tilespmem:s16], [sflag:$0x1] =	stream.indirect_vreg.gather [hbm4b:s15+s13], $0x80, v43, vm0, $0xb8;
	[tilespmem:$0x1F600] =	vst v63  }
0x544: {  	v50 =	vperm.xlane v23, v20;
	v49 =	vadd.s32 v8, v48;
	s17 =	simm.s32 $0x1900  }
0x545: {  	[tilespmem:s17], [sflag:$0x1] =	stream.indirect_vreg.gather [hbm4b:s15+s13], $0x80, v45, vm0, $0xb8;
	[tilespmem:$0x1F600] =	vst v63  }
0x546: {  	v51 =	vadd.s32 v8, v50;
	v23 =	vperm.xlane v23, v21;
	s18 =	simm.s32 $0x1980  }
0x547: {  	[tilespmem:s18], [sflag:$0x1] =	stream.indirect_vreg.gather [hbm4b:s15+s13], $0x80, v47, vm0, $0xb8;
	[tilespmem:$0x1F600] =	vst v63  }
0x548: {  	v23 =	vadd.s32 v8, v23;
	s14 =	simm.s32 $0x1A00  }
0x549: {  	[tilespmem:s14], [sflag:$0x1] =	stream.indirect_vreg.gather [hbm4b:s15+s13], $0x80, v49, vm0, $0xb8;
	[tilespmem:$0x1F600] =	vst v63  }
0x54a: {  	s16 =	simm.s32 $0x1A80  }
0x54b: {  	[tilespmem:s16], [sflag:$0x1] =	stream.indirect_vreg.gather [hbm4b:s15+s13], $0x80, v51, vm0, $0xb8;
	[tilespmem:$0x1F600] =	vst v63  }
0x54c: {  	s17 =	simm.s32 $0x1B00  }
0x54d: {  	[tilespmem:s17], [sflag:$0x1] =	stream.indirect_vreg.gather [hbm4b:s15+s13], $0x80, v23, vm0, $0xb8;
	[tilespmem:$0x1F600] =	vst v63  }
0x54e: {  	v23 =	vld [tilespmem:$0x1010];
	_ =	sdelay $0x4  }
0x54f: {  	v52 =	vshll.u32 v23, $0x1  }
0x550: {  	v23 =	vand.u32 $0x7, v23;
	v24 =	vand.u32 $0xFFFFFFF0, v52  }
0x551: {  	v23 =	vor.u32 v23, v24  }
0x552: {  	v24 =	vperm.xlane v23, v7;
	_ =	sdelay $0x1  }
0x553: {  	v53 =	vperm.xlane v23, v6;
	v24 =	vadd.s32 v8, v24;
	_ =	sdelay $0x1  }
0x554: {  	v54 =	vperm.xlane v23, v9;
	v25 =	vadd.s32 v8, v53;
	_ =	sdelay $0x1  }
0x555: {  	s18 =	simm.s32 $0x1B80;
	v55 =	vperm.xlane v23, v10;
	v26 =	vadd.s32 v8, v54  }
0x556: {  	[tilespmem:s18], [sflag:$0x1] =	stream.indirect_vreg.gather [hbm4b:s15+s13], $0x80, v24, vm0, $0xb8;
	[tilespmem:$0x1F600] =	vst v63  }
0x557: {  	s14 =	simm.s32 $0x1C00;
	v57 =	vperm.xlane v23, v11;
	v56 =	vadd.s32 v8, v55  }
0x558: {  	[tilespmem:s14], [sflag:$0x1] =	stream.indirect_vreg.gather [hbm4b:s15+s13], $0x80, v25, vm0, $0xb8;
	[tilespmem:$0x1F600] =	vst v63  }
0x559: {  	s16 =	simm.s32 $0x1C80;
	v59 =	vperm.xlane v23, v12;
	v58 =	vadd.s32 v8, v57  }
0x55a: {  	[tilespmem:s16], [sflag:$0x1] =	stream.indirect_vreg.gather [hbm4b:s15+s13], $0x80, v26, vm0, $0xb8;
	[tilespmem:$0x1F600] =	vst v63  }
0x55b: {  	s17 =	simm.s32 $0x1D00;
	v61 =	vperm.xlane v23, v13;
	v60 =	vadd.s32 v8, v59  }
0x55c: {  	[tilespmem:s17], [sflag:$0x1] =	stream.indirect_vreg.gather [hbm4b:s15+s13], $0x80, v56, vm0, $0xb8;
	[tilespmem:$0x1F600] =	vst v63  }
0x55d: {  	v63 =	vperm.xlane v23, v5;
	v62 =	vadd.s32 v8, v61;
	s18 =	simm.s32 $0x1D80  }
0x55e: {  	[tilespmem:s18], [sflag:$0x1] =	stream.indirect_vreg.gather [hbm4b:s15+s13], $0x80, v58, vm0, $0xb8;
	[tilespmem:$0x1F600] =	vst v63  }
0x55f: {  	v31 =	vperm.xlane v23, v14;
	v30 =	vadd.s32 v8, v63;
	s14 =	simm.s32 $0x1E00  }
0x560: {  	[tilespmem:s14], [sflag:$0x1] =	stream.indirect_vreg.gather [hbm4b:s15+s13], $0x80, v60, vm0, $0xb8;
	[tilespmem:$0x1F600] =	vst v63  }
0x561: {  	v33 =	vperm.xlane v23, v15;
	v32 =	vadd.s32 v8, v31;
	s16 =	simm.s32 $0x1E80  }
0x562: {  	[tilespmem:s16], [sflag:$0x1] =	stream.indirect_vreg.gather [hbm4b:s15+s13], $0x80, v62, vm0, $0xb8;
	[tilespmem:$0x1F600] =	vst v63  }
0x563: {  	v35 =	vperm.xlane v23, v16;
	v34 =	vadd.s32 v8, v33;
	s17 =	simm.s32 $0x1F00  }
0x564: {  	[tilespmem:s17], [sflag:$0x1] =	stream.indirect_vreg.gather [hbm4b:s15+s13], $0x80, v30, vm0, $0xb8;
	[tilespmem:$0x1F600] =	vst v63  }
0x565: {  	v37 =	vperm.xlane v23, v17;
	v36 =	vadd.s32 v8, v35;
	s18 =	simm.s32 $0x1F80  }
0x566: {  	[tilespmem:s18], [sflag:$0x1] =	stream.indirect_vreg.gather [hbm4b:s15+s13], $0x80, v32, vm0, $0xb8;
	[tilespmem:$0x1F600] =	vst v63  }
0x567: {  	v39 =	vperm.xlane v23, v18;
	v38 =	vadd.s32 v8, v37;
	s14 =	simm.s32 $0x2000  }
0x568: {  	[tilespmem:s14], [sflag:$0x1] =	stream.indirect_vreg.gather [hbm4b:s15+s13], $0x80, v34, vm0, $0xb8;
	[tilespmem:$0x1F600] =	vst v63  }
0x569: {  	v41 =	vperm.xlane v23, v19;
	v40 =	vadd.s32 v8, v39;
	s16 =	simm.s32 $0x2080  }
0x56a: {  	[tilespmem:s16], [sflag:$0x1] =	stream.indirect_vreg.gather [hbm4b:s15+s13], $0x80, v36, vm0, $0xb8;
	[tilespmem:$0x1F600] =	vst v63  }
0x56b: {  	v43 =	vperm.xlane v23, v20;
	v42 =	vadd.s32 v8, v41;
	s17 =	simm.s32 $0x2100  }
0x56c: {  	[tilespmem:s17], [sflag:$0x1] =	stream.indirect_vreg.gather [hbm4b:s15+s13], $0x80, v38, vm0, $0xb8;
	[tilespmem:$0x1F600] =	vst v63  }
0x56d: {  	v23 =	vperm.xlane v23, v21;
	v44 =	vadd.s32 v8, v43;
	s18 =	simm.s32 $0x2180  }
0x56e: {  	[tilespmem:s18], [sflag:$0x1] =	stream.indirect_vreg.gather [hbm4b:s15+s13], $0x80, v40, vm0, $0xb8;
	[tilespmem:$0x1F600] =	vst v63  }
0x56f: {  	v23 =	vadd.s32 v8, v23;
	s14 =	simm.s32 $0x2200  }
0x570: {  	[tilespmem:s14], [sflag:$0x1] =	stream.indirect_vreg.gather [hbm4b:s15+s13], $0x80, v42, vm0, $0xb8;
	[tilespmem:$0x1F600] =	vst v63  }
0x571: {  	s16 =	simm.s32 $0x2280  }
0x572: {  	[tilespmem:s16], [sflag:$0x1] =	stream.indirect_vreg.gather [hbm4b:s15+s13], $0x80, v44, vm0, $0xb8;
	[tilespmem:$0x1F600] =	vst v63  }
0x573: {  	s17 =	simm.s32 $0x2300  }
0x574: {  	[tilespmem:s17], [sflag:$0x1] =	stream.indirect_vreg.gather [hbm4b:s15+s13], $0x80, v23, vm0, $0xb8;
	[tilespmem:$0x1F600] =	vst v63  }
0x575: {  	v23 =	vld [tilespmem:$0x1020];
	_ =	sdelay $0x4  }
0x576: {  	v45 =	vshll.u32 v23, $0x1  }
0x577: {  	v23 =	vand.u32 $0x7, v23;
	v24 =	vand.u32 $0xFFFFFFF0, v45  }
0x578: {  	v23 =	vor.u32 v23, v24  }
0x579: {  	v24 =	vperm.xlane v23, v7;
	_ =	sdelay $0x1  }
0x57a: {  	v46 =	vperm.xlane v23, v6;
	v24 =	vadd.s32 v8, v24;
	_ =	sdelay $0x1  }
0x57b: {  	v47 =	vperm.xlane v23, v9;
	v25 =	vadd.s32 v8, v46;
	_ =	sdelay $0x1  }
0x57c: {  	s18 =	simm.s32 $0x2380;
	v48 =	vperm.xlane v23, v10;
	v26 =	vadd.s32 v8, v47  }
0x57d: {  	[tilespmem:s18], [sflag:$0x1] =	stream.indirect_vreg.gather [hbm4b:s15+s13], $0x80, v24, vm0, $0xb8;
	[tilespmem:$0x1F600] =	vst v63  }
0x57e: {  	s14 =	simm.s32 $0x2400;
	v50 =	vperm.xlane v23, v11;
	v49 =	vadd.s32 v8, v48  }
0x57f: {  	[tilespmem:s14], [sflag:$0x1] =	stream.indirect_vreg.gather [hbm4b:s15+s13], $0x80, v25, vm0, $0xb8;
	[tilespmem:$0x1F600] =	vst v63  }
0x580: {  	s16 =	simm.s32 $0x2480;
	v52 =	vperm.xlane v23, v12;
	v51 =	vadd.s32 v8, v50  }
0x581: {  	[tilespmem:s16], [sflag:$0x1] =	stream.indirect_vreg.gather [hbm4b:s15+s13], $0x80, v26, vm0, $0xb8;
	[tilespmem:$0x1F600] =	vst v63  }
0x582: {  	s17 =	simm.s32 $0x2500;
	v54 =	vperm.xlane v23, v13;
	v53 =	vadd.s32 v8, v52  }
0x583: {  	[tilespmem:s17], [sflag:$0x1] =	stream.indirect_vreg.gather [hbm4b:s15+s13], $0x80, v49, vm0, $0xb8;
	[tilespmem:$0x1F600] =	vst v63  }
0x584: {  	v56 =	vperm.xlane v23, v5;
	v55 =	vadd.s32 v8, v54;
	s18 =	simm.s32 $0x2580  }
0x585: {  	[tilespmem:s18], [sflag:$0x1] =	stream.indirect_vreg.gather [hbm4b:s15+s13], $0x80, v51, vm0, $0xb8;
	[tilespmem:$0x1F600] =	vst v63  }
0x586: {  	v58 =	vperm.xlane v23, v14;
	v57 =	vadd.s32 v8, v56;
	s14 =	simm.s32 $0x2600  }
0x587: {  	[tilespmem:s14], [sflag:$0x1] =	stream.indirect_vreg.gather [hbm4b:s15+s13], $0x80, v53, vm0, $0xb8;
	[tilespmem:$0x1F600] =	vst v63  }
0x588: {  	v60 =	vperm.xlane v23, v15;
	v59 =	vadd.s32 v8, v58;
	s16 =	simm.s32 $0x2680  }
0x589: {  	[tilespmem:s16], [sflag:$0x1] =	stream.indirect_vreg.gather [hbm4b:s15+s13], $0x80, v55, vm0, $0xb8;
	[tilespmem:$0x1F600] =	vst v63  }
0x58a: {  	v62 =	vperm.xlane v23, v16;
	v61 =	vadd.s32 v8, v60;
	s17 =	simm.s32 $0x2700  }
0x58b: {  	[tilespmem:s17], [sflag:$0x1] =	stream.indirect_vreg.gather [hbm4b:s15+s13], $0x80, v57, vm0, $0xb8;
	[tilespmem:$0x1F600] =	vst v63  }
0x58c: {  	v30 =	vperm.xlane v23, v17;
	v63 =	vadd.s32 v8, v62;
	s18 =	simm.s32 $0x2780  }
0x58d: {  	[tilespmem:s18], [sflag:$0x1] =	stream.indirect_vreg.gather [hbm4b:s15+s13], $0x80, v59, vm0, $0xb8;
	[tilespmem:$0x1F600] =	vst v63  }
0x58e: {  	v32 =	vperm.xlane v23, v18;
	v31 =	vadd.s32 v8, v30;
	s14 =	simm.s32 $0x2800  }
0x58f: {  	[tilespmem:s14], [sflag:$0x1] =	stream.indirect_vreg.gather [hbm4b:s15+s13], $0x80, v61, vm0, $0xb8;
	[tilespmem:$0x1F600] =	vst v63  }
0x590: {  	v34 =	vperm.xlane v23, v19;
	v33 =	vadd.s32 v8, v32;
	s16 =	simm.s32 $0x2880  }
0x591: {  	[tilespmem:s16], [sflag:$0x1] =	stream.indirect_vreg.gather [hbm4b:s15+s13], $0x80, v63, vm0, $0xb8;
	[tilespmem:$0x1F600] =	vst v63  }
0x592: {  	v36 =	vperm.xlane v23, v20;
	v35 =	vadd.s32 v8, v34;
	s17 =	simm.s32 $0x2900  }
0x593: {  	[tilespmem:s17], [sflag:$0x1] =	stream.indirect_vreg.gather [hbm4b:s15+s13], $0x80, v31, vm0, $0xb8;
	[tilespmem:$0x1F600] =	vst v63  }
0x594: {  	v23 =	vperm.xlane v23, v21;
	v37 =	vadd.s32 v8, v36;
	s18 =	simm.s32 $0x2980  }
0x595: {  	[tilespmem:s18], [sflag:$0x1] =	stream.indirect_vreg.gather [hbm4b:s15+s13], $0x80, v33, vm0, $0xb8;
	[tilespmem:$0x1F600] =	vst v63  }
0x596: {  	v23 =	vadd.s32 v8, v23;
	s14 =	simm.s32 $0x2A00  }
0x597: {  	[tilespmem:s14], [sflag:$0x1] =	stream.indirect_vreg.gather [hbm4b:s15+s13], $0x80, v35, vm0, $0xb8;
	[tilespmem:$0x1F600] =	vst v63  }
0x598: {  	s16 =	simm.s32 $0x2A80  }
0x599: {  	[tilespmem:s16], [sflag:$0x1] =	stream.indirect_vreg.gather [hbm4b:s15+s13], $0x80, v37, vm0, $0xb8;
	[tilespmem:$0x1F600] =	vst v63  }
0x59a: {  	s17 =	simm.s32 $0x2B00  }
0x59b: {  	[tilespmem:s17], [sflag:$0x1] =	stream.indirect_vreg.gather [hbm4b:s15+s13], $0x80, v23, vm0, $0xb8;
	[tilespmem:$0x1F600] =	vst v63  }
0x59c: {  	v23 =	vld [tilespmem:$0x1030];
	_ =	sdelay $0x4  }
0x59d: {  	v38 =	vshll.u32 v23, $0x1  }
0x59e: {  	v23 =	vand.u32 $0x7, v23;
	v24 =	vand.u32 $0xFFFFFFF0, v38  }
0x59f: {  	v23 =	vor.u32 v23, v24  }
0x5a0: {  	v24 =	vperm.xlane v23, v7;
	_ =	sdelay $0x1  }
0x5a1: {  	v39 =	vperm.xlane v23, v6;
	v24 =	vadd.s32 v8, v24;
	_ =	sdelay $0x1  }
0x5a2: {  	v40 =	vperm.xlane v23, v9;
	v25 =	vadd.s32 v8, v39;
	_ =	sdelay $0x1  }
0x5a3: {  	s18 =	simm.s32 $0x2B80;
	v41 =	vperm.xlane v23, v10;
	v26 =	vadd.s32 v8, v40  }
0x5a4: {  	[tilespmem:s18], [sflag:$0x1] =	stream.indirect_vreg.gather [hbm4b:s15+s13], $0x80, v24, vm0, $0xb8;
	[tilespmem:$0x1F600] =	vst v63  }
0x5a5: {  	s14 =	simm.s32 $0x2C00;
	v43 =	vperm.xlane v23, v11;
	v42 =	vadd.s32 v8, v41  }
0x5a6: {  	[tilespmem:s14], [sflag:$0x1] =	stream.indirect_vreg.gather [hbm4b:s15+s13], $0x80, v25, vm0, $0xb8;
	[tilespmem:$0x1F600] =	vst v63  }
0x5a7: {  	s16 =	simm.s32 $0x2C80;
	v45 =	vperm.xlane v23, v12;
	v44 =	vadd.s32 v8, v43  }
0x5a8: {  	[tilespmem:s16], [sflag:$0x1] =	stream.indirect_vreg.gather [hbm4b:s15+s13], $0x80, v26, vm0, $0xb8;
	[tilespmem:$0x1F600] =	vst v63  }
0x5a9: {  	s17 =	simm.s32 $0x2D00;
	v47 =	vperm.xlane v23, v13;
	v46 =	vadd.s32 v8, v45  }
0x5aa: {  	[tilespmem:s17], [sflag:$0x1] =	stream.indirect_vreg.gather [hbm4b:s15+s13], $0x80, v42, vm0, $0xb8;
	[tilespmem:$0x1F600] =	vst v63  }
0x5ab: {  	v49 =	vperm.xlane v23, v5;
	v48 =	vadd.s32 v8, v47;
	s18 =	simm.s32 $0x2D80  }
0x5ac: {  	[tilespmem:s18], [sflag:$0x1] =	stream.indirect_vreg.gather [hbm4b:s15+s13], $0x80, v44, vm0, $0xb8;
	[tilespmem:$0x1F600] =	vst v63  }
0x5ad: {  	v51 =	vperm.xlane v23, v14;
	v50 =	vadd.s32 v8, v49;
	s14 =	simm.s32 $0x2E00  }
0x5ae: {  	[tilespmem:s14], [sflag:$0x1] =	stream.indirect_vreg.gather [hbm4b:s15+s13], $0x80, v46, vm0, $0xb8;
	[tilespmem:$0x1F600] =	vst v63  }
0x5af: {  	v53 =	vperm.xlane v23, v15;
	v52 =	vadd.s32 v8, v51;
	s16 =	simm.s32 $0x2E80  }
0x5b0: {  	[tilespmem:s16], [sflag:$0x1] =	stream.indirect_vreg.gather [hbm4b:s15+s13], $0x80, v48, vm0, $0xb8;
	[tilespmem:$0x1F600] =	vst v63  }
0x5b1: {  	v55 =	vperm.xlane v23, v16;
	v54 =	vadd.s32 v8, v53;
	s17 =	simm.s32 $0x2F00  }
0x5b2: {  	[tilespmem:s17], [sflag:$0x1] =	stream.indirect_vreg.gather [hbm4b:s15+s13], $0x80, v50, vm0, $0xb8;
	[tilespmem:$0x1F600] =	vst v63  }
0x5b3: {  	v57 =	vperm.xlane v23, v17;
	v56 =	vadd.s32 v8, v55;
	s18 =	simm.s32 $0x2F80  }
0x5b4: {  	[tilespmem:s18], [sflag:$0x1] =	stream.indirect_vreg.gather [hbm4b:s15+s13], $0x80, v52, vm0, $0xb8;
	[tilespmem:$0x1F600] =	vst v63  }
0x5b5: {  	v59 =	vperm.xlane v23, v18;
	v58 =	vadd.s32 v8, v57;
	s14 =	simm.s32 $0x3000  }
0x5b6: {  	[tilespmem:s14], [sflag:$0x1] =	stream.indirect_vreg.gather [hbm4b:s15+s13], $0x80, v54, vm0, $0xb8;
	[tilespmem:$0x1F600] =	vst v63  }
0x5b7: {  	v61 =	vperm.xlane v23, v19;
	v60 =	vadd.s32 v8, v59;
	s16 =	simm.s32 $0x3080  }
0x5b8: {  	[tilespmem:s16], [sflag:$0x1] =	stream.indirect_vreg.gather [hbm4b:s15+s13], $0x80, v56, vm0, $0xb8;
	[tilespmem:$0x1F600] =	vst v63  }
0x5b9: {  	v63 =	vperm.xlane v23, v20;
	v62 =	vadd.s32 v8, v61;
	s17 =	simm.s32 $0x3100  }
0x5ba: {  	[tilespmem:s17], [sflag:$0x1] =	stream.indirect_vreg.gather [hbm4b:s15+s13], $0x80, v58, vm0, $0xb8;
	[tilespmem:$0x1F600] =	vst v63  }
0x5bb: {  	v23 =	vperm.xlane v23, v21;
	v29 =	vadd.s32 v8, v63;
	s18 =	simm.s32 $0x3180  }
0x5bc: {  	[tilespmem:s18], [sflag:$0x1] =	stream.indirect_vreg.gather [hbm4b:s15+s13], $0x80, v60, vm0, $0xb8;
	[tilespmem:$0x1F600] =	vst v63  }
0x5bd: {  	v23 =	vadd.s32 v8, v23;
	s14 =	simm.s32 $0x3200  }
0x5be: {  	[tilespmem:s14], [sflag:$0x1] =	stream.indirect_vreg.gather [hbm4b:s15+s13], $0x80, v62, vm0, $0xb8;
	[tilespmem:$0x1F600] =	vst v63  }
0x5bf: {  	s16 =	simm.s32 $0x3280  }
0x5c0: {  	[tilespmem:s16], [sflag:$0x1] =	stream.indirect_vreg.gather [hbm4b:s15+s13], $0x80, v29, vm0, $0xb8;
	[tilespmem:$0x1F600] =	vst v63  }
0x5c1: {  	s17 =	simm.s32 $0x3300  }
0x5c2: {  	[tilespmem:s17], [sflag:$0x1] =	stream.indirect_vreg.gather [hbm4b:s15+s13], $0x80, v23, vm0, $0xb8;
	[tilespmem:$0x1F600] =	vst v63  }
0x5c3: {  	v23 =	vld [tilespmem:$0x1040];
	_ =	sdelay $0x4  }
0x5c4: {  	v30 =	vshll.u32 v23, $0x1  }
0x5c5: {  	v23 =	vand.u32 $0x7, v23;
	v24 =	vand.u32 $0xFFFFFFF0, v30  }
0x5c6: {  	v23 =	vor.u32 v23, v24  }
0x5c7: {  	v24 =	vperm.xlane v23, v7;
	_ =	sdelay $0x1  }
0x5c8: {  	v31 =	vperm.xlane v23, v6;
	v24 =	vadd.s32 v8, v24;
	_ =	sdelay $0x1  }
0x5c9: {  	v32 =	vperm.xlane v23, v9;
	v25 =	vadd.s32 v8, v31;
	_ =	sdelay $0x1  }
0x5ca: {  	s18 =	simm.s32 $0x3380;
	v33 =	vperm.xlane v23, v10;
	v26 =	vadd.s32 v8, v32  }
0x5cb: {  	[tilespmem:s18], [sflag:$0x1] =	stream.indirect_vreg.gather [hbm4b:s15+s13], $0x80, v24, vm0, $0xb8;
	[tilespmem:$0x1F600] =	vst v63  }
0x5cc: {  	v35 =	vperm.xlane v23, v11;
	v34 =	vadd.s32 v8, v33  }
0x5cd: {  	[tilespmem:s19], [sflag:$0x1] =	stream.indirect_vreg.gather [hbm4b:s15+s13], $0x80, v25, vm0, $0xb8;
	[tilespmem:$0x1F600] =	vst v63  }
0x5ce: {  	v37 =	vperm.xlane v23, v12;
	v36 =	vadd.s32 v8, v35  }
0x5cf: {  	[tilespmem:s22], [sflag:$0x1] =	stream.indirect_vreg.gather [hbm4b:s15+s13], $0x80, v26, vm0, $0xb8;
	[tilespmem:$0x1F600] =	vst v63  }
0x5d0: {  	v39 =	vperm.xlane v23, v13;
	v38 =	vadd.s32 v8, v37  }
0x5d1: {  	[tilespmem:s8], [sflag:$0x1] =	stream.indirect_vreg.gather [hbm4b:s15+s13], $0x80, v34, vm0, $0xb8;
	[tilespmem:$0x1F600] =	vst v63  }
0x5d2: {  	v41 =	vperm.xlane v23, v5;
	v40 =	vadd.s32 v8, v39  }
0x5d3: {  	[tilespmem:s10], [sflag:$0x1] =	stream.indirect_vreg.gather [hbm4b:s15+s13], $0x80, v36, vm0, $0xb8;
	[tilespmem:$0x1F600] =	vst v63  }
0x5d4: {  	v43 =	vperm.xlane v23, v14;
	v42 =	vadd.s32 v8, v41  }
0x5d5: {  	[tilespmem:s0], [sflag:$0x1] =	stream.indirect_vreg.gather [hbm4b:s15+s13], $0x80, v38, vm0, $0xb8;
	[tilespmem:$0x1F600] =	vst v63  }
0x5d6: {  	v45 =	vperm.xlane v23, v15;
	v44 =	vadd.s32 v8, v43  }
0x5d7: {  	[tilespmem:s2], [sflag:$0x1] =	stream.indirect_vreg.gather [hbm4b:s15+s13], $0x80, v40, vm0, $0xb8;
	[tilespmem:$0x1F600] =	vst v63  }
0x5d8: {  	v47 =	vperm.xlane v23, v16;
	v46 =	vadd.s32 v8, v45  }
0x5d9: {  	[tilespmem:s6], [sflag:$0x1] =	stream.indirect_vreg.gather [hbm4b:s15+s13], $0x80, v42, vm0, $0xb8;
	[tilespmem:$0x1F600] =	vst v63  }
0x5da: {  	v49 =	vperm.xlane v23, v17;
	v48 =	vadd.s32 v8, v47  }
0x5db: {  	[tilespmem:s7], [sflag:$0x1] =	stream.indirect_vreg.gather [hbm4b:s15+s13], $0x80, v44, vm0, $0xb8;
	[tilespmem:$0x1F600] =	vst v63  }
0x5dc: {  	v51 =	vperm.xlane v23, v18;
	v50 =	vadd.s32 v8, v49  }
0x5dd: {  	[tilespmem:s23], [sflag:$0x1] =	stream.indirect_vreg.gather [hbm4b:s15+s13], $0x80, v46, vm0, $0xb8;
	[tilespmem:$0x1F600] =	vst v63  }
0x5de: {  	v53 =	vperm.xlane v23, v19;
	v52 =	vadd.s32 v8, v51  }
0x5df: {  	[tilespmem:s11], [sflag:$0x1] =	stream.indirect_vreg.gather [hbm4b:s15+s13], $0x80, v48, vm0, $0xb8;
	[tilespmem:$0x1F600] =	vst v63  }
0x5e0: {  	v55 =	vperm.xlane v23, v20;
	v54 =	vadd.s32 v8, v53  }
0x5e1: {  	[tilespmem:s20], [sflag:$0x1] =	stream.indirect_vreg.gather [hbm4b:s15+s13], $0x80, v50, vm0, $0xb8;
	[tilespmem:$0x1F600] =	vst v63  }
0x5e2: {  	v23 =	vperm.xlane v23, v21;
	v56 =	vadd.s32 v8, v55  }
0x5e3: {  	[tilespmem:s25], [sflag:$0x1] =	stream.indirect_vreg.gather [hbm4b:s15+s13], $0x80, v52, vm0, $0xb8;
	[tilespmem:$0x1F600] =	vst v63  }
0x5e4: {  	v23 =	vadd.s32 v8, v23  }
0x5e5: {  	[tilespmem:s26], [sflag:$0x1] =	stream.indirect_vreg.gather [hbm4b:s15+s13], $0x80, v54, vm0, $0xb8;
	[tilespmem:$0x1F600] =	vst v63  }
0x5e6: {  	_ = 	snop  }
0x5e7: {  	[tilespmem:s28], [sflag:$0x1] =	stream.indirect_vreg.gather [hbm4b:s15+s13], $0x80, v56, vm0, $0xb8;
	[tilespmem:$0x1F600] =	vst v63  }
0x5e8: {  	_ = 	snop  }
0x5e9: {  	[tilespmem:s29], [sflag:$0x1] =	stream.indirect_vreg.gather [hbm4b:s15+s13], $0x80, v23, vm0, $0xb8;
	[tilespmem:$0x1F600] =	vst v63  }
0x5ea: {  	v23 =	vld [tilespmem:$0x50];
	_ =	sdelay $0x4  }
0x5eb: {  	[tilespmem:$0x1100] =	vst v23  }
0x5ec: {  	v23 =	vld [tilespmem:$0x1100]  }
0x5ed: {  	v24 =	vld [tilespmem:$0x850]  }
0x5ee: {  	v25 =	vld [tilespmem:$0x60]  }
0x5ef: {  	v26 =	vld [tilespmem:$0x860]  }
0x5f0: {  	v57 =	vld [tilespmem:$0x70]  }
0x5f1: {  	v28 =	vld [tilespmem:$0x870];
	v58 =	vshll.u32 v23, $0x1  }
0x5f2: {  	v59 =	vld [tilespmem:$0x80];
	[tilespmem:$0x1180] =	vst v24;
	v23 =	vand.u32 $0x7, v23;
	v29 =	vand.u32 $0xFFFFFFF0, v58  }
0x5f3: {  	v60 =	vld [tilespmem:$0x880];
	[tilespmem:$0x1110] =	vst v25;
	v23 =	vor.u32 v23, v29  }
0x5f4: {  	v61 =	vld [tilespmem:$0x90];
	[tilespmem:$0x1190] =	vst v26;
	v29 =	vperm.xlane v23, v7  }
0x5f5: {  	v62 =	vld [tilespmem:$0x890];
	[tilespmem:$0x1120] =	vst v57  }
0x5f6: {  	[tilespmem:$0x11A0] =	vst v28;
	v32 =	vperm.xlane v23, v6;
	v63 =	vadd.s32 v8, v29  }
0x5f7: {  	[tilespmem:$0x1130] =	vst v59  }
0x5f8: {  	[tilespmem:$0x11B0] =	vst v60;
	v34 =	vperm.xlane v23, v9;
	v33 =	vadd.s32 v8, v32  }
0x5f9: {  	[tilespmem:$0x1140] =	vst v61  }
0x5fa: {  	s14 =	simm.s32 $0x3B80;
	[tilespmem:$0x11C0] =	vst v62;
	v35 =	vperm.xlane v23, v10;
	v25 =	vadd.s32 v8, v34  }
0x5fb: {  	[tilespmem:s14], [sflag:$0x2] =	stream.indirect_vreg.gather [hbm4b:s15+s13], $0x80, v63, vm0, $0xb8;
	[tilespmem:$0x1F600] =	vst v63  }
0x5fc: {  	s16 =	simm.s32 $0x3C00;
	v36 =	vperm.xlane v23, v11;
	v26 =	vadd.s32 v8, v35  }
0x5fd: {  	[tilespmem:s16], [sflag:$0x2] =	stream.indirect_vreg.gather [hbm4b:s15+s13], $0x80, v33, vm0, $0xb8;
	[tilespmem:$0x1F600] =	vst v63  }
0x5fe: {  	s17 =	simm.s32 $0x3C80;
	v38 =	vperm.xlane v23, v12;
	v37 =	vadd.s32 v8, v36  }
0x5ff: {  	[tilespmem:s17], [sflag:$0x2] =	stream.indirect_vreg.gather [hbm4b:s15+s13], $0x80, v25, vm0, $0xb8;
	[tilespmem:$0x1F600] =	vst v63  }
0x600: {  	s18 =	simm.s32 $0x3D00;
	v40 =	vperm.xlane v23, v13;
	v39 =	vadd.s32 v8, v38  }
0x601: {  	[tilespmem:s18], [sflag:$0x2] =	stream.indirect_vreg.gather [hbm4b:s15+s13], $0x80, v26, vm0, $0xb8;
	[tilespmem:$0x1F600] =	vst v63  }
0x602: {  	v42 =	vperm.xlane v23, v5;
	v41 =	vadd.s32 v8, v40;
	s14 =	simm.s32 $0x3D80  }
0x603: {  	[tilespmem:s14], [sflag:$0x2] =	stream.indirect_vreg.gather [hbm4b:s15+s13], $0x80, v37, vm0, $0xb8;
	[tilespmem:$0x1F600] =	vst v63  }
0x604: {  	v44 =	vperm.xlane v23, v14;
	v43 =	vadd.s32 v8, v42;
	s16 =	simm.s32 $0x3E00  }
0x605: {  	[tilespmem:s16], [sflag:$0x2] =	stream.indirect_vreg.gather [hbm4b:s15+s13], $0x80, v39, vm0, $0xb8;
	[tilespmem:$0x1F600] =	vst v63  }
0x606: {  	v46 =	vperm.xlane v23, v15;
	v45 =	vadd.s32 v8, v44;
	s17 =	simm.s32 $0x3E80  }
0x607: {  	[tilespmem:s17], [sflag:$0x2] =	stream.indirect_vreg.gather [hbm4b:s15+s13], $0x80, v41, vm0, $0xb8;
	[tilespmem:$0x1F600] =	vst v63  }
0x608: {  	v48 =	vperm.xlane v23, v16;
	v47 =	vadd.s32 v8, v46;
	s18 =	simm.s32 $0x3F00  }
0x609: {  	[tilespmem:s18], [sflag:$0x2] =	stream.indirect_vreg.gather [hbm4b:s15+s13], $0x80, v43, vm0, $0xb8;
	[tilespmem:$0x1F600] =	vst v63  }
0x60a: {  	v50 =	vperm.xlane v23, v17;
	v49 =	vadd.s32 v8, v48;
	s14 =	simm.s32 $0x3F80  }
0x60b: {  	[tilespmem:s14], [sflag:$0x2] =	stream.indirect_vreg.gather [hbm4b:s15+s13], $0x80, v45, vm0, $0xb8;
	[tilespmem:$0x1F600] =	vst v63  }
0x60c: {  	v52 =	vperm.xlane v23, v18;
	v51 =	vadd.s32 v8, v50;
	s16 =	simm.s32 $0x4000  }
0x60d: {  	[tilespmem:s16], [sflag:$0x2] =	stream.indirect_vreg.gather [hbm4b:s15+s13], $0x80, v47, vm0, $0xb8;
	[tilespmem:$0x1F600] =	vst v63  }
0x60e: {  	v54 =	vperm.xlane v23, v19;
	v53 =	vadd.s32 v8, v52;
	s17 =	simm.s32 $0x4080  }
0x60f: {  	[tilespmem:s17], [sflag:$0x2] =	stream.indirect_vreg.gather [hbm4b:s15+s13], $0x80, v49, vm0, $0xb8;
	[tilespmem:$0x1F600] =	vst v63  }
0x610: {  	v56 =	vperm.xlane v23, v20;
	v55 =	vadd.s32 v8, v54;
	s18 =	simm.s32 $0x4100  }
0x611: {  	[tilespmem:s18], [sflag:$0x2] =	stream.indirect_vreg.gather [hbm4b:s15+s13], $0x80, v51, vm0, $0xb8;
	[tilespmem:$0x1F600] =	vst v63  }
0x612: {  	v23 =	vperm.xlane v23, v21;
	v57 =	vadd.s32 v8, v56;
	s14 =	simm.s32 $0x4180  }
0x613: {  	[tilespmem:s14], [sflag:$0x2] =	stream.indirect_vreg.gather [hbm4b:s15+s13], $0x80, v53, vm0, $0xb8;
	[tilespmem:$0x1F600] =	vst v63  }
0x614: {  	v23 =	vadd.s32 v8, v23;
	s16 =	simm.s32 $0x4200  }
0x615: {  	[tilespmem:s16], [sflag:$0x2] =	stream.indirect_vreg.gather [hbm4b:s15+s13], $0x80, v55, vm0, $0xb8;
	[tilespmem:$0x1F600] =	vst v63  }
0x616: {  	s17 =	simm.s32 $0x4280  }
0x617: {  	[tilespmem:s17], [sflag:$0x2] =	stream.indirect_vreg.gather [hbm4b:s15+s13], $0x80, v57, vm0, $0xb8;
	[tilespmem:$0x1F600] =	vst v63  }
0x618: {  	s18 =	simm.s32 $0x4300  }
0x619: {  	[tilespmem:s18], [sflag:$0x2] =	stream.indirect_vreg.gather [hbm4b:s15+s13], $0x80, v23, vm0, $0xb8;
	[tilespmem:$0x1F600] =	vst v63  }
0x61a: {  	v23 =	vld [tilespmem:$0x1110];
	_ =	sdelay $0x4  }
0x61b: {  	v58 =	vshll.u32 v23, $0x1  }
0x61c: {  	v23 =	vand.u32 $0x7, v23;
	v24 =	vand.u32 $0xFFFFFFF0, v58  }
0x61d: {  	v23 =	vor.u32 v23, v24  }
0x61e: {  	v24 =	vperm.xlane v23, v7;
	_ =	sdelay $0x1  }
0x61f: {  	v59 =	vperm.xlane v23, v6;
	v24 =	vadd.s32 v8, v24;
	_ =	sdelay $0x1  }
0x620: {  	v60 =	vperm.xlane v23, v9;
	v25 =	vadd.s32 v8, v59;
	_ =	sdelay $0x1  }
0x621: {  	s14 =	simm.s32 $0x4380;
	v61 =	vperm.xlane v23, v10;
	v26 =	vadd.s32 v8, v60  }
0x622: {  	[tilespmem:s14], [sflag:$0x2] =	stream.indirect_vreg.gather [hbm4b:s15+s13], $0x80, v24, vm0, $0xb8;
	[tilespmem:$0x1F600] =	vst v63  }
0x623: {  	s16 =	simm.s32 $0x4400;
	v63 =	vperm.xlane v23, v11;
	v62 =	vadd.s32 v8, v61  }
0x624: {  	[tilespmem:s16], [sflag:$0x2] =	stream.indirect_vreg.gather [hbm4b:s15+s13], $0x80, v25, vm0, $0xb8;
	[tilespmem:$0x1F600] =	vst v63  }
0x625: {  	s17 =	simm.s32 $0x4480;
	v31 =	vperm.xlane v23, v12;
	v30 =	vadd.s32 v8, v63  }
0x626: {  	[tilespmem:s17], [sflag:$0x2] =	stream.indirect_vreg.gather [hbm4b:s15+s13], $0x80, v26, vm0, $0xb8;
	[tilespmem:$0x1F600] =	vst v63  }
0x627: {  	s18 =	simm.s32 $0x4500;
	v33 =	vperm.xlane v23, v13;
	v32 =	vadd.s32 v8, v31  }
0x628: {  	[tilespmem:s18], [sflag:$0x2] =	stream.indirect_vreg.gather [hbm4b:s15+s13], $0x80, v62, vm0, $0xb8;
	[tilespmem:$0x1F600] =	vst v63  }
0x629: {  	v35 =	vperm.xlane v23, v5;
	v34 =	vadd.s32 v8, v33;
	s14 =	simm.s32 $0x4580  }
0x62a: {  	[tilespmem:s14], [sflag:$0x2] =	stream.indirect_vreg.gather [hbm4b:s15+s13], $0x80, v30, vm0, $0xb8;
	[tilespmem:$0x1F600] =	vst v63  }
0x62b: {  	v37 =	vperm.xlane v23, v14;
	v36 =	vadd.s32 v8, v35;
	s16 =	simm.s32 $0x4600  }
0x62c: {  	[tilespmem:s16], [sflag:$0x2] =	stream.indirect_vreg.gather [hbm4b:s15+s13], $0x80, v32, vm0, $0xb8;
	[tilespmem:$0x1F600] =	vst v63  }
0x62d: {  	v39 =	vperm.xlane v23, v15;
	v38 =	vadd.s32 v8, v37;
	s17 =	simm.s32 $0x4680  }
0x62e: {  	[tilespmem:s17], [sflag:$0x2] =	stream.indirect_vreg.gather [hbm4b:s15+s13], $0x80, v34, vm0, $0xb8;
	[tilespmem:$0x1F600] =	vst v63  }
0x62f: {  	v41 =	vperm.xlane v23, v16;
	v40 =	vadd.s32 v8, v39;
	s18 =	simm.s32 $0x4700  }
0x630: {  	[tilespmem:s18], [sflag:$0x2] =	stream.indirect_vreg.gather [hbm4b:s15+s13], $0x80, v36, vm0, $0xb8;
	[tilespmem:$0x1F600] =	vst v63  }
0x631: {  	v43 =	vperm.xlane v23, v17;
	v42 =	vadd.s32 v8, v41;
	s14 =	simm.s32 $0x4780  }
0x632: {  	[tilespmem:s14], [sflag:$0x2] =	stream.indirect_vreg.gather [hbm4b:s15+s13], $0x80, v38, vm0, $0xb8;
	[tilespmem:$0x1F600] =	vst v63  }
0x633: {  	v45 =	vperm.xlane v23, v18;
	v44 =	vadd.s32 v8, v43;
	s16 =	simm.s32 $0x4800  }
0x634: {  	[tilespmem:s16], [sflag:$0x2] =	stream.indirect_vreg.gather [hbm4b:s15+s13], $0x80, v40, vm0, $0xb8;
	[tilespmem:$0x1F600] =	vst v63  }
0x635: {  	v47 =	vperm.xlane v23, v19;
	v46 =	vadd.s32 v8, v45;
	s17 =	simm.s32 $0x4880  }
0x636: {  	[tilespmem:s17], [sflag:$0x2] =	stream.indirect_vreg.gather [hbm4b:s15+s13], $0x80, v42, vm0, $0xb8;
	[tilespmem:$0x1F600] =	vst v63  }
0x637: {  	v49 =	vperm.xlane v23, v20;
	v48 =	vadd.s32 v8, v47;
	s18 =	simm.s32 $0x4900  }
0x638: {  	[tilespmem:s18], [sflag:$0x2] =	stream.indirect_vreg.gather [hbm4b:s15+s13], $0x80, v44, vm0, $0xb8;
	[tilespmem:$0x1F600] =	vst v63  }
0x639: {  	v23 =	vperm.xlane v23, v21;
	v50 =	vadd.s32 v8, v49;
	s14 =	simm.s32 $0x4980  }
0x63a: {  	[tilespmem:s14], [sflag:$0x2] =	stream.indirect_vreg.gather [hbm4b:s15+s13], $0x80, v46, vm0, $0xb8;
	[tilespmem:$0x1F600] =	vst v63  }
0x63b: {  	v23 =	vadd.s32 v8, v23;
	s16 =	simm.s32 $0x4A00  }
0x63c: {  	[tilespmem:s16], [sflag:$0x2] =	stream.indirect_vreg.gather [hbm4b:s15+s13], $0x80, v48, vm0, $0xb8;
	[tilespmem:$0x1F600] =	vst v63  }
0x63d: {  	s17 =	simm.s32 $0x4A80  }
0x63e: {  	[tilespmem:s17], [sflag:$0x2] =	stream.indirect_vreg.gather [hbm4b:s15+s13], $0x80, v50, vm0, $0xb8;
	[tilespmem:$0x1F600] =	vst v63  }
0x63f: {  	s18 =	simm.s32 $0x4B00  }
0x640: {  	[tilespmem:s18], [sflag:$0x2] =	stream.indirect_vreg.gather [hbm4b:s15+s13], $0x80, v23, vm0, $0xb8;
	[tilespmem:$0x1F600] =	vst v63  }
0x641: {  	v23 =	vld [tilespmem:$0x1120];
	_ =	sdelay $0x4  }
0x642: {  	v51 =	vshll.u32 v23, $0x1  }
0x643: {  	v23 =	vand.u32 $0x7, v23;
	v24 =	vand.u32 $0xFFFFFFF0, v51  }
0x644: {  	v23 =	vor.u32 v23, v24  }
0x645: {  	v24 =	vperm.xlane v23, v7;
	_ =	sdelay $0x1  }
0x646: {  	v52 =	vperm.xlane v23, v6;
	v24 =	vadd.s32 v8, v24;
	_ =	sdelay $0x1  }
0x647: {  	v53 =	vperm.xlane v23, v9;
	v25 =	vadd.s32 v8, v52;
	_ =	sdelay $0x1  }
0x648: {  	s14 =	simm.s32 $0x4B80;
	v54 =	vperm.xlane v23, v10;
	v26 =	vadd.s32 v8, v53  }
0x649: {  	[tilespmem:s14], [sflag:$0x2] =	stream.indirect_vreg.gather [hbm4b:s15+s13], $0x80, v24, vm0, $0xb8;
	[tilespmem:$0x1F600] =	vst v63  }
0x64a: {  	s16 =	simm.s32 $0x4C00;
	v56 =	vperm.xlane v23, v11;
	v55 =	vadd.s32 v8, v54  }
0x64b: {  	[tilespmem:s16], [sflag:$0x2] =	stream.indirect_vreg.gather [hbm4b:s15+s13], $0x80, v25, vm0, $0xb8;
	[tilespmem:$0x1F600] =	vst v63  }
0x64c: {  	s17 =	simm.s32 $0x4C80;
	v58 =	vperm.xlane v23, v12;
	v57 =	vadd.s32 v8, v56  }
0x64d: {  	[tilespmem:s17], [sflag:$0x2] =	stream.indirect_vreg.gather [hbm4b:s15+s13], $0x80, v26, vm0, $0xb8;
	[tilespmem:$0x1F600] =	vst v63  }
0x64e: {  	s18 =	simm.s32 $0x4D00;
	v60 =	vperm.xlane v23, v13;
	v59 =	vadd.s32 v8, v58  }
0x64f: {  	[tilespmem:s18], [sflag:$0x2] =	stream.indirect_vreg.gather [hbm4b:s15+s13], $0x80, v55, vm0, $0xb8;
	[tilespmem:$0x1F600] =	vst v63  }
0x650: {  	v62 =	vperm.xlane v23, v5;
	v61 =	vadd.s32 v8, v60;
	s14 =	simm.s32 $0x4D80  }
0x651: {  	[tilespmem:s14], [sflag:$0x2] =	stream.indirect_vreg.gather [hbm4b:s15+s13], $0x80, v57, vm0, $0xb8;
	[tilespmem:$0x1F600] =	vst v63  }
0x652: {  	v30 =	vperm.xlane v23, v14;
	v63 =	vadd.s32 v8, v62;
	s16 =	simm.s32 $0x4E00  }
0x653: {  	[tilespmem:s16], [sflag:$0x2] =	stream.indirect_vreg.gather [hbm4b:s15+s13], $0x80, v59, vm0, $0xb8;
	[tilespmem:$0x1F600] =	vst v63  }
0x654: {  	v32 =	vperm.xlane v23, v15;
	v31 =	vadd.s32 v8, v30;
	s17 =	simm.s32 $0x4E80  }
0x655: {  	[tilespmem:s17], [sflag:$0x2] =	stream.indirect_vreg.gather [hbm4b:s15+s13], $0x80, v61, vm0, $0xb8;
	[tilespmem:$0x1F600] =	vst v63  }
0x656: {  	v34 =	vperm.xlane v23, v16;
	v33 =	vadd.s32 v8, v32;
	s18 =	simm.s32 $0x4F00  }
0x657: {  	[tilespmem:s18], [sflag:$0x2] =	stream.indirect_vreg.gather [hbm4b:s15+s13], $0x80, v63, vm0, $0xb8;
	[tilespmem:$0x1F600] =	vst v63  }
0x658: {  	v36 =	vperm.xlane v23, v17;
	v35 =	vadd.s32 v8, v34;
	s14 =	simm.s32 $0x4F80  }
0x659: {  	[tilespmem:s14], [sflag:$0x2] =	stream.indirect_vreg.gather [hbm4b:s15+s13], $0x80, v31, vm0, $0xb8;
	[tilespmem:$0x1F600] =	vst v63  }
0x65a: {  	v38 =	vperm.xlane v23, v18;
	v37 =	vadd.s32 v8, v36;
	s16 =	simm.s32 $0x5000  }
0x65b: {  	[tilespmem:s16], [sflag:$0x2] =	stream.indirect_vreg.gather [hbm4b:s15+s13], $0x80, v33, vm0, $0xb8;
	[tilespmem:$0x1F600] =	vst v63  }
0x65c: {  	v40 =	vperm.xlane v23, v19;
	v39 =	vadd.s32 v8, v38;
	s17 =	simm.s32 $0x5080  }
0x65d: {  	[tilespmem:s17], [sflag:$0x2] =	stream.indirect_vreg.gather [hbm4b:s15+s13], $0x80, v35, vm0, $0xb8;
	[tilespmem:$0x1F600] =	vst v63  }
0x65e: {  	v42 =	vperm.xlane v23, v20;
	v41 =	vadd.s32 v8, v40;
	s18 =	simm.s32 $0x5100  }
0x65f: {  	[tilespmem:s18], [sflag:$0x2] =	stream.indirect_vreg.gather [hbm4b:s15+s13], $0x80, v37, vm0, $0xb8;
	[tilespmem:$0x1F600] =	vst v63  }
0x660: {  	v23 =	vperm.xlane v23, v21;
	v43 =	vadd.s32 v8, v42;
	s14 =	simm.s32 $0x5180  }
0x661: {  	[tilespmem:s14], [sflag:$0x2] =	stream.indirect_vreg.gather [hbm4b:s15+s13], $0x80, v39, vm0, $0xb8;
	[tilespmem:$0x1F600] =	vst v63  }
0x662: {  	v23 =	vadd.s32 v8, v23;
	s16 =	simm.s32 $0x5200  }
0x663: {  	[tilespmem:s16], [sflag:$0x2] =	stream.indirect_vreg.gather [hbm4b:s15+s13], $0x80, v41, vm0, $0xb8;
	[tilespmem:$0x1F600] =	vst v63  }
0x664: {  	s17 =	simm.s32 $0x5280  }
0x665: {  	[tilespmem:s17], [sflag:$0x2] =	stream.indirect_vreg.gather [hbm4b:s15+s13], $0x80, v43, vm0, $0xb8;
	[tilespmem:$0x1F600] =	vst v63  }
0x666: {  	s18 =	simm.s32 $0x5300  }
0x667: {  	[tilespmem:s18], [sflag:$0x2] =	stream.indirect_vreg.gather [hbm4b:s15+s13], $0x80, v23, vm0, $0xb8;
	[tilespmem:$0x1F600] =	vst v63  }
0x668: {  	v23 =	vld [tilespmem:$0x1130];
	_ =	sdelay $0x4  }
0x669: {  	v44 =	vshll.u32 v23, $0x1  }
0x66a: {  	v23 =	vand.u32 $0x7, v23;
	v24 =	vand.u32 $0xFFFFFFF0, v44  }
0x66b: {  	v23 =	vor.u32 v23, v24  }
0x66c: {  	v24 =	vperm.xlane v23, v7;
	_ =	sdelay $0x1  }
0x66d: {  	v45 =	vperm.xlane v23, v6;
	v24 =	vadd.s32 v8, v24;
	_ =	sdelay $0x1  }
0x66e: {  	v46 =	vperm.xlane v23, v9;
	v25 =	vadd.s32 v8, v45;
	_ =	sdelay $0x1  }
0x66f: {  	s14 =	simm.s32 $0x5380;
	v47 =	vperm.xlane v23, v10;
	v26 =	vadd.s32 v8, v46  }
0x670: {  	[tilespmem:s14], [sflag:$0x2] =	stream.indirect_vreg.gather [hbm4b:s15+s13], $0x80, v24, vm0, $0xb8;
	[tilespmem:$0x1F600] =	vst v63  }
0x671: {  	s16 =	simm.s32 $0x5400;
	v49 =	vperm.xlane v23, v11;
	v48 =	vadd.s32 v8, v47  }
0x672: {  	[tilespmem:s16], [sflag:$0x2] =	stream.indirect_vreg.gather [hbm4b:s15+s13], $0x80, v25, vm0, $0xb8;
	[tilespmem:$0x1F600] =	vst v63  }
0x673: {  	s17 =	simm.s32 $0x5480;
	v51 =	vperm.xlane v23, v12;
	v50 =	vadd.s32 v8, v49  }
0x674: {  	[tilespmem:s17], [sflag:$0x2] =	stream.indirect_vreg.gather [hbm4b:s15+s13], $0x80, v26, vm0, $0xb8;
	[tilespmem:$0x1F600] =	vst v63  }
0x675: {  	s18 =	simm.s32 $0x5500;
	v53 =	vperm.xlane v23, v13;
	v52 =	vadd.s32 v8, v51  }
0x676: {  	[tilespmem:s18], [sflag:$0x2] =	stream.indirect_vreg.gather [hbm4b:s15+s13], $0x80, v48, vm0, $0xb8;
	[tilespmem:$0x1F600] =	vst v63  }
0x677: {  	v55 =	vperm.xlane v23, v5;
	v54 =	vadd.s32 v8, v53;
	s14 =	simm.s32 $0x5580  }
0x678: {  	[tilespmem:s14], [sflag:$0x2] =	stream.indirect_vreg.gather [hbm4b:s15+s13], $0x80, v50, vm0, $0xb8;
	[tilespmem:$0x1F600] =	vst v63  }
0x679: {  	v57 =	vperm.xlane v23, v14;
	v56 =	vadd.s32 v8, v55;
	s16 =	simm.s32 $0x5600  }
0x67a: {  	[tilespmem:s16], [sflag:$0x2] =	stream.indirect_vreg.gather [hbm4b:s15+s13], $0x80, v52, vm0, $0xb8;
	[tilespmem:$0x1F600] =	vst v63  }
0x67b: {  	v59 =	vperm.xlane v23, v15;
	v58 =	vadd.s32 v8, v57;
	s17 =	simm.s32 $0x5680  }
0x67c: {  	[tilespmem:s17], [sflag:$0x2] =	stream.indirect_vreg.gather [hbm4b:s15+s13], $0x80, v54, vm0, $0xb8;
	[tilespmem:$0x1F600] =	vst v63  }
0x67d: {  	v61 =	vperm.xlane v23, v16;
	v60 =	vadd.s32 v8, v59;
	s18 =	simm.s32 $0x5700  }
0x67e: {  	[tilespmem:s18], [sflag:$0x2] =	stream.indirect_vreg.gather [hbm4b:s15+s13], $0x80, v56, vm0, $0xb8;
	[tilespmem:$0x1F600] =	vst v63  }
0x67f: {  	v63 =	vperm.xlane v23, v17;
	v62 =	vadd.s32 v8, v61;
	s14 =	simm.s32 $0x5780  }
0x680: {  	[tilespmem:s14], [sflag:$0x2] =	stream.indirect_vreg.gather [hbm4b:s15+s13], $0x80, v58, vm0, $0xb8;
	[tilespmem:$0x1F600] =	vst v63  }
0x681: {  	v31 =	vperm.xlane v23, v18;
	v30 =	vadd.s32 v8, v63;
	s16 =	simm.s32 $0x5800  }
0x682: {  	[tilespmem:s16], [sflag:$0x2] =	stream.indirect_vreg.gather [hbm4b:s15+s13], $0x80, v60, vm0, $0xb8;
	[tilespmem:$0x1F600] =	vst v63  }
0x683: {  	v33 =	vperm.xlane v23, v19;
	v32 =	vadd.s32 v8, v31;
	s17 =	simm.s32 $0x5880  }
0x684: {  	[tilespmem:s17], [sflag:$0x2] =	stream.indirect_vreg.gather [hbm4b:s15+s13], $0x80, v62, vm0, $0xb8;
	[tilespmem:$0x1F600] =	vst v63  }
0x685: {  	v35 =	vperm.xlane v23, v20;
	v34 =	vadd.s32 v8, v33;
	s18 =	simm.s32 $0x5900  }
0x686: {  	[tilespmem:s18], [sflag:$0x2] =	stream.indirect_vreg.gather [hbm4b:s15+s13], $0x80, v30, vm0, $0xb8;
	[tilespmem:$0x1F600] =	vst v63  }
0x687: {  	v23 =	vperm.xlane v23, v21;
	v36 =	vadd.s32 v8, v35;
	s14 =	simm.s32 $0x5980  }
0x688: {  	[tilespmem:s14], [sflag:$0x2] =	stream.indirect_vreg.gather [hbm4b:s15+s13], $0x80, v32, vm0, $0xb8;
	[tilespmem:$0x1F600] =	vst v63  }
0x689: {  	v23 =	vadd.s32 v8, v23;
	s16 =	simm.s32 $0x5A00  }
0x68a: {  	[tilespmem:s16], [sflag:$0x2] =	stream.indirect_vreg.gather [hbm4b:s15+s13], $0x80, v34, vm0, $0xb8;
	[tilespmem:$0x1F600] =	vst v63  }
0x68b: {  	s17 =	simm.s32 $0x5A80  }
0x68c: {  	[tilespmem:s17], [sflag:$0x2] =	stream.indirect_vreg.gather [hbm4b:s15+s13], $0x80, v36, vm0, $0xb8;
	[tilespmem:$0x1F600] =	vst v63  }
0x68d: {  	s18 =	simm.s32 $0x5B00  }
0x68e: {  	[tilespmem:s18], [sflag:$0x2] =	stream.indirect_vreg.gather [hbm4b:s15+s13], $0x80, v23, vm0, $0xb8;
	[tilespmem:$0x1F600] =	vst v63  }
0x68f: {  	v23 =	vld [tilespmem:$0x1140];
	_ =	sdelay $0x4  }
0x690: {  	v37 =	vshll.u32 v23, $0x1  }
0x691: {  	v23 =	vand.u32 $0x7, v23;
	v24 =	vand.u32 $0xFFFFFFF0, v37  }
0x692: {  	v23 =	vor.u32 v23, v24  }
0x693: {  	v24 =	vperm.xlane v23, v7;
	_ =	sdelay $0x1  }
0x694: {  	v38 =	vperm.xlane v23, v6;
	v24 =	vadd.s32 v8, v24;
	_ =	sdelay $0x1  }
0x695: {  	v39 =	vperm.xlane v23, v9;
	v25 =	vadd.s32 v8, v38;
	_ =	sdelay $0x1  }
0x696: {  	s14 =	simm.s32 $0x5B80;
	v40 =	vperm.xlane v23, v10;
	v26 =	vadd.s32 v8, v39  }
0x697: {  	[tilespmem:s14], [sflag:$0x2] =	stream.indirect_vreg.gather [hbm4b:s15+s13], $0x80, v24, vm0, $0xb8;
	[tilespmem:$0x1F600] =	vst v63  }
0x698: {  	s16 =	simm.s32 $0x5C00;
	v42 =	vperm.xlane v23, v11;
	v41 =	vadd.s32 v8, v40  }
0x699: {  	[tilespmem:s16], [sflag:$0x2] =	stream.indirect_vreg.gather [hbm4b:s15+s13], $0x80, v25, vm0, $0xb8;
	[tilespmem:$0x1F600] =	vst v63  }
0x69a: {  	s17 =	simm.s32 $0x5C80;
	v44 =	vperm.xlane v23, v12;
	v43 =	vadd.s32 v8, v42  }
0x69b: {  	[tilespmem:s17], [sflag:$0x2] =	stream.indirect_vreg.gather [hbm4b:s15+s13], $0x80, v26, vm0, $0xb8;
	[tilespmem:$0x1F600] =	vst v63  }
0x69c: {  	s18 =	simm.s32 $0x5D00;
	v46 =	vperm.xlane v23, v13;
	v45 =	vadd.s32 v8, v44  }
0x69d: {  	[tilespmem:s18], [sflag:$0x2] =	stream.indirect_vreg.gather [hbm4b:s15+s13], $0x80, v41, vm0, $0xb8;
	[tilespmem:$0x1F600] =	vst v63  }
0x69e: {  	v48 =	vperm.xlane v23, v5;
	v47 =	vadd.s32 v8, v46;
	s14 =	simm.s32 $0x5D80  }
0x69f: {  	[tilespmem:s14], [sflag:$0x2] =	stream.indirect_vreg.gather [hbm4b:s15+s13], $0x80, v43, vm0, $0xb8;
	[tilespmem:$0x1F600] =	vst v63  }
0x6a0: {  	v50 =	vperm.xlane v23, v14;
	v49 =	vadd.s32 v8, v48;
	s16 =	simm.s32 $0x5E00  }
0x6a1: {  	[tilespmem:s16], [sflag:$0x2] =	stream.indirect_vreg.gather [hbm4b:s15+s13], $0x80, v45, vm0, $0xb8;
	[tilespmem:$0x1F600] =	vst v63  }
0x6a2: {  	v52 =	vperm.xlane v23, v15;
	v51 =	vadd.s32 v8, v50;
	s17 =	simm.s32 $0x5E80  }
0x6a3: {  	[tilespmem:s17], [sflag:$0x2] =	stream.indirect_vreg.gather [hbm4b:s15+s13], $0x80, v47, vm0, $0xb8;
	[tilespmem:$0x1F600] =	vst v63  }
0x6a4: {  	v54 =	vperm.xlane v23, v16;
	v53 =	vadd.s32 v8, v52;
	s18 =	simm.s32 $0x5F00  }
0x6a5: {  	[tilespmem:s18], [sflag:$0x2] =	stream.indirect_vreg.gather [hbm4b:s15+s13], $0x80, v49, vm0, $0xb8;
	[tilespmem:$0x1F600] =	vst v63  }
0x6a6: {  	v56 =	vperm.xlane v23, v17;
	v55 =	vadd.s32 v8, v54;
	s14 =	simm.s32 $0x5F80  }
0x6a7: {  	[tilespmem:s14], [sflag:$0x2] =	stream.indirect_vreg.gather [hbm4b:s15+s13], $0x80, v51, vm0, $0xb8;
	[tilespmem:$0x1F600] =	vst v63  }
0x6a8: {  	v58 =	vperm.xlane v23, v18;
	v57 =	vadd.s32 v8, v56;
	s16 =	simm.s32 $0x6000  }
0x6a9: {  	[tilespmem:s16], [sflag:$0x2] =	stream.indirect_vreg.gather [hbm4b:s15+s13], $0x80, v53, vm0, $0xb8;
	[tilespmem:$0x1F600] =	vst v63  }
0x6aa: {  	v60 =	vperm.xlane v23, v19;
	v59 =	vadd.s32 v8, v58;
	s17 =	simm.s32 $0x6080  }
0x6ab: {  	[tilespmem:s17], [sflag:$0x2] =	stream.indirect_vreg.gather [hbm4b:s15+s13], $0x80, v55, vm0, $0xb8;
	[tilespmem:$0x1F600] =	vst v63  }
0x6ac: {  	v61 =	vadd.s32 v8, v60;
	s18 =	simm.s32 $0x6100  }
0x6ad: {  	v62 =	vperm.xlane v23, v20;
	[tilespmem:s18], [sflag:$0x2] =	stream.indirect_vreg.gather [hbm4b:s15+s13], $0x80, v57, vm0, $0xb8;
	[tilespmem:$0x1F600] =	vst v63  }
0x6ae: {  	s14 =	simm.s32 $0x6180  }
0x6af: {  	v23 =	vperm.xlane v23, v21;
	v63 =	vadd.s32 v8, v62;
	[tilespmem:s14], [sflag:$0x2] =	stream.indirect_vreg.gather [hbm4b:s15+s13], $0x80, v59, vm0, $0xb8;
	[tilespmem:$0x1F600] =	vst v63  }
0x6b0: {  	s16 =	simm.s32 $0x6200  }
0x6b1: {  	v23 =	vadd.s32 v8, v23;
	[tilespmem:s16], [sflag:$0x2] =	stream.indirect_vreg.gather [hbm4b:s15+s13], $0x80, v61, vm0, $0xb8;
	[tilespmem:$0x1F600] =	vst v63  }
.Ltmp15:
0x6b2: {  	_ = 	snop;
	(pc) =	sbr.rel .LBB2_16-.Ltmp15, $4  }
0x6b3: {  	s17 =	simm.s32 $0x6280;
	s18 =	simm.s32 $0x6300  }
0x6b4: {  	[tilespmem:s17], [sflag:$0x2] =	stream.indirect_vreg.gather [hbm4b:s15+s13], $0x80, v63, vm0, $0xb8;
	[tilespmem:$0x1F600] =	vst v63  }
0x6b5: {  	s14 =	simm.s32 $0x8E0;
	s16 =	simm.s32 $0xE0;
	s17 =	simm.s32 $0x0  }
0x6b6: {  	[tilespmem:s18], [sflag:$0x2] =	stream.indirect_vreg.gather [hbm4b:s15+s13], $0x80, v23, vm0, $0xb8;
	[tilespmem:$0x1F600] =	vst v63  }
.LBB2_24:
0x6b7: {  	_ =	swait.ge [sflag:s30], $0x2800  }
0x6b8: {  	[sflag:s30] =	ssyncset.done $0x0  }
0x6b9: {  	s9 =	simm.s32 $0x1280;
	s18 =	simm.s32 $0x6380;
	[sflag:s30] =	ssyncadd.s32 $0xFFFFD800  }
0x6ba: {  	[spmem:s3] =	stream.indirect.scatter.add.f32 [tilespmem:s18], [sflag:$0x6], $0x80, s9, s31, $0xb8;
	[tilespmem:$0x1F600] =	vst v63  }
0x6bb: {  	v23 =	vld [tilespmem:$0x1280];
	_ =	sdelay $0x7  }
0x6bc: {  	[tilespmem:v23+s21+$0x0] =	vst.idx.add.f32.msk $0xffff, v22  }
0x6bd: {  	v23 =	vld [tilespmem:$0x1290];
	_ =	sdelay $0x7  }
0x6be: {  	[tilespmem:v23+s21+$0x0] =	vst.idx.add.f32.msk $0xffff, v22  }
0x6bf: {  	v23 =	vld [tilespmem:$0x12A0];
	_ =	sdelay $0x7  }
0x6c0: {  	s18 =	simm.s32 $0x12C0;
	s9 =	simm.s32 $0x12B0;
	[tilespmem:v23+s21+$0x0] =	vst.idx.add.f32.msk $0xffff, v22  }
.LBB2_25:
0x6c1: {  	v23 =	vld [tilespmem:s9+$0x0];
	_ =	sdelay $0x7  }
0x6c2: {  	[tilespmem:v23+s21+$0x0] =	vst.idx.add.f32.msk $0xffff, v22  }
0x6c3: {  	v23 =	vld [tilespmem:s18+$0x0];
	_ =	sdelay $0x1  }
0x6c4: {  	s17 =	sadd.s32 $0x1, s17  }
0x6c5: {  	p1 =	sne.s32 s17, $0x19  }
.Ltmp16:
0x6c6: {  	_ = 	snop;
	(pc) =	sbr.rel @!p1 .LBB2_26-.Ltmp16, $2  }
0x6c7: {  	_ =	sdelay $0x2  }
0x6c8: {  	s14 =	sadd.s32 $0x50, s14;
	s16 =	sadd.s32 $0x50, s16;
	[tilespmem:v23+s21+$0x0] =	vst.idx.add.f32.msk $0xffff, v22  }
.LBB2_16:
0x6c9: {  	s9 =	sadd.s32 $0x2, s17  }
0x6ca: {  	s18 =	smul.u32 $0xAB, s9;
	_ =	sdelay $0x1  }
0x6cb: {  	s18 =	sshrl.u32 s18, $0x9  }
0x6cc: {  	s18 =	sand.u32 $0x7F, s18  }
0x6cd: {  	s18 =	smul.u32 $0x3, s18;
	_ =	sdelay $0x1  }
0x6ce: {  	p1 =	sgt.u32 s17, $0x16;
	s9 =	ssub.s32 s9, s18  }
0x6cf: {  	s18 =	sand.u32 @!p1 $0xFF, s9  }
0x6d0: {  	p2 =	sne.s32 @!p1 s18, $0x0  }
0x6d1: {  	p2 =	por p1, p2  }
.Ltmp17:
0x6d2: {  	_ = 	snop;
	(pc) =	sbr.rel @p2 .LBB2_18-.Ltmp17, $1  }
0x6d3: {  	_ =	sdelay $0x3  }
0x6d4: {  	p1 =	seq.s32 s17, $0x0  }
0x6d5: {  	s9 =	simm.s32 @!p1 $0x4  }
0x6d6: {  	_ =	swait.ge @!p1 [sflag:s9], $0x2800  }
0x6d7: {  	[sflag:s9] =	ssyncset.done @!p1 $0x0  }
0x6d8: {  	[sflag:s9] =	ssyncadd.s32 @!p1 $0xFFFFD800  }
0x6d9: {  	v23 =	vld [tilespmem:s16+$0xFFFFFFC0];
	_ =	sdelay $0x4  }
0x6da: {  	[tilespmem:$0x1000] =	vst v23  }
0x6db: {  	v23 =	vld [tilespmem:s14+$0xFFFFFFC0];
	_ =	sdelay $0x4  }
0x6dc: {  	[tilespmem:$0x1080] =	vst v23  }
0x6dd: {  	v23 =	vld [tilespmem:s16+$0xFFFFFFD0];
	_ =	sdelay $0x4  }
0x6de: {  	[tilespmem:$0x1010] =	vst v23  }
0x6df: {  	v23 =	vld [tilespmem:s14+$0xFFFFFFD0];
	_ =	sdelay $0x4  }
0x6e0: {  	[tilespmem:$0x1090] =	vst v23  }
0x6e1: {  	v23 =	vld [tilespmem:s16+$0xFFFFFFE0];
	_ =	sdelay $0x4  }
0x6e2: {  	[tilespmem:$0x1020] =	vst v23  }
0x6e3: {  	v23 =	vld [tilespmem:s14+$0xFFFFFFE0];
	_ =	sdelay $0x4  }
0x6e4: {  	[tilespmem:$0x10A0] =	vst v23  }
0x6e5: {  	v23 =	vld [tilespmem:s16+$0xFFFFFFF0];
	_ =	sdelay $0x4  }
0x6e6: {  	[tilespmem:$0x1030] =	vst v23  }
0x6e7: {  	v23 =	vld [tilespmem:s14+$0xFFFFFFF0];
	_ =	sdelay $0x2  }
0x6e8: {  	v24 =	vld [tilespmem:$0x1000];
	_ =	sdelay $0x1  }
0x6e9: {  	[tilespmem:$0x10B0] =	vst v23  }
0x6ea: {  	v23 =	vld [tilespmem:s16+$0x0];
	_ =	sdelay $0x1  }
0x6eb: {  	v25 =	vshll.u32 v24, $0x1  }
0x6ec: {  	v24 =	vand.u32 $0x7, v24;
	v25 =	vand.u32 $0xFFFFFFF0, v25  }
0x6ed: {  	v24 =	vor.u32 v24, v25  }
0x6ee: {  	[tilespmem:$0x1040] =	vst v23;
	v23 =	vperm.xlane v24, v7  }
0x6ef: {  	v36 =	vld [tilespmem:s14+$0x0]  }
0x6f0: {  	v26 =	vperm.xlane v24, v6;
	v23 =	vadd.s32 v8, v23;
	_ =	sdelay $0x1  }
0x6f1: {  	v27 =	vperm.xlane v24, v9;
	v26 =	vadd.s32 v8, v26;
	_ =	sdelay $0x1  }
0x6f2: {  	v38 =	vperm.xlane v24, v10;
	v37 =	vadd.s32 v8, v27;
	[tilespmem:$0x10C0] =	vst v36  }
0x6f3: {  	[tilespmem:s24], [sflag:$0x1] =	stream.indirect_vreg.gather [hbm4b:s15+s5], $0x80, v23, vm0, $0xb8;
	[tilespmem:$0x1F600] =	vst v63  }
0x6f4: {  	s18 =	simm.s32 $0x1400;
	v39 =	vperm.xlane v24, v11;
	v23 =	vadd.s32 v8, v38  }
0x6f5: {  	[tilespmem:s18], [sflag:$0x1] =	stream.indirect_vreg.gather [hbm4b:s15+s5], $0x80, v26, vm0, $0xb8;
	[tilespmem:$0x1F600] =	vst v63  }
0x6f6: {  	v41 =	vperm.xlane v24, v12;
	v40 =	vadd.s32 v8, v39;
	s18 =	simm.s32 $0x1480  }
0x6f7: {  	[tilespmem:s18], [sflag:$0x1] =	stream.indirect_vreg.gather [hbm4b:s15+s5], $0x80, v37, vm0, $0xb8;
	[tilespmem:$0x1F600] =	vst v63  }
0x6f8: {  	v43 =	vperm.xlane v24, v13;
	v42 =	vadd.s32 v8, v41;
	s18 =	simm.s32 $0x1500  }
0x6f9: {  	[tilespmem:s18], [sflag:$0x1] =	stream.indirect_vreg.gather [hbm4b:s15+s5], $0x80, v23, vm0, $0xb8;
	[tilespmem:$0x1F600] =	vst v63  }
0x6fa: {  	v44 =	vperm.xlane v24, v5;
	v23 =	vadd.s32 v8, v43;
	s18 =	simm.s32 $0x1580  }
0x6fb: {  	[tilespmem:s18], [sflag:$0x1] =	stream.indirect_vreg.gather [hbm4b:s15+s5], $0x80, v40, vm0, $0xb8;
	[tilespmem:$0x1F600] =	vst v63  }
0x6fc: {  	v46 =	vperm.xlane v24, v14;
	v45 =	vadd.s32 v8, v44;
	s18 =	simm.s32 $0x1600  }
0x6fd: {  	[tilespmem:s18], [sflag:$0x1] =	stream.indirect_vreg.gather [hbm4b:s15+s5], $0x80, v42, vm0, $0xb8;
	[tilespmem:$0x1F600] =	vst v63  }
0x6fe: {  	v48 =	vperm.xlane v24, v15;
	v47 =	vadd.s32 v8, v46;
	s18 =	simm.s32 $0x1680  }
0x6ff: {  	[tilespmem:s18], [sflag:$0x1] =	stream.indirect_vreg.gather [hbm4b:s15+s5], $0x80, v23, vm0, $0xb8;
	[tilespmem:$0x1F600] =	vst v63  }
0x700: {  	v49 =	vperm.xlane v24, v16;
	v23 =	vadd.s32 v8, v48;
	s18 =	simm.s32 $0x1700  }
0x701: {  	[tilespmem:s18], [sflag:$0x1] =	stream.indirect_vreg.gather [hbm4b:s15+s5], $0x80, v45, vm0, $0xb8;
	[tilespmem:$0x1F600] =	vst v63  }
0x702: {  	v51 =	vperm.xlane v24, v17;
	v50 =	vadd.s32 v8, v49;
	s18 =	simm.s32 $0x1780  }
0x703: {  	[tilespmem:s18], [sflag:$0x1] =	stream.indirect_vreg.gather [hbm4b:s15+s5], $0x80, v47, vm0, $0xb8;
	[tilespmem:$0x1F600] =	vst v63  }
0x704: {  	v53 =	vperm.xlane v24, v18;
	v52 =	vadd.s32 v8, v51;
	s18 =	simm.s32 $0x1800  }
0x705: {  	[tilespmem:s18], [sflag:$0x1] =	stream.indirect_vreg.gather [hbm4b:s15+s5], $0x80, v23, vm0, $0xb8;
	[tilespmem:$0x1F600] =	vst v63  }
0x706: {  	v54 =	vperm.xlane v24, v19;
	v23 =	vadd.s32 v8, v53;
	s18 =	simm.s32 $0x1880  }
0x707: {  	[tilespmem:s18], [sflag:$0x1] =	stream.indirect_vreg.gather [hbm4b:s15+s5], $0x80, v50, vm0, $0xb8;
	[tilespmem:$0x1F600] =	vst v63  }
0x708: {  	v56 =	vperm.xlane v24, v20;
	v55 =	vadd.s32 v8, v54;
	s18 =	simm.s32 $0x1900  }
0x709: {  	[tilespmem:s18], [sflag:$0x1] =	stream.indirect_vreg.gather [hbm4b:s15+s5], $0x80, v52, vm0, $0xb8;
	[tilespmem:$0x1F600] =	vst v63  }
0x70a: {  	v57 =	vadd.s32 v8, v56;
	v24 =	vperm.xlane v24, v21;
	s18 =	simm.s32 $0x1980  }
0x70b: {  	[tilespmem:s18], [sflag:$0x1] =	stream.indirect_vreg.gather [hbm4b:s15+s5], $0x80, v23, vm0, $0xb8;
	[tilespmem:$0x1F600] =	vst v63  }
0x70c: {  	v23 =	vadd.s32 v8, v24;
	s18 =	simm.s32 $0x1A00  }
0x70d: {  	[tilespmem:s18], [sflag:$0x1] =	stream.indirect_vreg.gather [hbm4b:s15+s5], $0x80, v55, vm0, $0xb8;
	[tilespmem:$0x1F600] =	vst v63  }
0x70e: {  	s18 =	simm.s32 $0x1A80  }
0x70f: {  	[tilespmem:s18], [sflag:$0x1] =	stream.indirect_vreg.gather [hbm4b:s15+s5], $0x80, v57, vm0, $0xb8;
	[tilespmem:$0x1F600] =	vst v63  }
0x710: {  	s18 =	simm.s32 $0x1B00  }
0x711: {  	[tilespmem:s18], [sflag:$0x1] =	stream.indirect_vreg.gather [hbm4b:s15+s5], $0x80, v23, vm0, $0xb8;
	[tilespmem:$0x1F600] =	vst v63  }
0x712: {  	v23 =	vld [tilespmem:$0x1010];
	_ =	sdelay $0x4  }
0x713: {  	v58 =	vshll.u32 v23, $0x1  }
0x714: {  	v23 =	vand.u32 $0x7, v23;
	v24 =	vand.u32 $0xFFFFFFF0, v58  }
0x715: {  	v23 =	vor.u32 v23, v24  }
0x716: {  	v24 =	vperm.xlane v23, v7;
	_ =	sdelay $0x1  }
0x717: {  	v59 =	vperm.xlane v23, v6;
	v24 =	vadd.s32 v8, v24;
	_ =	sdelay $0x1  }
0x718: {  	v60 =	vperm.xlane v23, v9;
	v25 =	vadd.s32 v8, v59;
	_ =	sdelay $0x1  }
0x719: {  	s18 =	simm.s32 $0x1B80;
	v61 =	vperm.xlane v23, v10;
	v26 =	vadd.s32 v8, v60  }
0x71a: {  	[tilespmem:s18], [sflag:$0x1] =	stream.indirect_vreg.gather [hbm4b:s15+s5], $0x80, v24, vm0, $0xb8;
	[tilespmem:$0x1F600] =	vst v63  }
0x71b: {  	v63 =	vperm.xlane v23, v11;
	v62 =	vadd.s32 v8, v61;
	s18 =	simm.s32 $0x1C00  }
0x71c: {  	[tilespmem:s18], [sflag:$0x1] =	stream.indirect_vreg.gather [hbm4b:s15+s5], $0x80, v25, vm0, $0xb8;
	[tilespmem:$0x1F600] =	vst v63  }
0x71d: {  	v31 =	vperm.xlane v23, v12;
	v30 =	vadd.s32 v8, v63;
	s18 =	simm.s32 $0x1C80  }
0x71e: {  	[tilespmem:s18], [sflag:$0x1] =	stream.indirect_vreg.gather [hbm4b:s15+s5], $0x80, v26, vm0, $0xb8;
	[tilespmem:$0x1F600] =	vst v63  }
0x71f: {  	v33 =	vperm.xlane v23, v13;
	v32 =	vadd.s32 v8, v31;
	s18 =	simm.s32 $0x1D00  }
0x720: {  	[tilespmem:s18], [sflag:$0x1] =	stream.indirect_vreg.gather [hbm4b:s15+s5], $0x80, v62, vm0, $0xb8;
	[tilespmem:$0x1F600] =	vst v63  }
0x721: {  	v35 =	vperm.xlane v23, v5;
	v34 =	vadd.s32 v8, v33;
	s18 =	simm.s32 $0x1D80  }
0x722: {  	[tilespmem:s18], [sflag:$0x1] =	stream.indirect_vreg.gather [hbm4b:s15+s5], $0x80, v30, vm0, $0xb8;
	[tilespmem:$0x1F600] =	vst v63  }
0x723: {  	v37 =	vperm.xlane v23, v14;
	v36 =	vadd.s32 v8, v35;
	s18 =	simm.s32 $0x1E00  }
0x724: {  	[tilespmem:s18], [sflag:$0x1] =	stream.indirect_vreg.gather [hbm4b:s15+s5], $0x80, v32, vm0, $0xb8;
	[tilespmem:$0x1F600] =	vst v63  }
0x725: {  	v39 =	vperm.xlane v23, v15;
	v38 =	vadd.s32 v8, v37;
	s18 =	simm.s32 $0x1E80  }
0x726: {  	[tilespmem:s18], [sflag:$0x1] =	stream.indirect_vreg.gather [hbm4b:s15+s5], $0x80, v34, vm0, $0xb8;
	[tilespmem:$0x1F600] =	vst v63  }
0x727: {  	v41 =	vperm.xlane v23, v16;
	v40 =	vadd.s32 v8, v39;
	s18 =	simm.s32 $0x1F00  }
0x728: {  	[tilespmem:s18], [sflag:$0x1] =	stream.indirect_vreg.gather [hbm4b:s15+s5], $0x80, v36, vm0, $0xb8;
	[tilespmem:$0x1F600] =	vst v63  }
0x729: {  	v43 =	vperm.xlane v23, v17;
	v42 =	vadd.s32 v8, v41;
	s18 =	simm.s32 $0x1F80  }
0x72a: {  	[tilespmem:s18], [sflag:$0x1] =	stream.indirect_vreg.gather [hbm4b:s15+s5], $0x80, v38, vm0, $0xb8;
	[tilespmem:$0x1F600] =	vst v63  }
0x72b: {  	v45 =	vperm.xlane v23, v18;
	v44 =	vadd.s32 v8, v43;
	s18 =	simm.s32 $0x2000  }
0x72c: {  	[tilespmem:s18], [sflag:$0x1] =	stream.indirect_vreg.gather [hbm4b:s15+s5], $0x80, v40, vm0, $0xb8;
	[tilespmem:$0x1F600] =	vst v63  }
0x72d: {  	v47 =	vperm.xlane v23, v19;
	v46 =	vadd.s32 v8, v45;
	s18 =	simm.s32 $0x2080  }
0x72e: {  	[tilespmem:s18], [sflag:$0x1] =	stream.indirect_vreg.gather [hbm4b:s15+s5], $0x80, v42, vm0, $0xb8;
	[tilespmem:$0x1F600] =	vst v63  }
0x72f: {  	v49 =	vperm.xlane v23, v20;
	v48 =	vadd.s32 v8, v47;
	s18 =	simm.s32 $0x2100  }
0x730: {  	[tilespmem:s18], [sflag:$0x1] =	stream.indirect_vreg.gather [hbm4b:s15+s5], $0x80, v44, vm0, $0xb8;
	[tilespmem:$0x1F600] =	vst v63  }
0x731: {  	v23 =	vperm.xlane v23, v21;
	v50 =	vadd.s32 v8, v49;
	s18 =	simm.s32 $0x2180  }
0x732: {  	[tilespmem:s18], [sflag:$0x1] =	stream.indirect_vreg.gather [hbm4b:s15+s5], $0x80, v46, vm0, $0xb8;
	[tilespmem:$0x1F600] =	vst v63  }
0x733: {  	v23 =	vadd.s32 v8, v23;
	s18 =	simm.s32 $0x2200  }
0x734: {  	[tilespmem:s18], [sflag:$0x1] =	stream.indirect_vreg.gather [hbm4b:s15+s5], $0x80, v48, vm0, $0xb8;
	[tilespmem:$0x1F600] =	vst v63  }
0x735: {  	s18 =	simm.s32 $0x2280  }
0x736: {  	[tilespmem:s18], [sflag:$0x1] =	stream.indirect_vreg.gather [hbm4b:s15+s5], $0x80, v50, vm0, $0xb8;
	[tilespmem:$0x1F600] =	vst v63  }
0x737: {  	s18 =	simm.s32 $0x2300  }
0x738: {  	[tilespmem:s18], [sflag:$0x1] =	stream.indirect_vreg.gather [hbm4b:s15+s5], $0x80, v23, vm0, $0xb8;
	[tilespmem:$0x1F600] =	vst v63  }
0x739: {  	v23 =	vld [tilespmem:$0x1020];
	_ =	sdelay $0x4  }
0x73a: {  	v51 =	vshll.u32 v23, $0x1  }
0x73b: {  	v23 =	vand.u32 $0x7, v23;
	v24 =	vand.u32 $0xFFFFFFF0, v51  }
0x73c: {  	v23 =	vor.u32 v23, v24  }
0x73d: {  	v24 =	vperm.xlane v23, v7;
	_ =	sdelay $0x1  }
0x73e: {  	v52 =	vperm.xlane v23, v6;
	v24 =	vadd.s32 v8, v24;
	_ =	sdelay $0x1  }
0x73f: {  	v53 =	vperm.xlane v23, v9;
	v25 =	vadd.s32 v8, v52;
	_ =	sdelay $0x1  }
0x740: {  	s18 =	simm.s32 $0x2380;
	v54 =	vperm.xlane v23, v10;
	v26 =	vadd.s32 v8, v53  }
0x741: {  	[tilespmem:s18], [sflag:$0x1] =	stream.indirect_vreg.gather [hbm4b:s15+s5], $0x80, v24, vm0, $0xb8;
	[tilespmem:$0x1F600] =	vst v63  }
0x742: {  	v56 =	vperm.xlane v23, v11;
	v55 =	vadd.s32 v8, v54;
	s18 =	simm.s32 $0x2400  }
0x743: {  	[tilespmem:s18], [sflag:$0x1] =	stream.indirect_vreg.gather [hbm4b:s15+s5], $0x80, v25, vm0, $0xb8;
	[tilespmem:$0x1F600] =	vst v63  }
0x744: {  	v58 =	vperm.xlane v23, v12;
	v57 =	vadd.s32 v8, v56;
	s18 =	simm.s32 $0x2480  }
0x745: {  	[tilespmem:s18], [sflag:$0x1] =	stream.indirect_vreg.gather [hbm4b:s15+s5], $0x80, v26, vm0, $0xb8;
	[tilespmem:$0x1F600] =	vst v63  }
0x746: {  	v60 =	vperm.xlane v23, v13;
	v59 =	vadd.s32 v8, v58;
	s18 =	simm.s32 $0x2500  }
0x747: {  	[tilespmem:s18], [sflag:$0x1] =	stream.indirect_vreg.gather [hbm4b:s15+s5], $0x80, v55, vm0, $0xb8;
	[tilespmem:$0x1F600] =	vst v63  }
0x748: {  	v62 =	vperm.xlane v23, v5;
	v61 =	vadd.s32 v8, v60;
	s18 =	simm.s32 $0x2580  }
0x749: {  	[tilespmem:s18], [sflag:$0x1] =	stream.indirect_vreg.gather [hbm4b:s15+s5], $0x80, v57, vm0, $0xb8;
	[tilespmem:$0x1F600] =	vst v63  }
0x74a: {  	v30 =	vperm.xlane v23, v14;
	v63 =	vadd.s32 v8, v62;
	s18 =	simm.s32 $0x2600  }
0x74b: {  	[tilespmem:s18], [sflag:$0x1] =	stream.indirect_vreg.gather [hbm4b:s15+s5], $0x80, v59, vm0, $0xb8;
	[tilespmem:$0x1F600] =	vst v63  }
0x74c: {  	v32 =	vperm.xlane v23, v15;
	v31 =	vadd.s32 v8, v30;
	s18 =	simm.s32 $0x2680  }
0x74d: {  	[tilespmem:s18], [sflag:$0x1] =	stream.indirect_vreg.gather [hbm4b:s15+s5], $0x80, v61, vm0, $0xb8;
	[tilespmem:$0x1F600] =	vst v63  }
0x74e: {  	v34 =	vperm.xlane v23, v16;
	v33 =	vadd.s32 v8, v32;
	s18 =	simm.s32 $0x2700  }
0x74f: {  	[tilespmem:s18], [sflag:$0x1] =	stream.indirect_vreg.gather [hbm4b:s15+s5], $0x80, v63, vm0, $0xb8;
	[tilespmem:$0x1F600] =	vst v63  }
0x750: {  	v36 =	vperm.xlane v23, v17;
	v35 =	vadd.s32 v8, v34;
	s18 =	simm.s32 $0x2780  }
0x751: {  	[tilespmem:s18], [sflag:$0x1] =	stream.indirect_vreg.gather [hbm4b:s15+s5], $0x80, v31, vm0, $0xb8;
	[tilespmem:$0x1F600] =	vst v63  }
0x752: {  	v38 =	vperm.xlane v23, v18;
	v37 =	vadd.s32 v8, v36;
	s18 =	simm.s32 $0x2800  }
0x753: {  	[tilespmem:s18], [sflag:$0x1] =	stream.indirect_vreg.gather [hbm4b:s15+s5], $0x80, v33, vm0, $0xb8;
	[tilespmem:$0x1F600] =	vst v63  }
0x754: {  	v40 =	vperm.xlane v23, v19;
	v39 =	vadd.s32 v8, v38;
	s18 =	simm.s32 $0x2880  }
0x755: {  	[tilespmem:s18], [sflag:$0x1] =	stream.indirect_vreg.gather [hbm4b:s15+s5], $0x80, v35, vm0, $0xb8;
	[tilespmem:$0x1F600] =	vst v63  }
0x756: {  	v42 =	vperm.xlane v23, v20;
	v41 =	vadd.s32 v8, v40;
	s18 =	simm.s32 $0x2900  }
0x757: {  	[tilespmem:s18], [sflag:$0x1] =	stream.indirect_vreg.gather [hbm4b:s15+s5], $0x80, v37, vm0, $0xb8;
	[tilespmem:$0x1F600] =	vst v63  }
0x758: {  	v23 =	vperm.xlane v23, v21;
	v43 =	vadd.s32 v8, v42;
	s18 =	simm.s32 $0x2980  }
0x759: {  	[tilespmem:s18], [sflag:$0x1] =	stream.indirect_vreg.gather [hbm4b:s15+s5], $0x80, v39, vm0, $0xb8;
	[tilespmem:$0x1F600] =	vst v63  }
0x75a: {  	v23 =	vadd.s32 v8, v23;
	s18 =	simm.s32 $0x2A00  }
0x75b: {  	[tilespmem:s18], [sflag:$0x1] =	stream.indirect_vreg.gather [hbm4b:s15+s5], $0x80, v41, vm0, $0xb8;
	[tilespmem:$0x1F600] =	vst v63  }
0x75c: {  	s18 =	simm.s32 $0x2A80  }
0x75d: {  	[tilespmem:s18], [sflag:$0x1] =	stream.indirect_vreg.gather [hbm4b:s15+s5], $0x80, v43, vm0, $0xb8;
	[tilespmem:$0x1F600] =	vst v63  }
0x75e: {  	s18 =	simm.s32 $0x2B00  }
0x75f: {  	[tilespmem:s18], [sflag:$0x1] =	stream.indirect_vreg.gather [hbm4b:s15+s5], $0x80, v23, vm0, $0xb8;
	[tilespmem:$0x1F600] =	vst v63  }
0x760: {  	v23 =	vld [tilespmem:$0x1030];
	_ =	sdelay $0x4  }
0x761: {  	v44 =	vshll.u32 v23, $0x1  }
0x762: {  	v23 =	vand.u32 $0x7, v23;
	v24 =	vand.u32 $0xFFFFFFF0, v44  }
0x763: {  	v23 =	vor.u32 v23, v24  }
0x764: {  	v24 =	vperm.xlane v23, v7;
	_ =	sdelay $0x1  }
0x765: {  	v45 =	vperm.xlane v23, v6;
	v24 =	vadd.s32 v8, v24;
	_ =	sdelay $0x1  }
0x766: {  	v46 =	vperm.xlane v23, v9;
	v25 =	vadd.s32 v8, v45;
	_ =	sdelay $0x1  }
0x767: {  	s18 =	simm.s32 $0x2B80;
	v47 =	vperm.xlane v23, v10;
	v26 =	vadd.s32 v8, v46  }
0x768: {  	[tilespmem:s18], [sflag:$0x1] =	stream.indirect_vreg.gather [hbm4b:s15+s5], $0x80, v24, vm0, $0xb8;
	[tilespmem:$0x1F600] =	vst v63  }
0x769: {  	v49 =	vperm.xlane v23, v11;
	v48 =	vadd.s32 v8, v47;
	s18 =	simm.s32 $0x2C00  }
0x76a: {  	[tilespmem:s18], [sflag:$0x1] =	stream.indirect_vreg.gather [hbm4b:s15+s5], $0x80, v25, vm0, $0xb8;
	[tilespmem:$0x1F600] =	vst v63  }
0x76b: {  	v51 =	vperm.xlane v23, v12;
	v50 =	vadd.s32 v8, v49;
	s18 =	simm.s32 $0x2C80  }
0x76c: {  	[tilespmem:s18], [sflag:$0x1] =	stream.indirect_vreg.gather [hbm4b:s15+s5], $0x80, v26, vm0, $0xb8;
	[tilespmem:$0x1F600] =	vst v63  }
0x76d: {  	v53 =	vperm.xlane v23, v13;
	v52 =	vadd.s32 v8, v51;
	s18 =	simm.s32 $0x2D00  }
0x76e: {  	[tilespmem:s18], [sflag:$0x1] =	stream.indirect_vreg.gather [hbm4b:s15+s5], $0x80, v48, vm0, $0xb8;
	[tilespmem:$0x1F600] =	vst v63  }
0x76f: {  	v55 =	vperm.xlane v23, v5;
	v54 =	vadd.s32 v8, v53;
	s18 =	simm.s32 $0x2D80  }
0x770: {  	[tilespmem:s18], [sflag:$0x1] =	stream.indirect_vreg.gather [hbm4b:s15+s5], $0x80, v50, vm0, $0xb8;
	[tilespmem:$0x1F600] =	vst v63  }
0x771: {  	v57 =	vperm.xlane v23, v14;
	v56 =	vadd.s32 v8, v55;
	s18 =	simm.s32 $0x2E00  }
0x772: {  	[tilespmem:s18], [sflag:$0x1] =	stream.indirect_vreg.gather [hbm4b:s15+s5], $0x80, v52, vm0, $0xb8;
	[tilespmem:$0x1F600] =	vst v63  }
0x773: {  	v59 =	vperm.xlane v23, v15;
	v58 =	vadd.s32 v8, v57;
	s18 =	simm.s32 $0x2E80  }
0x774: {  	[tilespmem:s18], [sflag:$0x1] =	stream.indirect_vreg.gather [hbm4b:s15+s5], $0x80, v54, vm0, $0xb8;
	[tilespmem:$0x1F600] =	vst v63  }
0x775: {  	v61 =	vperm.xlane v23, v16;
	v60 =	vadd.s32 v8, v59;
	s18 =	simm.s32 $0x2F00  }
0x776: {  	[tilespmem:s18], [sflag:$0x1] =	stream.indirect_vreg.gather [hbm4b:s15+s5], $0x80, v56, vm0, $0xb8;
	[tilespmem:$0x1F600] =	vst v63  }
0x777: {  	v63 =	vperm.xlane v23, v17;
	v62 =	vadd.s32 v8, v61;
	s18 =	simm.s32 $0x2F80  }
0x778: {  	[tilespmem:s18], [sflag:$0x1] =	stream.indirect_vreg.gather [hbm4b:s15+s5], $0x80, v58, vm0, $0xb8;
	[tilespmem:$0x1F600] =	vst v63  }
0x779: {  	v31 =	vperm.xlane v23, v18;
	v30 =	vadd.s32 v8, v63;
	s18 =	simm.s32 $0x3000  }
0x77a: {  	[tilespmem:s18], [sflag:$0x1] =	stream.indirect_vreg.gather [hbm4b:s15+s5], $0x80, v60, vm0, $0xb8;
	[tilespmem:$0x1F600] =	vst v63  }
0x77b: {  	v33 =	vperm.xlane v23, v19;
	v32 =	vadd.s32 v8, v31;
	s18 =	simm.s32 $0x3080  }
0x77c: {  	[tilespmem:s18], [sflag:$0x1] =	stream.indirect_vreg.gather [hbm4b:s15+s5], $0x80, v62, vm0, $0xb8;
	[tilespmem:$0x1F600] =	vst v63  }
0x77d: {  	v35 =	vperm.xlane v23, v20;
	v34 =	vadd.s32 v8, v33;
	s18 =	simm.s32 $0x3100  }
0x77e: {  	[tilespmem:s18], [sflag:$0x1] =	stream.indirect_vreg.gather [hbm4b:s15+s5], $0x80, v30, vm0, $0xb8;
	[tilespmem:$0x1F600] =	vst v63  }
0x77f: {  	v23 =	vperm.xlane v23, v21;
	v36 =	vadd.s32 v8, v35;
	s18 =	simm.s32 $0x3180  }
0x780: {  	[tilespmem:s18], [sflag:$0x1] =	stream.indirect_vreg.gather [hbm4b:s15+s5], $0x80, v32, vm0, $0xb8;
	[tilespmem:$0x1F600] =	vst v63  }
0x781: {  	v23 =	vadd.s32 v8, v23;
	s18 =	simm.s32 $0x3200  }
0x782: {  	[tilespmem:s18], [sflag:$0x1] =	stream.indirect_vreg.gather [hbm4b:s15+s5], $0x80, v34, vm0, $0xb8;
	[tilespmem:$0x1F600] =	vst v63  }
0x783: {  	s18 =	simm.s32 $0x3280  }
0x784: {  	[tilespmem:s18], [sflag:$0x1] =	stream.indirect_vreg.gather [hbm4b:s15+s5], $0x80, v36, vm0, $0xb8;
	[tilespmem:$0x1F600] =	vst v63  }
0x785: {  	s18 =	simm.s32 $0x3300  }
0x786: {  	[tilespmem:s18], [sflag:$0x1] =	stream.indirect_vreg.gather [hbm4b:s15+s5], $0x80, v23, vm0, $0xb8;
	[tilespmem:$0x1F600] =	vst v63  }
0x787: {  	v23 =	vld [tilespmem:$0x1040];
	_ =	sdelay $0x4  }
0x788: {  	v37 =	vshll.u32 v23, $0x1  }
0x789: {  	v23 =	vand.u32 $0x7, v23;
	v24 =	vand.u32 $0xFFFFFFF0, v37  }
0x78a: {  	v23 =	vor.u32 v23, v24  }
0x78b: {  	v24 =	vperm.xlane v23, v7;
	_ =	sdelay $0x1  }
0x78c: {  	v38 =	vperm.xlane v23, v6;
	v24 =	vadd.s32 v8, v24;
	_ =	sdelay $0x1  }
0x78d: {  	v39 =	vperm.xlane v23, v9;
	v25 =	vadd.s32 v8, v38;
	_ =	sdelay $0x1  }
0x78e: {  	s18 =	simm.s32 $0x3380;
	v40 =	vperm.xlane v23, v10;
	v26 =	vadd.s32 v8, v39  }
0x78f: {  	[tilespmem:s18], [sflag:$0x1] =	stream.indirect_vreg.gather [hbm4b:s15+s5], $0x80, v24, vm0, $0xb8;
	[tilespmem:$0x1F600] =	vst v63  }
0x790: {  	v42 =	vperm.xlane v23, v11;
	v41 =	vadd.s32 v8, v40  }
0x791: {  	[tilespmem:s19], [sflag:$0x1] =	stream.indirect_vreg.gather [hbm4b:s15+s5], $0x80, v25, vm0, $0xb8;
	[tilespmem:$0x1F600] =	vst v63  }
0x792: {  	v44 =	vperm.xlane v23, v12;
	v43 =	vadd.s32 v8, v42  }
0x793: {  	[tilespmem:s22], [sflag:$0x1] =	stream.indirect_vreg.gather [hbm4b:s15+s5], $0x80, v26, vm0, $0xb8;
	[tilespmem:$0x1F600] =	vst v63  }
0x794: {  	v46 =	vperm.xlane v23, v13;
	v45 =	vadd.s32 v8, v44  }
0x795: {  	[tilespmem:s8], [sflag:$0x1] =	stream.indirect_vreg.gather [hbm4b:s15+s5], $0x80, v41, vm0, $0xb8;
	[tilespmem:$0x1F600] =	vst v63  }
0x796: {  	v48 =	vperm.xlane v23, v5;
	v47 =	vadd.s32 v8, v46  }
0x797: {  	[tilespmem:s10], [sflag:$0x1] =	stream.indirect_vreg.gather [hbm4b:s15+s5], $0x80, v43, vm0, $0xb8;
	[tilespmem:$0x1F600] =	vst v63  }
0x798: {  	v50 =	vperm.xlane v23, v14;
	v49 =	vadd.s32 v8, v48  }
0x799: {  	[tilespmem:s0], [sflag:$0x1] =	stream.indirect_vreg.gather [hbm4b:s15+s5], $0x80, v45, vm0, $0xb8;
	[tilespmem:$0x1F600] =	vst v63  }
0x79a: {  	v52 =	vperm.xlane v23, v15;
	v51 =	vadd.s32 v8, v50  }
0x79b: {  	[tilespmem:s2], [sflag:$0x1] =	stream.indirect_vreg.gather [hbm4b:s15+s5], $0x80, v47, vm0, $0xb8;
	[tilespmem:$0x1F600] =	vst v63  }
0x79c: {  	v54 =	vperm.xlane v23, v16;
	v53 =	vadd.s32 v8, v52  }
0x79d: {  	[tilespmem:s6], [sflag:$0x1] =	stream.indirect_vreg.gather [hbm4b:s15+s5], $0x80, v49, vm0, $0xb8;
	[tilespmem:$0x1F600] =	vst v63  }
0x79e: {  	v56 =	vperm.xlane v23, v17;
	v55 =	vadd.s32 v8, v54  }
0x79f: {  	[tilespmem:s7], [sflag:$0x1] =	stream.indirect_vreg.gather [hbm4b:s15+s5], $0x80, v51, vm0, $0xb8;
	[tilespmem:$0x1F600] =	vst v63  }
0x7a0: {  	v58 =	vperm.xlane v23, v18;
	v57 =	vadd.s32 v8, v56  }
0x7a1: {  	[tilespmem:s23], [sflag:$0x1] =	stream.indirect_vreg.gather [hbm4b:s15+s5], $0x80, v53, vm0, $0xb8;
	[tilespmem:$0x1F600] =	vst v63  }
0x7a2: {  	v60 =	vperm.xlane v23, v19;
	v59 =	vadd.s32 v8, v58  }
0x7a3: {  	[tilespmem:s11], [sflag:$0x1] =	stream.indirect_vreg.gather [hbm4b:s15+s5], $0x80, v55, vm0, $0xb8;
	[tilespmem:$0x1F600] =	vst v63  }
0x7a4: {  	v61 =	vadd.s32 v8, v60  }
0x7a5: {  	v62 =	vperm.xlane v23, v20;
	[tilespmem:s20], [sflag:$0x1] =	stream.indirect_vreg.gather [hbm4b:s15+s5], $0x80, v57, vm0, $0xb8;
	[tilespmem:$0x1F600] =	vst v63  }
0x7a6: {  	_ = 	snop  }
0x7a7: {  	v23 =	vperm.xlane v23, v21;
	v63 =	vadd.s32 v8, v62;
	[tilespmem:s25], [sflag:$0x1] =	stream.indirect_vreg.gather [hbm4b:s15+s5], $0x80, v59, vm0, $0xb8;
	[tilespmem:$0x1F600] =	vst v63  }
0x7a8: {  	_ = 	snop  }
0x7a9: {  	v23 =	vadd.s32 v8, v23;
	[tilespmem:s26], [sflag:$0x1] =	stream.indirect_vreg.gather [hbm4b:s15+s5], $0x80, v61, vm0, $0xb8;
	[tilespmem:$0x1F600] =	vst v63  }
.Ltmp18:
0x7aa: {  	_ = 	snop;
	(pc) =	sbr.rel .LBB2_22-.Ltmp18, $4  }
0x7ab: {  	_ = 	snop  }
0x7ac: {  	[tilespmem:s28], [sflag:$0x1] =	stream.indirect_vreg.gather [hbm4b:s15+s5], $0x80, v63, vm0, $0xb8;
	[tilespmem:$0x1F600] =	vst v63  }
0x7ad: {  	_ = 	snop  }
0x7ae: {  	[tilespmem:s29], [sflag:$0x1] =	stream.indirect_vreg.gather [hbm4b:s15+s5], $0x80, v23, vm0, $0xb8;
	[tilespmem:$0x1F600] =	vst v63  }
.LBB2_18:
0x7af: {  	p2 =	sne.s32 @!p1 s18, $0x1  }
0x7b0: {  	p2 =	por p1, p2  }
.Ltmp19:
0x7b1: {  	_ = 	snop;
	(pc) =	sbr.rel @p2 .LBB2_20-.Ltmp19, $1  }
0x7b2: {  	_ =	sdelay $0x3  }
0x7b3: {  	p1 =	seq.s32 s17, $0x0  }
0x7b4: {  	s9 =	simm.s32 @!p1 $0x5  }
0x7b5: {  	_ =	swait.ge @!p1 [sflag:s9], $0x2800  }
0x7b6: {  	[sflag:s9] =	ssyncset.done @!p1 $0x0  }
0x7b7: {  	[sflag:s9] =	ssyncadd.s32 @!p1 $0xFFFFD800  }
0x7b8: {  	v23 =	vld [tilespmem:s16+$0xFFFFFFC0];
	_ =	sdelay $0x4  }
0x7b9: {  	[tilespmem:$0x1100] =	vst v23  }
0x7ba: {  	v23 =	vld [tilespmem:s14+$0xFFFFFFC0];
	_ =	sdelay $0x4  }
0x7bb: {  	[tilespmem:$0x1180] =	vst v23  }
0x7bc: {  	v23 =	vld [tilespmem:s16+$0xFFFFFFD0];
	_ =	sdelay $0x4  }
0x7bd: {  	[tilespmem:$0x1110] =	vst v23  }
0x7be: {  	v23 =	vld [tilespmem:s14+$0xFFFFFFD0];
	_ =	sdelay $0x4  }
0x7bf: {  	[tilespmem:$0x1190] =	vst v23  }
0x7c0: {  	v23 =	vld [tilespmem:s16+$0xFFFFFFE0];
	_ =	sdelay $0x4  }
0x7c1: {  	[tilespmem:$0x1120] =	vst v23  }
0x7c2: {  	v23 =	vld [tilespmem:s14+$0xFFFFFFE0];
	_ =	sdelay $0x4  }
0x7c3: {  	[tilespmem:$0x11A0] =	vst v23  }
0x7c4: {  	v23 =	vld [tilespmem:s16+$0xFFFFFFF0];
	_ =	sdelay $0x4  }
0x7c5: {  	[tilespmem:$0x1130] =	vst v23  }
0x7c6: {  	v23 =	vld [tilespmem:s14+$0xFFFFFFF0];
	_ =	sdelay $0x2  }
0x7c7: {  	v24 =	vld [tilespmem:$0x1100];
	_ =	sdelay $0x1  }
0x7c8: {  	[tilespmem:$0x11B0] =	vst v23  }
0x7c9: {  	v23 =	vld [tilespmem:s16+$0x0];
	_ =	sdelay $0x1  }
0x7ca: {  	v25 =	vshll.u32 v24, $0x1  }
0x7cb: {  	v24 =	vand.u32 $0x7, v24;
	v25 =	vand.u32 $0xFFFFFFF0, v25  }
0x7cc: {  	v24 =	vor.u32 v24, v25  }
0x7cd: {  	[tilespmem:$0x1140] =	vst v23;
	v23 =	vperm.xlane v24, v7  }
0x7ce: {  	v36 =	vld [tilespmem:s14+$0x0]  }
0x7cf: {  	v26 =	vperm.xlane v24, v6;
	v23 =	vadd.s32 v8, v23;
	_ =	sdelay $0x1  }
0x7d0: {  	v27 =	vperm.xlane v24, v9;
	v26 =	vadd.s32 v8, v26;
	_ =	sdelay $0x1  }
0x7d1: {  	s18 =	simm.s32 $0x3B80;
	v38 =	vperm.xlane v24, v10;
	v37 =	vadd.s32 v8, v27;
	[tilespmem:$0x11C0] =	vst v36  }
0x7d2: {  	[tilespmem:s18], [sflag:$0x2] =	stream.indirect_vreg.gather [hbm4b:s15+s5], $0x80, v23, vm0, $0xb8;
	[tilespmem:$0x1F600] =	vst v63  }
0x7d3: {  	v39 =	vperm.xlane v24, v11;
	v23 =	vadd.s32 v8, v38;
	s18 =	simm.s32 $0x3C00  }
0x7d4: {  	[tilespmem:s18], [sflag:$0x2] =	stream.indirect_vreg.gather [hbm4b:s15+s5], $0x80, v26, vm0, $0xb8;
	[tilespmem:$0x1F600] =	vst v63  }
0x7d5: {  	v41 =	vperm.xlane v24, v12;
	v40 =	vadd.s32 v8, v39;
	s18 =	simm.s32 $0x3C80  }
0x7d6: {  	[tilespmem:s18], [sflag:$0x2] =	stream.indirect_vreg.gather [hbm4b:s15+s5], $0x80, v37, vm0, $0xb8;
	[tilespmem:$0x1F600] =	vst v63  }
0x7d7: {  	v43 =	vperm.xlane v24, v13;
	v42 =	vadd.s32 v8, v41;
	s18 =	simm.s32 $0x3D00  }
0x7d8: {  	[tilespmem:s18], [sflag:$0x2] =	stream.indirect_vreg.gather [hbm4b:s15+s5], $0x80, v23, vm0, $0xb8;
	[tilespmem:$0x1F600] =	vst v63  }
0x7d9: {  	v44 =	vperm.xlane v24, v5;
	v23 =	vadd.s32 v8, v43;
	s18 =	simm.s32 $0x3D80  }
0x7da: {  	[tilespmem:s18], [sflag:$0x2] =	stream.indirect_vreg.gather [hbm4b:s15+s5], $0x80, v40, vm0, $0xb8;
	[tilespmem:$0x1F600] =	vst v63  }
0x7db: {  	v46 =	vperm.xlane v24, v14;
	v45 =	vadd.s32 v8, v44;
	s18 =	simm.s32 $0x3E00  }
0x7dc: {  	[tilespmem:s18], [sflag:$0x2] =	stream.indirect_vreg.gather [hbm4b:s15+s5], $0x80, v42, vm0, $0xb8;
	[tilespmem:$0x1F600] =	vst v63  }
0x7dd: {  	v48 =	vperm.xlane v24, v15;
	v47 =	vadd.s32 v8, v46;
	s18 =	simm.s32 $0x3E80  }
0x7de: {  	[tilespmem:s18], [sflag:$0x2] =	stream.indirect_vreg.gather [hbm4b:s15+s5], $0x80, v23, vm0, $0xb8;
	[tilespmem:$0x1F600] =	vst v63  }
0x7df: {  	v49 =	vperm.xlane v24, v16;
	v23 =	vadd.s32 v8, v48;
	s18 =	simm.s32 $0x3F00  }
0x7e0: {  	[tilespmem:s18], [sflag:$0x2] =	stream.indirect_vreg.gather [hbm4b:s15+s5], $0x80, v45, vm0, $0xb8;
	[tilespmem:$0x1F600] =	vst v63  }
0x7e1: {  	v51 =	vperm.xlane v24, v17;
	v50 =	vadd.s32 v8, v49;
	s18 =	simm.s32 $0x3F80  }
0x7e2: {  	[tilespmem:s18], [sflag:$0x2] =	stream.indirect_vreg.gather [hbm4b:s15+s5], $0x80, v47, vm0, $0xb8;
	[tilespmem:$0x1F600] =	vst v63  }
0x7e3: {  	v53 =	vperm.xlane v24, v18;
	v52 =	vadd.s32 v8, v51;
	s18 =	simm.s32 $0x4000  }
0x7e4: {  	[tilespmem:s18], [sflag:$0x2] =	stream.indirect_vreg.gather [hbm4b:s15+s5], $0x80, v23, vm0, $0xb8;
	[tilespmem:$0x1F600] =	vst v63  }
0x7e5: {  	v54 =	vperm.xlane v24, v19;
	v23 =	vadd.s32 v8, v53;
	s18 =	simm.s32 $0x4080  }
0x7e6: {  	[tilespmem:s18], [sflag:$0x2] =	stream.indirect_vreg.gather [hbm4b:s15+s5], $0x80, v50, vm0, $0xb8;
	[tilespmem:$0x1F600] =	vst v63  }
0x7e7: {  	v56 =	vperm.xlane v24, v20;
	v55 =	vadd.s32 v8, v54;
	s18 =	simm.s32 $0x4100  }
0x7e8: {  	[tilespmem:s18], [sflag:$0x2] =	stream.indirect_vreg.gather [hbm4b:s15+s5], $0x80, v52, vm0, $0xb8;
	[tilespmem:$0x1F600] =	vst v63  }
0x7e9: {  	v57 =	vadd.s32 v8, v56;
	v24 =	vperm.xlane v24, v21;
	s18 =	simm.s32 $0x4180  }
0x7ea: {  	[tilespmem:s18], [sflag:$0x2] =	stream.indirect_vreg.gather [hbm4b:s15+s5], $0x80, v23, vm0, $0xb8;
	[tilespmem:$0x1F600] =	vst v63  }
0x7eb: {  	v23 =	vadd.s32 v8, v24;
	s18 =	simm.s32 $0x4200  }
0x7ec: {  	[tilespmem:s18], [sflag:$0x2] =	stream.indirect_vreg.gather [hbm4b:s15+s5], $0x80, v55, vm0, $0xb8;
	[tilespmem:$0x1F600] =	vst v63  }
0x7ed: {  	s18 =	simm.s32 $0x4280  }
0x7ee: {  	[tilespmem:s18], [sflag:$0x2] =	stream.indirect_vreg.gather [hbm4b:s15+s5], $0x80, v57, vm0, $0xb8;
	[tilespmem:$0x1F600] =	vst v63  }
0x7ef: {  	s18 =	simm.s32 $0x4300  }
0x7f0: {  	[tilespmem:s18], [sflag:$0x2] =	stream.indirect_vreg.gather [hbm4b:s15+s5], $0x80, v23, vm0, $0xb8;
	[tilespmem:$0x1F600] =	vst v63  }
0x7f1: {  	v23 =	vld [tilespmem:$0x1110];
	_ =	sdelay $0x4  }
0x7f2: {  	v58 =	vshll.u32 v23, $0x1  }
0x7f3: {  	v23 =	vand.u32 $0x7, v23;
	v24 =	vand.u32 $0xFFFFFFF0, v58  }
0x7f4: {  	v23 =	vor.u32 v23, v24  }
0x7f5: {  	v24 =	vperm.xlane v23, v7;
	_ =	sdelay $0x1  }
0x7f6: {  	v59 =	vperm.xlane v23, v6;
	v24 =	vadd.s32 v8, v24;
	_ =	sdelay $0x1  }
0x7f7: {  	v60 =	vperm.xlane v23, v9;
	v25 =	vadd.s32 v8, v59;
	_ =	sdelay $0x1  }
0x7f8: {  	s18 =	simm.s32 $0x4380;
	v61 =	vperm.xlane v23, v10;
	v26 =	vadd.s32 v8, v60  }
0x7f9: {  	[tilespmem:s18], [sflag:$0x2] =	stream.indirect_vreg.gather [hbm4b:s15+s5], $0x80, v24, vm0, $0xb8;
	[tilespmem:$0x1F600] =	vst v63  }
0x7fa: {  	v63 =	vperm.xlane v23, v11;
	v62 =	vadd.s32 v8, v61;
	s18 =	simm.s32 $0x4400  }
0x7fb: {  	[tilespmem:s18], [sflag:$0x2] =	stream.indirect_vreg.gather [hbm4b:s15+s5], $0x80, v25, vm0, $0xb8;
	[tilespmem:$0x1F600] =	vst v63  }
0x7fc: {  	v31 =	vperm.xlane v23, v12;
	v30 =	vadd.s32 v8, v63;
	s18 =	simm.s32 $0x4480  }
0x7fd: {  	[tilespmem:s18], [sflag:$0x2] =	stream.indirect_vreg.gather [hbm4b:s15+s5], $0x80, v26, vm0, $0xb8;
	[tilespmem:$0x1F600] =	vst v63  }
0x7fe: {  	v33 =	vperm.xlane v23, v13;
	v32 =	vadd.s32 v8, v31;
	s18 =	simm.s32 $0x4500  }
0x7ff: {  	[tilespmem:s18], [sflag:$0x2] =	stream.indirect_vreg.gather [hbm4b:s15+s5], $0x80, v62, vm0, $0xb8;
	[tilespmem:$0x1F600] =	vst v63  }
0x800: {  	v35 =	vperm.xlane v23, v5;
	v34 =	vadd.s32 v8, v33;
	s18 =	simm.s32 $0x4580  }
0x801: {  	[tilespmem:s18], [sflag:$0x2] =	stream.indirect_vreg.gather [hbm4b:s15+s5], $0x80, v30, vm0, $0xb8;
	[tilespmem:$0x1F600] =	vst v63  }
0x802: {  	v37 =	vperm.xlane v23, v14;
	v36 =	vadd.s32 v8, v35;
	s18 =	simm.s32 $0x4600  }
0x803: {  	[tilespmem:s18], [sflag:$0x2] =	stream.indirect_vreg.gather [hbm4b:s15+s5], $0x80, v32, vm0, $0xb8;
	[tilespmem:$0x1F600] =	vst v63  }
0x804: {  	v39 =	vperm.xlane v23, v15;
	v38 =	vadd.s32 v8, v37;
	s18 =	simm.s32 $0x4680  }
0x805: {  	[tilespmem:s18], [sflag:$0x2] =	stream.indirect_vreg.gather [hbm4b:s15+s5], $0x80, v34, vm0, $0xb8;
	[tilespmem:$0x1F600] =	vst v63  }
0x806: {  	v41 =	vperm.xlane v23, v16;
	v40 =	vadd.s32 v8, v39;
	s18 =	simm.s32 $0x4700  }
0x807: {  	[tilespmem:s18], [sflag:$0x2] =	stream.indirect_vreg.gather [hbm4b:s15+s5], $0x80, v36, vm0, $0xb8;
	[tilespmem:$0x1F600] =	vst v63  }
0x808: {  	v43 =	vperm.xlane v23, v17;
	v42 =	vadd.s32 v8, v41;
	s18 =	simm.s32 $0x4780  }
0x809: {  	[tilespmem:s18], [sflag:$0x2] =	stream.indirect_vreg.gather [hbm4b:s15+s5], $0x80, v38, vm0, $0xb8;
	[tilespmem:$0x1F600] =	vst v63  }
0x80a: {  	v45 =	vperm.xlane v23, v18;
	v44 =	vadd.s32 v8, v43;
	s18 =	simm.s32 $0x4800  }
0x80b: {  	[tilespmem:s18], [sflag:$0x2] =	stream.indirect_vreg.gather [hbm4b:s15+s5], $0x80, v40, vm0, $0xb8;
	[tilespmem:$0x1F600] =	vst v63  }
0x80c: {  	v47 =	vperm.xlane v23, v19;
	v46 =	vadd.s32 v8, v45;
	s18 =	simm.s32 $0x4880  }
0x80d: {  	[tilespmem:s18], [sflag:$0x2] =	stream.indirect_vreg.gather [hbm4b:s15+s5], $0x80, v42, vm0, $0xb8;
	[tilespmem:$0x1F600] =	vst v63  }
0x80e: {  	v49 =	vperm.xlane v23, v20;
	v48 =	vadd.s32 v8, v47;
	s18 =	simm.s32 $0x4900  }
0x80f: {  	[tilespmem:s18], [sflag:$0x2] =	stream.indirect_vreg.gather [hbm4b:s15+s5], $0x80, v44, vm0, $0xb8;
	[tilespmem:$0x1F600] =	vst v63  }
0x810: {  	v23 =	vperm.xlane v23, v21;
	v50 =	vadd.s32 v8, v49;
	s18 =	simm.s32 $0x4980  }
0x811: {  	[tilespmem:s18], [sflag:$0x2] =	stream.indirect_vreg.gather [hbm4b:s15+s5], $0x80, v46, vm0, $0xb8;
	[tilespmem:$0x1F600] =	vst v63  }
0x812: {  	v23 =	vadd.s32 v8, v23;
	s18 =	simm.s32 $0x4A00  }
0x813: {  	[tilespmem:s18], [sflag:$0x2] =	stream.indirect_vreg.gather [hbm4b:s15+s5], $0x80, v48, vm0, $0xb8;
	[tilespmem:$0x1F600] =	vst v63  }
0x814: {  	s18 =	simm.s32 $0x4A80  }
0x815: {  	[tilespmem:s18], [sflag:$0x2] =	stream.indirect_vreg.gather [hbm4b:s15+s5], $0x80, v50, vm0, $0xb8;
	[tilespmem:$0x1F600] =	vst v63  }
0x816: {  	s18 =	simm.s32 $0x4B00  }
0x817: {  	[tilespmem:s18], [sflag:$0x2] =	stream.indirect_vreg.gather [hbm4b:s15+s5], $0x80, v23, vm0, $0xb8;
	[tilespmem:$0x1F600] =	vst v63  }
0x818: {  	v23 =	vld [tilespmem:$0x1120];
	_ =	sdelay $0x4  }
0x819: {  	v51 =	vshll.u32 v23, $0x1  }
0x81a: {  	v23 =	vand.u32 $0x7, v23;
	v24 =	vand.u32 $0xFFFFFFF0, v51  }
0x81b: {  	v23 =	vor.u32 v23, v24  }
0x81c: {  	v24 =	vperm.xlane v23, v7;
	_ =	sdelay $0x1  }
0x81d: {  	v52 =	vperm.xlane v23, v6;
	v24 =	vadd.s32 v8, v24;
	_ =	sdelay $0x1  }
0x81e: {  	v53 =	vperm.xlane v23, v9;
	v25 =	vadd.s32 v8, v52;
	_ =	sdelay $0x1  }
0x81f: {  	s18 =	simm.s32 $0x4B80;
	v54 =	vperm.xlane v23, v10;
	v26 =	vadd.s32 v8, v53  }
0x820: {  	[tilespmem:s18], [sflag:$0x2] =	stream.indirect_vreg.gather [hbm4b:s15+s5], $0x80, v24, vm0, $0xb8;
	[tilespmem:$0x1F600] =	vst v63  }
0x821: {  	v56 =	vperm.xlane v23, v11;
	v55 =	vadd.s32 v8, v54;
	s18 =	simm.s32 $0x4C00  }
0x822: {  	[tilespmem:s18], [sflag:$0x2] =	stream.indirect_vreg.gather [hbm4b:s15+s5], $0x80, v25, vm0, $0xb8;
	[tilespmem:$0x1F600] =	vst v63  }
0x823: {  	v58 =	vperm.xlane v23, v12;
	v57 =	vadd.s32 v8, v56;
	s18 =	simm.s32 $0x4C80  }
0x824: {  	[tilespmem:s18], [sflag:$0x2] =	stream.indirect_vreg.gather [hbm4b:s15+s5], $0x80, v26, vm0, $0xb8;
	[tilespmem:$0x1F600] =	vst v63  }
0x825: {  	v60 =	vperm.xlane v23, v13;
	v59 =	vadd.s32 v8, v58;
	s18 =	simm.s32 $0x4D00  }
0x826: {  	[tilespmem:s18], [sflag:$0x2] =	stream.indirect_vreg.gather [hbm4b:s15+s5], $0x80, v55, vm0, $0xb8;
	[tilespmem:$0x1F600] =	vst v63  }
0x827: {  	v62 =	vperm.xlane v23, v5;
	v61 =	vadd.s32 v8, v60;
	s18 =	simm.s32 $0x4D80  }
0x828: {  	[tilespmem:s18], [sflag:$0x2] =	stream.indirect_vreg.gather [hbm4b:s15+s5], $0x80, v57, vm0, $0xb8;
	[tilespmem:$0x1F600] =	vst v63  }
0x829: {  	v30 =	vperm.xlane v23, v14;
	v63 =	vadd.s32 v8, v62;
	s18 =	simm.s32 $0x4E00  }
0x82a: {  	[tilespmem:s18], [sflag:$0x2] =	stream.indirect_vreg.gather [hbm4b:s15+s5], $0x80, v59, vm0, $0xb8;
	[tilespmem:$0x1F600] =	vst v63  }
0x82b: {  	v32 =	vperm.xlane v23, v15;
	v31 =	vadd.s32 v8, v30;
	s18 =	simm.s32 $0x4E80  }
0x82c: {  	[tilespmem:s18], [sflag:$0x2] =	stream.indirect_vreg.gather [hbm4b:s15+s5], $0x80, v61, vm0, $0xb8;
	[tilespmem:$0x1F600] =	vst v63  }
0x82d: {  	v34 =	vperm.xlane v23, v16;
	v33 =	vadd.s32 v8, v32;
	s18 =	simm.s32 $0x4F00  }
0x82e: {  	[tilespmem:s18], [sflag:$0x2] =	stream.indirect_vreg.gather [hbm4b:s15+s5], $0x80, v63, vm0, $0xb8;
	[tilespmem:$0x1F600] =	vst v63  }
0x82f: {  	v36 =	vperm.xlane v23, v17;
	v35 =	vadd.s32 v8, v34;
	s18 =	simm.s32 $0x4F80  }
0x830: {  	[tilespmem:s18], [sflag:$0x2] =	stream.indirect_vreg.gather [hbm4b:s15+s5], $0x80, v31, vm0, $0xb8;
	[tilespmem:$0x1F600] =	vst v63  }
0x831: {  	v38 =	vperm.xlane v23, v18;
	v37 =	vadd.s32 v8, v36;
	s18 =	simm.s32 $0x5000  }
0x832: {  	[tilespmem:s18], [sflag:$0x2] =	stream.indirect_vreg.gather [hbm4b:s15+s5], $0x80, v33, vm0, $0xb8;
	[tilespmem:$0x1F600] =	vst v63  }
0x833: {  	v40 =	vperm.xlane v23, v19;
	v39 =	vadd.s32 v8, v38;
	s18 =	simm.s32 $0x5080  }
0x834: {  	[tilespmem:s18], [sflag:$0x2] =	stream.indirect_vreg.gather [hbm4b:s15+s5], $0x80, v35, vm0, $0xb8;
	[tilespmem:$0x1F600] =	vst v63  }
0x835: {  	v42 =	vperm.xlane v23, v20;
	v41 =	vadd.s32 v8, v40;
	s18 =	simm.s32 $0x5100  }
0x836: {  	[tilespmem:s18], [sflag:$0x2] =	stream.indirect_vreg.gather [hbm4b:s15+s5], $0x80, v37, vm0, $0xb8;
	[tilespmem:$0x1F600] =	vst v63  }
0x837: {  	v23 =	vperm.xlane v23, v21;
	v43 =	vadd.s32 v8, v42;
	s18 =	simm.s32 $0x5180  }
0x838: {  	[tilespmem:s18], [sflag:$0x2] =	stream.indirect_vreg.gather [hbm4b:s15+s5], $0x80, v39, vm0, $0xb8;
	[tilespmem:$0x1F600] =	vst v63  }
0x839: {  	v23 =	vadd.s32 v8, v23;
	s18 =	simm.s32 $0x5200  }
0x83a: {  	[tilespmem:s18], [sflag:$0x2] =	stream.indirect_vreg.gather [hbm4b:s15+s5], $0x80, v41, vm0, $0xb8;
	[tilespmem:$0x1F600] =	vst v63  }
0x83b: {  	s18 =	simm.s32 $0x5280  }
0x83c: {  	[tilespmem:s18], [sflag:$0x2] =	stream.indirect_vreg.gather [hbm4b:s15+s5], $0x80, v43, vm0, $0xb8;
	[tilespmem:$0x1F600] =	vst v63  }
0x83d: {  	s18 =	simm.s32 $0x5300  }
0x83e: {  	[tilespmem:s18], [sflag:$0x2] =	stream.indirect_vreg.gather [hbm4b:s15+s5], $0x80, v23, vm0, $0xb8;
	[tilespmem:$0x1F600] =	vst v63  }
0x83f: {  	v23 =	vld [tilespmem:$0x1130];
	_ =	sdelay $0x4  }
0x840: {  	v44 =	vshll.u32 v23, $0x1  }
0x841: {  	v23 =	vand.u32 $0x7, v23;
	v24 =	vand.u32 $0xFFFFFFF0, v44  }
0x842: {  	v23 =	vor.u32 v23, v24  }
0x843: {  	v24 =	vperm.xlane v23, v7;
	_ =	sdelay $0x1  }
0x844: {  	v45 =	vperm.xlane v23, v6;
	v24 =	vadd.s32 v8, v24;
	_ =	sdelay $0x1  }
0x845: {  	v46 =	vperm.xlane v23, v9;
	v25 =	vadd.s32 v8, v45;
	_ =	sdelay $0x1  }
0x846: {  	s18 =	simm.s32 $0x5380;
	v47 =	vperm.xlane v23, v10;
	v26 =	vadd.s32 v8, v46  }
0x847: {  	[tilespmem:s18], [sflag:$0x2] =	stream.indirect_vreg.gather [hbm4b:s15+s5], $0x80, v24, vm0, $0xb8;
	[tilespmem:$0x1F600] =	vst v63  }
0x848: {  	v49 =	vperm.xlane v23, v11;
	v48 =	vadd.s32 v8, v47;
	s18 =	simm.s32 $0x5400  }
0x849: {  	[tilespmem:s18], [sflag:$0x2] =	stream.indirect_vreg.gather [hbm4b:s15+s5], $0x80, v25, vm0, $0xb8;
	[tilespmem:$0x1F600] =	vst v63  }
0x84a: {  	v51 =	vperm.xlane v23, v12;
	v50 =	vadd.s32 v8, v49;
	s18 =	simm.s32 $0x5480  }
0x84b: {  	[tilespmem:s18], [sflag:$0x2] =	stream.indirect_vreg.gather [hbm4b:s15+s5], $0x80, v26, vm0, $0xb8;
	[tilespmem:$0x1F600] =	vst v63  }
0x84c: {  	v53 =	vperm.xlane v23, v13;
	v52 =	vadd.s32 v8, v51;
	s18 =	simm.s32 $0x5500  }
0x84d: {  	[tilespmem:s18], [sflag:$0x2] =	stream.indirect_vreg.gather [hbm4b:s15+s5], $0x80, v48, vm0, $0xb8;
	[tilespmem:$0x1F600] =	vst v63  }
0x84e: {  	v55 =	vperm.xlane v23, v5;
	v54 =	vadd.s32 v8, v53;
	s18 =	simm.s32 $0x5580  }
0x84f: {  	[tilespmem:s18], [sflag:$0x2] =	stream.indirect_vreg.gather [hbm4b:s15+s5], $0x80, v50, vm0, $0xb8;
	[tilespmem:$0x1F600] =	vst v63  }
0x850: {  	v57 =	vperm.xlane v23, v14;
	v56 =	vadd.s32 v8, v55;
	s18 =	simm.s32 $0x5600  }
0x851: {  	[tilespmem:s18], [sflag:$0x2] =	stream.indirect_vreg.gather [hbm4b:s15+s5], $0x80, v52, vm0, $0xb8;
	[tilespmem:$0x1F600] =	vst v63  }
0x852: {  	v59 =	vperm.xlane v23, v15;
	v58 =	vadd.s32 v8, v57;
	s18 =	simm.s32 $0x5680  }
0x853: {  	[tilespmem:s18], [sflag:$0x2] =	stream.indirect_vreg.gather [hbm4b:s15+s5], $0x80, v54, vm0, $0xb8;
	[tilespmem:$0x1F600] =	vst v63  }
0x854: {  	v61 =	vperm.xlane v23, v16;
	v60 =	vadd.s32 v8, v59;
	s18 =	simm.s32 $0x5700  }
0x855: {  	[tilespmem:s18], [sflag:$0x2] =	stream.indirect_vreg.gather [hbm4b:s15+s5], $0x80, v56, vm0, $0xb8;
	[tilespmem:$0x1F600] =	vst v63  }
0x856: {  	v63 =	vperm.xlane v23, v17;
	v62 =	vadd.s32 v8, v61;
	s18 =	simm.s32 $0x5780  }
0x857: {  	[tilespmem:s18], [sflag:$0x2] =	stream.indirect_vreg.gather [hbm4b:s15+s5], $0x80, v58, vm0, $0xb8;
	[tilespmem:$0x1F600] =	vst v63  }
0x858: {  	v31 =	vperm.xlane v23, v18;
	v30 =	vadd.s32 v8, v63;
	s18 =	simm.s32 $0x5800  }
0x859: {  	[tilespmem:s18], [sflag:$0x2] =	stream.indirect_vreg.gather [hbm4b:s15+s5], $0x80, v60, vm0, $0xb8;
	[tilespmem:$0x1F600] =	vst v63  }
0x85a: {  	v33 =	vperm.xlane v23, v19;
	v32 =	vadd.s32 v8, v31;
	s18 =	simm.s32 $0x5880  }
0x85b: {  	[tilespmem:s18], [sflag:$0x2] =	stream.indirect_vreg.gather [hbm4b:s15+s5], $0x80, v62, vm0, $0xb8;
	[tilespmem:$0x1F600] =	vst v63  }
0x85c: {  	v35 =	vperm.xlane v23, v20;
	v34 =	vadd.s32 v8, v33;
	s18 =	simm.s32 $0x5900  }
0x85d: {  	[tilespmem:s18], [sflag:$0x2] =	stream.indirect_vreg.gather [hbm4b:s15+s5], $0x80, v30, vm0, $0xb8;
	[tilespmem:$0x1F600] =	vst v63  }
0x85e: {  	v23 =	vperm.xlane v23, v21;
	v36 =	vadd.s32 v8, v35;
	s18 =	simm.s32 $0x5980  }
0x85f: {  	[tilespmem:s18], [sflag:$0x2] =	stream.indirect_vreg.gather [hbm4b:s15+s5], $0x80, v32, vm0, $0xb8;
	[tilespmem:$0x1F600] =	vst v63  }
0x860: {  	v23 =	vadd.s32 v8, v23;
	s18 =	simm.s32 $0x5A00  }
0x861: {  	[tilespmem:s18], [sflag:$0x2] =	stream.indirect_vreg.gather [hbm4b:s15+s5], $0x80, v34, vm0, $0xb8;
	[tilespmem:$0x1F600] =	vst v63  }
0x862: {  	s18 =	simm.s32 $0x5A80  }
0x863: {  	[tilespmem:s18], [sflag:$0x2] =	stream.indirect_vreg.gather [hbm4b:s15+s5], $0x80, v36, vm0, $0xb8;
	[tilespmem:$0x1F600] =	vst v63  }
0x864: {  	s18 =	simm.s32 $0x5B00  }
0x865: {  	[tilespmem:s18], [sflag:$0x2] =	stream.indirect_vreg.gather [hbm4b:s15+s5], $0x80, v23, vm0, $0xb8;
	[tilespmem:$0x1F600] =	vst v63  }
0x866: {  	v23 =	vld [tilespmem:$0x1140];
	_ =	sdelay $0x4  }
0x867: {  	v37 =	vshll.u32 v23, $0x1  }
0x868: {  	v23 =	vand.u32 $0x7, v23;
	v24 =	vand.u32 $0xFFFFFFF0, v37  }
0x869: {  	v23 =	vor.u32 v23, v24  }
0x86a: {  	v24 =	vperm.xlane v23, v7;
	_ =	sdelay $0x1  }
0x86b: {  	v38 =	vperm.xlane v23, v6;
	v24 =	vadd.s32 v8, v24;
	_ =	sdelay $0x1  }
0x86c: {  	v39 =	vperm.xlane v23, v9;
	v25 =	vadd.s32 v8, v38;
	_ =	sdelay $0x1  }
0x86d: {  	s18 =	simm.s32 $0x5B80;
	v40 =	vperm.xlane v23, v10;
	v26 =	vadd.s32 v8, v39  }
0x86e: {  	[tilespmem:s18], [sflag:$0x2] =	stream.indirect_vreg.gather [hbm4b:s15+s5], $0x80, v24, vm0, $0xb8;
	[tilespmem:$0x1F600] =	vst v63  }
0x86f: {  	v42 =	vperm.xlane v23, v11;
	v41 =	vadd.s32 v8, v40;
	s18 =	simm.s32 $0x5C00  }
0x870: {  	[tilespmem:s18], [sflag:$0x2] =	stream.indirect_vreg.gather [hbm4b:s15+s5], $0x80, v25, vm0, $0xb8;
	[tilespmem:$0x1F600] =	vst v63  }
0x871: {  	v44 =	vperm.xlane v23, v12;
	v43 =	vadd.s32 v8, v42;
	s18 =	simm.s32 $0x5C80  }
0x872: {  	[tilespmem:s18], [sflag:$0x2] =	stream.indirect_vreg.gather [hbm4b:s15+s5], $0x80, v26, vm0, $0xb8;
	[tilespmem:$0x1F600] =	vst v63  }
0x873: {  	v46 =	vperm.xlane v23, v13;
	v45 =	vadd.s32 v8, v44;
	s18 =	simm.s32 $0x5D00  }
0x874: {  	[tilespmem:s18], [sflag:$0x2] =	stream.indirect_vreg.gather [hbm4b:s15+s5], $0x80, v41, vm0, $0xb8;
	[tilespmem:$0x1F600] =	vst v63  }
0x875: {  	v48 =	vperm.xlane v23, v5;
	v47 =	vadd.s32 v8, v46;
	s18 =	simm.s32 $0x5D80  }
0x876: {  	[tilespmem:s18], [sflag:$0x2] =	stream.indirect_vreg.gather [hbm4b:s15+s5], $0x80, v43, vm0, $0xb8;
	[tilespmem:$0x1F600] =	vst v63  }
0x877: {  	v50 =	vperm.xlane v23, v14;
	v49 =	vadd.s32 v8, v48;
	s18 =	simm.s32 $0x5E00  }
0x878: {  	[tilespmem:s18], [sflag:$0x2] =	stream.indirect_vreg.gather [hbm4b:s15+s5], $0x80, v45, vm0, $0xb8;
	[tilespmem:$0x1F600] =	vst v63  }
0x879: {  	v52 =	vperm.xlane v23, v15;
	v51 =	vadd.s32 v8, v50;
	s18 =	simm.s32 $0x5E80  }
0x87a: {  	[tilespmem:s18], [sflag:$0x2] =	stream.indirect_vreg.gather [hbm4b:s15+s5], $0x80, v47, vm0, $0xb8;
	[tilespmem:$0x1F600] =	vst v63  }
0x87b: {  	v54 =	vperm.xlane v23, v16;
	v53 =	vadd.s32 v8, v52;
	s18 =	simm.s32 $0x5F00  }
0x87c: {  	[tilespmem:s18], [sflag:$0x2] =	stream.indirect_vreg.gather [hbm4b:s15+s5], $0x80, v49, vm0, $0xb8;
	[tilespmem:$0x1F600] =	vst v63  }
0x87d: {  	v56 =	vperm.xlane v23, v17;
	v55 =	vadd.s32 v8, v54;
	s18 =	simm.s32 $0x5F80  }
0x87e: {  	[tilespmem:s18], [sflag:$0x2] =	stream.indirect_vreg.gather [hbm4b:s15+s5], $0x80, v51, vm0, $0xb8;
	[tilespmem:$0x1F600] =	vst v63  }
0x87f: {  	v58 =	vperm.xlane v23, v18;
	v57 =	vadd.s32 v8, v56;
	s18 =	simm.s32 $0x6000  }
0x880: {  	[tilespmem:s18], [sflag:$0x2] =	stream.indirect_vreg.gather [hbm4b:s15+s5], $0x80, v53, vm0, $0xb8;
	[tilespmem:$0x1F600] =	vst v63  }
0x881: {  	v60 =	vperm.xlane v23, v19;
	v59 =	vadd.s32 v8, v58;
	s18 =	simm.s32 $0x6080  }
0x882: {  	[tilespmem:s18], [sflag:$0x2] =	stream.indirect_vreg.gather [hbm4b:s15+s5], $0x80, v55, vm0, $0xb8;
	[tilespmem:$0x1F600] =	vst v63  }
0x883: {  	v61 =	vadd.s32 v8, v60;
	s18 =	simm.s32 $0x6100  }
0x884: {  	v62 =	vperm.xlane v23, v20;
	[tilespmem:s18], [sflag:$0x2] =	stream.indirect_vreg.gather [hbm4b:s15+s5], $0x80, v57, vm0, $0xb8;
	[tilespmem:$0x1F600] =	vst v63  }
0x885: {  	s18 =	simm.s32 $0x6180  }
0x886: {  	v23 =	vperm.xlane v23, v21;
	v63 =	vadd.s32 v8, v62;
	[tilespmem:s18], [sflag:$0x2] =	stream.indirect_vreg.gather [hbm4b:s15+s5], $0x80, v59, vm0, $0xb8;
	[tilespmem:$0x1F600] =	vst v63  }
0x887: {  	s18 =	simm.s32 $0x6200  }
0x888: {  	v23 =	vadd.s32 v8, v23;
	[tilespmem:s18], [sflag:$0x2] =	stream.indirect_vreg.gather [hbm4b:s15+s5], $0x80, v61, vm0, $0xb8;
	[tilespmem:$0x1F600] =	vst v63  }
.Ltmp20:
0x889: {  	_ = 	snop;
	(pc) =	sbr.rel .LBB2_22-.Ltmp20, $4  }
0x88a: {  	s18 =	simm.s32 $0x6280  }
0x88b: {  	[tilespmem:s18], [sflag:$0x2] =	stream.indirect_vreg.gather [hbm4b:s15+s5], $0x80, v63, vm0, $0xb8;
	[tilespmem:$0x1F600] =	vst v63  }
0x88c: {  	s18 =	simm.s32 $0x6300  }
0x88d: {  	[tilespmem:s18], [sflag:$0x2] =	stream.indirect_vreg.gather [hbm4b:s15+s5], $0x80, v23, vm0, $0xb8;
	[tilespmem:$0x1F600] =	vst v63  }
.LBB2_20:
0x88e: {  	p2 =	sne.s32 @!p1 s18, $0x2  }
0x88f: {  	p1 =	por p1, p2  }
.Ltmp21:
0x890: {  	_ = 	snop;
	(pc) =	sbr.rel @p1 .LBB2_22-.Ltmp21, $1  }
0x891: {  	_ =	sdelay $0x3  }
0x892: {  	p1 =	seq.s32 s17, $0x0  }
0x893: {  	s9 =	simm.s32 @!p1 $0x6  }
0x894: {  	_ =	swait.ge @!p1 [sflag:s9], $0x2800  }
0x895: {  	[sflag:s9] =	ssyncset.done @!p1 $0x0  }
0x896: {  	[sflag:s9] =	ssyncadd.s32 @!p1 $0xFFFFD800  }
0x897: {  	v23 =	vld [tilespmem:s16+$0xFFFFFFC0];
	_ =	sdelay $0x4  }
0x898: {  	[tilespmem:$0x1200] =	vst v23  }
0x899: {  	v23 =	vld [tilespmem:s14+$0xFFFFFFC0];
	_ =	sdelay $0x4  }
0x89a: {  	[tilespmem:$0x1280] =	vst v23  }
0x89b: {  	v23 =	vld [tilespmem:s16+$0xFFFFFFD0];
	_ =	sdelay $0x4  }
0x89c: {  	[tilespmem:$0x1210] =	vst v23  }
0x89d: {  	v23 =	vld [tilespmem:s14+$0xFFFFFFD0];
	_ =	sdelay $0x4  }
0x89e: {  	[tilespmem:$0x1290] =	vst v23  }
0x89f: {  	v23 =	vld [tilespmem:s16+$0xFFFFFFE0];
	_ =	sdelay $0x4  }
0x8a0: {  	[tilespmem:$0x1220] =	vst v23  }
0x8a1: {  	v23 =	vld [tilespmem:s14+$0xFFFFFFE0];
	_ =	sdelay $0x4  }
0x8a2: {  	[tilespmem:$0x12A0] =	vst v23  }
0x8a3: {  	v23 =	vld [tilespmem:s16+$0xFFFFFFF0];
	_ =	sdelay $0x4  }
0x8a4: {  	[tilespmem:$0x1230] =	vst v23  }
0x8a5: {  	v23 =	vld [tilespmem:s14+$0xFFFFFFF0];
	_ =	sdelay $0x2  }
0x8a6: {  	v24 =	vld [tilespmem:$0x1200];
	_ =	sdelay $0x1  }
0x8a7: {  	[tilespmem:$0x12B0] =	vst v23  }
0x8a8: {  	v23 =	vld [tilespmem:s16+$0x0];
	_ =	sdelay $0x1  }
0x8a9: {  	v25 =	vshll.u32 v24, $0x1  }
0x8aa: {  	v24 =	vand.u32 $0x7, v24;
	v25 =	vand.u32 $0xFFFFFFF0, v25  }
0x8ab: {  	v24 =	vor.u32 v24, v25  }
0x8ac: {  	[tilespmem:$0x1240] =	vst v23;
	v23 =	vperm.xlane v24, v7  }
0x8ad: {  	v36 =	vld [tilespmem:s14+$0x0]  }
0x8ae: {  	v26 =	vperm.xlane v24, v6;
	v23 =	vadd.s32 v8, v23;
	_ =	sdelay $0x1  }
0x8af: {  	v27 =	vperm.xlane v24, v9;
	v26 =	vadd.s32 v8, v26;
	_ =	sdelay $0x1  }
0x8b0: {  	s18 =	simm.s32 $0x6380;
	v38 =	vperm.xlane v24, v10;
	v37 =	vadd.s32 v8, v27;
	[tilespmem:$0x12C0] =	vst v36  }
0x8b1: {  	[tilespmem:s18], [sflag:$0x3] =	stream.indirect_vreg.gather [hbm4b:s15+s5], $0x80, v23, vm0, $0xb8;
	[tilespmem:$0x1F600] =	vst v63  }
0x8b2: {  	v39 =	vperm.xlane v24, v11;
	v23 =	vadd.s32 v8, v38;
	s18 =	simm.s32 $0x6400  }
0x8b3: {  	[tilespmem:s18], [sflag:$0x3] =	stream.indirect_vreg.gather [hbm4b:s15+s5], $0x80, v26, vm0, $0xb8;
	[tilespmem:$0x1F600] =	vst v63  }
0x8b4: {  	v41 =	vperm.xlane v24, v12;
	v40 =	vadd.s32 v8, v39;
	s18 =	simm.s32 $0x6480  }
0x8b5: {  	[tilespmem:s18], [sflag:$0x3] =	stream.indirect_vreg.gather [hbm4b:s15+s5], $0x80, v37, vm0, $0xb8;
	[tilespmem:$0x1F600] =	vst v63  }
0x8b6: {  	v43 =	vperm.xlane v24, v13;
	v42 =	vadd.s32 v8, v41;
	s18 =	simm.s32 $0x6500  }
0x8b7: {  	[tilespmem:s18], [sflag:$0x3] =	stream.indirect_vreg.gather [hbm4b:s15+s5], $0x80, v23, vm0, $0xb8;
	[tilespmem:$0x1F600] =	vst v63  }
0x8b8: {  	v44 =	vperm.xlane v24, v5;
	v23 =	vadd.s32 v8, v43;
	s18 =	simm.s32 $0x6580  }
0x8b9: {  	[tilespmem:s18], [sflag:$0x3] =	stream.indirect_vreg.gather [hbm4b:s15+s5], $0x80, v40, vm0, $0xb8;
	[tilespmem:$0x1F600] =	vst v63  }
0x8ba: {  	v46 =	vperm.xlane v24, v14;
	v45 =	vadd.s32 v8, v44;
	s18 =	simm.s32 $0x6600  }
0x8bb: {  	[tilespmem:s18], [sflag:$0x3] =	stream.indirect_vreg.gather [hbm4b:s15+s5], $0x80, v42, vm0, $0xb8;
	[tilespmem:$0x1F600] =	vst v63  }
0x8bc: {  	v48 =	vperm.xlane v24, v15;
	v47 =	vadd.s32 v8, v46;
	s18 =	simm.s32 $0x6680  }
0x8bd: {  	[tilespmem:s18], [sflag:$0x3] =	stream.indirect_vreg.gather [hbm4b:s15+s5], $0x80, v23, vm0, $0xb8;
	[tilespmem:$0x1F600] =	vst v63  }
0x8be: {  	v49 =	vperm.xlane v24, v16;
	v23 =	vadd.s32 v8, v48;
	s18 =	simm.s32 $0x6700  }
0x8bf: {  	[tilespmem:s18], [sflag:$0x3] =	stream.indirect_vreg.gather [hbm4b:s15+s5], $0x80, v45, vm0, $0xb8;
	[tilespmem:$0x1F600] =	vst v63  }
0x8c0: {  	v51 =	vperm.xlane v24, v17;
	v50 =	vadd.s32 v8, v49;
	s18 =	simm.s32 $0x6780  }
0x8c1: {  	[tilespmem:s18], [sflag:$0x3] =	stream.indirect_vreg.gather [hbm4b:s15+s5], $0x80, v47, vm0, $0xb8;
	[tilespmem:$0x1F600] =	vst v63  }
0x8c2: {  	v53 =	vperm.xlane v24, v18;
	v52 =	vadd.s32 v8, v51;
	s18 =	simm.s32 $0x6800  }
0x8c3: {  	[tilespmem:s18], [sflag:$0x3] =	stream.indirect_vreg.gather [hbm4b:s15+s5], $0x80, v23, vm0, $0xb8;
	[tilespmem:$0x1F600] =	vst v63  }
0x8c4: {  	v54 =	vperm.xlane v24, v19;
	v23 =	vadd.s32 v8, v53;
	s18 =	simm.s32 $0x6880  }
0x8c5: {  	[tilespmem:s18], [sflag:$0x3] =	stream.indirect_vreg.gather [hbm4b:s15+s5], $0x80, v50, vm0, $0xb8;
	[tilespmem:$0x1F600] =	vst v63  }
0x8c6: {  	v56 =	vperm.xlane v24, v20;
	v55 =	vadd.s32 v8, v54;
	s18 =	simm.s32 $0x6900  }
0x8c7: {  	[tilespmem:s18], [sflag:$0x3] =	stream.indirect_vreg.gather [hbm4b:s15+s5], $0x80, v52, vm0, $0xb8;
	[tilespmem:$0x1F600] =	vst v63  }
0x8c8: {  	v57 =	vadd.s32 v8, v56;
	v24 =	vperm.xlane v24, v21;
	s18 =	simm.s32 $0x6980  }
0x8c9: {  	[tilespmem:s18], [sflag:$0x3] =	stream.indirect_vreg.gather [hbm4b:s15+s5], $0x80, v23, vm0, $0xb8;
	[tilespmem:$0x1F600] =	vst v63  }
0x8ca: {  	v23 =	vadd.s32 v8, v24;
	s18 =	simm.s32 $0x6A00  }
0x8cb: {  	[tilespmem:s18], [sflag:$0x3] =	stream.indirect_vreg.gather [hbm4b:s15+s5], $0x80, v55, vm0, $0xb8;
	[tilespmem:$0x1F600] =	vst v63  }
0x8cc: {  	s18 =	simm.s32 $0x6A80  }
0x8cd: {  	[tilespmem:s18], [sflag:$0x3] =	stream.indirect_vreg.gather [hbm4b:s15+s5], $0x80, v57, vm0, $0xb8;
	[tilespmem:$0x1F600] =	vst v63  }
0x8ce: {  	s18 =	simm.s32 $0x6B00  }
0x8cf: {  	[tilespmem:s18], [sflag:$0x3] =	stream.indirect_vreg.gather [hbm4b:s15+s5], $0x80, v23, vm0, $0xb8;
	[tilespmem:$0x1F600] =	vst v63  }
0x8d0: {  	v23 =	vld [tilespmem:$0x1210];
	_ =	sdelay $0x4  }
0x8d1: {  	v58 =	vshll.u32 v23, $0x1  }
0x8d2: {  	v23 =	vand.u32 $0x7, v23;
	v24 =	vand.u32 $0xFFFFFFF0, v58  }
0x8d3: {  	v23 =	vor.u32 v23, v24  }
0x8d4: {  	v24 =	vperm.xlane v23, v7;
	_ =	sdelay $0x1  }
0x8d5: {  	v59 =	vperm.xlane v23, v6;
	v24 =	vadd.s32 v8, v24;
	_ =	sdelay $0x1  }
0x8d6: {  	v60 =	vperm.xlane v23, v9;
	v25 =	vadd.s32 v8, v59;
	_ =	sdelay $0x1  }
0x8d7: {  	s18 =	simm.s32 $0x6B80;
	v61 =	vperm.xlane v23, v10;
	v26 =	vadd.s32 v8, v60  }
0x8d8: {  	[tilespmem:s18], [sflag:$0x3] =	stream.indirect_vreg.gather [hbm4b:s15+s5], $0x80, v24, vm0, $0xb8;
	[tilespmem:$0x1F600] =	vst v63  }
0x8d9: {  	v63 =	vperm.xlane v23, v11;
	v62 =	vadd.s32 v8, v61;
	s18 =	simm.s32 $0x6C00  }
0x8da: {  	[tilespmem:s18], [sflag:$0x3] =	stream.indirect_vreg.gather [hbm4b:s15+s5], $0x80, v25, vm0, $0xb8;
	[tilespmem:$0x1F600] =	vst v63  }
0x8db: {  	v31 =	vperm.xlane v23, v12;
	v30 =	vadd.s32 v8, v63;
	s18 =	simm.s32 $0x6C80  }
0x8dc: {  	[tilespmem:s18], [sflag:$0x3] =	stream.indirect_vreg.gather [hbm4b:s15+s5], $0x80, v26, vm0, $0xb8;
	[tilespmem:$0x1F600] =	vst v63  }
0x8dd: {  	v33 =	vperm.xlane v23, v13;
	v32 =	vadd.s32 v8, v31;
	s18 =	simm.s32 $0x6D00  }
0x8de: {  	[tilespmem:s18], [sflag:$0x3] =	stream.indirect_vreg.gather [hbm4b:s15+s5], $0x80, v62, vm0, $0xb8;
	[tilespmem:$0x1F600] =	vst v63  }
0x8df: {  	v35 =	vperm.xlane v23, v5;
	v34 =	vadd.s32 v8, v33;
	s18 =	simm.s32 $0x6D80  }
0x8e0: {  	[tilespmem:s18], [sflag:$0x3] =	stream.indirect_vreg.gather [hbm4b:s15+s5], $0x80, v30, vm0, $0xb8;
	[tilespmem:$0x1F600] =	vst v63  }
0x8e1: {  	v37 =	vperm.xlane v23, v14;
	v36 =	vadd.s32 v8, v35;
	s18 =	simm.s32 $0x6E00  }
0x8e2: {  	[tilespmem:s18], [sflag:$0x3] =	stream.indirect_vreg.gather [hbm4b:s15+s5], $0x80, v32, vm0, $0xb8;
	[tilespmem:$0x1F600] =	vst v63  }
0x8e3: {  	v39 =	vperm.xlane v23, v15;
	v38 =	vadd.s32 v8, v37;
	s18 =	simm.s32 $0x6E80  }
0x8e4: {  	[tilespmem:s18], [sflag:$0x3] =	stream.indirect_vreg.gather [hbm4b:s15+s5], $0x80, v34, vm0, $0xb8;
	[tilespmem:$0x1F600] =	vst v63  }
0x8e5: {  	v41 =	vperm.xlane v23, v16;
	v40 =	vadd.s32 v8, v39;
	s18 =	simm.s32 $0x6F00  }
0x8e6: {  	[tilespmem:s18], [sflag:$0x3] =	stream.indirect_vreg.gather [hbm4b:s15+s5], $0x80, v36, vm0, $0xb8;
	[tilespmem:$0x1F600] =	vst v63  }
0x8e7: {  	v43 =	vperm.xlane v23, v17;
	v42 =	vadd.s32 v8, v41;
	s18 =	simm.s32 $0x6F80  }
0x8e8: {  	[tilespmem:s18], [sflag:$0x3] =	stream.indirect_vreg.gather [hbm4b:s15+s5], $0x80, v38, vm0, $0xb8;
	[tilespmem:$0x1F600] =	vst v63  }
0x8e9: {  	v45 =	vperm.xlane v23, v18;
	v44 =	vadd.s32 v8, v43;
	s18 =	simm.s32 $0x7000  }
0x8ea: {  	[tilespmem:s18], [sflag:$0x3] =	stream.indirect_vreg.gather [hbm4b:s15+s5], $0x80, v40, vm0, $0xb8;
	[tilespmem:$0x1F600] =	vst v63  }
0x8eb: {  	v47 =	vperm.xlane v23, v19;
	v46 =	vadd.s32 v8, v45;
	s18 =	simm.s32 $0x7080  }
0x8ec: {  	[tilespmem:s18], [sflag:$0x3] =	stream.indirect_vreg.gather [hbm4b:s15+s5], $0x80, v42, vm0, $0xb8;
	[tilespmem:$0x1F600] =	vst v63  }
0x8ed: {  	v49 =	vperm.xlane v23, v20;
	v48 =	vadd.s32 v8, v47;
	s18 =	simm.s32 $0x7100  }
0x8ee: {  	[tilespmem:s18], [sflag:$0x3] =	stream.indirect_vreg.gather [hbm4b:s15+s5], $0x80, v44, vm0, $0xb8;
	[tilespmem:$0x1F600] =	vst v63  }
0x8ef: {  	v23 =	vperm.xlane v23, v21;
	v50 =	vadd.s32 v8, v49;
	s18 =	simm.s32 $0x7180  }
0x8f0: {  	[tilespmem:s18], [sflag:$0x3] =	stream.indirect_vreg.gather [hbm4b:s15+s5], $0x80, v46, vm0, $0xb8;
	[tilespmem:$0x1F600] =	vst v63  }
0x8f1: {  	v23 =	vadd.s32 v8, v23;
	s18 =	simm.s32 $0x7200  }
0x8f2: {  	[tilespmem:s18], [sflag:$0x3] =	stream.indirect_vreg.gather [hbm4b:s15+s5], $0x80, v48, vm0, $0xb8;
	[tilespmem:$0x1F600] =	vst v63  }
0x8f3: {  	s18 =	simm.s32 $0x7280  }
0x8f4: {  	[tilespmem:s18], [sflag:$0x3] =	stream.indirect_vreg.gather [hbm4b:s15+s5], $0x80, v50, vm0, $0xb8;
	[tilespmem:$0x1F600] =	vst v63  }
0x8f5: {  	s18 =	simm.s32 $0x7300  }
0x8f6: {  	[tilespmem:s18], [sflag:$0x3] =	stream.indirect_vreg.gather [hbm4b:s15+s5], $0x80, v23, vm0, $0xb8;
	[tilespmem:$0x1F600] =	vst v63  }
0x8f7: {  	v23 =	vld [tilespmem:$0x1220];
	_ =	sdelay $0x4  }
0x8f8: {  	v51 =	vshll.u32 v23, $0x1  }
0x8f9: {  	v23 =	vand.u32 $0x7, v23;
	v24 =	vand.u32 $0xFFFFFFF0, v51  }
0x8fa: {  	v23 =	vor.u32 v23, v24  }
0x8fb: {  	v24 =	vperm.xlane v23, v7;
	_ =	sdelay $0x1  }
0x8fc: {  	v52 =	vperm.xlane v23, v6;
	v24 =	vadd.s32 v8, v24;
	_ =	sdelay $0x1  }
0x8fd: {  	v53 =	vperm.xlane v23, v9;
	v25 =	vadd.s32 v8, v52;
	_ =	sdelay $0x1  }
0x8fe: {  	s18 =	simm.s32 $0x7380;
	v54 =	vperm.xlane v23, v10;
	v26 =	vadd.s32 v8, v53  }
0x8ff: {  	[tilespmem:s18], [sflag:$0x3] =	stream.indirect_vreg.gather [hbm4b:s15+s5], $0x80, v24, vm0, $0xb8;
	[tilespmem:$0x1F600] =	vst v63  }
0x900: {  	v56 =	vperm.xlane v23, v11;
	v55 =	vadd.s32 v8, v54;
	s18 =	simm.s32 $0x7400  }
0x901: {  	[tilespmem:s18], [sflag:$0x3] =	stream.indirect_vreg.gather [hbm4b:s15+s5], $0x80, v25, vm0, $0xb8;
	[tilespmem:$0x1F600] =	vst v63  }
0x902: {  	v58 =	vperm.xlane v23, v12;
	v57 =	vadd.s32 v8, v56;
	s18 =	simm.s32 $0x7480  }
0x903: {  	[tilespmem:s18], [sflag:$0x3] =	stream.indirect_vreg.gather [hbm4b:s15+s5], $0x80, v26, vm0, $0xb8;
	[tilespmem:$0x1F600] =	vst v63  }
0x904: {  	v60 =	vperm.xlane v23, v13;
	v59 =	vadd.s32 v8, v58;
	s18 =	simm.s32 $0x7500  }
0x905: {  	[tilespmem:s18], [sflag:$0x3] =	stream.indirect_vreg.gather [hbm4b:s15+s5], $0x80, v55, vm0, $0xb8;
	[tilespmem:$0x1F600] =	vst v63  }
0x906: {  	v62 =	vperm.xlane v23, v5;
	v61 =	vadd.s32 v8, v60;
	s18 =	simm.s32 $0x7580  }
0x907: {  	[tilespmem:s18], [sflag:$0x3] =	stream.indirect_vreg.gather [hbm4b:s15+s5], $0x80, v57, vm0, $0xb8;
	[tilespmem:$0x1F600] =	vst v63  }
0x908: {  	v30 =	vperm.xlane v23, v14;
	v63 =	vadd.s32 v8, v62;
	s18 =	simm.s32 $0x7600  }
0x909: {  	[tilespmem:s18], [sflag:$0x3] =	stream.indirect_vreg.gather [hbm4b:s15+s5], $0x80, v59, vm0, $0xb8;
	[tilespmem:$0x1F600] =	vst v63  }
0x90a: {  	v32 =	vperm.xlane v23, v15;
	v31 =	vadd.s32 v8, v30;
	s18 =	simm.s32 $0x7680  }
0x90b: {  	[tilespmem:s18], [sflag:$0x3] =	stream.indirect_vreg.gather [hbm4b:s15+s5], $0x80, v61, vm0, $0xb8;
	[tilespmem:$0x1F600] =	vst v63  }
0x90c: {  	v34 =	vperm.xlane v23, v16;
	v33 =	vadd.s32 v8, v32;
	s18 =	simm.s32 $0x7700  }
0x90d: {  	[tilespmem:s18], [sflag:$0x3] =	stream.indirect_vreg.gather [hbm4b:s15+s5], $0x80, v63, vm0, $0xb8;
	[tilespmem:$0x1F600] =	vst v63  }
0x90e: {  	v36 =	vperm.xlane v23, v17;
	v35 =	vadd.s32 v8, v34;
	s18 =	simm.s32 $0x7780  }
0x90f: {  	[tilespmem:s18], [sflag:$0x3] =	stream.indirect_vreg.gather [hbm4b:s15+s5], $0x80, v31, vm0, $0xb8;
	[tilespmem:$0x1F600] =	vst v63  }
0x910: {  	v38 =	vperm.xlane v23, v18;
	v37 =	vadd.s32 v8, v36;
	s18 =	simm.s32 $0x7800  }
0x911: {  	[tilespmem:s18], [sflag:$0x3] =	stream.indirect_vreg.gather [hbm4b:s15+s5], $0x80, v33, vm0, $0xb8;
	[tilespmem:$0x1F600] =	vst v63  }
0x912: {  	v40 =	vperm.xlane v23, v19;
	v39 =	vadd.s32 v8, v38;
	s18 =	simm.s32 $0x7880  }
0x913: {  	[tilespmem:s18], [sflag:$0x3] =	stream.indirect_vreg.gather [hbm4b:s15+s5], $0x80, v35, vm0, $0xb8;
	[tilespmem:$0x1F600] =	vst v63  }
0x914: {  	v42 =	vperm.xlane v23, v20;
	v41 =	vadd.s32 v8, v40;
	s18 =	simm.s32 $0x7900  }
0x915: {  	[tilespmem:s18], [sflag:$0x3] =	stream.indirect_vreg.gather [hbm4b:s15+s5], $0x80, v37, vm0, $0xb8;
	[tilespmem:$0x1F600] =	vst v63  }
0x916: {  	v23 =	vperm.xlane v23, v21;
	v43 =	vadd.s32 v8, v42;
	s18 =	simm.s32 $0x7980  }
0x917: {  	[tilespmem:s18], [sflag:$0x3] =	stream.indirect_vreg.gather [hbm4b:s15+s5], $0x80, v39, vm0, $0xb8;
	[tilespmem:$0x1F600] =	vst v63  }
0x918: {  	v23 =	vadd.s32 v8, v23;
	s18 =	simm.s32 $0x7A00  }
0x919: {  	[tilespmem:s18], [sflag:$0x3] =	stream.indirect_vreg.gather [hbm4b:s15+s5], $0x80, v41, vm0, $0xb8;
	[tilespmem:$0x1F600] =	vst v63  }
0x91a: {  	s18 =	simm.s32 $0x7A80  }
0x91b: {  	[tilespmem:s18], [sflag:$0x3] =	stream.indirect_vreg.gather [hbm4b:s15+s5], $0x80, v43, vm0, $0xb8;
	[tilespmem:$0x1F600] =	vst v63  }
0x91c: {  	s18 =	simm.s32 $0x7B00  }
0x91d: {  	[tilespmem:s18], [sflag:$0x3] =	stream.indirect_vreg.gather [hbm4b:s15+s5], $0x80, v23, vm0, $0xb8;
	[tilespmem:$0x1F600] =	vst v63  }
0x91e: {  	v23 =	vld [tilespmem:$0x1230];
	_ =	sdelay $0x4  }
0x91f: {  	v44 =	vshll.u32 v23, $0x1  }
0x920: {  	v23 =	vand.u32 $0x7, v23;
	v24 =	vand.u32 $0xFFFFFFF0, v44  }
0x921: {  	v23 =	vor.u32 v23, v24  }
0x922: {  	v24 =	vperm.xlane v23, v7;
	_ =	sdelay $0x1  }
0x923: {  	v45 =	vperm.xlane v23, v6;
	v24 =	vadd.s32 v8, v24;
	_ =	sdelay $0x1  }
0x924: {  	v46 =	vperm.xlane v23, v9;
	v25 =	vadd.s32 v8, v45;
	_ =	sdelay $0x1  }
0x925: {  	s18 =	simm.s32 $0x7B80;
	v47 =	vperm.xlane v23, v10;
	v26 =	vadd.s32 v8, v46  }
0x926: {  	[tilespmem:s18], [sflag:$0x3] =	stream.indirect_vreg.gather [hbm4b:s15+s5], $0x80, v24, vm0, $0xb8;
	[tilespmem:$0x1F600] =	vst v63  }
0x927: {  	v49 =	vperm.xlane v23, v11;
	v48 =	vadd.s32 v8, v47;
	s18 =	simm.s32 $0x7C00  }
0x928: {  	[tilespmem:s18], [sflag:$0x3] =	stream.indirect_vreg.gather [hbm4b:s15+s5], $0x80, v25, vm0, $0xb8;
	[tilespmem:$0x1F600] =	vst v63  }
0x929: {  	v51 =	vperm.xlane v23, v12;
	v50 =	vadd.s32 v8, v49;
	s18 =	simm.s32 $0x7C80  }
0x92a: {  	[tilespmem:s18], [sflag:$0x3] =	stream.indirect_vreg.gather [hbm4b:s15+s5], $0x80, v26, vm0, $0xb8;
	[tilespmem:$0x1F600] =	vst v63  }
0x92b: {  	v53 =	vperm.xlane v23, v13;
	v52 =	vadd.s32 v8, v51;
	s18 =	simm.s32 $0x7D00  }
0x92c: {  	[tilespmem:s18], [sflag:$0x3] =	stream.indirect_vreg.gather [hbm4b:s15+s5], $0x80, v48, vm0, $0xb8;
	[tilespmem:$0x1F600] =	vst v63  }
0x92d: {  	v55 =	vperm.xlane v23, v5;
	v54 =	vadd.s32 v8, v53;
	s18 =	simm.s32 $0x7D80  }
0x92e: {  	[tilespmem:s18], [sflag:$0x3] =	stream.indirect_vreg.gather [hbm4b:s15+s5], $0x80, v50, vm0, $0xb8;
	[tilespmem:$0x1F600] =	vst v63  }
0x92f: {  	v57 =	vperm.xlane v23, v14;
	v56 =	vadd.s32 v8, v55;
	s18 =	simm.s32 $0x7E00  }
0x930: {  	[tilespmem:s18], [sflag:$0x3] =	stream.indirect_vreg.gather [hbm4b:s15+s5], $0x80, v52, vm0, $0xb8;
	[tilespmem:$0x1F600] =	vst v63  }
0x931: {  	v59 =	vperm.xlane v23, v15;
	v58 =	vadd.s32 v8, v57;
	s18 =	simm.s32 $0x7E80  }
0x932: {  	[tilespmem:s18], [sflag:$0x3] =	stream.indirect_vreg.gather [hbm4b:s15+s5], $0x80, v54, vm0, $0xb8;
	[tilespmem:$0x1F600] =	vst v63  }
0x933: {  	v61 =	vperm.xlane v23, v16;
	v60 =	vadd.s32 v8, v59;
	s18 =	simm.s32 $0x7F00  }
0x934: {  	[tilespmem:s18], [sflag:$0x3] =	stream.indirect_vreg.gather [hbm4b:s15+s5], $0x80, v56, vm0, $0xb8;
	[tilespmem:$0x1F600] =	vst v63  }
0x935: {  	v63 =	vperm.xlane v23, v17;
	v62 =	vadd.s32 v8, v61;
	s18 =	simm.s32 $0x7F80  }
0x936: {  	[tilespmem:s18], [sflag:$0x3] =	stream.indirect_vreg.gather [hbm4b:s15+s5], $0x80, v58, vm0, $0xb8;
	[tilespmem:$0x1F600] =	vst v63  }
0x937: {  	v31 =	vperm.xlane v23, v18;
	v30 =	vadd.s32 v8, v63;
	s18 =	simm.s32 $0x8000  }
0x938: {  	[tilespmem:s18], [sflag:$0x3] =	stream.indirect_vreg.gather [hbm4b:s15+s5], $0x80, v60, vm0, $0xb8;
	[tilespmem:$0x1F600] =	vst v63  }
0x939: {  	v33 =	vperm.xlane v23, v19;
	v32 =	vadd.s32 v8, v31;
	s18 =	simm.s32 $0x8080  }
0x93a: {  	[tilespmem:s18], [sflag:$0x3] =	stream.indirect_vreg.gather [hbm4b:s15+s5], $0x80, v62, vm0, $0xb8;
	[tilespmem:$0x1F600] =	vst v63  }
0x93b: {  	v35 =	vperm.xlane v23, v20;
	v34 =	vadd.s32 v8, v33;
	s18 =	simm.s32 $0x8100  }
0x93c: {  	[tilespmem:s18], [sflag:$0x3] =	stream.indirect_vreg.gather [hbm4b:s15+s5], $0x80, v30, vm0, $0xb8;
	[tilespmem:$0x1F600] =	vst v63  }
0x93d: {  	v23 =	vperm.xlane v23, v21;
	v36 =	vadd.s32 v8, v35;
	s18 =	simm.s32 $0x8180  }
0x93e: {  	[tilespmem:s18], [sflag:$0x3] =	stream.indirect_vreg.gather [hbm4b:s15+s5], $0x80, v32, vm0, $0xb8;
	[tilespmem:$0x1F600] =	vst v63  }
0x93f: {  	v23 =	vadd.s32 v8, v23;
	s18 =	simm.s32 $0x8200  }
0x940: {  	[tilespmem:s18], [sflag:$0x3] =	stream.indirect_vreg.gather [hbm4b:s15+s5], $0x80, v34, vm0, $0xb8;
	[tilespmem:$0x1F600] =	vst v63  }
0x941: {  	s18 =	simm.s32 $0x8280  }
0x942: {  	[tilespmem:s18], [sflag:$0x3] =	stream.indirect_vreg.gather [hbm4b:s15+s5], $0x80, v36, vm0, $0xb8;
	[tilespmem:$0x1F600] =	vst v63  }
0x943: {  	s18 =	simm.s32 $0x8300  }
0x944: {  	[tilespmem:s18], [sflag:$0x3] =	stream.indirect_vreg.gather [hbm4b:s15+s5], $0x80, v23, vm0, $0xb8;
	[tilespmem:$0x1F600] =	vst v63  }
0x945: {  	v23 =	vld [tilespmem:$0x1240];
	_ =	sdelay $0x4  }
0x946: {  	v37 =	vshll.u32 v23, $0x1  }
0x947: {  	v23 =	vand.u32 $0x7, v23;
	v24 =	vand.u32 $0xFFFFFFF0, v37  }
0x948: {  	v23 =	vor.u32 v23, v24  }
0x949: {  	v24 =	vperm.xlane v23, v7;
	_ =	sdelay $0x1  }
0x94a: {  	v38 =	vperm.xlane v23, v6;
	v24 =	vadd.s32 v8, v24;
	_ =	sdelay $0x1  }
0x94b: {  	v39 =	vperm.xlane v23, v9;
	v25 =	vadd.s32 v8, v38;
	_ =	sdelay $0x1  }
0x94c: {  	s18 =	simm.s32 $0x8380;
	v40 =	vperm.xlane v23, v10;
	v26 =	vadd.s32 v8, v39  }
0x94d: {  	[tilespmem:s18], [sflag:$0x3] =	stream.indirect_vreg.gather [hbm4b:s15+s5], $0x80, v24, vm0, $0xb8;
	[tilespmem:$0x1F600] =	vst v63  }
0x94e: {  	v42 =	vperm.xlane v23, v11;
	v41 =	vadd.s32 v8, v40;
	s18 =	simm.s32 $0x8400  }
0x94f: {  	[tilespmem:s18], [sflag:$0x3] =	stream.indirect_vreg.gather [hbm4b:s15+s5], $0x80, v25, vm0, $0xb8;
	[tilespmem:$0x1F600] =	vst v63  }
0x950: {  	v44 =	vperm.xlane v23, v12;
	v43 =	vadd.s32 v8, v42;
	s18 =	simm.s32 $0x8480  }
0x951: {  	[tilespmem:s18], [sflag:$0x3] =	stream.indirect_vreg.gather [hbm4b:s15+s5], $0x80, v26, vm0, $0xb8;
	[tilespmem:$0x1F600] =	vst v63  }
0x952: {  	v46 =	vperm.xlane v23, v13;
	v45 =	vadd.s32 v8, v44;
	s18 =	simm.s32 $0x8500  }
0x953: {  	[tilespmem:s18], [sflag:$0x3] =	stream.indirect_vreg.gather [hbm4b:s15+s5], $0x80, v41, vm0, $0xb8;
	[tilespmem:$0x1F600] =	vst v63  }
0x954: {  	v48 =	vperm.xlane v23, v5;
	v47 =	vadd.s32 v8, v46;
	s18 =	simm.s32 $0x8580  }
0x955: {  	[tilespmem:s18], [sflag:$0x3] =	stream.indirect_vreg.gather [hbm4b:s15+s5], $0x80, v43, vm0, $0xb8;
	[tilespmem:$0x1F600] =	vst v63  }
0x956: {  	v50 =	vperm.xlane v23, v14;
	v49 =	vadd.s32 v8, v48;
	s18 =	simm.s32 $0x8600  }
0x957: {  	[tilespmem:s18], [sflag:$0x3] =	stream.indirect_vreg.gather [hbm4b:s15+s5], $0x80, v45, vm0, $0xb8;
	[tilespmem:$0x1F600] =	vst v63  }
0x958: {  	v52 =	vperm.xlane v23, v15;
	v51 =	vadd.s32 v8, v50;
	s18 =	simm.s32 $0x8680  }
0x959: {  	[tilespmem:s18], [sflag:$0x3] =	stream.indirect_vreg.gather [hbm4b:s15+s5], $0x80, v47, vm0, $0xb8;
	[tilespmem:$0x1F600] =	vst v63  }
0x95a: {  	v54 =	vperm.xlane v23, v16;
	v53 =	vadd.s32 v8, v52;
	s18 =	simm.s32 $0x8700  }
0x95b: {  	[tilespmem:s18], [sflag:$0x3] =	stream.indirect_vreg.gather [hbm4b:s15+s5], $0x80, v49, vm0, $0xb8;
	[tilespmem:$0x1F600] =	vst v63  }
0x95c: {  	v56 =	vperm.xlane v23, v17;
	v55 =	vadd.s32 v8, v54;
	s18 =	simm.s32 $0x8780  }
0x95d: {  	[tilespmem:s18], [sflag:$0x3] =	stream.indirect_vreg.gather [hbm4b:s15+s5], $0x80, v51, vm0, $0xb8;
	[tilespmem:$0x1F600] =	vst v63  }
0x95e: {  	v58 =	vperm.xlane v23, v18;
	v57 =	vadd.s32 v8, v56;
	s18 =	simm.s32 $0x8800  }
0x95f: {  	[tilespmem:s18], [sflag:$0x3] =	stream.indirect_vreg.gather [hbm4b:s15+s5], $0x80, v53, vm0, $0xb8;
	[tilespmem:$0x1F600] =	vst v63  }
0x960: {  	v60 =	vperm.xlane v23, v19;
	v59 =	vadd.s32 v8, v58;
	s18 =	simm.s32 $0x8880  }
0x961: {  	[tilespmem:s18], [sflag:$0x3] =	stream.indirect_vreg.gather [hbm4b:s15+s5], $0x80, v55, vm0, $0xb8;
	[tilespmem:$0x1F600] =	vst v63  }
0x962: {  	v62 =	vperm.xlane v23, v20;
	v61 =	vadd.s32 v8, v60;
	s18 =	simm.s32 $0x8900  }
0x963: {  	[tilespmem:s18], [sflag:$0x3] =	stream.indirect_vreg.gather [hbm4b:s15+s5], $0x80, v57, vm0, $0xb8;
	[tilespmem:$0x1F600] =	vst v63  }
0x964: {  	v23 =	vperm.xlane v23, v21;
	v63 =	vadd.s32 v8, v62;
	s18 =	simm.s32 $0x8980  }
0x965: {  	[tilespmem:s18], [sflag:$0x3] =	stream.indirect_vreg.gather [hbm4b:s15+s5], $0x80, v59, vm0, $0xb8;
	[tilespmem:$0x1F600] =	vst v63  }
0x966: {  	v23 =	vadd.s32 v8, v23;
	s18 =	simm.s32 $0x8A00  }
0x967: {  	[tilespmem:s18], [sflag:$0x3] =	stream.indirect_vreg.gather [hbm4b:s15+s5], $0x80, v61, vm0, $0xb8;
	[tilespmem:$0x1F600] =	vst v63  }
0x968: {  	s18 =	simm.s32 $0x8A80  }
0x969: {  	[tilespmem:s18], [sflag:$0x3] =	stream.indirect_vreg.gather [hbm4b:s15+s5], $0x80, v63, vm0, $0xb8;
	[tilespmem:$0x1F600] =	vst v63  }
0x96a: {  	s18 =	simm.s32 $0x8B00  }
0x96b: {  	[tilespmem:s18], [sflag:$0x3] =	stream.indirect_vreg.gather [hbm4b:s15+s5], $0x80, v23, vm0, $0xb8;
	[tilespmem:$0x1F600] =	vst v63  }
.LBB2_22:
0x96c: {  	s9 =	smul.u32 $0xAB, s17;
	_ =	sdelay $0x1  }
0x96d: {  	s9 =	sshrl.u32 s9, $0x9  }
0x96e: {  	s9 =	sand.u32 $0x7F, s9  }
0x96f: {  	s9 =	smul.u32 $0x3, s9;
	_ =	sdelay $0x1  }
0x970: {  	s9 =	ssub.s32 s17, s9  }
0x971: {  	s9 =	sand.u32 $0xFF, s9  }
0x972: {  	p1 =	seq.s32 s9, $0x2  }
.Ltmp22:
0x973: {  	_ = 	snop;
	(pc) =	sbr.rel @p1 .LBB2_24-.Ltmp22, $1  }
0x974: {  	_ =	sdelay $0x3  }
0x975: {  	p1 =	seq.s32 s9, $0x1  }
0x976: {  	_ =	swait.ge @!p1 [sflag:s4], $0x2800  }
0x977: {  	[sflag:s4] =	ssyncset.done @!p1 $0x0  }
0x978: {  	s9 =	simm.s32 @!p1 $0x1080;
	[sflag:s4] =	ssyncadd.s32 @!p1 $0xFFFFD800  }
0x979: {  	[spmem:s3] =	stream.indirect.scatter.add.f32 @!p1 [tilespmem:s24], [sflag:$0x4], $0x80, s9, s31, $0xb8;
	[tilespmem:$0x1F600] =	vst v63  }
0x97a: {  	v23 =	vld @!p1 [tilespmem:$0x1080];
	_ =	sdelay $0x7  }
0x97b: {  	[tilespmem:v23+s21+$0x0] =	vst.idx.add.f32.msk @!p1 $0xffff, v22  }
0x97c: {  	v23 =	vld @!p1 [tilespmem:$0x1090];
	_ =	sdelay $0x7  }
0x97d: {  	[tilespmem:v23+s21+$0x0] =	vst.idx.add.f32.msk @!p1 $0xffff, v22  }
0x97e: {  	v23 =	vld @!p1 [tilespmem:$0x10A0];
	_ =	sdelay $0x7  }
0x97f: {  	[tilespmem:v23+s21+$0x0] =	vst.idx.add.f32.msk @!p1 $0xffff, v22  }
0x980: {  	_ =	swait.ge @p1 [sflag:s1], $0x2800  }
0x981: {  	s18 =	simm.s32 @!p1 $0x10C0;
	s9 =	simm.s32 @!p1 $0x10B0;
	[sflag:s1] =	ssyncset.done @p1 $0x0  }
0x982: {  	s18 =	simm.s32 @p1 $0x1180;
	s9 =	simm.s32 @p1 $0x3B80;
	[sflag:s1] =	ssyncadd.s32 @p1 $0xFFFFD800  }
0x983: {  	[spmem:s3] =	stream.indirect.scatter.add.f32 @p1 [tilespmem:s9], [sflag:$0x5], $0x80, s18, s31, $0xb8;
	[tilespmem:$0x1F600] =	vst v63  }
0x984: {  	v23 =	vld @p1 [tilespmem:$0x1180];
	_ =	sdelay $0x7  }
0x985: {  	[tilespmem:v23+s21+$0x0] =	vst.idx.add.f32.msk @p1 $0xffff, v22  }
0x986: {  	v23 =	vld @p1 [tilespmem:$0x1190];
	_ =	sdelay $0x7  }
0x987: {  	[tilespmem:v23+s21+$0x0] =	vst.idx.add.f32.msk @p1 $0xffff, v22  }
0x988: {  	v23 =	vld @p1 [tilespmem:$0x11A0];
	_ =	sdelay $0x3  }
.Ltmp23:
0x989: {  	_ = 	snop;
	(pc) =	sbr.rel .LBB2_25-.Ltmp23, $2  }
0x98a: {  	_ =	sdelay $0x2  }
0x98b: {  	s18 =	simm.s32 @p1 $0x11C0;
	s9 =	simm.s32 @p1 $0x11B0;
	[tilespmem:v23+s21+$0x0] =	vst.idx.add.f32.msk @p1 $0xffff, v22  }
.LBB2_28:
0x98c: {  	_ =	sfence.sel $0x180000  }
0x98d: {  	[bflag:$0x0] =	sbarrier.arrive $0xFFFF  }
0x98e: {  	_ =	strace $0x90000047  }
0x98f: {  	[bflag:$0x2] =	sbarrier.arrive $0xFFFF  }
0x990: {  	s0 =	rddreg [dreg:$0x7]  }
0x991: {  	s0 =	sadd.s32 @!p0 $0x100000, s0  }
0x992: {  	[sflag:s0] =	ssyncadd.tile.s32 @!p0 $0x1;
	_ =	shalt  }
.Lfunc_end2:
_tile_overlayer_lowered:
.L_overlay_start_2:
0x993: {  	(tag) =	ssettag $0x2  }
0x994: {  	s0 =	rddreg [dreg:$0x0];
	s2 =	stileid.u32  }
0x995: {  	s1 =	rddreg [dreg:$0x1];
	p0 =	sne.s32 s2, $0x0  }
0x996: {  	s3 =	rddreg [dreg:$0x2];
	[bflag:$0x3] =	sbarrier.arrive $0xFFFF;
	s2 =	simm.s32 @!p0 $0x1C07  }
0x997: {  	[timem:s3], [sflag:s2] =	dma.local @!p0 [hbm:s0], s1  }
0x998: {  	s0 =	simm.s32 @!p0 $0x7  }
0x999: {  	_ =	swait.ge @!p0 [sflag:s0], s1  }
0x99a: {  	s1 =	ssub.s32 @!p0 $0x0, s1;
	[sflag:s0] =	ssyncset.done @!p0 $0x0  }
0x99b: {  	[sflag:s0] =	ssyncadd.s32 @!p0 s1  }
0x99c: {  	[bflag:$0x3] =	sbarrier.arrive $0xFFFF  }
0x99d: {  	_ =	shalt  }

</sc_bundles>
